<compile_context>
chip_gen: v7x
topology: tpu7x:2x2x1
jax: 0.10.2.dev20260603
libtpu: 0.0.44.dev20260713+nightly
codegen_flags: <defaults>
</compile_context>

<pallas_src>
import functools

import numpy as np
import jax
import jax.numpy as jnp
from jax import lax
from jax.experimental import pallas as pl
from jax.experimental.pallas import tpu as pltpu
from jax.experimental.pallas import tpu_sc as plsc

_GRID = 128
_S = 256
_SW = 192
_N = 8192
_BIG = 1e30
_VOX = _GRID ** 3
_H = _VOX // 2

_NC = 2
_NS = 16
_TOTW = _N * _SW
_RPW = _N // _NS
_BLK = 64
_NBLK = _RPW // _BLK
_SEG = _H // _NS

_R1 = 512
_R2 = 512


def _ray_setup(rays_ref, r):
    ox = rays_ref[:, 0:1]
    oy = rays_ref[:, 1:2]
    oz = rays_ref[:, 2:3]
    rx = rays_ref[:, 3:4]
    ry = rays_ref[:, 4:5]
    rz = rays_ref[:, 5:6]
    norm = jnp.sqrt(rx * rx + ry * ry + rz * rz)
    nears = []
    fars = []
    oks = []
    ds = []
    os_ = (ox, oy, oz)
    for o, draw in zip(os_, (rx, ry, rz)):
        d = draw / norm
        ds.append(d)
        zero = d == 0.0
        safe_d = jnp.where(zero, 1.0, d)
        i1 = jnp.where(zero, -_BIG, (-1.5 - o) / safe_d)
        i2 = jnp.where(zero, _BIG, (1.5 - o) / safe_d)
        nears.append(jnp.minimum(i1, i2))
        fars.append(jnp.maximum(i1, i2))
        inside = (o >= -1.5) & (o <= 1.5)
        oks.append(jnp.logical_or(~zero, inside))
    near = jnp.maximum(jnp.maximum(nears[0], nears[1]), nears[2])
    far = jnp.minimum(jnp.minimum(fars[0], fars[1]), fars[2])
    ok = oks[0] & oks[1] & oks[2]
    isect = (near <= far) & ok
    ns = jnp.where(isect,
                   jnp.minimum((far - near) * 32.0, 256.0).astype(jnp.int32),
                   0)
    ns_f = jnp.maximum(ns, 1).astype(jnp.float32)
    return os_, ds, near, far, ns, ns_f


def _voxel_indices(os_, ds, near, far, ns_f, r, s):
    j = lax.broadcasted_iota(jnp.int32, (r, s), 1).astype(jnp.float32)
    t = near + (far - near) * (j + 0.5) / ns_f
    ips = []
    for o, d in zip(os_, ds):
        pos = (o + d * t) / 1.5 * 0.5 + 0.5
        p = pos * float(_GRID)
        ips.append(jnp.clip(jnp.floor(p).astype(jnp.int32), 0, _GRID - 1))
    return ips


def _run_meta(m, ji):
    jmin = jnp.min(jnp.where(m, ji, _S), axis=1, keepdims=True)
    jend = jnp.max(jnp.where(m, ji + 1, 0), axis=1, keepdims=True)
    a = jmin & ~31
    l = jnp.maximum(0, (jend - a + 31) & ~31)
    return a, l


def _idx_body(rays_ref, idx0_ref, idx1_ref, meta0_ref, meta1_ref, sel_ref,
              dist_ref, ns_ref):
    os_, ds, near, far, ns, ns_f = _ray_setup(rays_ref, _R1)
    ips = _voxel_indices(os_, ds, near, far, ns_f, _R1, _SW)
    flat = (ips[0] * _GRID + ips[1]) * _GRID + ips[2]
    idx0_ref[...] = jnp.minimum(flat, _H - 1)
    idx1_ref[...] = jnp.maximum(flat - _H, 0)
    sel_ref[...] = (flat >= _H).astype(jnp.int8)
    dist_ref[...] = (far - near) / ns_f
    ns_ref[...] = ns
    ji = lax.broadcasted_iota(jnp.int32, (_R1, _SW), 1)
    live = ji < ns
    a0, l0 = _run_meta(live & (ips[0] < _GRID // 2), ji)
    a1, l1 = _run_meta(live & (ips[0] >= _GRID // 2), ji)
    meta0_ref[...] = a0 * 1024 + l0
    meta1_ref[...] = a1 * 1024 + l1


def _idx_call(rays):
    n = rays.shape[0]
    return pl.pallas_call(
        _idx_body,
        grid=(n // _R1,),
        in_specs=[pl.BlockSpec((_R1, 6), lambda i: (i, 0))],
        out_specs=[pl.BlockSpec((_R1, _SW), lambda i: (i, 0)),
                   pl.BlockSpec((_R1, _SW), lambda i: (i, 0)),
                   pl.BlockSpec((_R1, 1), lambda i: (i, 0)),
                   pl.BlockSpec((_R1, 1), lambda i: (i, 0)),
                   pl.BlockSpec((_R1, _SW), lambda i: (i, 0)),
                   pl.BlockSpec((_R1, 1), lambda i: (i, 0)),
                   pl.BlockSpec((_R1, 1), lambda i: (i, 0))],
        out_shape=[jax.ShapeDtypeStruct((n, _SW), jnp.int32),
                   jax.ShapeDtypeStruct((n, _SW), jnp.int32),
                   jax.ShapeDtypeStruct((n, 1), jnp.int32),
                   jax.ShapeDtypeStruct((n, 1), jnp.int32),
                   jax.ShapeDtypeStruct((n, _SW), jnp.int8),
                   jax.ShapeDtypeStruct((n, 1), jnp.float32),
                   jax.ShapeDtypeStruct((n, 1), jnp.int32)],
    )(rays)


def _core_loop(idx_hbm, out_hbm, tab_sp, sm, idx_vs, val_vs, dr_v,
               semg, seml, sems, sid, rpw):

    def drain_one(i, c):
        pltpu.make_async_copy(idx_hbm.at[pl.ds(0, 32)], dr_v, semg).wait()
        return c

    nblk = rpw // _BLK

    def pos(blk):
        return (sid * rpw + blk * _BLK) * _SW

    loads = {}
    stores = {}
    loads[0] = pltpu.async_copy(idx_hbm.at[pl.ds(pos(0), _BLK * _SW)],
                                idx_vs[0], seml)
    for blk in range(nblk):
        cur = blk & 1
        idx_v, val_v = idx_vs[cur], val_vs[cur]
        if blk + 1 < nblk:
            loads[blk + 1] = pltpu.async_copy(
                idx_hbm.at[pl.ds(pos(blk + 1), _BLK * _SW)],
                idx_vs[1 - cur], seml)
        loads[blk].wait()
        if blk >= 2:
            stores[blk - 2].wait()

        def ray_body(r, prev_n32, blk=blk, idx_v=idx_v, val_v=val_v):
            m = sm[blk * _BLK + r]
            a = pl.multiple_of(lax.shift_right_logical(m, 10), 32)
            n32 = lax.shift_right_logical(m & 1023, 5)

            def tile_body(i, c):
                off = pl.multiple_of(r * _SW + a + 32 * i, 32)
                pltpu.async_copy(tab_sp.at[idx_v.at[pl.ds(off, 32)]],
                                 val_v.at[pl.ds(off, 32)], semg)
                return c

            lax.fori_loop(0, n32, tile_body, 0)
            lax.fori_loop(0, prev_n32, drain_one, 0)
            return n32

        last = lax.fori_loop(0, _BLK, ray_body, 0)
        lax.fori_loop(0, last, drain_one, 0)
        stores[blk] = pltpu.async_copy(
            val_v, out_hbm.at[pl.ds(pos(blk), _BLK * _SW)], sems)
    stores[nblk - 2].wait()
    stores[nblk - 1].wait()


def _sc_gather_body(idx0_hbm, idx1_hbm, meta0_hbm, meta1_hbm, sigma_hbm,
                    out0_hbm, out1_hbm, tab_sp, meta_sp, sm, idx_v0, idx_v1,
                    val_v0, val_v1, dr_v, semg, seml, sems):
    cid = lax.axis_index("c")
    sid = lax.axis_index("s")
    pltpu.sync_copy(sigma_hbm.at[pl.ds(cid * _H + sid * _SEG, _SEG)],
                    tab_sp.at[pl.ds(sid * _SEG, _SEG)])

    @pl.when((sid == 0) & (cid == 0))
    def _meta0():
        pltpu.sync_copy(meta0_hbm, meta_sp)

    @pl.when((sid == 0) & (cid == 1))
    def _meta1():
        pltpu.sync_copy(meta1_hbm, meta_sp)

    rpw = meta0_hbm.shape[0] // _NS
    plsc.subcore_barrier()
    pltpu.sync_copy(meta_sp.at[pl.ds(sid * rpw, rpw)], sm)

    idx_vs = (idx_v0, idx_v1)
    val_vs = (val_v0, val_v1)

    @pl.when(cid == 0)
    def _core0():
        _core_loop(idx0_hbm, out0_hbm, tab_sp, sm, idx_vs, val_vs, dr_v,
                   semg, seml, sems, sid, rpw)

    @pl.when(cid == 1)
    def _core1():
        _core_loop(idx1_hbm, out1_hbm, tab_sp, sm, idx_vs, val_vs, dr_v,
                   semg, seml, sems, sid, rpw)


def _gather_call(idx0, idx1, meta0, meta1, sigma_flat):
    n = meta0.shape[0]
    totw = n * _SW
    k = pl.kernel(
        _sc_gather_body,
        out_type=(jax.ShapeDtypeStruct((totw,), jnp.float32),
                  jax.ShapeDtypeStruct((totw,), jnp.float32)),
        mesh=plsc.VectorSubcoreMesh(core_axis_name="c", subcore_axis_name="s"),
        scratch_types=[
            pltpu.VMEM_SHARED((_H,), jnp.float32),
            pltpu.VMEM_SHARED((n,), jnp.int32),
            pltpu.SMEM((n // _NS,), jnp.int32),
            pltpu.VMEM((_BLK * _SW,), jnp.int32),
            pltpu.VMEM((_BLK * _SW,), jnp.int32),
            pltpu.VMEM((_BLK * _SW,), jnp.float32),
            pltpu.VMEM((_BLK * _SW,), jnp.float32),
            pltpu.VMEM((32,), jnp.int32),
            pltpu.SemaphoreType.DMA,
            pltpu.SemaphoreType.DMA,
            pltpu.SemaphoreType.DMA,
        ],
    )
    return k(idx0, idx1, meta0, meta1, sigma_flat)


def _composite_body(vals0_ref, vals1_ref, sel_ref, dist_ref, ns_ref,
                    tri_ref, out_ref):
    dist = dist_ref[...]
    ns = ns_ref[...]
    ji = lax.broadcasted_iota(jnp.int32, (_R2, _S), 1)
    mask = ji < ns
    zpad = jnp.zeros((_R2, _S - _SW), jnp.float32)
    v0 = jnp.concatenate([vals0_ref[...], zpad], axis=1)
    v1 = jnp.concatenate([vals1_ref[...], zpad], axis=1)
    spad = jnp.zeros((_R2, _S - _SW), jnp.int8)
    sel = jnp.concatenate([sel_ref[...], spad], axis=1)
    vals = jnp.where(sel == 0, v0, v1)
    s_u = jnp.maximum(vals, 0.0) * dist
    s_m = jnp.where(mask, s_u, 0.0)
    s_cum = jnp.dot(s_m, tri_ref[...], preferred_element_type=jnp.float32)
    cumprod = jnp.exp(s_cum)
    alpha = 1.0 - jnp.exp(s_u)
    w1 = 1.0 + jnp.where(mask, alpha * cumprod, 0.0)
    h = _S // 2
    while h >= 1:
        w1 = w1[:, 0:h] * w1[:, h:2 * h]
        h //= 2
    c = w1
    out_ref[...] = jnp.concatenate([c, c, c, 1.0 - c], axis=1)


def _composite_call(vals0, vals1, sel, dist, ns, tri):
    n = sel.shape[0]
    return pl.pallas_call(
        _composite_body,
        grid=(n // _R2,),
        in_specs=[
            pl.BlockSpec((_R2, _SW), lambda i: (i, 0)),
            pl.BlockSpec((_R2, _SW), lambda i: (i, 0)),
            pl.BlockSpec((_R2, _SW), lambda i: (i, 0)),
            pl.BlockSpec((_R2, 1), lambda i: (i, 0)),
            pl.BlockSpec((_R2, 1), lambda i: (i, 0)),
            pl.BlockSpec((_S, _S), lambda i: (0, 0)),
        ],
        out_specs=pl.BlockSpec((_R2, 4), lambda i: (i, 0)),
        out_shape=jax.ShapeDtypeStruct((n, 4), jnp.float32),
    )(vals0, vals1, sel, dist, ns, tri)


def kernel(w_sigma, w_rgb, rays):
    del w_rgb
    sigma_flat = w_sigma.reshape(-1)
    tri = jnp.asarray(np.triu(np.ones((_S, _S), np.float32)))
    nh = _N // 2
    outs = []
    for h in range(2):
        r = lax.slice_in_dim(rays, h * nh, (h + 1) * nh)
        idx0, idx1, meta0, meta1, sel, dist, ns = _idx_call(r)
        vals0, vals1 = _gather_call(idx0.reshape(-1), idx1.reshape(-1),
                                    meta0.reshape(-1), meta1.reshape(-1),
                                    sigma_flat)
        outs.append(_composite_call(vals0.reshape(nh, _SW),
                                    vals1.reshape(nh, _SW),
                                    sel, dist, ns, tri))
    return jnp.concatenate(outs, axis=0)

# --- scband reference (transcript-rebuilt; emitter-appended) ---
"""Pipeline reference for scband-volume-renderer-module-1675037245903 (READ-ONLY COPY).

The authoritative reference and input builder live on the scoring server;
editing this copy changes nothing except your own understanding.
"""

import jax, jax.numpy as jnp
import numpy as np

GRID = 128
MAX_S = 256
PI = np.pi
N_RAYS = 8192


def _forward(w_sigma, w_rgb, rays):
    o = rays[:, 0:3]
    d_raw = rays[:, 3:6]
    d = d_raw / jnp.sqrt(jnp.sum(d_raw * d_raw, axis=1, keepdims=True))
    # ray-AABB slab intersection with box [-1.5, 1.5]^3
    zero = d == 0.0
    safe_d = jnp.where(zero, 1.0, d)
    big = 1e30
    i1 = jnp.where(zero, -big, (-1.5 - o) / safe_d)
    i2 = jnp.where(zero, big, (1.5 - o) / safe_d)
    nn = jnp.minimum(i1, i2)
    ff = jnp.maximum(i1, i2)
    near = jnp.max(nn, axis=1)
    far = jnp.min(ff, axis=1)
    inside = (o >= -1.5) & (o <= 1.5)
    ok = jnp.all(jnp.logical_or(~zero, inside), axis=1)
    isect = (near <= far) & ok
    # generate_samples: num_samples = int(min((far-near)*32, 256)) (trunc cast)
    ns = jnp.where(isect, jnp.minimum((far - near) * 32.0, 256.0).astype(jnp.int32), 0)
    j = jnp.arange(MAX_S)
    mask = j[None, :] < ns[:, None]
    ns_f = jnp.maximum(ns, 1).astype(jnp.float32)
    t = near[:, None] + (far - near)[:, None] * (j[None, :].astype(jnp.float32) + 0.5) / ns_f[:, None]
    pos = (o[:, None, :] + d[:, None, :] * t[:, :, None]) / 1.5 * 0.5 + 0.5
    dists = jnp.broadcast_to(((far - near) / ns_f)[:, None], (rays.shape[0], MAX_S))
    # volume_interp: floor to voxel index, clamp, gather sigma + SH coeffs
    p = pos * GRID
    ipos = jnp.clip(jnp.floor(p).astype(jnp.int32), 0, GRID - 1)
    ix, iy, iz = ipos[..., 0], ipos[..., 1], ipos[..., 2]
    sigma = w_sigma[ix, iy, iz]  # [N, S]
    sh = w_rgb[ix, iy, iz]  # [N, S, 3, 9]
    # l2 spherical harmonics evaluated at the UNNORMALIZED input direction (as in original)
    x, y, z = d_raw[:, 0], d_raw[:, 1], d_raw[:, 2]
    basis = jnp.stack([
        jnp.full_like(x, float(np.sqrt(1.0 / (4.0 * PI)))),
        float(np.sqrt(3.0 / (4.0 * PI))) * x,
        float(np.sqrt(3.0 / (4.0 * PI))) * y,
        float(np.sqrt(3.0 / (4.0 * PI))) * z,
        float(np.sqrt(15.0 / (4.0 * PI))) * x * y,
        float(np.sqrt(15.0 / (4.0 * PI))) * y * z,
        float(np.sqrt(5.0 / (16.0 * PI))) * (3.0 * z ** 2 - 1.0),
        float(np.sqrt(15.0 / (8.0 * PI))) * x * z,
        float(np.sqrt(15.0 / (32.0 * PI))) * (x ** 2 - y ** 2),
    ], axis=1)  # [N, 9]
    rgb = jnp.einsum('nscj,nj->nsc', sh, basis)
    sample = jnp.maximum(0.0, jnp.concatenate([rgb, sigma[..., None]], axis=-1))  # [N,S,4]
    # volume_render (faithful to original, including alpha = 1 - exp(+sigma*dist) and color *= (1+weight))
    alpha = 1.0 - jnp.exp(sample[..., 3] * dists)
    one_minus = jnp.where(mask, 1.0 - alpha, 1.0)
    cumprod = jnp.cumprod(one_minus, axis=1)  # includes current step, matching update order
    weight = jnp.where(mask, alpha * cumprod, 0.0)
    c = jnp.prod(1.0 + weight, axis=1)
    out = jnp.stack([c, c, c, 1.0 - c], axis=1)
    return out


def setup_inputs(seed: int = 0) -> dict:
    key = jax.random.key(seed)
    k1, k2, k3 = jax.random.split(key, 3)
    w_sigma = jax.random.normal(k1, (GRID, GRID, GRID), dtype=jnp.float32)
    w_rgb = jax.random.normal(k2, (GRID, GRID, GRID, 3, 9), dtype=jnp.float32)
    rays = jax.random.normal(k3, (N_RAYS, 6), dtype=jnp.float32)
    return {"w_sigma": w_sigma, "w_rgb": w_rgb, "rays": rays}


def reference(w_sigma, w_rgb, rays):
    return _forward(w_sigma, w_rgb, rays)

if __name__ == "__main__":
    import jax
    _d = setup_inputs()
    print(jax.jit(kernel)(*tuple(_d.values())))

</pallas_src>

<mosaic_0001>
#map = affine_map<(d0, d1) -> (0)>
module attributes {stable_mosaic.version = 14 : i64} {
  func.func @_sc_gather_body(%arg0: i32, %arg1: i32, %arg2: memref<786432xi32, #tpu.memory_space<hbm>>, %arg3: memref<786432xi32, #tpu.memory_space<hbm>>, %arg4: memref<4096xi32, #tpu.memory_space<hbm>>, %arg5: memref<4096xi32, #tpu.memory_space<hbm>>, %arg6: memref<2097152xf32, #tpu.memory_space<hbm>>, %arg7: memref<786432xf32, #tpu.memory_space<hbm>>, %arg8: memref<786432xf32, #tpu.memory_space<hbm>>, %arg9: memref<1048576xf32, #tpu.memory_space<vmem_shared>>, %arg10: memref<4096xi32, #tpu.memory_space<vmem_shared>>, %arg11: memref<256xi32, #tpu.memory_space<smem>>, %arg12: memref<12288xi32, #tpu.memory_space<vmem>>, %arg13: memref<12288xi32, #tpu.memory_space<vmem>>, %arg14: memref<12288xf32, #tpu.memory_space<vmem>>, %arg15: memref<12288xf32, #tpu.memory_space<vmem>>, %arg16: memref<32xi32, #tpu.memory_space<vmem>>, %arg17: memref<!tpu.dma_semaphore, #tpu.memory_space<semaphore_mem>>, %arg18: memref<!tpu.dma_semaphore, #tpu.memory_space<semaphore_mem>>, %arg19: memref<!tpu.dma_semaphore, #tpu.memory_space<semaphore_mem>>) attributes {dimension_semantics = [#tpu.dimension_semantics<core_parallel>, #tpu.dimension_semantics<subcore_parallel>], iteration_bounds = array<i64: 2, 16>, scalar_prefetch = 0 : i64, scratch_operands = 11 : i64, tpu.core_type = #tpu.core_type<sc_vector_subcore>, window_params = [{transform_indices = #map}, {transform_indices = #map}, {transform_indices = #map}, {transform_indices = #map}, {transform_indices = #map}, {transform_indices = #map}, {transform_indices = #map}]} {
    %mul3A = arith.constant 1048576 : i32
    %mul3A_0 = arith.muli %arg0, %mul3A : i32
    %mul3A_1 = arith.constant 65536 : i32
    %mul3A_2 = arith.muli %arg1, %mul3A_1 : i32
    %add3A = arith.addi %mul3A_0, %mul3A_2 : i32
    %mul3A_3 = arith.constant 65536 : i32
    %mul3A_4 = arith.muli %arg1, %mul3A_3 : i32
    "tpu.region"() ({
      %run_scoped3A = tpu.sem_alloc : memref<!tpu.dma_semaphore, #tpu.memory_space<semaphore_mem>>
      %dma_start3A = tpu.memref_slice %arg9[%mul3A_4] : memref<1048576xf32, #tpu.memory_space<vmem_shared>> -> memref<65536xf32, #tpu.memory_space<vmem_shared>>
      %dma_start3A_29 = tpu.memref_slice %arg6[%add3A] : memref<2097152xf32, #tpu.memory_space<hbm>> -> memref<65536xf32, #tpu.memory_space<hbm>>
      tpu.enqueue_dma source(%dma_start3A_29 : memref<65536xf32, #tpu.memory_space<hbm>>) target(%dma_start3A : memref<65536xf32, #tpu.memory_space<vmem_shared>>) target_semaphore(%run_scoped3A : memref<!tpu.dma_semaphore, #tpu.memory_space<semaphore_mem>>)
      %dma_wait3A = tpu.memref_slice %arg9[%mul3A_4] : memref<1048576xf32, #tpu.memory_space<vmem_shared>> -> memref<65536xf32, #tpu.memory_space<vmem_shared>>
      %dma_wait3A_30 = tpu.memref_slice %arg6[%add3A] : memref<2097152xf32, #tpu.memory_space<hbm>> -> memref<65536xf32, #tpu.memory_space<hbm>>
      tpu.wait_dma2 semaphore(%run_scoped3A : memref<!tpu.dma_semaphore, #tpu.memory_space<semaphore_mem>>) src(%dma_wait3A_30 : memref<65536xf32, #tpu.memory_space<hbm>>) dst(%dma_wait3A : memref<65536xf32, #tpu.memory_space<vmem_shared>>)
      tpu.yield
    }) : () -> ()
    %eq3A = arith.constant 0 : i32
    %eq3A_5 = arith.cmpi eq, %arg1, %eq3A : i32
    %eq3A_6 = arith.constant 0 : i32
    %eq3A_7 = arith.cmpi eq, %arg0, %eq3A_6 : i32
    %and3A = arith.andi %eq3A_5, %eq3A_7 : i1
    %convert_element_type3A = arith.extui %and3A : i1 to i32
    %cond3A = arith.constant 0 : i32
    %cond3A_8 = arith.cmpi ne, %convert_element_type3A, %cond3A : i32
    scf.if %cond3A_8 {
      "tpu.region"() ({
        %run_scoped3A = tpu.sem_alloc : memref<!tpu.dma_semaphore, #tpu.memory_space<semaphore_mem>>
        tpu.enqueue_dma source(%arg4 : memref<4096xi32, #tpu.memory_space<hbm>>) target(%arg10 : memref<4096xi32, #tpu.memory_space<vmem_shared>>) target_semaphore(%run_scoped3A : memref<!tpu.dma_semaphore, #tpu.memory_space<semaphore_mem>>)
        tpu.wait_dma2 semaphore(%run_scoped3A : memref<!tpu.dma_semaphore, #tpu.memory_space<semaphore_mem>>) src(%arg4 : memref<4096xi32, #tpu.memory_space<hbm>>) dst(%arg10 : memref<4096xi32, #tpu.memory_space<vmem_shared>>)
        tpu.yield
      }) : () -> ()
    } else {
    }
    %eq3A_9 = arith.constant 0 : i32
    %eq3A_10 = arith.cmpi eq, %arg1, %eq3A_9 : i32
    %eq3A_11 = arith.constant 1 : i32
    %eq3A_12 = arith.cmpi eq, %arg0, %eq3A_11 : i32
    %and3A_13 = arith.andi %eq3A_10, %eq3A_12 : i1
    %convert_element_type3A_14 = arith.extui %and3A_13 : i1 to i32
    %cond3A_15 = arith.constant 0 : i32
    %cond3A_16 = arith.cmpi ne, %convert_element_type3A_14, %cond3A_15 : i32
    scf.if %cond3A_16 {
      "tpu.region"() ({
        %run_scoped3A = tpu.sem_alloc : memref<!tpu.dma_semaphore, #tpu.memory_space<semaphore_mem>>
        tpu.enqueue_dma source(%arg5 : memref<4096xi32, #tpu.memory_space<hbm>>) target(%arg10 : memref<4096xi32, #tpu.memory_space<vmem_shared>>) target_semaphore(%run_scoped3A : memref<!tpu.dma_semaphore, #tpu.memory_space<semaphore_mem>>)
        tpu.wait_dma2 semaphore(%run_scoped3A : memref<!tpu.dma_semaphore, #tpu.memory_space<semaphore_mem>>) src(%arg5 : memref<4096xi32, #tpu.memory_space<hbm>>) dst(%arg10 : memref<4096xi32, #tpu.memory_space<vmem_shared>>)
        tpu.yield
      }) : () -> ()
    } else {
    }
    %barrier3A = arith.constant 0 : index
    tpu.barrier barrier_id(%barrier3A)
    %mul3A_17 = arith.constant 256 : i32
    %mul3A_18 = arith.muli %arg1, %mul3A_17 : i32
    "tpu.region"() ({
      %run_scoped3A = tpu.sem_alloc : memref<!tpu.dma_semaphore, #tpu.memory_space<semaphore_mem>>
      %dma_start3A = tpu.memref_slice %arg10[%mul3A_18] : memref<4096xi32, #tpu.memory_space<vmem_shared>> -> memref<256xi32, #tpu.memory_space<vmem_shared>>
      tpu.enqueue_dma source(%dma_start3A : memref<256xi32, #tpu.memory_space<vmem_shared>>) target(%arg11 : memref<256xi32, #tpu.memory_space<smem>>) target_semaphore(%run_scoped3A : memref<!tpu.dma_semaphore, #tpu.memory_space<semaphore_mem>>)
      %dma_wait3A = tpu.memref_slice %arg10[%mul3A_18] : memref<4096xi32, #tpu.memory_space<vmem_shared>> -> memref<256xi32, #tpu.memory_space<vmem_shared>>
      tpu.wait_dma2 semaphore(%run_scoped3A : memref<!tpu.dma_semaphore, #tpu.memory_space<semaphore_mem>>) src(%dma_wait3A : memref<256xi32, #tpu.memory_space<vmem_shared>>) dst(%arg11 : memref<256xi32, #tpu.memory_space<smem>>)
      tpu.yield
    }) : () -> ()
    %eq3A_19 = arith.constant 0 : i32
    %eq3A_20 = arith.cmpi eq, %arg0, %eq3A_19 : i32
    %convert_element_type3A_21 = arith.extui %eq3A_20 : i1 to i32
    %cond3A_22 = arith.constant 0 : i32
    %cond3A_23 = arith.cmpi ne, %convert_element_type3A_21, %cond3A_22 : i32
    scf.if %cond3A_23 {
      %mul3A_29 = arith.constant 256 : i32
      %mul3A_30 = arith.muli %arg1, %mul3A_29 : i32
      %add3A_31 = arith.constant 0 : i32
      %add3A_32 = arith.addi %mul3A_30, %add3A_31 : i32
      %mul3A_33 = arith.constant 192 : i32
      %mul3A_34 = arith.muli %add3A_32, %mul3A_33 : i32
      %dma_start3A = tpu.memref_slice %arg2[%mul3A_34] : memref<786432xi32, #tpu.memory_space<hbm>> -> memref<12288xi32, #tpu.memory_space<hbm>>
      %dma_start3A_35 = tpu.memref_slice %arg2[%mul3A_34] : memref<786432xi32, #tpu.memory_space<hbm>> -> memref<12288xi32, #tpu.memory_space<hbm>>
      tpu.enqueue_dma source(%dma_start3A_35 : memref<12288xi32, #tpu.memory_space<hbm>>) target(%arg12 : memref<12288xi32, #tpu.memory_space<vmem>>) target_semaphore(%arg18 : memref<!tpu.dma_semaphore, #tpu.memory_space<semaphore_mem>>)
      %mul3A_36 = arith.constant 256 : i32
      %mul3A_37 = arith.muli %arg1, %mul3A_36 : i32
      %add3A_38 = arith.constant 64 : i32
      %add3A_39 = arith.addi %mul3A_37, %add3A_38 : i32
      %mul3A_40 = arith.constant 192 : i32
      %mul3A_41 = arith.muli %add3A_39, %mul3A_40 : i32
      %dma_start3A_42 = tpu.memref_slice %arg2[%mul3A_41] : memref<786432xi32, #tpu.memory_space<hbm>> -> memref<12288xi32, #tpu.memory_space<hbm>>
      %dma_start3A_43 = tpu.memref_slice %arg2[%mul3A_41] : memref<786432xi32, #tpu.memory_space<hbm>> -> memref<12288xi32, #tpu.memory_space<hbm>>
      tpu.enqueue_dma source(%dma_start3A_43 : memref<12288xi32, #tpu.memory_space<hbm>>) target(%arg13 : memref<12288xi32, #tpu.memory_space<vmem>>) target_semaphore(%arg18 : memref<!tpu.dma_semaphore, #tpu.memory_space<semaphore_mem>>)
      %dma_wait3A = tpu.memref_slice %arg2[%mul3A_34] : memref<786432xi32, #tpu.memory_space<hbm>> -> memref<12288xi32, #tpu.memory_space<hbm>>
      %dma_wait3A_44 = tpu.memref_slice %arg2[%mul3A_34] : memref<786432xi32, #tpu.memory_space<hbm>> -> memref<12288xi32, #tpu.memory_space<hbm>>
      tpu.wait_dma2 semaphore(%arg18 : memref<!tpu.dma_semaphore, #tpu.memory_space<semaphore_mem>>) src(%dma_wait3A_44 : memref<12288xi32, #tpu.memory_space<hbm>>) dst(%arg12 : memref<12288xi32, #tpu.memory_space<vmem>>)
      %scan3A = arith.constant 0 : i32
      %scan3A_45 = arith.constant 0 : i32
      %scan3A_46 = arith.constant 64 : i32
      %scan3A_47 = arith.addi %scan3A_45, %scan3A_46 : i32
      %scan3A_48 = arith.constant 1 : i32
      %scan3A_49 = scf.for %scan3A_173 = %scan3A_45 to %scan3A_47 step %scan3A_48 iter_args(%scan3A_174 = %scan3A) -> (i32)  : i32 {
        %add3A_175 = arith.constant 0 : i32
        %add3A_176 = arith.addi %add3A_175, %scan3A_173 : i32
        %get3A = arith.index_cast %add3A_176 : i32 to index
        %get3A_177 = memref.load %arg11[%get3A] : memref<256xi32, #tpu.memory_space<smem>>
        %shift_right_logical3A = arith.constant 10 : i32
        %shift_right_logical3A_178 = arith.shrui %get3A_177, %shift_right_logical3A : i32
        %multiple_of3A = tpu.assume_multiple %shift_right_logical3A_178, 32 : i32
        %and3A_179 = arith.constant 1023 : i32
        %and3A_180 = arith.andi %get3A_177, %and3A_179 : i32
        %shift_right_logical3A_181 = arith.constant 5 : i32
        %shift_right_logical3A_182 = arith.shrui %and3A_180, %shift_right_logical3A_181 : i32
        %while3A_183 = arith.constant 0 : i32
        %while3A_184 = arith.constant 0 : i32
        %while3A_185 = arith.subi %shift_right_logical3A_182, %while3A_184 : i32
        %while3A_186 = arith.addi %while3A_184, %while3A_185 : i32
        %while3A_187 = arith.constant 1 : i32
        %while3A_188 = arith.divsi %while3A_185, %while3A_187 : i32
        %while3A_189 = arith.muli %while3A_188, %while3A_187 : i32
        %while3A_190 = arith.addi %while3A_184, %while3A_189 : i32
        %while3A_191 = arith.constant 1 : i32
        scf.for %while3A_203 = %while3A_184 to %while3A_190 step %while3A_191  : i32 {
          %mul3A_204 = arith.constant 192 : i32
          %mul3A_205 = arith.muli %scan3A_173, %mul3A_204 : i32
          %add3A_206 = arith.addi %mul3A_205, %multiple_of3A : i32
          %mul3A_207 = arith.constant 32 : i32
          %mul3A_208 = arith.muli %mul3A_207, %while3A_203 : i32
          %add3A_209 = arith.addi %add3A_206, %mul3A_208 : i32
          %multiple_of3A_210 = tpu.assume_multiple %add3A_209, 32 : i32
          %dma_start3A_211 = tpu.memref_slice %arg14[%multiple_of3A_210] : memref<12288xf32, #tpu.memory_space<vmem>> -> memref<32xf32, #tpu.memory_space<vmem>>
          %dma_start3A_212 = tpu.memref_slice %arg12[%multiple_of3A_210] : memref<12288xi32, #tpu.memory_space<vmem>> -> memref<32xi32, #tpu.memory_space<vmem>>
          %dma_start3A_213 = arith.constant 0 : i32
          %dma_start3A_214 = tpu.memref_slice %arg9[%dma_start3A_213] : memref<1048576xf32, #tpu.memory_space<vmem_shared>> -> memref<1048576xf32, #tpu.memory_space<vmem_shared>>
          tpu.enqueue_indirect_dma source(%dma_start3A_214 : memref<1048576xf32, #tpu.memory_space<vmem_shared>>) target(%dma_start3A_211 : memref<32xf32, #tpu.memory_space<vmem>>) offsets(%dma_start3A_212 : memref<32xi32, #tpu.memory_space<vmem>>) semaphore(%arg17 : memref<!tpu.dma_semaphore, #tpu.memory_space<semaphore_mem>>)
        }
        %while3A_192 = arith.constant 1 : i32
        scf.for %while3A_203 = %while3A_190 to %while3A_186 step %while3A_192  : i32 {
          %mul3A_204 = arith.constant 192 : i32
          %mul3A_205 = arith.muli %scan3A_173, %mul3A_204 : i32
          %add3A_206 = arith.addi %mul3A_205, %multiple_of3A : i32
          %mul3A_207 = arith.constant 32 : i32
          %mul3A_208 = arith.muli %mul3A_207, %while3A_203 : i32
          %add3A_209 = arith.addi %add3A_206, %mul3A_208 : i32
          %multiple_of3A_210 = tpu.assume_multiple %add3A_209, 32 : i32
          %dma_start3A_211 = tpu.memref_slice %arg14[%multiple_of3A_210] : memref<12288xf32, #tpu.memory_space<vmem>> -> memref<32xf32, #tpu.memory_space<vmem>>
          %dma_start3A_212 = tpu.memref_slice %arg12[%multiple_of3A_210] : memref<12288xi32, #tpu.memory_space<vmem>> -> memref<32xi32, #tpu.memory_space<vmem>>
          %dma_start3A_213 = arith.constant 0 : i32
          %dma_start3A_214 = tpu.memref_slice %arg9[%dma_start3A_213] : memref<1048576xf32, #tpu.memory_space<vmem_shared>> -> memref<1048576xf32, #tpu.memory_space<vmem_shared>>
          tpu.enqueue_indirect_dma source(%dma_start3A_214 : memref<1048576xf32, #tpu.memory_space<vmem_shared>>) target(%dma_start3A_211 : memref<32xf32, #tpu.memory_space<vmem>>) offsets(%dma_start3A_212 : memref<32xi32, #tpu.memory_space<vmem>>) semaphore(%arg17 : memref<!tpu.dma_semaphore, #tpu.memory_space<semaphore_mem>>)
        }
        %while3A_193 = arith.constant 0 : i32
        %while3A_194 = arith.constant 0 : i32
        %while3A_195 = arith.subi %scan3A_174, %while3A_194 : i32
        %while3A_196 = arith.addi %while3A_194, %while3A_195 : i32
        %while3A_197 = arith.constant 1 : i32
        %while3A_198 = arith.divsi %while3A_195, %while3A_197 : i32
        %while3A_199 = arith.muli %while3A_198, %while3A_197 : i32
        %while3A_200 = arith.addi %while3A_194, %while3A_199 : i32
        %while3A_201 = arith.constant 1 : i32
        scf.for %while3A_203 = %while3A_194 to %while3A_200 step %while3A_201  : i32 {
          %dma_wait3A_204 = arith.constant 0 : i32
          %dma_wait3A_205 = tpu.memref_slice %arg2[%dma_wait3A_204] : memref<786432xi32, #tpu.memory_space<hbm>> -> memref<32xi32, #tpu.memory_space<hbm>>
          %dma_wait3A_206 = arith.constant 0 : i32
          %dma_wait3A_207 = tpu.memref_slice %arg2[%dma_wait3A_206] : memref<786432xi32, #tpu.memory_space<hbm>> -> memref<32xi32, #tpu.memory_space<hbm>>
          tpu.wait_dma2 semaphore(%arg17 : memref<!tpu.dma_semaphore, #tpu.memory_space<semaphore_mem>>) src(%dma_wait3A_207 : memref<32xi32, #tpu.memory_space<hbm>>) dst(%arg16 : memref<32xi32, #tpu.memory_space<vmem>>)
        }
        %while3A_202 = arith.constant 1 : i32
        scf.for %while3A_203 = %while3A_200 to %while3A_196 step %while3A_202  : i32 {
          %dma_wait3A_204 = arith.constant 0 : i32
          %dma_wait3A_205 = tpu.memref_slice %arg2[%dma_wait3A_204] : memref<786432xi32, #tpu.memory_space<hbm>> -> memref<32xi32, #tpu.memory_space<hbm>>
          %dma_wait3A_206 = arith.constant 0 : i32
          %dma_wait3A_207 = tpu.memref_slice %arg2[%dma_wait3A_206] : memref<786432xi32, #tpu.memory_space<hbm>> -> memref<32xi32, #tpu.memory_space<hbm>>
          tpu.wait_dma2 semaphore(%arg17 : memref<!tpu.dma_semaphore, #tpu.memory_space<semaphore_mem>>) src(%dma_wait3A_207 : memref<32xi32, #tpu.memory_space<hbm>>) dst(%arg16 : memref<32xi32, #tpu.memory_space<vmem>>)
        }
        scf.yield %shift_right_logical3A_182 : i32
      }
      %scan3A_50 = arith.constant 64 : i32
      %while3A = arith.constant 0 : i32
      %while3A_51 = arith.constant 0 : i32
      %while3A_52 = arith.subi %scan3A_49, %while3A_51 : i32
      %while3A_53 = arith.addi %while3A_51, %while3A_52 : i32
      %while3A_54 = arith.constant 1 : i32
      %while3A_55 = arith.divsi %while3A_52, %while3A_54 : i32
      %while3A_56 = arith.muli %while3A_55, %while3A_54 : i32
      %while3A_57 = arith.addi %while3A_51, %while3A_56 : i32
      %while3A_58 = arith.constant 1 : i32
      scf.for %while3A_173 = %while3A_51 to %while3A_57 step %while3A_58  : i32 {
        %dma_wait3A_174 = arith.constant 0 : i32
        %dma_wait3A_175 = tpu.memref_slice %arg2[%dma_wait3A_174] : memref<786432xi32, #tpu.memory_space<hbm>> -> memref<32xi32, #tpu.memory_space<hbm>>
        %dma_wait3A_176 = arith.constant 0 : i32
        %dma_wait3A_177 = tpu.memref_slice %arg2[%dma_wait3A_176] : memref<786432xi32, #tpu.memory_space<hbm>> -> memref<32xi32, #tpu.memory_space<hbm>>
        tpu.wait_dma2 semaphore(%arg17 : memref<!tpu.dma_semaphore, #tpu.memory_space<semaphore_mem>>) src(%dma_wait3A_177 : memref<32xi32, #tpu.memory_space<hbm>>) dst(%arg16 : memref<32xi32, #tpu.memory_space<vmem>>)
      }
      %while3A_59 = arith.constant 1 : i32
      scf.for %while3A_173 = %while3A_57 to %while3A_53 step %while3A_59  : i32 {
        %dma_wait3A_174 = arith.constant 0 : i32
        %dma_wait3A_175 = tpu.memref_slice %arg2[%dma_wait3A_174] : memref<786432xi32, #tpu.memory_space<hbm>> -> memref<32xi32, #tpu.memory_space<hbm>>
        %dma_wait3A_176 = arith.constant 0 : i32
        %dma_wait3A_177 = tpu.memref_slice %arg2[%dma_wait3A_176] : memref<786432xi32, #tpu.memory_space<hbm>> -> memref<32xi32, #tpu.memory_space<hbm>>
        tpu.wait_dma2 semaphore(%arg17 : memref<!tpu.dma_semaphore, #tpu.memory_space<semaphore_mem>>) src(%dma_wait3A_177 : memref<32xi32, #tpu.memory_space<hbm>>) dst(%arg16 : memref<32xi32, #tpu.memory_space<vmem>>)
      }
      %mul3A_60 = arith.constant 256 : i32
      %mul3A_61 = arith.muli %arg1, %mul3A_60 : i32
      %add3A_62 = arith.constant 0 : i32
      %add3A_63 = arith.addi %mul3A_61, %add3A_62 : i32
      %mul3A_64 = arith.constant 192 : i32
      %mul3A_65 = arith.muli %add3A_63, %mul3A_64 : i32
      %dma_start3A_66 = tpu.memref_slice %arg7[%mul3A_65] : memref<786432xf32, #tpu.memory_space<hbm>> -> memref<12288xf32, #tpu.memory_space<hbm>>
      %dma_start3A_67 = tpu.memref_slice %arg7[%mul3A_65] : memref<786432xf32, #tpu.memory_space<hbm>> -> memref<12288xf32, #tpu.memory_space<hbm>>
      tpu.enqueue_dma source(%arg14 : memref<12288xf32, #tpu.memory_space<vmem>>) target(%dma_start3A_67 : memref<12288xf32, #tpu.memory_space<hbm>>) target_semaphore(%arg19 : memref<!tpu.dma_semaphore, #tpu.memory_space<semaphore_mem>>)
      %mul3A_68 = arith.constant 256 : i32
      %mul3A_69 = arith.muli %arg1, %mul3A_68 : i32
      %add3A_70 = arith.constant 128 : i32
      %add3A_71 = arith.addi %mul3A_69, %add3A_70 : i32
      %mul3A_72 = arith.constant 192 : i32
      %mul3A_73 = arith.muli %add3A_71, %mul3A_72 : i32
      %dma_start3A_74 = tpu.memref_slice %arg2[%mul3A_73] : memref<786432xi32, #tpu.memory_space<hbm>> -> memref<12288xi32, #tpu.memory_space<hbm>>
      %dma_start3A_75 = tpu.memref_slice %arg2[%mul3A_73] : memref<786432xi32, #tpu.memory_space<hbm>> -> memref<12288xi32, #tpu.memory_space<hbm>>
      tpu.enqueue_dma source(%dma_start3A_75 : memref<12288xi32, #tpu.memory_space<hbm>>) target(%arg12 : memref<12288xi32, #tpu.memory_space<vmem>>) target_semaphore(%arg18 : memref<!tpu.dma_semaphore, #tpu.memory_space<semaphore_mem>>)
      %dma_wait3A_76 = tpu.memref_slice %arg2[%mul3A_41] : memref<786432xi32, #tpu.memory_space<hbm>> -> memref<12288xi32, #tpu.memory_space<hbm>>
      %dma_wait3A_77 = tpu.memref_slice %arg2[%mul3A_41] : memref<786432xi32, #tpu.memory_space<hbm>> -> memref<12288xi32, #tpu.memory_space<hbm>>
      tpu.wait_dma2 semaphore(%arg18 : memref<!tpu.dma_semaphore, #tpu.memory_space<semaphore_mem>>) src(%dma_wait3A_77 : memref<12288xi32, #tpu.memory_space<hbm>>) dst(%arg13 : memref<12288xi32, #tpu.memory_space<vmem>>)
      %scan3A_78 = arith.constant 0 : i32
      %scan3A_79 = arith.constant 0 : i32
      %scan3A_80 = arith.constant 64 : i32
      %scan3A_81 = arith.addi %scan3A_79, %scan3A_80 : i32
      %scan3A_82 = arith.constant 1 : i32
      %scan3A_83 = scf.for %scan3A_173 = %scan3A_79 to %scan3A_81 step %scan3A_82 iter_args(%scan3A_174 = %scan3A_78) -> (i32)  : i32 {
        %add3A_175 = arith.constant 64 : i32
        %add3A_176 = arith.addi %add3A_175, %scan3A_173 : i32
        %get3A = arith.index_cast %add3A_176 : i32 to index
        %get3A_177 = memref.load %arg11[%get3A] : memref<256xi32, #tpu.memory_space<smem>>
        %shift_right_logical3A = arith.constant 10 : i32
        %shift_right_logical3A_178 = arith.shrui %get3A_177, %shift_right_logical3A : i32
        %multiple_of3A = tpu.assume_multiple %shift_right_logical3A_178, 32 : i32
        %and3A_179 = arith.constant 1023 : i32
        %and3A_180 = arith.andi %get3A_177, %and3A_179 : i32
        %shift_right_logical3A_181 = arith.constant 5 : i32
        %shift_right_logical3A_182 = arith.shrui %and3A_180, %shift_right_logical3A_181 : i32
        %while3A_183 = arith.constant 0 : i32
        %while3A_184 = arith.constant 0 : i32
        %while3A_185 = arith.subi %shift_right_logical3A_182, %while3A_184 : i32
        %while3A_186 = arith.addi %while3A_184, %while3A_185 : i32
        %while3A_187 = arith.constant 1 : i32
        %while3A_188 = arith.divsi %while3A_185, %while3A_187 : i32
        %while3A_189 = arith.muli %while3A_188, %while3A_187 : i32
        %while3A_190 = arith.addi %while3A_184, %while3A_189 : i32
        %while3A_191 = arith.constant 1 : i32
        scf.for %while3A_203 = %while3A_184 to %while3A_190 step %while3A_191  : i32 {
          %mul3A_204 = arith.constant 192 : i32
          %mul3A_205 = arith.muli %scan3A_173, %mul3A_204 : i32
          %add3A_206 = arith.addi %mul3A_205, %multiple_of3A : i32
          %mul3A_207 = arith.constant 32 : i32
          %mul3A_208 = arith.muli %mul3A_207, %while3A_203 : i32
          %add3A_209 = arith.addi %add3A_206, %mul3A_208 : i32
          %multiple_of3A_210 = tpu.assume_multiple %add3A_209, 32 : i32
          %dma_start3A_211 = tpu.memref_slice %arg15[%multiple_of3A_210] : memref<12288xf32, #tpu.memory_space<vmem>> -> memref<32xf32, #tpu.memory_space<vmem>>
          %dma_start3A_212 = tpu.memref_slice %arg13[%multiple_of3A_210] : memref<12288xi32, #tpu.memory_space<vmem>> -> memref<32xi32, #tpu.memory_space<vmem>>
          %dma_start3A_213 = arith.constant 0 : i32
          %dma_start3A_214 = tpu.memref_slice %arg9[%dma_start3A_213] : memref<1048576xf32, #tpu.memory_space<vmem_shared>> -> memref<1048576xf32, #tpu.memory_space<vmem_shared>>
          tpu.enqueue_indirect_dma source(%dma_start3A_214 : memref<1048576xf32, #tpu.memory_space<vmem_shared>>) target(%dma_start3A_211 : memref<32xf32, #tpu.memory_space<vmem>>) offsets(%dma_start3A_212 : memref<32xi32, #tpu.memory_space<vmem>>) semaphore(%arg17 : memref<!tpu.dma_semaphore, #tpu.memory_space<semaphore_mem>>)
        }
        %while3A_192 = arith.constant 1 : i32
        scf.for %while3A_203 = %while3A_190 to %while3A_186 step %while3A_192  : i32 {
          %mul3A_204 = arith.constant 192 : i32
          %mul3A_205 = arith.muli %scan3A_173, %mul3A_204 : i32
          %add3A_206 = arith.addi %mul3A_205, %multiple_of3A : i32
          %mul3A_207 = arith.constant 32 : i32
          %mul3A_208 = arith.muli %mul3A_207, %while3A_203 : i32
          %add3A_209 = arith.addi %add3A_206, %mul3A_208 : i32
          %multiple_of3A_210 = tpu.assume_multiple %add3A_209, 32 : i32
          %dma_start3A_211 = tpu.memref_slice %arg15[%multiple_of3A_210] : memref<12288xf32, #tpu.memory_space<vmem>> -> memref<32xf32, #tpu.memory_space<vmem>>
          %dma_start3A_212 = tpu.memref_slice %arg13[%multiple_of3A_210] : memref<12288xi32, #tpu.memory_space<vmem>> -> memref<32xi32, #tpu.memory_space<vmem>>
          %dma_start3A_213 = arith.constant 0 : i32
          %dma_start3A_214 = tpu.memref_slice %arg9[%dma_start3A_213] : memref<1048576xf32, #tpu.memory_space<vmem_shared>> -> memref<1048576xf32, #tpu.memory_space<vmem_shared>>
          tpu.enqueue_indirect_dma source(%dma_start3A_214 : memref<1048576xf32, #tpu.memory_space<vmem_shared>>) target(%dma_start3A_211 : memref<32xf32, #tpu.memory_space<vmem>>) offsets(%dma_start3A_212 : memref<32xi32, #tpu.memory_space<vmem>>) semaphore(%arg17 : memref<!tpu.dma_semaphore, #tpu.memory_space<semaphore_mem>>)
        }
        %while3A_193 = arith.constant 0 : i32
        %while3A_194 = arith.constant 0 : i32
        %while3A_195 = arith.subi %scan3A_174, %while3A_194 : i32
        %while3A_196 = arith.addi %while3A_194, %while3A_195 : i32
        %while3A_197 = arith.constant 1 : i32
        %while3A_198 = arith.divsi %while3A_195, %while3A_197 : i32
        %while3A_199 = arith.muli %while3A_198, %while3A_197 : i32
        %while3A_200 = arith.addi %while3A_194, %while3A_199 : i32
        %while3A_201 = arith.constant 1 : i32
        scf.for %while3A_203 = %while3A_194 to %while3A_200 step %while3A_201  : i32 {
          %dma_wait3A_204 = arith.constant 0 : i32
          %dma_wait3A_205 = tpu.memref_slice %arg2[%dma_wait3A_204] : memref<786432xi32, #tpu.memory_space<hbm>> -> memref<32xi32, #tpu.memory_space<hbm>>
          %dma_wait3A_206 = arith.constant 0 : i32
          %dma_wait3A_207 = tpu.memref_slice %arg2[%dma_wait3A_206] : memref<786432xi32, #tpu.memory_space<hbm>> -> memref<32xi32, #tpu.memory_space<hbm>>
          tpu.wait_dma2 semaphore(%arg17 : memref<!tpu.dma_semaphore, #tpu.memory_space<semaphore_mem>>) src(%dma_wait3A_207 : memref<32xi32, #tpu.memory_space<hbm>>) dst(%arg16 : memref<32xi32, #tpu.memory_space<vmem>>)
        }
        %while3A_202 = arith.constant 1 : i32
        scf.for %while3A_203 = %while3A_200 to %while3A_196 step %while3A_202  : i32 {
          %dma_wait3A_204 = arith.constant 0 : i32
          %dma_wait3A_205 = tpu.memref_slice %arg2[%dma_wait3A_204] : memref<786432xi32, #tpu.memory_space<hbm>> -> memref<32xi32, #tpu.memory_space<hbm>>
          %dma_wait3A_206 = arith.constant 0 : i32
          %dma_wait3A_207 = tpu.memref_slice %arg2[%dma_wait3A_206] : memref<786432xi32, #tpu.memory_space<hbm>> -> memref<32xi32, #tpu.memory_space<hbm>>
          tpu.wait_dma2 semaphore(%arg17 : memref<!tpu.dma_semaphore, #tpu.memory_space<semaphore_mem>>) src(%dma_wait3A_207 : memref<32xi32, #tpu.memory_space<hbm>>) dst(%arg16 : memref<32xi32, #tpu.memory_space<vmem>>)
        }
        scf.yield %shift_right_logical3A_182 : i32
      }
      %scan3A_84 = arith.constant 64 : i32
      %while3A_85 = arith.constant 0 : i32
      %while3A_86 = arith.constant 0 : i32
      %while3A_87 = arith.subi %scan3A_83, %while3A_86 : i32
      %while3A_88 = arith.addi %while3A_86, %while3A_87 : i32
      %while3A_89 = arith.constant 1 : i32
      %while3A_90 = arith.divsi %while3A_87, %while3A_89 : i32
      %while3A_91 = arith.muli %while3A_90, %while3A_89 : i32
      %while3A_92 = arith.addi %while3A_86, %while3A_91 : i32
      %while3A_93 = arith.constant 1 : i32
      scf.for %while3A_173 = %while3A_86 to %while3A_92 step %while3A_93  : i32 {
        %dma_wait3A_174 = arith.constant 0 : i32
        %dma_wait3A_175 = tpu.memref_slice %arg2[%dma_wait3A_174] : memref<786432xi32, #tpu.memory_space<hbm>> -> memref<32xi32, #tpu.memory_space<hbm>>
        %dma_wait3A_176 = arith.constant 0 : i32
        %dma_wait3A_177 = tpu.memref_slice %arg2[%dma_wait3A_176] : memref<786432xi32, #tpu.memory_space<hbm>> -> memref<32xi32, #tpu.memory_space<hbm>>
        tpu.wait_dma2 semaphore(%arg17 : memref<!tpu.dma_semaphore, #tpu.memory_space<semaphore_mem>>) src(%dma_wait3A_177 : memref<32xi32, #tpu.memory_space<hbm>>) dst(%arg16 : memref<32xi32, #tpu.memory_space<vmem>>)
      }
      %while3A_94 = arith.constant 1 : i32
      scf.for %while3A_173 = %while3A_92 to %while3A_88 step %while3A_94  : i32 {
        %dma_wait3A_174 = arith.constant 0 : i32
        %dma_wait3A_175 = tpu.memref_slice %arg2[%dma_wait3A_174] : memref<786432xi32, #tpu.memory_space<hbm>> -> memref<32xi32, #tpu.memory_space<hbm>>
        %dma_wait3A_176 = arith.constant 0 : i32
        %dma_wait3A_177 = tpu.memref_slice %arg2[%dma_wait3A_176] : memref<786432xi32, #tpu.memory_space<hbm>> -> memref<32xi32, #tpu.memory_space<hbm>>
        tpu.wait_dma2 semaphore(%arg17 : memref<!tpu.dma_semaphore, #tpu.memory_space<semaphore_mem>>) src(%dma_wait3A_177 : memref<32xi32, #tpu.memory_space<hbm>>) dst(%arg16 : memref<32xi32, #tpu.memory_space<vmem>>)
      }
      %mul3A_95 = arith.constant 256 : i32
      %mul3A_96 = arith.muli %arg1, %mul3A_95 : i32
      %add3A_97 = arith.constant 64 : i32
      %add3A_98 = arith.addi %mul3A_96, %add3A_97 : i32
      %mul3A_99 = arith.constant 192 : i32
      %mul3A_100 = arith.muli %add3A_98, %mul3A_99 : i32
      %dma_start3A_101 = tpu.memref_slice %arg7[%mul3A_100] : memref<786432xf32, #tpu.memory_space<hbm>> -> memref<12288xf32, #tpu.memory_space<hbm>>
      %dma_start3A_102 = tpu.memref_slice %arg7[%mul3A_100] : memref<786432xf32, #tpu.memory_space<hbm>> -> memref<12288xf32, #tpu.memory_space<hbm>>
      tpu.enqueue_dma source(%arg15 : memref<12288xf32, #tpu.memory_space<vmem>>) target(%dma_start3A_102 : memref<12288xf32, #tpu.memory_space<hbm>>) target_semaphore(%arg19 : memref<!tpu.dma_semaphore, #tpu.memory_space<semaphore_mem>>)
      %mul3A_103 = arith.constant 256 : i32
      %mul3A_104 = arith.muli %arg1, %mul3A_103 : i32
      %add3A_105 = arith.constant 192 : i32
      %add3A_106 = arith.addi %mul3A_104, %add3A_105 : i32
      %mul3A_107 = arith.constant 192 : i32
      %mul3A_108 = arith.muli %add3A_106, %mul3A_107 : i32
      %dma_start3A_109 = tpu.memref_slice %arg2[%mul3A_108] : memref<786432xi32, #tpu.memory_space<hbm>> -> memref<12288xi32, #tpu.memory_space<hbm>>
      %dma_start3A_110 = tpu.memref_slice %arg2[%mul3A_108] : memref<786432xi32, #tpu.memory_space<hbm>> -> memref<12288xi32, #tpu.memory_space<hbm>>
      tpu.enqueue_dma source(%dma_start3A_110 : memref<12288xi32, #tpu.memory_space<hbm>>) target(%arg13 : memref<12288xi32, #tpu.memory_space<vmem>>) target_semaphore(%arg18 : memref<!tpu.dma_semaphore, #tpu.memory_space<semaphore_mem>>)
      %dma_wait3A_111 = tpu.memref_slice %arg2[%mul3A_73] : memref<786432xi32, #tpu.memory_space<hbm>> -> memref<12288xi32, #tpu.memory_space<hbm>>
      %dma_wait3A_112 = tpu.memref_slice %arg2[%mul3A_73] : memref<786432xi32, #tpu.memory_space<hbm>> -> memref<12288xi32, #tpu.memory_space<hbm>>
      tpu.wait_dma2 semaphore(%arg18 : memref<!tpu.dma_semaphore, #tpu.memory_space<semaphore_mem>>) src(%dma_wait3A_112 : memref<12288xi32, #tpu.memory_space<hbm>>) dst(%arg12 : memref<12288xi32, #tpu.memory_space<vmem>>)
      %dma_wait3A_113 = tpu.memref_slice %arg7[%mul3A_65] : memref<786432xf32, #tpu.memory_space<hbm>> -> memref<12288xf32, #tpu.memory_space<hbm>>
      %dma_wait3A_114 = tpu.memref_slice %arg7[%mul3A_65] : memref<786432xf32, #tpu.memory_space<hbm>> -> memref<12288xf32, #tpu.memory_space<hbm>>
      tpu.wait_dma2 semaphore(%arg19 : memref<!tpu.dma_semaphore, #tpu.memory_space<semaphore_mem>>) src(%arg14 : memref<12288xf32, #tpu.memory_space<vmem>>) dst(%dma_wait3A_114 : memref<12288xf32, #tpu.memory_space<hbm>>)
      %scan3A_115 = arith.constant 0 : i32
      %scan3A_116 = arith.constant 0 : i32
      %scan3A_117 = arith.constant 64 : i32
      %scan3A_118 = arith.addi %scan3A_116, %scan3A_117 : i32
      %scan3A_119 = arith.constant 1 : i32
      %scan3A_120 = scf.for %scan3A_173 = %scan3A_116 to %scan3A_118 step %scan3A_119 iter_args(%scan3A_174 = %scan3A_115) -> (i32)  : i32 {
        %add3A_175 = arith.constant 128 : i32
        %add3A_176 = arith.addi %add3A_175, %scan3A_173 : i32
        %get3A = arith.index_cast %add3A_176 : i32 to index
        %get3A_177 = memref.load %arg11[%get3A] : memref<256xi32, #tpu.memory_space<smem>>
        %shift_right_logical3A = arith.constant 10 : i32
        %shift_right_logical3A_178 = arith.shrui %get3A_177, %shift_right_logical3A : i32
        %multiple_of3A = tpu.assume_multiple %shift_right_logical3A_178, 32 : i32
        %and3A_179 = arith.constant 1023 : i32
        %and3A_180 = arith.andi %get3A_177, %and3A_179 : i32
        %shift_right_logical3A_181 = arith.constant 5 : i32
        %shift_right_logical3A_182 = arith.shrui %and3A_180, %shift_right_logical3A_181 : i32
        %while3A_183 = arith.constant 0 : i32
        %while3A_184 = arith.constant 0 : i32
        %while3A_185 = arith.subi %shift_right_logical3A_182, %while3A_184 : i32
        %while3A_186 = arith.addi %while3A_184, %while3A_185 : i32
        %while3A_187 = arith.constant 1 : i32
        %while3A_188 = arith.divsi %while3A_185, %while3A_187 : i32
        %while3A_189 = arith.muli %while3A_188, %while3A_187 : i32
        %while3A_190 = arith.addi %while3A_184, %while3A_189 : i32
        %while3A_191 = arith.constant 1 : i32
        scf.for %while3A_203 = %while3A_184 to %while3A_190 step %while3A_191  : i32 {
          %mul3A_204 = arith.constant 192 : i32
          %mul3A_205 = arith.muli %scan3A_173, %mul3A_204 : i32
          %add3A_206 = arith.addi %mul3A_205, %multiple_of3A : i32
          %mul3A_207 = arith.constant 32 : i32
          %mul3A_208 = arith.muli %mul3A_207, %while3A_203 : i32
          %add3A_209 = arith.addi %add3A_206, %mul3A_208 : i32
          %multiple_of3A_210 = tpu.assume_multiple %add3A_209, 32 : i32
          %dma_start3A_211 = tpu.memref_slice %arg14[%multiple_of3A_210] : memref<12288xf32, #tpu.memory_space<vmem>> -> memref<32xf32, #tpu.memory_space<vmem>>
          %dma_start3A_212 = tpu.memref_slice %arg12[%multiple_of3A_210] : memref<12288xi32, #tpu.memory_space<vmem>> -> memref<32xi32, #tpu.memory_space<vmem>>
          %dma_start3A_213 = arith.constant 0 : i32
          %dma_start3A_214 = tpu.memref_slice %arg9[%dma_start3A_213] : memref<1048576xf32, #tpu.memory_space<vmem_shared>> -> memref<1048576xf32, #tpu.memory_space<vmem_shared>>
          tpu.enqueue_indirect_dma source(%dma_start3A_214 : memref<1048576xf32, #tpu.memory_space<vmem_shared>>) target(%dma_start3A_211 : memref<32xf32, #tpu.memory_space<vmem>>) offsets(%dma_start3A_212 : memref<32xi32, #tpu.memory_space<vmem>>) semaphore(%arg17 : memref<!tpu.dma_semaphore, #tpu.memory_space<semaphore_mem>>)
        }
        %while3A_192 = arith.constant 1 : i32
        scf.for %while3A_203 = %while3A_190 to %while3A_186 step %while3A_192  : i32 {
          %mul3A_204 = arith.constant 192 : i32
          %mul3A_205 = arith.muli %scan3A_173, %mul3A_204 : i32
          %add3A_206 = arith.addi %mul3A_205, %multiple_of3A : i32
          %mul3A_207 = arith.constant 32 : i32
          %mul3A_208 = arith.muli %mul3A_207, %while3A_203 : i32
          %add3A_209 = arith.addi %add3A_206, %mul3A_208 : i32
          %multiple_of3A_210 = tpu.assume_multiple %add3A_209, 32 : i32
          %dma_start3A_211 = tpu.memref_slice %arg14[%multiple_of3A_210] : memref<12288xf32, #tpu.memory_space<vmem>> -> memref<32xf32, #tpu.memory_space<vmem>>
          %dma_start3A_212 = tpu.memref_slice %arg12[%multiple_of3A_210] : memref<12288xi32, #tpu.memory_space<vmem>> -> memref<32xi32, #tpu.memory_space<vmem>>
          %dma_start3A_213 = arith.constant 0 : i32
          %dma_start3A_214 = tpu.memref_slice %arg9[%dma_start3A_213] : memref<1048576xf32, #tpu.memory_space<vmem_shared>> -> memref<1048576xf32, #tpu.memory_space<vmem_shared>>
          tpu.enqueue_indirect_dma source(%dma_start3A_214 : memref<1048576xf32, #tpu.memory_space<vmem_shared>>) target(%dma_start3A_211 : memref<32xf32, #tpu.memory_space<vmem>>) offsets(%dma_start3A_212 : memref<32xi32, #tpu.memory_space<vmem>>) semaphore(%arg17 : memref<!tpu.dma_semaphore, #tpu.memory_space<semaphore_mem>>)
        }
        %while3A_193 = arith.constant 0 : i32
        %while3A_194 = arith.constant 0 : i32
        %while3A_195 = arith.subi %scan3A_174, %while3A_194 : i32
        %while3A_196 = arith.addi %while3A_194, %while3A_195 : i32
        %while3A_197 = arith.constant 1 : i32
        %while3A_198 = arith.divsi %while3A_195, %while3A_197 : i32
        %while3A_199 = arith.muli %while3A_198, %while3A_197 : i32
        %while3A_200 = arith.addi %while3A_194, %while3A_199 : i32
        %while3A_201 = arith.constant 1 : i32
        scf.for %while3A_203 = %while3A_194 to %while3A_200 step %while3A_201  : i32 {
          %dma_wait3A_204 = arith.constant 0 : i32
          %dma_wait3A_205 = tpu.memref_slice %arg2[%dma_wait3A_204] : memref<786432xi32, #tpu.memory_space<hbm>> -> memref<32xi32, #tpu.memory_space<hbm>>
          %dma_wait3A_206 = arith.constant 0 : i32
          %dma_wait3A_207 = tpu.memref_slice %arg2[%dma_wait3A_206] : memref<786432xi32, #tpu.memory_space<hbm>> -> memref<32xi32, #tpu.memory_space<hbm>>
          tpu.wait_dma2 semaphore(%arg17 : memref<!tpu.dma_semaphore, #tpu.memory_space<semaphore_mem>>) src(%dma_wait3A_207 : memref<32xi32, #tpu.memory_space<hbm>>) dst(%arg16 : memref<32xi32, #tpu.memory_space<vmem>>)
        }
        %while3A_202 = arith.constant 1 : i32
        scf.for %while3A_203 = %while3A_200 to %while3A_196 step %while3A_202  : i32 {
          %dma_wait3A_204 = arith.constant 0 : i32
          %dma_wait3A_205 = tpu.memref_slice %arg2[%dma_wait3A_204] : memref<786432xi32, #tpu.memory_space<hbm>> -> memref<32xi32, #tpu.memory_space<hbm>>
          %dma_wait3A_206 = arith.constant 0 : i32
          %dma_wait3A_207 = tpu.memref_slice %arg2[%dma_wait3A_206] : memref<786432xi32, #tpu.memory_space<hbm>> -> memref<32xi32, #tpu.memory_space<hbm>>
          tpu.wait_dma2 semaphore(%arg17 : memref<!tpu.dma_semaphore, #tpu.memory_space<semaphore_mem>>) src(%dma_wait3A_207 : memref<32xi32, #tpu.memory_space<hbm>>) dst(%arg16 : memref<32xi32, #tpu.memory_space<vmem>>)
        }
        scf.yield %shift_right_logical3A_182 : i32
      }
      %scan3A_121 = arith.constant 64 : i32
      %while3A_122 = arith.constant 0 : i32
      %while3A_123 = arith.constant 0 : i32
      %while3A_124 = arith.subi %scan3A_120, %while3A_123 : i32
      %while3A_125 = arith.addi %while3A_123, %while3A_124 : i32
      %while3A_126 = arith.constant 1 : i32
      %while3A_127 = arith.divsi %while3A_124, %while3A_126 : i32
      %while3A_128 = arith.muli %while3A_127, %while3A_126 : i32
      %while3A_129 = arith.addi %while3A_123, %while3A_128 : i32
      %while3A_130 = arith.constant 1 : i32
      scf.for %while3A_173 = %while3A_123 to %while3A_129 step %while3A_130  : i32 {
        %dma_wait3A_174 = arith.constant 0 : i32
        %dma_wait3A_175 = tpu.memref_slice %arg2[%dma_wait3A_174] : memref<786432xi32, #tpu.memory_space<hbm>> -> memref<32xi32, #tpu.memory_space<hbm>>
        %dma_wait3A_176 = arith.constant 0 : i32
        %dma_wait3A_177 = tpu.memref_slice %arg2[%dma_wait3A_176] : memref<786432xi32, #tpu.memory_space<hbm>> -> memref<32xi32, #tpu.memory_space<hbm>>
        tpu.wait_dma2 semaphore(%arg17 : memref<!tpu.dma_semaphore, #tpu.memory_space<semaphore_mem>>) src(%dma_wait3A_177 : memref<32xi32, #tpu.memory_space<hbm>>) dst(%arg16 : memref<32xi32, #tpu.memory_space<vmem>>)
      }
      %while3A_131 = arith.constant 1 : i32
      scf.for %while3A_173 = %while3A_129 to %while3A_125 step %while3A_131  : i32 {
        %dma_wait3A_174 = arith.constant 0 : i32
        %dma_wait3A_175 = tpu.memref_slice %arg2[%dma_wait3A_174] : memref<786432xi32, #tpu.memory_space<hbm>> -> memref<32xi32, #tpu.memory_space<hbm>>
        %dma_wait3A_176 = arith.constant 0 : i32
        %dma_wait3A_177 = tpu.memref_slice %arg2[%dma_wait3A_176] : memref<786432xi32, #tpu.memory_space<hbm>> -> memref<32xi32, #tpu.memory_space<hbm>>
        tpu.wait_dma2 semaphore(%arg17 : memref<!tpu.dma_semaphore, #tpu.memory_space<semaphore_mem>>) src(%dma_wait3A_177 : memref<32xi32, #tpu.memory_space<hbm>>) dst(%arg16 : memref<32xi32, #tpu.memory_space<vmem>>)
      }
      %mul3A_132 = arith.constant 256 : i32
      %mul3A_133 = arith.muli %arg1, %mul3A_132 : i32
      %add3A_134 = arith.constant 128 : i32
      %add3A_135 = arith.addi %mul3A_133, %add3A_134 : i32
      %mul3A_136 = arith.constant 192 : i32
      %mul3A_137 = arith.muli %add3A_135, %mul3A_136 : i32
      %dma_start3A_138 = tpu.memref_slice %arg7[%mul3A_137] : memref<786432xf32, #tpu.memory_space<hbm>> -> memref<12288xf32, #tpu.memory_space<hbm>>
      %dma_start3A_139 = tpu.memref_slice %arg7[%mul3A_137] : memref<786432xf32, #tpu.memory_space<hbm>> -> memref<12288xf32, #tpu.memory_space<hbm>>
      tpu.enqueue_dma source(%arg14 : memref<12288xf32, #tpu.memory_space<vmem>>) target(%dma_start3A_139 : memref<12288xf32, #tpu.memory_space<hbm>>) target_semaphore(%arg19 : memref<!tpu.dma_semaphore, #tpu.memory_space<semaphore_mem>>)
      %dma_wait3A_140 = tpu.memref_slice %arg2[%mul3A_108] : memref<786432xi32, #tpu.memory_space<hbm>> -> memref<12288xi32, #tpu.memory_space<hbm>>
      %dma_wait3A_141 = tpu.memref_slice %arg2[%mul3A_108] : memref<786432xi32, #tpu.memory_space<hbm>> -> memref<12288xi32, #tpu.memory_space<hbm>>
      tpu.wait_dma2 semaphore(%arg18 : memref<!tpu.dma_semaphore, #tpu.memory_space<semaphore_mem>>) src(%dma_wait3A_141 : memref<12288xi32, #tpu.memory_space<hbm>>) dst(%arg13 : memref<12288xi32, #tpu.memory_space<vmem>>)
      %dma_wait3A_142 = tpu.memref_slice %arg7[%mul3A_100] : memref<786432xf32, #tpu.memory_space<hbm>> -> memref<12288xf32, #tpu.memory_space<hbm>>
      %dma_wait3A_143 = tpu.memref_slice %arg7[%mul3A_100] : memref<786432xf32, #tpu.memory_space<hbm>> -> memref<12288xf32, #tpu.memory_space<hbm>>
      tpu.wait_dma2 semaphore(%arg19 : memref<!tpu.dma_semaphore, #tpu.memory_space<semaphore_mem>>) src(%arg15 : memref<12288xf32, #tpu.memory_space<vmem>>) dst(%dma_wait3A_143 : memref<12288xf32, #tpu.memory_space<hbm>>)
      %scan3A_144 = arith.constant 0 : i32
      %scan3A_145 = arith.constant 0 : i32
      %scan3A_146 = arith.constant 64 : i32
      %scan3A_147 = arith.addi %scan3A_145, %scan3A_146 : i32
      %scan3A_148 = arith.constant 1 : i32
      %scan3A_149 = scf.for %scan3A_173 = %scan3A_145 to %scan3A_147 step %scan3A_148 iter_args(%scan3A_174 = %scan3A_144) -> (i32)  : i32 {
        %add3A_175 = arith.constant 192 : i32
        %add3A_176 = arith.addi %add3A_175, %scan3A_173 : i32
        %get3A = arith.index_cast %add3A_176 : i32 to index
        %get3A_177 = memref.load %arg11[%get3A] : memref<256xi32, #tpu.memory_space<smem>>
        %shift_right_logical3A = arith.constant 10 : i32
        %shift_right_logical3A_178 = arith.shrui %get3A_177, %shift_right_logical3A : i32
        %multiple_of3A = tpu.assume_multiple %shift_right_logical3A_178, 32 : i32
        %and3A_179 = arith.constant 1023 : i32
        %and3A_180 = arith.andi %get3A_177, %and3A_179 : i32
        %shift_right_logical3A_181 = arith.constant 5 : i32
        %shift_right_logical3A_182 = arith.shrui %and3A_180, %shift_right_logical3A_181 : i32
        %while3A_183 = arith.constant 0 : i32
        %while3A_184 = arith.constant 0 : i32
        %while3A_185 = arith.subi %shift_right_logical3A_182, %while3A_184 : i32
        %while3A_186 = arith.addi %while3A_184, %while3A_185 : i32
        %while3A_187 = arith.constant 1 : i32
        %while3A_188 = arith.divsi %while3A_185, %while3A_187 : i32
        %while3A_189 = arith.muli %while3A_188, %while3A_187 : i32
        %while3A_190 = arith.addi %while3A_184, %while3A_189 : i32
        %while3A_191 = arith.constant 1 : i32
        scf.for %while3A_203 = %while3A_184 to %while3A_190 step %while3A_191  : i32 {
          %mul3A_204 = arith.constant 192 : i32
          %mul3A_205 = arith.muli %scan3A_173, %mul3A_204 : i32
          %add3A_206 = arith.addi %mul3A_205, %multiple_of3A : i32
          %mul3A_207 = arith.constant 32 : i32
          %mul3A_208 = arith.muli %mul3A_207, %while3A_203 : i32
          %add3A_209 = arith.addi %add3A_206, %mul3A_208 : i32
          %multiple_of3A_210 = tpu.assume_multiple %add3A_209, 32 : i32
          %dma_start3A_211 = tpu.memref_slice %arg15[%multiple_of3A_210] : memref<12288xf32, #tpu.memory_space<vmem>> -> memref<32xf32, #tpu.memory_space<vmem>>
          %dma_start3A_212 = tpu.memref_slice %arg13[%multiple_of3A_210] : memref<12288xi32, #tpu.memory_space<vmem>> -> memref<32xi32, #tpu.memory_space<vmem>>
          %dma_start3A_213 = arith.constant 0 : i32
          %dma_start3A_214 = tpu.memref_slice %arg9[%dma_start3A_213] : memref<1048576xf32, #tpu.memory_space<vmem_shared>> -> memref<1048576xf32, #tpu.memory_space<vmem_shared>>
          tpu.enqueue_indirect_dma source(%dma_start3A_214 : memref<1048576xf32, #tpu.memory_space<vmem_shared>>) target(%dma_start3A_211 : memref<32xf32, #tpu.memory_space<vmem>>) offsets(%dma_start3A_212 : memref<32xi32, #tpu.memory_space<vmem>>) semaphore(%arg17 : memref<!tpu.dma_semaphore, #tpu.memory_space<semaphore_mem>>)
        }
        %while3A_192 = arith.constant 1 : i32
        scf.for %while3A_203 = %while3A_190 to %while3A_186 step %while3A_192  : i32 {
          %mul3A_204 = arith.constant 192 : i32
          %mul3A_205 = arith.muli %scan3A_173, %mul3A_204 : i32
          %add3A_206 = arith.addi %mul3A_205, %multiple_of3A : i32
          %mul3A_207 = arith.constant 32 : i32
          %mul3A_208 = arith.muli %mul3A_207, %while3A_203 : i32
          %add3A_209 = arith.addi %add3A_206, %mul3A_208 : i32
          %multiple_of3A_210 = tpu.assume_multiple %add3A_209, 32 : i32
          %dma_start3A_211 = tpu.memref_slice %arg15[%multiple_of3A_210] : memref<12288xf32, #tpu.memory_space<vmem>> -> memref<32xf32, #tpu.memory_space<vmem>>
          %dma_start3A_212 = tpu.memref_slice %arg13[%multiple_of3A_210] : memref<12288xi32, #tpu.memory_space<vmem>> -> memref<32xi32, #tpu.memory_space<vmem>>
          %dma_start3A_213 = arith.constant 0 : i32
          %dma_start3A_214 = tpu.memref_slice %arg9[%dma_start3A_213] : memref<1048576xf32, #tpu.memory_space<vmem_shared>> -> memref<1048576xf32, #tpu.memory_space<vmem_shared>>
          tpu.enqueue_indirect_dma source(%dma_start3A_214 : memref<1048576xf32, #tpu.memory_space<vmem_shared>>) target(%dma_start3A_211 : memref<32xf32, #tpu.memory_space<vmem>>) offsets(%dma_start3A_212 : memref<32xi32, #tpu.memory_space<vmem>>) semaphore(%arg17 : memref<!tpu.dma_semaphore, #tpu.memory_space<semaphore_mem>>)
        }
        %while3A_193 = arith.constant 0 : i32
        %while3A_194 = arith.constant 0 : i32
        %while3A_195 = arith.subi %scan3A_174, %while3A_194 : i32
        %while3A_196 = arith.addi %while3A_194, %while3A_195 : i32
        %while3A_197 = arith.constant 1 : i32
        %while3A_198 = arith.divsi %while3A_195, %while3A_197 : i32
        %while3A_199 = arith.muli %while3A_198, %while3A_197 : i32
        %while3A_200 = arith.addi %while3A_194, %while3A_199 : i32
        %while3A_201 = arith.constant 1 : i32
        scf.for %while3A_203 = %while3A_194 to %while3A_200 step %while3A_201  : i32 {
          %dma_wait3A_204 = arith.constant 0 : i32
          %dma_wait3A_205 = tpu.memref_slice %arg2[%dma_wait3A_204] : memref<786432xi32, #tpu.memory_space<hbm>> -> memref<32xi32, #tpu.memory_space<hbm>>
          %dma_wait3A_206 = arith.constant 0 : i32
          %dma_wait3A_207 = tpu.memref_slice %arg2[%dma_wait3A_206] : memref<786432xi32, #tpu.memory_space<hbm>> -> memref<32xi32, #tpu.memory_space<hbm>>
          tpu.wait_dma2 semaphore(%arg17 : memref<!tpu.dma_semaphore, #tpu.memory_space<semaphore_mem>>) src(%dma_wait3A_207 : memref<32xi32, #tpu.memory_space<hbm>>) dst(%arg16 : memref<32xi32, #tpu.memory_space<vmem>>)
        }
        %while3A_202 = arith.constant 1 : i32
        scf.for %while3A_203 = %while3A_200 to %while3A_196 step %while3A_202  : i32 {
          %dma_wait3A_204 = arith.constant 0 : i32
          %dma_wait3A_205 = tpu.memref_slice %arg2[%dma_wait3A_204] : memref<786432xi32, #tpu.memory_space<hbm>> -> memref<32xi32, #tpu.memory_space<hbm>>
          %dma_wait3A_206 = arith.constant 0 : i32
          %dma_wait3A_207 = tpu.memref_slice %arg2[%dma_wait3A_206] : memref<786432xi32, #tpu.memory_space<hbm>> -> memref<32xi32, #tpu.memory_space<hbm>>
          tpu.wait_dma2 semaphore(%arg17 : memref<!tpu.dma_semaphore, #tpu.memory_space<semaphore_mem>>) src(%dma_wait3A_207 : memref<32xi32, #tpu.memory_space<hbm>>) dst(%arg16 : memref<32xi32, #tpu.memory_space<vmem>>)
        }
        scf.yield %shift_right_logical3A_182 : i32
      }
      %scan3A_150 = arith.constant 64 : i32
      %while3A_151 = arith.constant 0 : i32
      %while3A_152 = arith.constant 0 : i32
      %while3A_153 = arith.subi %scan3A_149, %while3A_152 : i32
      %while3A_154 = arith.addi %while3A_152, %while3A_153 : i32
      %while3A_155 = arith.constant 1 : i32
      %while3A_156 = arith.divsi %while3A_153, %while3A_155 : i32
      %while3A_157 = arith.muli %while3A_156, %while3A_155 : i32
      %while3A_158 = arith.addi %while3A_152, %while3A_157 : i32
      %while3A_159 = arith.constant 1 : i32
      scf.for %while3A_173 = %while3A_152 to %while3A_158 step %while3A_159  : i32 {
        %dma_wait3A_174 = arith.constant 0 : i32
        %dma_wait3A_175 = tpu.memref_slice %arg2[%dma_wait3A_174] : memref<786432xi32, #tpu.memory_space<hbm>> -> memref<32xi32, #tpu.memory_space<hbm>>
        %dma_wait3A_176 = arith.constant 0 : i32
        %dma_wait3A_177 = tpu.memref_slice %arg2[%dma_wait3A_176] : memref<786432xi32, #tpu.memory_space<hbm>> -> memref<32xi32, #tpu.memory_space<hbm>>
        tpu.wait_dma2 semaphore(%arg17 : memref<!tpu.dma_semaphore, #tpu.memory_space<semaphore_mem>>) src(%dma_wait3A_177 : memref<32xi32, #tpu.memory_space<hbm>>) dst(%arg16 : memref<32xi32, #tpu.memory_space<vmem>>)
      }
      %while3A_160 = arith.constant 1 : i32
      scf.for %while3A_173 = %while3A_158 to %while3A_154 step %while3A_160  : i32 {
        %dma_wait3A_174 = arith.constant 0 : i32
        %dma_wait3A_175 = tpu.memref_slice %arg2[%dma_wait3A_174] : memref<786432xi32, #tpu.memory_space<hbm>> -> memref<32xi32, #tpu.memory_space<hbm>>
        %dma_wait3A_176 = arith.constant 0 : i32
        %dma_wait3A_177 = tpu.memref_slice %arg2[%dma_wait3A_176] : memref<786432xi32, #tpu.memory_space<hbm>> -> memref<32xi32, #tpu.memory_space<hbm>>
        tpu.wait_dma2 semaphore(%arg17 : memref<!tpu.dma_semaphore, #tpu.memory_space<semaphore_mem>>) src(%dma_wait3A_177 : memref<32xi32, #tpu.memory_space<hbm>>) dst(%arg16 : memref<32xi32, #tpu.memory_space<vmem>>)
      }
      %mul3A_161 = arith.constant 256 : i32
      %mul3A_162 = arith.muli %arg1, %mul3A_161 : i32
      %add3A_163 = arith.constant 192 : i32
      %add3A_164 = arith.addi %mul3A_162, %add3A_163 : i32
      %mul3A_165 = arith.constant 192 : i32
      %mul3A_166 = arith.muli %add3A_164, %mul3A_165 : i32
      %dma_start3A_167 = tpu.memref_slice %arg7[%mul3A_166] : memref<786432xf32, #tpu.memory_space<hbm>> -> memref<12288xf32, #tpu.memory_space<hbm>>
      %dma_start3A_168 = tpu.memref_slice %arg7[%mul3A_166] : memref<786432xf32, #tpu.memory_space<hbm>> -> memref<12288xf32, #tpu.memory_space<hbm>>
      tpu.enqueue_dma source(%arg15 : memref<12288xf32, #tpu.memory_space<vmem>>) target(%dma_start3A_168 : memref<12288xf32, #tpu.memory_space<hbm>>) target_semaphore(%arg19 : memref<!tpu.dma_semaphore, #tpu.memory_space<semaphore_mem>>)
      %dma_wait3A_169 = tpu.memref_slice %arg7[%mul3A_137] : memref<786432xf32, #tpu.memory_space<hbm>> -> memref<12288xf32, #tpu.memory_space<hbm>>
      %dma_wait3A_170 = tpu.memref_slice %arg7[%mul3A_137] : memref<786432xf32, #tpu.memory_space<hbm>> -> memref<12288xf32, #tpu.memory_space<hbm>>
      tpu.wait_dma2 semaphore(%arg19 : memref<!tpu.dma_semaphore, #tpu.memory_space<semaphore_mem>>) src(%arg14 : memref<12288xf32, #tpu.memory_space<vmem>>) dst(%dma_wait3A_170 : memref<12288xf32, #tpu.memory_space<hbm>>)
      %dma_wait3A_171 = tpu.memref_slice %arg7[%mul3A_166] : memref<786432xf32, #tpu.memory_space<hbm>> -> memref<12288xf32, #tpu.memory_space<hbm>>
      %dma_wait3A_172 = tpu.memref_slice %arg7[%mul3A_166] : memref<786432xf32, #tpu.memory_space<hbm>> -> memref<12288xf32, #tpu.memory_space<hbm>>
      tpu.wait_dma2 semaphore(%arg19 : memref<!tpu.dma_semaphore, #tpu.memory_space<semaphore_mem>>) src(%arg15 : memref<12288xf32, #tpu.memory_space<vmem>>) dst(%dma_wait3A_172 : memref<12288xf32, #tpu.memory_space<hbm>>)
    } else {
    }
    %eq3A_24 = arith.constant 1 : i32
    %eq3A_25 = arith.cmpi eq, %arg0, %eq3A_24 : i32
    %convert_element_type3A_26 = arith.extui %eq3A_25 : i1 to i32
    %cond3A_27 = arith.constant 0 : i32
    %cond3A_28 = arith.cmpi ne, %convert_element_type3A_26, %cond3A_27 : i32
    scf.if %cond3A_28 {
      %mul3A_29 = arith.constant 256 : i32
      %mul3A_30 = arith.muli %arg1, %mul3A_29 : i32
      %add3A_31 = arith.constant 0 : i32
      %add3A_32 = arith.addi %mul3A_30, %add3A_31 : i32
      %mul3A_33 = arith.constant 192 : i32
      %mul3A_34 = arith.muli %add3A_32, %mul3A_33 : i32
      %dma_start3A = tpu.memref_slice %arg3[%mul3A_34] : memref<786432xi32, #tpu.memory_space<hbm>> -> memref<12288xi32, #tpu.memory_space<hbm>>
      %dma_start3A_35 = tpu.memref_slice %arg3[%mul3A_34] : memref<786432xi32, #tpu.memory_space<hbm>> -> memref<12288xi32, #tpu.memory_space<hbm>>
      tpu.enqueue_dma source(%dma_start3A_35 : memref<12288xi32, #tpu.memory_space<hbm>>) target(%arg12 : memref<12288xi32, #tpu.memory_space<vmem>>) target_semaphore(%arg18 : memref<!tpu.dma_semaphore, #tpu.memory_space<semaphore_mem>>)
      %mul3A_36 = arith.constant 256 : i32
      %mul3A_37 = arith.muli %arg1, %mul3A_36 : i32
      %add3A_38 = arith.constant 64 : i32
      %add3A_39 = arith.addi %mul3A_37, %add3A_38 : i32
      %mul3A_40 = arith.constant 192 : i32
      %mul3A_41 = arith.muli %add3A_39, %mul3A_40 : i32
      %dma_start3A_42 = tpu.memref_slice %arg3[%mul3A_41] : memref<786432xi32, #tpu.memory_space<hbm>> -> memref<12288xi32, #tpu.memory_space<hbm>>
      %dma_start3A_43 = tpu.memref_slice %arg3[%mul3A_41] : memref<786432xi32, #tpu.memory_space<hbm>> -> memref<12288xi32, #tpu.memory_space<hbm>>
      tpu.enqueue_dma source(%dma_start3A_43 : memref<12288xi32, #tpu.memory_space<hbm>>) target(%arg13 : memref<12288xi32, #tpu.memory_space<vmem>>) target_semaphore(%arg18 : memref<!tpu.dma_semaphore, #tpu.memory_space<semaphore_mem>>)
      %dma_wait3A = tpu.memref_slice %arg3[%mul3A_34] : memref<786432xi32, #tpu.memory_space<hbm>> -> memref<12288xi32, #tpu.memory_space<hbm>>
      %dma_wait3A_44 = tpu.memref_slice %arg3[%mul3A_34] : memref<786432xi32, #tpu.memory_space<hbm>> -> memref<12288xi32, #tpu.memory_space<hbm>>
      tpu.wait_dma2 semaphore(%arg18 : memref<!tpu.dma_semaphore, #tpu.memory_space<semaphore_mem>>) src(%dma_wait3A_44 : memref<12288xi32, #tpu.memory_space<hbm>>) dst(%arg12 : memref<12288xi32, #tpu.memory_space<vmem>>)
      %scan3A = arith.constant 0 : i32
      %scan3A_45 = arith.constant 0 : i32
      %scan3A_46 = arith.constant 64 : i32
      %scan3A_47 = arith.addi %scan3A_45, %scan3A_46 : i32
      %scan3A_48 = arith.constant 1 : i32
      %scan3A_49 = scf.for %scan3A_173 = %scan3A_45 to %scan3A_47 step %scan3A_48 iter_args(%scan3A_174 = %scan3A) -> (i32)  : i32 {
        %add3A_175 = arith.constant 0 : i32
        %add3A_176 = arith.addi %add3A_175, %scan3A_173 : i32
        %get3A = arith.index_cast %add3A_176 : i32 to index
        %get3A_177 = memref.load %arg11[%get3A] : memref<256xi32, #tpu.memory_space<smem>>
        %shift_right_logical3A = arith.constant 10 : i32
        %shift_right_logical3A_178 = arith.shrui %get3A_177, %shift_right_logical3A : i32
        %multiple_of3A = tpu.assume_multiple %shift_right_logical3A_178, 32 : i32
        %and3A_179 = arith.constant 1023 : i32
        %and3A_180 = arith.andi %get3A_177, %and3A_179 : i32
        %shift_right_logical3A_181 = arith.constant 5 : i32
        %shift_right_logical3A_182 = arith.shrui %and3A_180, %shift_right_logical3A_181 : i32
        %while3A_183 = arith.constant 0 : i32
        %while3A_184 = arith.constant 0 : i32
        %while3A_185 = arith.subi %shift_right_logical3A_182, %while3A_184 : i32
        %while3A_186 = arith.addi %while3A_184, %while3A_185 : i32
        %while3A_187 = arith.constant 1 : i32
        %while3A_188 = arith.divsi %while3A_185, %while3A_187 : i32
        %while3A_189 = arith.muli %while3A_188, %while3A_187 : i32
        %while3A_190 = arith.addi %while3A_184, %while3A_189 : i32
        %while3A_191 = arith.constant 1 : i32
        scf.for %while3A_203 = %while3A_184 to %while3A_190 step %while3A_191  : i32 {
          %mul3A_204 = arith.constant 192 : i32
          %mul3A_205 = arith.muli %scan3A_173, %mul3A_204 : i32
          %add3A_206 = arith.addi %mul3A_205, %multiple_of3A : i32
          %mul3A_207 = arith.constant 32 : i32
          %mul3A_208 = arith.muli %mul3A_207, %while3A_203 : i32
          %add3A_209 = arith.addi %add3A_206, %mul3A_208 : i32
          %multiple_of3A_210 = tpu.assume_multiple %add3A_209, 32 : i32
          %dma_start3A_211 = tpu.memref_slice %arg14[%multiple_of3A_210] : memref<12288xf32, #tpu.memory_space<vmem>> -> memref<32xf32, #tpu.memory_space<vmem>>
          %dma_start3A_212 = tpu.memref_slice %arg12[%multiple_of3A_210] : memref<12288xi32, #tpu.memory_space<vmem>> -> memref<32xi32, #tpu.memory_space<vmem>>
          %dma_start3A_213 = arith.constant 0 : i32
          %dma_start3A_214 = tpu.memref_slice %arg9[%dma_start3A_213] : memref<1048576xf32, #tpu.memory_space<vmem_shared>> -> memref<1048576xf32, #tpu.memory_space<vmem_shared>>
          tpu.enqueue_indirect_dma source(%dma_start3A_214 : memref<1048576xf32, #tpu.memory_space<vmem_shared>>) target(%dma_start3A_211 : memref<32xf32, #tpu.memory_space<vmem>>) offsets(%dma_start3A_212 : memref<32xi32, #tpu.memory_space<vmem>>) semaphore(%arg17 : memref<!tpu.dma_semaphore, #tpu.memory_space<semaphore_mem>>)
        }
        %while3A_192 = arith.constant 1 : i32
        scf.for %while3A_203 = %while3A_190 to %while3A_186 step %while3A_192  : i32 {
          %mul3A_204 = arith.constant 192 : i32
          %mul3A_205 = arith.muli %scan3A_173, %mul3A_204 : i32
          %add3A_206 = arith.addi %mul3A_205, %multiple_of3A : i32
          %mul3A_207 = arith.constant 32 : i32
          %mul3A_208 = arith.muli %mul3A_207, %while3A_203 : i32
          %add3A_209 = arith.addi %add3A_206, %mul3A_208 : i32
          %multiple_of3A_210 = tpu.assume_multiple %add3A_209, 32 : i32
          %dma_start3A_211 = tpu.memref_slice %arg14[%multiple_of3A_210] : memref<12288xf32, #tpu.memory_space<vmem>> -> memref<32xf32, #tpu.memory_space<vmem>>
          %dma_start3A_212 = tpu.memref_slice %arg12[%multiple_of3A_210] : memref<12288xi32, #tpu.memory_space<vmem>> -> memref<32xi32, #tpu.memory_space<vmem>>
          %dma_start3A_213 = arith.constant 0 : i32
          %dma_start3A_214 = tpu.memref_slice %arg9[%dma_start3A_213] : memref<1048576xf32, #tpu.memory_space<vmem_shared>> -> memref<1048576xf32, #tpu.memory_space<vmem_shared>>
          tpu.enqueue_indirect_dma source(%dma_start3A_214 : memref<1048576xf32, #tpu.memory_space<vmem_shared>>) target(%dma_start3A_211 : memref<32xf32, #tpu.memory_space<vmem>>) offsets(%dma_start3A_212 : memref<32xi32, #tpu.memory_space<vmem>>) semaphore(%arg17 : memref<!tpu.dma_semaphore, #tpu.memory_space<semaphore_mem>>)
        }
        %while3A_193 = arith.constant 0 : i32
        %while3A_194 = arith.constant 0 : i32
        %while3A_195 = arith.subi %scan3A_174, %while3A_194 : i32
        %while3A_196 = arith.addi %while3A_194, %while3A_195 : i32
        %while3A_197 = arith.constant 1 : i32
        %while3A_198 = arith.divsi %while3A_195, %while3A_197 : i32
        %while3A_199 = arith.muli %while3A_198, %while3A_197 : i32
        %while3A_200 = arith.addi %while3A_194, %while3A_199 : i32
        %while3A_201 = arith.constant 1 : i32
        scf.for %while3A_203 = %while3A_194 to %while3A_200 step %while3A_201  : i32 {
          %dma_wait3A_204 = arith.constant 0 : i32
          %dma_wait3A_205 = tpu.memref_slice %arg3[%dma_wait3A_204] : memref<786432xi32, #tpu.memory_space<hbm>> -> memref<32xi32, #tpu.memory_space<hbm>>
          %dma_wait3A_206 = arith.constant 0 : i32
          %dma_wait3A_207 = tpu.memref_slice %arg3[%dma_wait3A_206] : memref<786432xi32, #tpu.memory_space<hbm>> -> memref<32xi32, #tpu.memory_space<hbm>>
          tpu.wait_dma2 semaphore(%arg17 : memref<!tpu.dma_semaphore, #tpu.memory_space<semaphore_mem>>) src(%dma_wait3A_207 : memref<32xi32, #tpu.memory_space<hbm>>) dst(%arg16 : memref<32xi32, #tpu.memory_space<vmem>>)
        }
        %while3A_202 = arith.constant 1 : i32
        scf.for %while3A_203 = %while3A_200 to %while3A_196 step %while3A_202  : i32 {
          %dma_wait3A_204 = arith.constant 0 : i32
          %dma_wait3A_205 = tpu.memref_slice %arg3[%dma_wait3A_204] : memref<786432xi32, #tpu.memory_space<hbm>> -> memref<32xi32, #tpu.memory_space<hbm>>
          %dma_wait3A_206 = arith.constant 0 : i32
          %dma_wait3A_207 = tpu.memref_slice %arg3[%dma_wait3A_206] : memref<786432xi32, #tpu.memory_space<hbm>> -> memref<32xi32, #tpu.memory_space<hbm>>
          tpu.wait_dma2 semaphore(%arg17 : memref<!tpu.dma_semaphore, #tpu.memory_space<semaphore_mem>>) src(%dma_wait3A_207 : memref<32xi32, #tpu.memory_space<hbm>>) dst(%arg16 : memref<32xi32, #tpu.memory_space<vmem>>)
        }
        scf.yield %shift_right_logical3A_182 : i32
      }
      %scan3A_50 = arith.constant 64 : i32
      %while3A = arith.constant 0 : i32
      %while3A_51 = arith.constant 0 : i32
      %while3A_52 = arith.subi %scan3A_49, %while3A_51 : i32
      %while3A_53 = arith.addi %while3A_51, %while3A_52 : i32
      %while3A_54 = arith.constant 1 : i32
      %while3A_55 = arith.divsi %while3A_52, %while3A_54 : i32
      %while3A_56 = arith.muli %while3A_55, %while3A_54 : i32
      %while3A_57 = arith.addi %while3A_51, %while3A_56 : i32
      %while3A_58 = arith.constant 1 : i32
      scf.for %while3A_173 = %while3A_51 to %while3A_57 step %while3A_58  : i32 {
        %dma_wait3A_174 = arith.constant 0 : i32
        %dma_wait3A_175 = tpu.memref_slice %arg3[%dma_wait3A_174] : memref<786432xi32, #tpu.memory_space<hbm>> -> memref<32xi32, #tpu.memory_space<hbm>>
        %dma_wait3A_176 = arith.constant 0 : i32
        %dma_wait3A_177 = tpu.memref_slice %arg3[%dma_wait3A_176] : memref<786432xi32, #tpu.memory_space<hbm>> -> memref<32xi32, #tpu.memory_space<hbm>>
        tpu.wait_dma2 semaphore(%arg17 : memref<!tpu.dma_semaphore, #tpu.memory_space<semaphore_mem>>) src(%dma_wait3A_177 : memref<32xi32, #tpu.memory_space<hbm>>) dst(%arg16 : memref<32xi32, #tpu.memory_space<vmem>>)
      }
      %while3A_59 = arith.constant 1 : i32
      scf.for %while3A_173 = %while3A_57 to %while3A_53 step %while3A_59  : i32 {
        %dma_wait3A_174 = arith.constant 0 : i32
        %dma_wait3A_175 = tpu.memref_slice %arg3[%dma_wait3A_174] : memref<786432xi32, #tpu.memory_space<hbm>> -> memref<32xi32, #tpu.memory_space<hbm>>
        %dma_wait3A_176 = arith.constant 0 : i32
        %dma_wait3A_177 = tpu.memref_slice %arg3[%dma_wait3A_176] : memref<786432xi32, #tpu.memory_space<hbm>> -> memref<32xi32, #tpu.memory_space<hbm>>
        tpu.wait_dma2 semaphore(%arg17 : memref<!tpu.dma_semaphore, #tpu.memory_space<semaphore_mem>>) src(%dma_wait3A_177 : memref<32xi32, #tpu.memory_space<hbm>>) dst(%arg16 : memref<32xi32, #tpu.memory_space<vmem>>)
      }
      %mul3A_60 = arith.constant 256 : i32
      %mul3A_61 = arith.muli %arg1, %mul3A_60 : i32
      %add3A_62 = arith.constant 0 : i32
      %add3A_63 = arith.addi %mul3A_61, %add3A_62 : i32
      %mul3A_64 = arith.constant 192 : i32
      %mul3A_65 = arith.muli %add3A_63, %mul3A_64 : i32
      %dma_start3A_66 = tpu.memref_slice %arg8[%mul3A_65] : memref<786432xf32, #tpu.memory_space<hbm>> -> memref<12288xf32, #tpu.memory_space<hbm>>
      %dma_start3A_67 = tpu.memref_slice %arg8[%mul3A_65] : memref<786432xf32, #tpu.memory_space<hbm>> -> memref<12288xf32, #tpu.memory_space<hbm>>
      tpu.enqueue_dma source(%arg14 : memref<12288xf32, #tpu.memory_space<vmem>>) target(%dma_start3A_67 : memref<12288xf32, #tpu.memory_space<hbm>>) target_semaphore(%arg19 : memref<!tpu.dma_semaphore, #tpu.memory_space<semaphore_mem>>)
      %mul3A_68 = arith.constant 256 : i32
      %mul3A_69 = arith.muli %arg1, %mul3A_68 : i32
      %add3A_70 = arith.constant 128 : i32
      %add3A_71 = arith.addi %mul3A_69, %add3A_70 : i32
      %mul3A_72 = arith.constant 192 : i32
      %mul3A_73 = arith.muli %add3A_71, %mul3A_72 : i32
      %dma_start3A_74 = tpu.memref_slice %arg3[%mul3A_73] : memref<786432xi32, #tpu.memory_space<hbm>> -> memref<12288xi32, #tpu.memory_space<hbm>>
      %dma_start3A_75 = tpu.memref_slice %arg3[%mul3A_73] : memref<786432xi32, #tpu.memory_space<hbm>> -> memref<12288xi32, #tpu.memory_space<hbm>>
      tpu.enqueue_dma source(%dma_start3A_75 : memref<12288xi32, #tpu.memory_space<hbm>>) target(%arg12 : memref<12288xi32, #tpu.memory_space<vmem>>) target_semaphore(%arg18 : memref<!tpu.dma_semaphore, #tpu.memory_space<semaphore_mem>>)
      %dma_wait3A_76 = tpu.memref_slice %arg3[%mul3A_41] : memref<786432xi32, #tpu.memory_space<hbm>> -> memref<12288xi32, #tpu.memory_space<hbm>>
      %dma_wait3A_77 = tpu.memref_slice %arg3[%mul3A_41] : memref<786432xi32, #tpu.memory_space<hbm>> -> memref<12288xi32, #tpu.memory_space<hbm>>
      tpu.wait_dma2 semaphore(%arg18 : memref<!tpu.dma_semaphore, #tpu.memory_space<semaphore_mem>>) src(%dma_wait3A_77 : memref<12288xi32, #tpu.memory_space<hbm>>) dst(%arg13 : memref<12288xi32, #tpu.memory_space<vmem>>)
      %scan3A_78 = arith.constant 0 : i32
      %scan3A_79 = arith.constant 0 : i32
      %scan3A_80 = arith.constant 64 : i32
      %scan3A_81 = arith.addi %scan3A_79, %scan3A_80 : i32
      %scan3A_82 = arith.constant 1 : i32
      %scan3A_83 = scf.for %scan3A_173 = %scan3A_79 to %scan3A_81 step %scan3A_82 iter_args(%scan3A_174 = %scan3A_78) -> (i32)  : i32 {
        %add3A_175 = arith.constant 64 : i32
        %add3A_176 = arith.addi %add3A_175, %scan3A_173 : i32
        %get3A = arith.index_cast %add3A_176 : i32 to index
        %get3A_177 = memref.load %arg11[%get3A] : memref<256xi32, #tpu.memory_space<smem>>
        %shift_right_logical3A = arith.constant 10 : i32
        %shift_right_logical3A_178 = arith.shrui %get3A_177, %shift_right_logical3A : i32
        %multiple_of3A = tpu.assume_multiple %shift_right_logical3A_178, 32 : i32
        %and3A_179 = arith.constant 1023 : i32
        %and3A_180 = arith.andi %get3A_177, %and3A_179 : i32
        %shift_right_logical3A_181 = arith.constant 5 : i32
        %shift_right_logical3A_182 = arith.shrui %and3A_180, %shift_right_logical3A_181 : i32
        %while3A_183 = arith.constant 0 : i32
        %while3A_184 = arith.constant 0 : i32
        %while3A_185 = arith.subi %shift_right_logical3A_182, %while3A_184 : i32
        %while3A_186 = arith.addi %while3A_184, %while3A_185 : i32
        %while3A_187 = arith.constant 1 : i32
        %while3A_188 = arith.divsi %while3A_185, %while3A_187 : i32
        %while3A_189 = arith.muli %while3A_188, %while3A_187 : i32
        %while3A_190 = arith.addi %while3A_184, %while3A_189 : i32
        %while3A_191 = arith.constant 1 : i32
        scf.for %while3A_203 = %while3A_184 to %while3A_190 step %while3A_191  : i32 {
          %mul3A_204 = arith.constant 192 : i32
          %mul3A_205 = arith.muli %scan3A_173, %mul3A_204 : i32
          %add3A_206 = arith.addi %mul3A_205, %multiple_of3A : i32
          %mul3A_207 = arith.constant 32 : i32
          %mul3A_208 = arith.muli %mul3A_207, %while3A_203 : i32
          %add3A_209 = arith.addi %add3A_206, %mul3A_208 : i32
          %multiple_of3A_210 = tpu.assume_multiple %add3A_209, 32 : i32
          %dma_start3A_211 = tpu.memref_slice %arg15[%multiple_of3A_210] : memref<12288xf32, #tpu.memory_space<vmem>> -> memref<32xf32, #tpu.memory_space<vmem>>
          %dma_start3A_212 = tpu.memref_slice %arg13[%multiple_of3A_210] : memref<12288xi32, #tpu.memory_space<vmem>> -> memref<32xi32, #tpu.memory_space<vmem>>
          %dma_start3A_213 = arith.constant 0 : i32
          %dma_start3A_214 = tpu.memref_slice %arg9[%dma_start3A_213] : memref<1048576xf32, #tpu.memory_space<vmem_shared>> -> memref<1048576xf32, #tpu.memory_space<vmem_shared>>
          tpu.enqueue_indirect_dma source(%dma_start3A_214 : memref<1048576xf32, #tpu.memory_space<vmem_shared>>) target(%dma_start3A_211 : memref<32xf32, #tpu.memory_space<vmem>>) offsets(%dma_start3A_212 : memref<32xi32, #tpu.memory_space<vmem>>) semaphore(%arg17 : memref<!tpu.dma_semaphore, #tpu.memory_space<semaphore_mem>>)
        }
        %while3A_192 = arith.constant 1 : i32
        scf.for %while3A_203 = %while3A_190 to %while3A_186 step %while3A_192  : i32 {
          %mul3A_204 = arith.constant 192 : i32
          %mul3A_205 = arith.muli %scan3A_173, %mul3A_204 : i32
          %add3A_206 = arith.addi %mul3A_205, %multiple_of3A : i32
          %mul3A_207 = arith.constant 32 : i32
          %mul3A_208 = arith.muli %mul3A_207, %while3A_203 : i32
          %add3A_209 = arith.addi %add3A_206, %mul3A_208 : i32
          %multiple_of3A_210 = tpu.assume_multiple %add3A_209, 32 : i32
          %dma_start3A_211 = tpu.memref_slice %arg15[%multiple_of3A_210] : memref<12288xf32, #tpu.memory_space<vmem>> -> memref<32xf32, #tpu.memory_space<vmem>>
          %dma_start3A_212 = tpu.memref_slice %arg13[%multiple_of3A_210] : memref<12288xi32, #tpu.memory_space<vmem>> -> memref<32xi32, #tpu.memory_space<vmem>>
          %dma_start3A_213 = arith.constant 0 : i32
          %dma_start3A_214 = tpu.memref_slice %arg9[%dma_start3A_213] : memref<1048576xf32, #tpu.memory_space<vmem_shared>> -> memref<1048576xf32, #tpu.memory_space<vmem_shared>>
          tpu.enqueue_indirect_dma source(%dma_start3A_214 : memref<1048576xf32, #tpu.memory_space<vmem_shared>>) target(%dma_start3A_211 : memref<32xf32, #tpu.memory_space<vmem>>) offsets(%dma_start3A_212 : memref<32xi32, #tpu.memory_space<vmem>>) semaphore(%arg17 : memref<!tpu.dma_semaphore, #tpu.memory_space<semaphore_mem>>)
        }
        %while3A_193 = arith.constant 0 : i32
        %while3A_194 = arith.constant 0 : i32
        %while3A_195 = arith.subi %scan3A_174, %while3A_194 : i32
        %while3A_196 = arith.addi %while3A_194, %while3A_195 : i32
        %while3A_197 = arith.constant 1 : i32
        %while3A_198 = arith.divsi %while3A_195, %while3A_197 : i32
        %while3A_199 = arith.muli %while3A_198, %while3A_197 : i32
        %while3A_200 = arith.addi %while3A_194, %while3A_199 : i32
        %while3A_201 = arith.constant 1 : i32
        scf.for %while3A_203 = %while3A_194 to %while3A_200 step %while3A_201  : i32 {
          %dma_wait3A_204 = arith.constant 0 : i32
          %dma_wait3A_205 = tpu.memref_slice %arg3[%dma_wait3A_204] : memref<786432xi32, #tpu.memory_space<hbm>> -> memref<32xi32, #tpu.memory_space<hbm>>
          %dma_wait3A_206 = arith.constant 0 : i32
          %dma_wait3A_207 = tpu.memref_slice %arg3[%dma_wait3A_206] : memref<786432xi32, #tpu.memory_space<hbm>> -> memref<32xi32, #tpu.memory_space<hbm>>
          tpu.wait_dma2 semaphore(%arg17 : memref<!tpu.dma_semaphore, #tpu.memory_space<semaphore_mem>>) src(%dma_wait3A_207 : memref<32xi32, #tpu.memory_space<hbm>>) dst(%arg16 : memref<32xi32, #tpu.memory_space<vmem>>)
        }
        %while3A_202 = arith.constant 1 : i32
        scf.for %while3A_203 = %while3A_200 to %while3A_196 step %while3A_202  : i32 {
          %dma_wait3A_204 = arith.constant 0 : i32
          %dma_wait3A_205 = tpu.memref_slice %arg3[%dma_wait3A_204] : memref<786432xi32, #tpu.memory_space<hbm>> -> memref<32xi32, #tpu.memory_space<hbm>>
          %dma_wait3A_206 = arith.constant 0 : i32
          %dma_wait3A_207 = tpu.memref_slice %arg3[%dma_wait3A_206] : memref<786432xi32, #tpu.memory_space<hbm>> -> memref<32xi32, #tpu.memory_space<hbm>>
          tpu.wait_dma2 semaphore(%arg17 : memref<!tpu.dma_semaphore, #tpu.memory_space<semaphore_mem>>) src(%dma_wait3A_207 : memref<32xi32, #tpu.memory_space<hbm>>) dst(%arg16 : memref<32xi32, #tpu.memory_space<vmem>>)
        }
        scf.yield %shift_right_logical3A_182 : i32
      }
      %scan3A_84 = arith.constant 64 : i32
      %while3A_85 = arith.constant 0 : i32
      %while3A_86 = arith.constant 0 : i32
      %while3A_87 = arith.subi %scan3A_83, %while3A_86 : i32
      %while3A_88 = arith.addi %while3A_86, %while3A_87 : i32
      %while3A_89 = arith.constant 1 : i32
      %while3A_90 = arith.divsi %while3A_87, %while3A_89 : i32
      %while3A_91 = arith.muli %while3A_90, %while3A_89 : i32
      %while3A_92 = arith.addi %while3A_86, %while3A_91 : i32
      %while3A_93 = arith.constant 1 : i32
      scf.for %while3A_173 = %while3A_86 to %while3A_92 step %while3A_93  : i32 {
        %dma_wait3A_174 = arith.constant 0 : i32
        %dma_wait3A_175 = tpu.memref_slice %arg3[%dma_wait3A_174] : memref<786432xi32, #tpu.memory_space<hbm>> -> memref<32xi32, #tpu.memory_space<hbm>>
        %dma_wait3A_176 = arith.constant 0 : i32
        %dma_wait3A_177 = tpu.memref_slice %arg3[%dma_wait3A_176] : memref<786432xi32, #tpu.memory_space<hbm>> -> memref<32xi32, #tpu.memory_space<hbm>>
        tpu.wait_dma2 semaphore(%arg17 : memref<!tpu.dma_semaphore, #tpu.memory_space<semaphore_mem>>) src(%dma_wait3A_177 : memref<32xi32, #tpu.memory_space<hbm>>) dst(%arg16 : memref<32xi32, #tpu.memory_space<vmem>>)
      }
      %while3A_94 = arith.constant 1 : i32
      scf.for %while3A_173 = %while3A_92 to %while3A_88 step %while3A_94  : i32 {
        %dma_wait3A_174 = arith.constant 0 : i32
        %dma_wait3A_175 = tpu.memref_slice %arg3[%dma_wait3A_174] : memref<786432xi32, #tpu.memory_space<hbm>> -> memref<32xi32, #tpu.memory_space<hbm>>
        %dma_wait3A_176 = arith.constant 0 : i32
        %dma_wait3A_177 = tpu.memref_slice %arg3[%dma_wait3A_176] : memref<786432xi32, #tpu.memory_space<hbm>> -> memref<32xi32, #tpu.memory_space<hbm>>
        tpu.wait_dma2 semaphore(%arg17 : memref<!tpu.dma_semaphore, #tpu.memory_space<semaphore_mem>>) src(%dma_wait3A_177 : memref<32xi32, #tpu.memory_space<hbm>>) dst(%arg16 : memref<32xi32, #tpu.memory_space<vmem>>)
      }
      %mul3A_95 = arith.constant 256 : i32
      %mul3A_96 = arith.muli %arg1, %mul3A_95 : i32
      %add3A_97 = arith.constant 64 : i32
      %add3A_98 = arith.addi %mul3A_96, %add3A_97 : i32
      %mul3A_99 = arith.constant 192 : i32
      %mul3A_100 = arith.muli %add3A_98, %mul3A_99 : i32
      %dma_start3A_101 = tpu.memref_slice %arg8[%mul3A_100] : memref<786432xf32, #tpu.memory_space<hbm>> -> memref<12288xf32, #tpu.memory_space<hbm>>
      %dma_start3A_102 = tpu.memref_slice %arg8[%mul3A_100] : memref<786432xf32, #tpu.memory_space<hbm>> -> memref<12288xf32, #tpu.memory_space<hbm>>
      tpu.enqueue_dma source(%arg15 : memref<12288xf32, #tpu.memory_space<vmem>>) target(%dma_start3A_102 : memref<12288xf32, #tpu.memory_space<hbm>>) target_semaphore(%arg19 : memref<!tpu.dma_semaphore, #tpu.memory_space<semaphore_mem>>)
      %mul3A_103 = arith.constant 256 : i32
      %mul3A_104 = arith.muli %arg1, %mul3A_103 : i32
      %add3A_105 = arith.constant 192 : i32
      %add3A_106 = arith.addi %mul3A_104, %add3A_105 : i32
      %mul3A_107 = arith.constant 192 : i32
      %mul3A_108 = arith.muli %add3A_106, %mul3A_107 : i32
      %dma_start3A_109 = tpu.memref_slice %arg3[%mul3A_108] : memref<786432xi32, #tpu.memory_space<hbm>> -> memref<12288xi32, #tpu.memory_space<hbm>>
      %dma_start3A_110 = tpu.memref_slice %arg3[%mul3A_108] : memref<786432xi32, #tpu.memory_space<hbm>> -> memref<12288xi32, #tpu.memory_space<hbm>>
      tpu.enqueue_dma source(%dma_start3A_110 : memref<12288xi32, #tpu.memory_space<hbm>>) target(%arg13 : memref<12288xi32, #tpu.memory_space<vmem>>) target_semaphore(%arg18 : memref<!tpu.dma_semaphore, #tpu.memory_space<semaphore_mem>>)
      %dma_wait3A_111 = tpu.memref_slice %arg3[%mul3A_73] : memref<786432xi32, #tpu.memory_space<hbm>> -> memref<12288xi32, #tpu.memory_space<hbm>>
      %dma_wait3A_112 = tpu.memref_slice %arg3[%mul3A_73] : memref<786432xi32, #tpu.memory_space<hbm>> -> memref<12288xi32, #tpu.memory_space<hbm>>
      tpu.wait_dma2 semaphore(%arg18 : memref<!tpu.dma_semaphore, #tpu.memory_space<semaphore_mem>>) src(%dma_wait3A_112 : memref<12288xi32, #tpu.memory_space<hbm>>) dst(%arg12 : memref<12288xi32, #tpu.memory_space<vmem>>)
      %dma_wait3A_113 = tpu.memref_slice %arg8[%mul3A_65] : memref<786432xf32, #tpu.memory_space<hbm>> -> memref<12288xf32, #tpu.memory_space<hbm>>
      %dma_wait3A_114 = tpu.memref_slice %arg8[%mul3A_65] : memref<786432xf32, #tpu.memory_space<hbm>> -> memref<12288xf32, #tpu.memory_space<hbm>>
      tpu.wait_dma2 semaphore(%arg19 : memref<!tpu.dma_semaphore, #tpu.memory_space<semaphore_mem>>) src(%arg14 : memref<12288xf32, #tpu.memory_space<vmem>>) dst(%dma_wait3A_114 : memref<12288xf32, #tpu.memory_space<hbm>>)
      %scan3A_115 = arith.constant 0 : i32
      %scan3A_116 = arith.constant 0 : i32
      %scan3A_117 = arith.constant 64 : i32
      %scan3A_118 = arith.addi %scan3A_116, %scan3A_117 : i32
      %scan3A_119 = arith.constant 1 : i32
      %scan3A_120 = scf.for %scan3A_173 = %scan3A_116 to %scan3A_118 step %scan3A_119 iter_args(%scan3A_174 = %scan3A_115) -> (i32)  : i32 {
        %add3A_175 = arith.constant 128 : i32
        %add3A_176 = arith.addi %add3A_175, %scan3A_173 : i32
        %get3A = arith.index_cast %add3A_176 : i32 to index
        %get3A_177 = memref.load %arg11[%get3A] : memref<256xi32, #tpu.memory_space<smem>>
        %shift_right_logical3A = arith.constant 10 : i32
        %shift_right_logical3A_178 = arith.shrui %get3A_177, %shift_right_logical3A : i32
        %multiple_of3A = tpu.assume_multiple %shift_right_logical3A_178, 32 : i32
        %and3A_179 = arith.constant 1023 : i32
        %and3A_180 = arith.andi %get3A_177, %and3A_179 : i32
        %shift_right_logical3A_181 = arith.constant 5 : i32
        %shift_right_logical3A_182 = arith.shrui %and3A_180, %shift_right_logical3A_181 : i32
        %while3A_183 = arith.constant 0 : i32
        %while3A_184 = arith.constant 0 : i32
        %while3A_185 = arith.subi %shift_right_logical3A_182, %while3A_184 : i32
        %while3A_186 = arith.addi %while3A_184, %while3A_185 : i32
        %while3A_187 = arith.constant 1 : i32
        %while3A_188 = arith.divsi %while3A_185, %while3A_187 : i32
        %while3A_189 = arith.muli %while3A_188, %while3A_187 : i32
        %while3A_190 = arith.addi %while3A_184, %while3A_189 : i32
        %while3A_191 = arith.constant 1 : i32
        scf.for %while3A_203 = %while3A_184 to %while3A_190 step %while3A_191  : i32 {
          %mul3A_204 = arith.constant 192 : i32
          %mul3A_205 = arith.muli %scan3A_173, %mul3A_204 : i32
          %add3A_206 = arith.addi %mul3A_205, %multiple_of3A : i32
          %mul3A_207 = arith.constant 32 : i32
          %mul3A_208 = arith.muli %mul3A_207, %while3A_203 : i32
          %add3A_209 = arith.addi %add3A_206, %mul3A_208 : i32
          %multiple_of3A_210 = tpu.assume_multiple %add3A_209, 32 : i32
          %dma_start3A_211 = tpu.memref_slice %arg14[%multiple_of3A_210] : memref<12288xf32, #tpu.memory_space<vmem>> -> memref<32xf32, #tpu.memory_space<vmem>>
          %dma_start3A_212 = tpu.memref_slice %arg12[%multiple_of3A_210] : memref<12288xi32, #tpu.memory_space<vmem>> -> memref<32xi32, #tpu.memory_space<vmem>>
          %dma_start3A_213 = arith.constant 0 : i32
          %dma_start3A_214 = tpu.memref_slice %arg9[%dma_start3A_213] : memref<1048576xf32, #tpu.memory_space<vmem_shared>> -> memref<1048576xf32, #tpu.memory_space<vmem_shared>>
          tpu.enqueue_indirect_dma source(%dma_start3A_214 : memref<1048576xf32, #tpu.memory_space<vmem_shared>>) target(%dma_start3A_211 : memref<32xf32, #tpu.memory_space<vmem>>) offsets(%dma_start3A_212 : memref<32xi32, #tpu.memory_space<vmem>>) semaphore(%arg17 : memref<!tpu.dma_semaphore, #tpu.memory_space<semaphore_mem>>)
        }
        %while3A_192 = arith.constant 1 : i32
        scf.for %while3A_203 = %while3A_190 to %while3A_186 step %while3A_192  : i32 {
          %mul3A_204 = arith.constant 192 : i32
          %mul3A_205 = arith.muli %scan3A_173, %mul3A_204 : i32
          %add3A_206 = arith.addi %mul3A_205, %multiple_of3A : i32
          %mul3A_207 = arith.constant 32 : i32
          %mul3A_208 = arith.muli %mul3A_207, %while3A_203 : i32
          %add3A_209 = arith.addi %add3A_206, %mul3A_208 : i32
          %multiple_of3A_210 = tpu.assume_multiple %add3A_209, 32 : i32
          %dma_start3A_211 = tpu.memref_slice %arg14[%multiple_of3A_210] : memref<12288xf32, #tpu.memory_space<vmem>> -> memref<32xf32, #tpu.memory_space<vmem>>
          %dma_start3A_212 = tpu.memref_slice %arg12[%multiple_of3A_210] : memref<12288xi32, #tpu.memory_space<vmem>> -> memref<32xi32, #tpu.memory_space<vmem>>
          %dma_start3A_213 = arith.constant 0 : i32
          %dma_start3A_214 = tpu.memref_slice %arg9[%dma_start3A_213] : memref<1048576xf32, #tpu.memory_space<vmem_shared>> -> memref<1048576xf32, #tpu.memory_space<vmem_shared>>
          tpu.enqueue_indirect_dma source(%dma_start3A_214 : memref<1048576xf32, #tpu.memory_space<vmem_shared>>) target(%dma_start3A_211 : memref<32xf32, #tpu.memory_space<vmem>>) offsets(%dma_start3A_212 : memref<32xi32, #tpu.memory_space<vmem>>) semaphore(%arg17 : memref<!tpu.dma_semaphore, #tpu.memory_space<semaphore_mem>>)
        }
        %while3A_193 = arith.constant 0 : i32
        %while3A_194 = arith.constant 0 : i32
        %while3A_195 = arith.subi %scan3A_174, %while3A_194 : i32
        %while3A_196 = arith.addi %while3A_194, %while3A_195 : i32
        %while3A_197 = arith.constant 1 : i32
        %while3A_198 = arith.divsi %while3A_195, %while3A_197 : i32
        %while3A_199 = arith.muli %while3A_198, %while3A_197 : i32
        %while3A_200 = arith.addi %while3A_194, %while3A_199 : i32
        %while3A_201 = arith.constant 1 : i32
        scf.for %while3A_203 = %while3A_194 to %while3A_200 step %while3A_201  : i32 {
          %dma_wait3A_204 = arith.constant 0 : i32
          %dma_wait3A_205 = tpu.memref_slice %arg3[%dma_wait3A_204] : memref<786432xi32, #tpu.memory_space<hbm>> -> memref<32xi32, #tpu.memory_space<hbm>>
          %dma_wait3A_206 = arith.constant 0 : i32
          %dma_wait3A_207 = tpu.memref_slice %arg3[%dma_wait3A_206] : memref<786432xi32, #tpu.memory_space<hbm>> -> memref<32xi32, #tpu.memory_space<hbm>>
          tpu.wait_dma2 semaphore(%arg17 : memref<!tpu.dma_semaphore, #tpu.memory_space<semaphore_mem>>) src(%dma_wait3A_207 : memref<32xi32, #tpu.memory_space<hbm>>) dst(%arg16 : memref<32xi32, #tpu.memory_space<vmem>>)
        }
        %while3A_202 = arith.constant 1 : i32
        scf.for %while3A_203 = %while3A_200 to %while3A_196 step %while3A_202  : i32 {
          %dma_wait3A_204 = arith.constant 0 : i32
          %dma_wait3A_205 = tpu.memref_slice %arg3[%dma_wait3A_204] : memref<786432xi32, #tpu.memory_space<hbm>> -> memref<32xi32, #tpu.memory_space<hbm>>
          %dma_wait3A_206 = arith.constant 0 : i32
          %dma_wait3A_207 = tpu.memref_slice %arg3[%dma_wait3A_206] : memref<786432xi32, #tpu.memory_space<hbm>> -> memref<32xi32, #tpu.memory_space<hbm>>
          tpu.wait_dma2 semaphore(%arg17 : memref<!tpu.dma_semaphore, #tpu.memory_space<semaphore_mem>>) src(%dma_wait3A_207 : memref<32xi32, #tpu.memory_space<hbm>>) dst(%arg16 : memref<32xi32, #tpu.memory_space<vmem>>)
        }
        scf.yield %shift_right_logical3A_182 : i32
      }
      %scan3A_121 = arith.constant 64 : i32
      %while3A_122 = arith.constant 0 : i32
      %while3A_123 = arith.constant 0 : i32
      %while3A_124 = arith.subi %scan3A_120, %while3A_123 : i32
      %while3A_125 = arith.addi %while3A_123, %while3A_124 : i32
      %while3A_126 = arith.constant 1 : i32
      %while3A_127 = arith.divsi %while3A_124, %while3A_126 : i32
      %while3A_128 = arith.muli %while3A_127, %while3A_126 : i32
      %while3A_129 = arith.addi %while3A_123, %while3A_128 : i32
      %while3A_130 = arith.constant 1 : i32
      scf.for %while3A_173 = %while3A_123 to %while3A_129 step %while3A_130  : i32 {
        %dma_wait3A_174 = arith.constant 0 : i32
        %dma_wait3A_175 = tpu.memref_slice %arg3[%dma_wait3A_174] : memref<786432xi32, #tpu.memory_space<hbm>> -> memref<32xi32, #tpu.memory_space<hbm>>
        %dma_wait3A_176 = arith.constant 0 : i32
        %dma_wait3A_177 = tpu.memref_slice %arg3[%dma_wait3A_176] : memref<786432xi32, #tpu.memory_space<hbm>> -> memref<32xi32, #tpu.memory_space<hbm>>
        tpu.wait_dma2 semaphore(%arg17 : memref<!tpu.dma_semaphore, #tpu.memory_space<semaphore_mem>>) src(%dma_wait3A_177 : memref<32xi32, #tpu.memory_space<hbm>>) dst(%arg16 : memref<32xi32, #tpu.memory_space<vmem>>)
      }
      %while3A_131 = arith.constant 1 : i32
      scf.for %while3A_173 = %while3A_129 to %while3A_125 step %while3A_131  : i32 {
        %dma_wait3A_174 = arith.constant 0 : i32
        %dma_wait3A_175 = tpu.memref_slice %arg3[%dma_wait3A_174] : memref<786432xi32, #tpu.memory_space<hbm>> -> memref<32xi32, #tpu.memory_space<hbm>>
        %dma_wait3A_176 = arith.constant 0 : i32
        %dma_wait3A_177 = tpu.memref_slice %arg3[%dma_wait3A_176] : memref<786432xi32, #tpu.memory_space<hbm>> -> memref<32xi32, #tpu.memory_space<hbm>>
        tpu.wait_dma2 semaphore(%arg17 : memref<!tpu.dma_semaphore, #tpu.memory_space<semaphore_mem>>) src(%dma_wait3A_177 : memref<32xi32, #tpu.memory_space<hbm>>) dst(%arg16 : memref<32xi32, #tpu.memory_space<vmem>>)
      }
      %mul3A_132 = arith.constant 256 : i32
      %mul3A_133 = arith.muli %arg1, %mul3A_132 : i32
      %add3A_134 = arith.constant 128 : i32
      %add3A_135 = arith.addi %mul3A_133, %add3A_134 : i32
      %mul3A_136 = arith.constant 192 : i32
      %mul3A_137 = arith.muli %add3A_135, %mul3A_136 : i32
      %dma_start3A_138 = tpu.memref_slice %arg8[%mul3A_137] : memref<786432xf32, #tpu.memory_space<hbm>> -> memref<12288xf32, #tpu.memory_space<hbm>>
      %dma_start3A_139 = tpu.memref_slice %arg8[%mul3A_137] : memref<786432xf32, #tpu.memory_space<hbm>> -> memref<12288xf32, #tpu.memory_space<hbm>>
      tpu.enqueue_dma source(%arg14 : memref<12288xf32, #tpu.memory_space<vmem>>) target(%dma_start3A_139 : memref<12288xf32, #tpu.memory_space<hbm>>) target_semaphore(%arg19 : memref<!tpu.dma_semaphore, #tpu.memory_space<semaphore_mem>>)
      %dma_wait3A_140 = tpu.memref_slice %arg3[%mul3A_108] : memref<786432xi32, #tpu.memory_space<hbm>> -> memref<12288xi32, #tpu.memory_space<hbm>>
      %dma_wait3A_141 = tpu.memref_slice %arg3[%mul3A_108] : memref<786432xi32, #tpu.memory_space<hbm>> -> memref<12288xi32, #tpu.memory_space<hbm>>
      tpu.wait_dma2 semaphore(%arg18 : memref<!tpu.dma_semaphore, #tpu.memory_space<semaphore_mem>>) src(%dma_wait3A_141 : memref<12288xi32, #tpu.memory_space<hbm>>) dst(%arg13 : memref<12288xi32, #tpu.memory_space<vmem>>)
      %dma_wait3A_142 = tpu.memref_slice %arg8[%mul3A_100] : memref<786432xf32, #tpu.memory_space<hbm>> -> memref<12288xf32, #tpu.memory_space<hbm>>
      %dma_wait3A_143 = tpu.memref_slice %arg8[%mul3A_100] : memref<786432xf32, #tpu.memory_space<hbm>> -> memref<12288xf32, #tpu.memory_space<hbm>>
      tpu.wait_dma2 semaphore(%arg19 : memref<!tpu.dma_semaphore, #tpu.memory_space<semaphore_mem>>) src(%arg15 : memref<12288xf32, #tpu.memory_space<vmem>>) dst(%dma_wait3A_143 : memref<12288xf32, #tpu.memory_space<hbm>>)
      %scan3A_144 = arith.constant 0 : i32
      %scan3A_145 = arith.constant 0 : i32
      %scan3A_146 = arith.constant 64 : i32
      %scan3A_147 = arith.addi %scan3A_145, %scan3A_146 : i32
      %scan3A_148 = arith.constant 1 : i32
      %scan3A_149 = scf.for %scan3A_173 = %scan3A_145 to %scan3A_147 step %scan3A_148 iter_args(%scan3A_174 = %scan3A_144) -> (i32)  : i32 {
        %add3A_175 = arith.constant 192 : i32
        %add3A_176 = arith.addi %add3A_175, %scan3A_173 : i32
        %get3A = arith.index_cast %add3A_176 : i32 to index
        %get3A_177 = memref.load %arg11[%get3A] : memref<256xi32, #tpu.memory_space<smem>>
        %shift_right_logical3A = arith.constant 10 : i32
        %shift_right_logical3A_178 = arith.shrui %get3A_177, %shift_right_logical3A : i32
        %multiple_of3A = tpu.assume_multiple %shift_right_logical3A_178, 32 : i32
        %and3A_179 = arith.constant 1023 : i32
        %and3A_180 = arith.andi %get3A_177, %and3A_179 : i32
        %shift_right_logical3A_181 = arith.constant 5 : i32
        %shift_right_logical3A_182 = arith.shrui %and3A_180, %shift_right_logical3A_181 : i32
        %while3A_183 = arith.constant 0 : i32
        %while3A_184 = arith.constant 0 : i32
        %while3A_185 = arith.subi %shift_right_logical3A_182, %while3A_184 : i32
        %while3A_186 = arith.addi %while3A_184, %while3A_185 : i32
        %while3A_187 = arith.constant 1 : i32
        %while3A_188 = arith.divsi %while3A_185, %while3A_187 : i32
        %while3A_189 = arith.muli %while3A_188, %while3A_187 : i32
        %while3A_190 = arith.addi %while3A_184, %while3A_189 : i32
        %while3A_191 = arith.constant 1 : i32
        scf.for %while3A_203 = %while3A_184 to %while3A_190 step %while3A_191  : i32 {
          %mul3A_204 = arith.constant 192 : i32
          %mul3A_205 = arith.muli %scan3A_173, %mul3A_204 : i32
          %add3A_206 = arith.addi %mul3A_205, %multiple_of3A : i32
          %mul3A_207 = arith.constant 32 : i32
          %mul3A_208 = arith.muli %mul3A_207, %while3A_203 : i32
          %add3A_209 = arith.addi %add3A_206, %mul3A_208 : i32
          %multiple_of3A_210 = tpu.assume_multiple %add3A_209, 32 : i32
          %dma_start3A_211 = tpu.memref_slice %arg15[%multiple_of3A_210] : memref<12288xf32, #tpu.memory_space<vmem>> -> memref<32xf32, #tpu.memory_space<vmem>>
          %dma_start3A_212 = tpu.memref_slice %arg13[%multiple_of3A_210] : memref<12288xi32, #tpu.memory_space<vmem>> -> memref<32xi32, #tpu.memory_space<vmem>>
          %dma_start3A_213 = arith.constant 0 : i32
          %dma_start3A_214 = tpu.memref_slice %arg9[%dma_start3A_213] : memref<1048576xf32, #tpu.memory_space<vmem_shared>> -> memref<1048576xf32, #tpu.memory_space<vmem_shared>>
          tpu.enqueue_indirect_dma source(%dma_start3A_214 : memref<1048576xf32, #tpu.memory_space<vmem_shared>>) target(%dma_start3A_211 : memref<32xf32, #tpu.memory_space<vmem>>) offsets(%dma_start3A_212 : memref<32xi32, #tpu.memory_space<vmem>>) semaphore(%arg17 : memref<!tpu.dma_semaphore, #tpu.memory_space<semaphore_mem>>)
        }
        %while3A_192 = arith.constant 1 : i32
        scf.for %while3A_203 = %while3A_190 to %while3A_186 step %while3A_192  : i32 {
          %mul3A_204 = arith.constant 192 : i32
          %mul3A_205 = arith.muli %scan3A_173, %mul3A_204 : i32
          %add3A_206 = arith.addi %mul3A_205, %multiple_of3A : i32
          %mul3A_207 = arith.constant 32 : i32
          %mul3A_208 = arith.muli %mul3A_207, %while3A_203 : i32
          %add3A_209 = arith.addi %add3A_206, %mul3A_208 : i32
          %multiple_of3A_210 = tpu.assume_multiple %add3A_209, 32 : i32
          %dma_start3A_211 = tpu.memref_slice %arg15[%multiple_of3A_210] : memref<12288xf32, #tpu.memory_space<vmem>> -> memref<32xf32, #tpu.memory_space<vmem>>
          %dma_start3A_212 = tpu.memref_slice %arg13[%multiple_of3A_210] : memref<12288xi32, #tpu.memory_space<vmem>> -> memref<32xi32, #tpu.memory_space<vmem>>
          %dma_start3A_213 = arith.constant 0 : i32
          %dma_start3A_214 = tpu.memref_slice %arg9[%dma_start3A_213] : memref<1048576xf32, #tpu.memory_space<vmem_shared>> -> memref<1048576xf32, #tpu.memory_space<vmem_shared>>
          tpu.enqueue_indirect_dma source(%dma_start3A_214 : memref<1048576xf32, #tpu.memory_space<vmem_shared>>) target(%dma_start3A_211 : memref<32xf32, #tpu.memory_space<vmem>>) offsets(%dma_start3A_212 : memref<32xi32, #tpu.memory_space<vmem>>) semaphore(%arg17 : memref<!tpu.dma_semaphore, #tpu.memory_space<semaphore_mem>>)
        }
        %while3A_193 = arith.constant 0 : i32
        %while3A_194 = arith.constant 0 : i32
        %while3A_195 = arith.subi %scan3A_174, %while3A_194 : i32
        %while3A_196 = arith.addi %while3A_194, %while3A_195 : i32
        %while3A_197 = arith.constant 1 : i32
        %while3A_198 = arith.divsi %while3A_195, %while3A_197 : i32
        %while3A_199 = arith.muli %while3A_198, %while3A_197 : i32
        %while3A_200 = arith.addi %while3A_194, %while3A_199 : i32
        %while3A_201 = arith.constant 1 : i32
        scf.for %while3A_203 = %while3A_194 to %while3A_200 step %while3A_201  : i32 {
          %dma_wait3A_204 = arith.constant 0 : i32
          %dma_wait3A_205 = tpu.memref_slice %arg3[%dma_wait3A_204] : memref<786432xi32, #tpu.memory_space<hbm>> -> memref<32xi32, #tpu.memory_space<hbm>>
          %dma_wait3A_206 = arith.constant 0 : i32
          %dma_wait3A_207 = tpu.memref_slice %arg3[%dma_wait3A_206] : memref<786432xi32, #tpu.memory_space<hbm>> -> memref<32xi32, #tpu.memory_space<hbm>>
          tpu.wait_dma2 semaphore(%arg17 : memref<!tpu.dma_semaphore, #tpu.memory_space<semaphore_mem>>) src(%dma_wait3A_207 : memref<32xi32, #tpu.memory_space<hbm>>) dst(%arg16 : memref<32xi32, #tpu.memory_space<vmem>>)
        }
        %while3A_202 = arith.constant 1 : i32
        scf.for %while3A_203 = %while3A_200 to %while3A_196 step %while3A_202  : i32 {
          %dma_wait3A_204 = arith.constant 0 : i32
          %dma_wait3A_205 = tpu.memref_slice %arg3[%dma_wait3A_204] : memref<786432xi32, #tpu.memory_space<hbm>> -> memref<32xi32, #tpu.memory_space<hbm>>
          %dma_wait3A_206 = arith.constant 0 : i32
          %dma_wait3A_207 = tpu.memref_slice %arg3[%dma_wait3A_206] : memref<786432xi32, #tpu.memory_space<hbm>> -> memref<32xi32, #tpu.memory_space<hbm>>
          tpu.wait_dma2 semaphore(%arg17 : memref<!tpu.dma_semaphore, #tpu.memory_space<semaphore_mem>>) src(%dma_wait3A_207 : memref<32xi32, #tpu.memory_space<hbm>>) dst(%arg16 : memref<32xi32, #tpu.memory_space<vmem>>)
        }
        scf.yield %shift_right_logical3A_182 : i32
      }
      %scan3A_150 = arith.constant 64 : i32
      %while3A_151 = arith.constant 0 : i32
      %while3A_152 = arith.constant 0 : i32
      %while3A_153 = arith.subi %scan3A_149, %while3A_152 : i32
      %while3A_154 = arith.addi %while3A_152, %while3A_153 : i32
      %while3A_155 = arith.constant 1 : i32
      %while3A_156 = arith.divsi %while3A_153, %while3A_155 : i32
      %while3A_157 = arith.muli %while3A_156, %while3A_155 : i32
      %while3A_158 = arith.addi %while3A_152, %while3A_157 : i32
      %while3A_159 = arith.constant 1 : i32
      scf.for %while3A_173 = %while3A_152 to %while3A_158 step %while3A_159  : i32 {
        %dma_wait3A_174 = arith.constant 0 : i32
        %dma_wait3A_175 = tpu.memref_slice %arg3[%dma_wait3A_174] : memref<786432xi32, #tpu.memory_space<hbm>> -> memref<32xi32, #tpu.memory_space<hbm>>
        %dma_wait3A_176 = arith.constant 0 : i32
        %dma_wait3A_177 = tpu.memref_slice %arg3[%dma_wait3A_176] : memref<786432xi32, #tpu.memory_space<hbm>> -> memref<32xi32, #tpu.memory_space<hbm>>
        tpu.wait_dma2 semaphore(%arg17 : memref<!tpu.dma_semaphore, #tpu.memory_space<semaphore_mem>>) src(%dma_wait3A_177 : memref<32xi32, #tpu.memory_space<hbm>>) dst(%arg16 : memref<32xi32, #tpu.memory_space<vmem>>)
      }
      %while3A_160 = arith.constant 1 : i32
      scf.for %while3A_173 = %while3A_158 to %while3A_154 step %while3A_160  : i32 {
        %dma_wait3A_174 = arith.constant 0 : i32
        %dma_wait3A_175 = tpu.memref_slice %arg3[%dma_wait3A_174] : memref<786432xi32, #tpu.memory_space<hbm>> -> memref<32xi32, #tpu.memory_space<hbm>>
        %dma_wait3A_176 = arith.constant 0 : i32
        %dma_wait3A_177 = tpu.memref_slice %arg3[%dma_wait3A_176] : memref<786432xi32, #tpu.memory_space<hbm>> -> memref<32xi32, #tpu.memory_space<hbm>>
        tpu.wait_dma2 semaphore(%arg17 : memref<!tpu.dma_semaphore, #tpu.memory_space<semaphore_mem>>) src(%dma_wait3A_177 : memref<32xi32, #tpu.memory_space<hbm>>) dst(%arg16 : memref<32xi32, #tpu.memory_space<vmem>>)
      }
      %mul3A_161 = arith.constant 256 : i32
      %mul3A_162 = arith.muli %arg1, %mul3A_161 : i32
      %add3A_163 = arith.constant 192 : i32
      %add3A_164 = arith.addi %mul3A_162, %add3A_163 : i32
      %mul3A_165 = arith.constant 192 : i32
      %mul3A_166 = arith.muli %add3A_164, %mul3A_165 : i32
      %dma_start3A_167 = tpu.memref_slice %arg8[%mul3A_166] : memref<786432xf32, #tpu.memory_space<hbm>> -> memref<12288xf32, #tpu.memory_space<hbm>>
      %dma_start3A_168 = tpu.memref_slice %arg8[%mul3A_166] : memref<786432xf32, #tpu.memory_space<hbm>> -> memref<12288xf32, #tpu.memory_space<hbm>>
      tpu.enqueue_dma source(%arg15 : memref<12288xf32, #tpu.memory_space<vmem>>) target(%dma_start3A_168 : memref<12288xf32, #tpu.memory_space<hbm>>) target_semaphore(%arg19 : memref<!tpu.dma_semaphore, #tpu.memory_space<semaphore_mem>>)
      %dma_wait3A_169 = tpu.memref_slice %arg8[%mul3A_137] : memref<786432xf32, #tpu.memory_space<hbm>> -> memref<12288xf32, #tpu.memory_space<hbm>>
      %dma_wait3A_170 = tpu.memref_slice %arg8[%mul3A_137] : memref<786432xf32, #tpu.memory_space<hbm>> -> memref<12288xf32, #tpu.memory_space<hbm>>
      tpu.wait_dma2 semaphore(%arg19 : memref<!tpu.dma_semaphore, #tpu.memory_space<semaphore_mem>>) src(%arg14 : memref<12288xf32, #tpu.memory_space<vmem>>) dst(%dma_wait3A_170 : memref<12288xf32, #tpu.memory_space<hbm>>)
      %dma_wait3A_171 = tpu.memref_slice %arg8[%mul3A_166] : memref<786432xf32, #tpu.memory_space<hbm>> -> memref<12288xf32, #tpu.memory_space<hbm>>
      %dma_wait3A_172 = tpu.memref_slice %arg8[%mul3A_166] : memref<786432xf32, #tpu.memory_space<hbm>> -> memref<12288xf32, #tpu.memory_space<hbm>>
      tpu.wait_dma2 semaphore(%arg19 : memref<!tpu.dma_semaphore, #tpu.memory_space<semaphore_mem>>) src(%arg15 : memref<12288xf32, #tpu.memory_space<vmem>>) dst(%dma_wait3A_172 : memref<12288xf32, #tpu.memory_space<hbm>>)
    } else {
    }
    return
  }
}

#map = affine_map<(d0, d1) -> (0)>
module attributes {stable_mosaic.version = 14 : i64} {
  func.func @_sc_gather_body(%arg0: i32, %arg1: i32, %arg2: memref<786432xi32, #tpu.memory_space<hbm>>, %arg3: memref<786432xi32, #tpu.memory_space<hbm>>, %arg4: memref<4096xi32, #tpu.memory_space<hbm>>, %arg5: memref<4096xi32, #tpu.memory_space<hbm>>, %arg6: memref<2097152xf32, #tpu.memory_space<hbm>>, %arg7: memref<786432xf32, #tpu.memory_space<hbm>>, %arg8: memref<786432xf32, #tpu.memory_space<hbm>>, %arg9: memref<1048576xf32, #tpu.memory_space<vmem_shared>>, %arg10: memref<4096xi32, #tpu.memory_space<vmem_shared>>, %arg11: memref<256xi32, #tpu.memory_space<smem>>, %arg12: memref<12288xi32, #tpu.memory_space<vmem>>, %arg13: memref<12288xi32, #tpu.memory_space<vmem>>, %arg14: memref<12288xf32, #tpu.memory_space<vmem>>, %arg15: memref<12288xf32, #tpu.memory_space<vmem>>, %arg16: memref<32xi32, #tpu.memory_space<vmem>>, %arg17: memref<!tpu.dma_semaphore, #tpu.memory_space<semaphore_mem>>, %arg18: memref<!tpu.dma_semaphore, #tpu.memory_space<semaphore_mem>>, %arg19: memref<!tpu.dma_semaphore, #tpu.memory_space<semaphore_mem>>) attributes {dimension_semantics = [#tpu.dimension_semantics<core_parallel>, #tpu.dimension_semantics<subcore_parallel>], iteration_bounds = array<i64: 2, 16>, scalar_prefetch = 0 : i64, scratch_operands = 11 : i64, tpu.core_type = #tpu.core_type<sc_vector_subcore>, window_params = [{transform_indices = #map}, {transform_indices = #map}, {transform_indices = #map}, {transform_indices = #map}, {transform_indices = #map}, {transform_indices = #map}, {transform_indices = #map}]} {
    %mul3A = arith.constant 1048576 : i32
    %mul3A_0 = arith.muli %arg0, %mul3A : i32
    %mul3A_1 = arith.constant 65536 : i32
    %mul3A_2 = arith.muli %arg1, %mul3A_1 : i32
    %add3A = arith.addi %mul3A_0, %mul3A_2 : i32
    %mul3A_3 = arith.constant 65536 : i32
    %mul3A_4 = arith.muli %arg1, %mul3A_3 : i32
    "tpu.region"() ({
      %run_scoped3A = tpu.sem_alloc : memref<!tpu.dma_semaphore, #tpu.memory_space<semaphore_mem>>
      %dma_start3A = tpu.memref_slice %arg9[%mul3A_4] : memref<1048576xf32, #tpu.memory_space<vmem_shared>> -> memref<65536xf32, #tpu.memory_space<vmem_shared>>
      %dma_start3A_29 = tpu.memref_slice %arg6[%add3A] : memref<2097152xf32, #tpu.memory_space<hbm>> -> memref<65536xf32, #tpu.memory_space<hbm>>
      tpu.enqueue_dma source(%dma_start3A_29 : memref<65536xf32, #tpu.memory_space<hbm>>) target(%dma_start3A : memref<65536xf32, #tpu.memory_space<vmem_shared>>) target_semaphore(%run_scoped3A : memref<!tpu.dma_semaphore, #tpu.memory_space<semaphore_mem>>)
      %dma_wait3A = tpu.memref_slice %arg9[%mul3A_4] : memref<1048576xf32, #tpu.memory_space<vmem_shared>> -> memref<65536xf32, #tpu.memory_space<vmem_shared>>
      %dma_wait3A_30 = tpu.memref_slice %arg6[%add3A] : memref<2097152xf32, #tpu.memory_space<hbm>> -> memref<65536xf32, #tpu.memory_space<hbm>>
      tpu.wait_dma2 semaphore(%run_scoped3A : memref<!tpu.dma_semaphore, #tpu.memory_space<semaphore_mem>>) src(%dma_wait3A_30 : memref<65536xf32, #tpu.memory_space<hbm>>) dst(%dma_wait3A : memref<65536xf32, #tpu.memory_space<vmem_shared>>)
      tpu.yield
    }) : () -> ()
    %eq3A = arith.constant 0 : i32
    %eq3A_5 = arith.cmpi eq, %arg1, %eq3A : i32
    %eq3A_6 = arith.constant 0 : i32
    %eq3A_7 = arith.cmpi eq, %arg0, %eq3A_6 : i32
    %and3A = arith.andi %eq3A_5, %eq3A_7 : i1
    %convert_element_type3A = arith.extui %and3A : i1 to i32
    %cond3A = arith.constant 0 : i32
    %cond3A_8 = arith.cmpi ne, %convert_element_type3A, %cond3A : i32
    scf.if %cond3A_8 {
      "tpu.region"() ({
        %run_scoped3A = tpu.sem_alloc : memref<!tpu.dma_semaphore, #tpu.memory_space<semaphore_mem>>
        tpu.enqueue_dma source(%arg4 : memref<4096xi32, #tpu.memory_space<hbm>>) target(%arg10 : memref<4096xi32, #tpu.memory_space<vmem_shared>>) target_semaphore(%run_scoped3A : memref<!tpu.dma_semaphore, #tpu.memory_space<semaphore_mem>>)
        tpu.wait_dma2 semaphore(%run_scoped3A : memref<!tpu.dma_semaphore, #tpu.memory_space<semaphore_mem>>) src(%arg4 : memref<4096xi32, #tpu.memory_space<hbm>>) dst(%arg10 : memref<4096xi32, #tpu.memory_space<vmem_shared>>)
        tpu.yield
      }) : () -> ()
    } else {
    }
    %eq3A_9 = arith.constant 0 : i32
    %eq3A_10 = arith.cmpi eq, %arg1, %eq3A_9 : i32
    %eq3A_11 = arith.constant 1 : i32
    %eq3A_12 = arith.cmpi eq, %arg0, %eq3A_11 : i32
    %and3A_13 = arith.andi %eq3A_10, %eq3A_12 : i1
    %convert_element_type3A_14 = arith.extui %and3A_13 : i1 to i32
    %cond3A_15 = arith.constant 0 : i32
    %cond3A_16 = arith.cmpi ne, %convert_element_type3A_14, %cond3A_15 : i32
    scf.if %cond3A_16 {
      "tpu.region"() ({
        %run_scoped3A = tpu.sem_alloc : memref<!tpu.dma_semaphore, #tpu.memory_space<semaphore_mem>>
        tpu.enqueue_dma source(%arg5 : memref<4096xi32, #tpu.memory_space<hbm>>) target(%arg10 : memref<4096xi32, #tpu.memory_space<vmem_shared>>) target_semaphore(%run_scoped3A : memref<!tpu.dma_semaphore, #tpu.memory_space<semaphore_mem>>)
        tpu.wait_dma2 semaphore(%run_scoped3A : memref<!tpu.dma_semaphore, #tpu.memory_space<semaphore_mem>>) src(%arg5 : memref<4096xi32, #tpu.memory_space<hbm>>) dst(%arg10 : memref<4096xi32, #tpu.memory_space<vmem_shared>>)
        tpu.yield
      }) : () -> ()
    } else {
    }
    %barrier3A = arith.constant 0 : index
    tpu.barrier barrier_id(%barrier3A)
    %mul3A_17 = arith.constant 256 : i32
    %mul3A_18 = arith.muli %arg1, %mul3A_17 : i32
    "tpu.region"() ({
      %run_scoped3A = tpu.sem_alloc : memref<!tpu.dma_semaphore, #tpu.memory_space<semaphore_mem>>
      %dma_start3A = tpu.memref_slice %arg10[%mul3A_18] : memref<4096xi32, #tpu.memory_space<vmem_shared>> -> memref<256xi32, #tpu.memory_space<vmem_shared>>
      tpu.enqueue_dma source(%dma_start3A : memref<256xi32, #tpu.memory_space<vmem_shared>>) target(%arg11 : memref<256xi32, #tpu.memory_space<smem>>) target_semaphore(%run_scoped3A : memref<!tpu.dma_semaphore, #tpu.memory_space<semaphore_mem>>)
      %dma_wait3A = tpu.memref_slice %arg10[%mul3A_18] : memref<4096xi32, #tpu.memory_space<vmem_shared>> -> memref<256xi32, #tpu.memory_space<vmem_shared>>
      tpu.wait_dma2 semaphore(%run_scoped3A : memref<!tpu.dma_semaphore, #tpu.memory_space<semaphore_mem>>) src(%dma_wait3A : memref<256xi32, #tpu.memory_space<vmem_shared>>) dst(%arg11 : memref<256xi32, #tpu.memory_space<smem>>)
      tpu.yield
    }) : () -> ()
    %eq3A_19 = arith.constant 0 : i32
    %eq3A_20 = arith.cmpi eq, %arg0, %eq3A_19 : i32
    %convert_element_type3A_21 = arith.extui %eq3A_20 : i1 to i32
    %cond3A_22 = arith.constant 0 : i32
    %cond3A_23 = arith.cmpi ne, %convert_element_type3A_21, %cond3A_22 : i32
    scf.if %cond3A_23 {
      %mul3A_29 = arith.constant 256 : i32
      %mul3A_30 = arith.muli %arg1, %mul3A_29 : i32
      %add3A_31 = arith.constant 0 : i32
      %add3A_32 = arith.addi %mul3A_30, %add3A_31 : i32
      %mul3A_33 = arith.constant 192 : i32
      %mul3A_34 = arith.muli %add3A_32, %mul3A_33 : i32
      %dma_start3A = tpu.memref_slice %arg2[%mul3A_34] : memref<786432xi32, #tpu.memory_space<hbm>> -> memref<12288xi32, #tpu.memory_space<hbm>>
      %dma_start3A_35 = tpu.memref_slice %arg2[%mul3A_34] : memref<786432xi32, #tpu.memory_space<hbm>> -> memref<12288xi32, #tpu.memory_space<hbm>>
      tpu.enqueue_dma source(%dma_start3A_35 : memref<12288xi32, #tpu.memory_space<hbm>>) target(%arg12 : memref<12288xi32, #tpu.memory_space<vmem>>) target_semaphore(%arg18 : memref<!tpu.dma_semaphore, #tpu.memory_space<semaphore_mem>>)
      %mul3A_36 = arith.constant 256 : i32
      %mul3A_37 = arith.muli %arg1, %mul3A_36 : i32
      %add3A_38 = arith.constant 64 : i32
      %add3A_39 = arith.addi %mul3A_37, %add3A_38 : i32
      %mul3A_40 = arith.constant 192 : i32
      %mul3A_41 = arith.muli %add3A_39, %mul3A_40 : i32
      %dma_start3A_42 = tpu.memref_slice %arg2[%mul3A_41] : memref<786432xi32, #tpu.memory_space<hbm>> -> memref<12288xi32, #tpu.memory_space<hbm>>
      %dma_start3A_43 = tpu.memref_slice %arg2[%mul3A_41] : memref<786432xi32, #tpu.memory_space<hbm>> -> memref<12288xi32, #tpu.memory_space<hbm>>
      tpu.enqueue_dma source(%dma_start3A_43 : memref<12288xi32, #tpu.memory_space<hbm>>) target(%arg13 : memref<12288xi32, #tpu.memory_space<vmem>>) target_semaphore(%arg18 : memref<!tpu.dma_semaphore, #tpu.memory_space<semaphore_mem>>)
      %dma_wait3A = tpu.memref_slice %arg2[%mul3A_34] : memref<786432xi32, #tpu.memory_space<hbm>> -> memref<12288xi32, #tpu.memory_space<hbm>>
      %dma_wait3A_44 = tpu.memref_slice %arg2[%mul3A_34] : memref<786432xi32, #tpu.memory_space<hbm>> -> memref<12288xi32, #tpu.memory_space<hbm>>
      tpu.wait_dma2 semaphore(%arg18 : memref<!tpu.dma_semaphore, #tpu.memory_space<semaphore_mem>>) src(%dma_wait3A_44 : memref<12288xi32, #tpu.memory_space<hbm>>) dst(%arg12 : memref<12288xi32, #tpu.memory_space<vmem>>)
      %scan3A = arith.constant 0 : i32
      %scan3A_45 = arith.constant 0 : i32
      %scan3A_46 = arith.constant 64 : i32
      %scan3A_47 = arith.addi %scan3A_45, %scan3A_46 : i32
      %scan3A_48 = arith.constant 1 : i32
      %scan3A_49 = scf.for %scan3A_173 = %scan3A_45 to %scan3A_47 step %scan3A_48 iter_args(%scan3A_174 = %scan3A) -> (i32)  : i32 {
        %add3A_175 = arith.constant 0 : i32
        %add3A_176 = arith.addi %add3A_175, %scan3A_173 : i32
        %get3A = arith.index_cast %add3A_176 : i32 to index
        %get3A_177 = memref.load %arg11[%get3A] : memref<256xi32, #tpu.memory_space<smem>>
        %shift_right_logical3A = arith.constant 10 : i32
        %shift_right_logical3A_178 = arith.shrui %get3A_177, %shift_right_logical3A : i32
        %multiple_of3A = tpu.assume_multiple %shift_right_logical3A_178, 32 : i32
        %and3A_179 = arith.constant 1023 : i32
        %and3A_180 = arith.andi %get3A_177, %and3A_179 : i32
        %shift_right_logical3A_181 = arith.constant 5 : i32
        %shift_right_logical3A_182 = arith.shrui %and3A_180, %shift_right_logical3A_181 : i32
        %while3A_183 = arith.constant 0 : i32
        %while3A_184 = arith.constant 0 : i32
        %while3A_185 = arith.subi %shift_right_logical3A_182, %while3A_184 : i32
        %while3A_186 = arith.addi %while3A_184, %while3A_185 : i32
        %while3A_187 = arith.constant 1 : i32
        %while3A_188 = arith.divsi %while3A_185, %while3A_187 : i32
        %while3A_189 = arith.muli %while3A_188, %while3A_187 : i32
        %while3A_190 = arith.addi %while3A_184, %while3A_189 : i32
        %while3A_191 = arith.constant 1 : i32
        scf.for %while3A_203 = %while3A_184 to %while3A_190 step %while3A_191  : i32 {
          %mul3A_204 = arith.constant 192 : i32
          %mul3A_205 = arith.muli %scan3A_173, %mul3A_204 : i32
          %add3A_206 = arith.addi %mul3A_205, %multiple_of3A : i32
          %mul3A_207 = arith.constant 32 : i32
          %mul3A_208 = arith.muli %mul3A_207, %while3A_203 : i32
          %add3A_209 = arith.addi %add3A_206, %mul3A_208 : i32
          %multiple_of3A_210 = tpu.assume_multiple %add3A_209, 32 : i32
          %dma_start3A_211 = tpu.memref_slice %arg14[%multiple_of3A_210] : memref<12288xf32, #tpu.memory_space<vmem>> -> memref<32xf32, #tpu.memory_space<vmem>>
          %dma_start3A_212 = tpu.memref_slice %arg12[%multiple_of3A_210] : memref<12288xi32, #tpu.memory_space<vmem>> -> memref<32xi32, #tpu.memory_space<vmem>>
          %dma_start3A_213 = arith.constant 0 : i32
          %dma_start3A_214 = tpu.memref_slice %arg9[%dma_start3A_213] : memref<1048576xf32, #tpu.memory_space<vmem_shared>> -> memref<1048576xf32, #tpu.memory_space<vmem_shared>>
          tpu.enqueue_indirect_dma source(%dma_start3A_214 : memref<1048576xf32, #tpu.memory_space<vmem_shared>>) target(%dma_start3A_211 : memref<32xf32, #tpu.memory_space<vmem>>) offsets(%dma_start3A_212 : memref<32xi32, #tpu.memory_space<vmem>>) semaphore(%arg17 : memref<!tpu.dma_semaphore, #tpu.memory_space<semaphore_mem>>)
        }
        %while3A_192 = arith.constant 1 : i32
        scf.for %while3A_203 = %while3A_190 to %while3A_186 step %while3A_192  : i32 {
          %mul3A_204 = arith.constant 192 : i32
          %mul3A_205 = arith.muli %scan3A_173, %mul3A_204 : i32
          %add3A_206 = arith.addi %mul3A_205, %multiple_of3A : i32
          %mul3A_207 = arith.constant 32 : i32
          %mul3A_208 = arith.muli %mul3A_207, %while3A_203 : i32
          %add3A_209 = arith.addi %add3A_206, %mul3A_208 : i32
          %multiple_of3A_210 = tpu.assume_multiple %add3A_209, 32 : i32
          %dma_start3A_211 = tpu.memref_slice %arg14[%multiple_of3A_210] : memref<12288xf32, #tpu.memory_space<vmem>> -> memref<32xf32, #tpu.memory_space<vmem>>
          %dma_start3A_212 = tpu.memref_slice %arg12[%multiple_of3A_210] : memref<12288xi32, #tpu.memory_space<vmem>> -> memref<32xi32, #tpu.memory_space<vmem>>
          %dma_start3A_213 = arith.constant 0 : i32
          %dma_start3A_214 = tpu.memref_slice %arg9[%dma_start3A_213] : memref<1048576xf32, #tpu.memory_space<vmem_shared>> -> memref<1048576xf32, #tpu.memory_space<vmem_shared>>
          tpu.enqueue_indirect_dma source(%dma_start3A_214 : memref<1048576xf32, #tpu.memory_space<vmem_shared>>) target(%dma_start3A_211 : memref<32xf32, #tpu.memory_space<vmem>>) offsets(%dma_start3A_212 : memref<32xi32, #tpu.memory_space<vmem>>) semaphore(%arg17 : memref<!tpu.dma_semaphore, #tpu.memory_space<semaphore_mem>>)
        }
        %while3A_193 = arith.constant 0 : i32
        %while3A_194 = arith.constant 0 : i32
        %while3A_195 = arith.subi %scan3A_174, %while3A_194 : i32
        %while3A_196 = arith.addi %while3A_194, %while3A_195 : i32
        %while3A_197 = arith.constant 1 : i32
        %while3A_198 = arith.divsi %while3A_195, %while3A_197 : i32
        %while3A_199 = arith.muli %while3A_198, %while3A_197 : i32
        %while3A_200 = arith.addi %while3A_194, %while3A_199 : i32
        %while3A_201 = arith.constant 1 : i32
        scf.for %while3A_203 = %while3A_194 to %while3A_200 step %while3A_201  : i32 {
          %dma_wait3A_204 = arith.constant 0 : i32
          %dma_wait3A_205 = tpu.memref_slice %arg2[%dma_wait3A_204] : memref<786432xi32, #tpu.memory_space<hbm>> -> memref<32xi32, #tpu.memory_space<hbm>>
          %dma_wait3A_206 = arith.constant 0 : i32
          %dma_wait3A_207 = tpu.memref_slice %arg2[%dma_wait3A_206] : memref<786432xi32, #tpu.memory_space<hbm>> -> memref<32xi32, #tpu.memory_space<hbm>>
          tpu.wait_dma2 semaphore(%arg17 : memref<!tpu.dma_semaphore, #tpu.memory_space<semaphore_mem>>) src(%dma_wait3A_207 : memref<32xi32, #tpu.memory_space<hbm>>) dst(%arg16 : memref<32xi32, #tpu.memory_space<vmem>>)
        }
        %while3A_202 = arith.constant 1 : i32
        scf.for %while3A_203 = %while3A_200 to %while3A_196 step %while3A_202  : i32 {
          %dma_wait3A_204 = arith.constant 0 : i32
          %dma_wait3A_205 = tpu.memref_slice %arg2[%dma_wait3A_204] : memref<786432xi32, #tpu.memory_space<hbm>> -> memref<32xi32, #tpu.memory_space<hbm>>
          %dma_wait3A_206 = arith.constant 0 : i32
          %dma_wait3A_207 = tpu.memref_slice %arg2[%dma_wait3A_206] : memref<786432xi32, #tpu.memory_space<hbm>> -> memref<32xi32, #tpu.memory_space<hbm>>
          tpu.wait_dma2 semaphore(%arg17 : memref<!tpu.dma_semaphore, #tpu.memory_space<semaphore_mem>>) src(%dma_wait3A_207 : memref<32xi32, #tpu.memory_space<hbm>>) dst(%arg16 : memref<32xi32, #tpu.memory_space<vmem>>)
        }
        scf.yield %shift_right_logical3A_182 : i32
      }
      %scan3A_50 = arith.constant 64 : i32
      %while3A = arith.constant 0 : i32
      %while3A_51 = arith.constant 0 : i32
      %while3A_52 = arith.subi %scan3A_49, %while3A_51 : i32
      %while3A_53 = arith.addi %while3A_51, %while3A_52 : i32
      %while3A_54 = arith.constant 1 : i32
      %while3A_55 = arith.divsi %while3A_52, %while3A_54 : i32
      %while3A_56 = arith.muli %while3A_55, %while3A_54 : i32
      %while3A_57 = arith.addi %while3A_51, %while3A_56 : i32
      %while3A_58 = arith.constant 1 : i32
      scf.for %while3A_173 = %while3A_51 to %while3A_57 step %while3A_58  : i32 {
        %dma_wait3A_174 = arith.constant 0 : i32
        %dma_wait3A_175 = tpu.memref_slice %arg2[%dma_wait3A_174] : memref<786432xi32, #tpu.memory_space<hbm>> -> memref<32xi32, #tpu.memory_space<hbm>>
        %dma_wait3A_176 = arith.constant 0 : i32
        %dma_wait3A_177 = tpu.memref_slice %arg2[%dma_wait3A_176] : memref<786432xi32, #tpu.memory_space<hbm>> -> memref<32xi32, #tpu.memory_space<hbm>>
        tpu.wait_dma2 semaphore(%arg17 : memref<!tpu.dma_semaphore, #tpu.memory_space<semaphore_mem>>) src(%dma_wait3A_177 : memref<32xi32, #tpu.memory_space<hbm>>) dst(%arg16 : memref<32xi32, #tpu.memory_space<vmem>>)
      }
      %while3A_59 = arith.constant 1 : i32
      scf.for %while3A_173 = %while3A_57 to %while3A_53 step %while3A_59  : i32 {
        %dma_wait3A_174 = arith.constant 0 : i32
        %dma_wait3A_175 = tpu.memref_slice %arg2[%dma_wait3A_174] : memref<786432xi32, #tpu.memory_space<hbm>> -> memref<32xi32, #tpu.memory_space<hbm>>
        %dma_wait3A_176 = arith.constant 0 : i32
        %dma_wait3A_177 = tpu.memref_slice %arg2[%dma_wait3A_176] : memref<786432xi32, #tpu.memory_space<hbm>> -> memref<32xi32, #tpu.memory_space<hbm>>
        tpu.wait_dma2 semaphore(%arg17 : memref<!tpu.dma_semaphore, #tpu.memory_space<semaphore_mem>>) src(%dma_wait3A_177 : memref<32xi32, #tpu.memory_space<hbm>>) dst(%arg16 : memref<32xi32, #tpu.memory_space<vmem>>)
      }
      %mul3A_60 = arith.constant 256 : i32
      %mul3A_61 = arith.muli %arg1, %mul3A_60 : i32
      %add3A_62 = arith.constant 0 : i32
      %add3A_63 = arith.addi %mul3A_61, %add3A_62 : i32
      %mul3A_64 = arith.constant 192 : i32
      %mul3A_65 = arith.muli %add3A_63, %mul3A_64 : i32
      %dma_start3A_66 = tpu.memref_slice %arg7[%mul3A_65] : memref<786432xf32, #tpu.memory_space<hbm>> -> memref<12288xf32, #tpu.memory_space<hbm>>
      %dma_start3A_67 = tpu.memref_slice %arg7[%mul3A_65] : memref<786432xf32, #tpu.memory_space<hbm>> -> memref<12288xf32, #tpu.memory_space<hbm>>
      tpu.enqueue_dma source(%arg14 : memref<12288xf32, #tpu.memory_space<vmem>>) target(%dma_start3A_67 : memref<12288xf32, #tpu.memory_space<hbm>>) target_semaphore(%arg19 : memref<!tpu.dma_semaphore, #tpu.memory_space<semaphore_mem>>)
      %mul3A_68 = arith.constant 256 : i32
      %mul3A_69 = arith.muli %arg1, %mul3A_68 : i32
      %add3A_70 = arith.constant 128 : i32
      %add3A_71 = arith.addi %mul3A_69, %add3A_70 : i32
      %mul3A_72 = arith.constant 192 : i32
      %mul3A_73 = arith.muli %add3A_71, %mul3A_72 : i32
      %dma_start3A_74 = tpu.memref_slice %arg2[%mul3A_73] : memref<786432xi32, #tpu.memory_space<hbm>> -> memref<12288xi32, #tpu.memory_space<hbm>>
      %dma_start3A_75 = tpu.memref_slice %arg2[%mul3A_73] : memref<786432xi32, #tpu.memory_space<hbm>> -> memref<12288xi32, #tpu.memory_space<hbm>>
      tpu.enqueue_dma source(%dma_start3A_75 : memref<12288xi32, #tpu.memory_space<hbm>>) target(%arg12 : memref<12288xi32, #tpu.memory_space<vmem>>) target_semaphore(%arg18 : memref<!tpu.dma_semaphore, #tpu.memory_space<semaphore_mem>>)
      %dma_wait3A_76 = tpu.memref_slice %arg2[%mul3A_41] : memref<786432xi32, #tpu.memory_space<hbm>> -> memref<12288xi32, #tpu.memory_space<hbm>>
      %dma_wait3A_77 = tpu.memref_slice %arg2[%mul3A_41] : memref<786432xi32, #tpu.memory_space<hbm>> -> memref<12288xi32, #tpu.memory_space<hbm>>
      tpu.wait_dma2 semaphore(%arg18 : memref<!tpu.dma_semaphore, #tpu.memory_space<semaphore_mem>>) src(%dma_wait3A_77 : memref<12288xi32, #tpu.memory_space<hbm>>) dst(%arg13 : memref<12288xi32, #tpu.memory_space<vmem>>)
      %scan3A_78 = arith.constant 0 : i32
      %scan3A_79 = arith.constant 0 : i32
      %scan3A_80 = arith.constant 64 : i32
      %scan3A_81 = arith.addi %scan3A_79, %scan3A_80 : i32
      %scan3A_82 = arith.constant 1 : i32
      %scan3A_83 = scf.for %scan3A_173 = %scan3A_79 to %scan3A_81 step %scan3A_82 iter_args(%scan3A_174 = %scan3A_78) -> (i32)  : i32 {
        %add3A_175 = arith.constant 64 : i32
        %add3A_176 = arith.addi %add3A_175, %scan3A_173 : i32
        %get3A = arith.index_cast %add3A_176 : i32 to index
        %get3A_177 = memref.load %arg11[%get3A] : memref<256xi32, #tpu.memory_space<smem>>
        %shift_right_logical3A = arith.constant 10 : i32
        %shift_right_logical3A_178 = arith.shrui %get3A_177, %shift_right_logical3A : i32
        %multiple_of3A = tpu.assume_multiple %shift_right_logical3A_178, 32 : i32
        %and3A_179 = arith.constant 1023 : i32
        %and3A_180 = arith.andi %get3A_177, %and3A_179 : i32
        %shift_right_logical3A_181 = arith.constant 5 : i32
        %shift_right_logical3A_182 = arith.shrui %and3A_180, %shift_right_logical3A_181 : i32
        %while3A_183 = arith.constant 0 : i32
        %while3A_184 = arith.constant 0 : i32
        %while3A_185 = arith.subi %shift_right_logical3A_182, %while3A_184 : i32
        %while3A_186 = arith.addi %while3A_184, %while3A_185 : i32
        %while3A_187 = arith.constant 1 : i32
        %while3A_188 = arith.divsi %while3A_185, %while3A_187 : i32
        %while3A_189 = arith.muli %while3A_188, %while3A_187 : i32
        %while3A_190 = arith.addi %while3A_184, %while3A_189 : i32
        %while3A_191 = arith.constant 1 : i32
        scf.for %while3A_203 = %while3A_184 to %while3A_190 step %while3A_191  : i32 {
          %mul3A_204 = arith.constant 192 : i32
          %mul3A_205 = arith.muli %scan3A_173, %mul3A_204 : i32
          %add3A_206 = arith.addi %mul3A_205, %multiple_of3A : i32
          %mul3A_207 = arith.constant 32 : i32
          %mul3A_208 = arith.muli %mul3A_207, %while3A_203 : i32
          %add3A_209 = arith.addi %add3A_206, %mul3A_208 : i32
          %multiple_of3A_210 = tpu.assume_multiple %add3A_209, 32 : i32
          %dma_start3A_211 = tpu.memref_slice %arg15[%multiple_of3A_210] : memref<12288xf32, #tpu.memory_space<vmem>> -> memref<32xf32, #tpu.memory_space<vmem>>
          %dma_start3A_212 = tpu.memref_slice %arg13[%multiple_of3A_210] : memref<12288xi32, #tpu.memory_space<vmem>> -> memref<32xi32, #tpu.memory_space<vmem>>
          %dma_start3A_213 = arith.constant 0 : i32
          %dma_start3A_214 = tpu.memref_slice %arg9[%dma_start3A_213] : memref<1048576xf32, #tpu.memory_space<vmem_shared>> -> memref<1048576xf32, #tpu.memory_space<vmem_shared>>
          tpu.enqueue_indirect_dma source(%dma_start3A_214 : memref<1048576xf32, #tpu.memory_space<vmem_shared>>) target(%dma_start3A_211 : memref<32xf32, #tpu.memory_space<vmem>>) offsets(%dma_start3A_212 : memref<32xi32, #tpu.memory_space<vmem>>) semaphore(%arg17 : memref<!tpu.dma_semaphore, #tpu.memory_space<semaphore_mem>>)
        }
        %while3A_192 = arith.constant 1 : i32
        scf.for %while3A_203 = %while3A_190 to %while3A_186 step %while3A_192  : i32 {
          %mul3A_204 = arith.constant 192 : i32
          %mul3A_205 = arith.muli %scan3A_173, %mul3A_204 : i32
          %add3A_206 = arith.addi %mul3A_205, %multiple_of3A : i32
          %mul3A_207 = arith.constant 32 : i32
          %mul3A_208 = arith.muli %mul3A_207, %while3A_203 : i32
          %add3A_209 = arith.addi %add3A_206, %mul3A_208 : i32
          %multiple_of3A_210 = tpu.assume_multiple %add3A_209, 32 : i32
          %dma_start3A_211 = tpu.memref_slice %arg15[%multiple_of3A_210] : memref<12288xf32, #tpu.memory_space<vmem>> -> memref<32xf32, #tpu.memory_space<vmem>>
          %dma_start3A_212 = tpu.memref_slice %arg13[%multiple_of3A_210] : memref<12288xi32, #tpu.memory_space<vmem>> -> memref<32xi32, #tpu.memory_space<vmem>>
          %dma_start3A_213 = arith.constant 0 : i32
          %dma_start3A_214 = tpu.memref_slice %arg9[%dma_start3A_213] : memref<1048576xf32, #tpu.memory_space<vmem_shared>> -> memref<1048576xf32, #tpu.memory_space<vmem_shared>>
          tpu.enqueue_indirect_dma source(%dma_start3A_214 : memref<1048576xf32, #tpu.memory_space<vmem_shared>>) target(%dma_start3A_211 : memref<32xf32, #tpu.memory_space<vmem>>) offsets(%dma_start3A_212 : memref<32xi32, #tpu.memory_space<vmem>>) semaphore(%arg17 : memref<!tpu.dma_semaphore, #tpu.memory_space<semaphore_mem>>)
        }
        %while3A_193 = arith.constant 0 : i32
        %while3A_194 = arith.constant 0 : i32
        %while3A_195 = arith.subi %scan3A_174, %while3A_194 : i32
        %while3A_196 = arith.addi %while3A_194, %while3A_195 : i32
        %while3A_197 = arith.constant 1 : i32
        %while3A_198 = arith.divsi %while3A_195, %while3A_197 : i32
        %while3A_199 = arith.muli %while3A_198, %while3A_197 : i32
        %while3A_200 = arith.addi %while3A_194, %while3A_199 : i32
        %while3A_201 = arith.constant 1 : i32
        scf.for %while3A_203 = %while3A_194 to %while3A_200 step %while3A_201  : i32 {
          %dma_wait3A_204 = arith.constant 0 : i32
          %dma_wait3A_205 = tpu.memref_slice %arg2[%dma_wait3A_204] : memref<786432xi32, #tpu.memory_space<hbm>> -> memref<32xi32, #tpu.memory_space<hbm>>
          %dma_wait3A_206 = arith.constant 0 : i32
          %dma_wait3A_207 = tpu.memref_slice %arg2[%dma_wait3A_206] : memref<786432xi32, #tpu.memory_space<hbm>> -> memref<32xi32, #tpu.memory_space<hbm>>
          tpu.wait_dma2 semaphore(%arg17 : memref<!tpu.dma_semaphore, #tpu.memory_space<semaphore_mem>>) src(%dma_wait3A_207 : memref<32xi32, #tpu.memory_space<hbm>>) dst(%arg16 : memref<32xi32, #tpu.memory_space<vmem>>)
        }
        %while3A_202 = arith.constant 1 : i32
        scf.for %while3A_203 = %while3A_200 to %while3A_196 step %while3A_202  : i32 {
          %dma_wait3A_204 = arith.constant 0 : i32
          %dma_wait3A_205 = tpu.memref_slice %arg2[%dma_wait3A_204] : memref<786432xi32, #tpu.memory_space<hbm>> -> memref<32xi32, #tpu.memory_space<hbm>>
          %dma_wait3A_206 = arith.constant 0 : i32
          %dma_wait3A_207 = tpu.memref_slice %arg2[%dma_wait3A_206] : memref<786432xi32, #tpu.memory_space<hbm>> -> memref<32xi32, #tpu.memory_space<hbm>>
          tpu.wait_dma2 semaphore(%arg17 : memref<!tpu.dma_semaphore, #tpu.memory_space<semaphore_mem>>) src(%dma_wait3A_207 : memref<32xi32, #tpu.memory_space<hbm>>) dst(%arg16 : memref<32xi32, #tpu.memory_space<vmem>>)
        }
        scf.yield %shift_right_logical3A_182 : i32
      }
      %scan3A_84 = arith.constant 64 : i32
      %while3A_85 = arith.constant 0 : i32
      %while3A_86 = arith.constant 0 : i32
      %while3A_87 = arith.subi %scan3A_83, %while3A_86 : i32
      %while3A_88 = arith.addi %while3A_86, %while3A_87 : i32
      %while3A_89 = arith.constant 1 : i32
      %while3A_90 = arith.divsi %while3A_87, %while3A_89 : i32
      %while3A_91 = arith.muli %while3A_90, %while3A_89 : i32
      %while3A_92 = arith.addi %while3A_86, %while3A_91 : i32
      %while3A_93 = arith.constant 1 : i32
      scf.for %while3A_173 = %while3A_86 to %while3A_92 step %while3A_93  : i32 {
        %dma_wait3A_174 = arith.constant 0 : i32
        %dma_wait3A_175 = tpu.memref_slice %arg2[%dma_wait3A_174] : memref<786432xi32, #tpu.memory_space<hbm>> -> memref<32xi32, #tpu.memory_space<hbm>>
        %dma_wait3A_176 = arith.constant 0 : i32
        %dma_wait3A_177 = tpu.memref_slice %arg2[%dma_wait3A_176] : memref<786432xi32, #tpu.memory_space<hbm>> -> memref<32xi32, #tpu.memory_space<hbm>>
        tpu.wait_dma2 semaphore(%arg17 : memref<!tpu.dma_semaphore, #tpu.memory_space<semaphore_mem>>) src(%dma_wait3A_177 : memref<32xi32, #tpu.memory_space<hbm>>) dst(%arg16 : memref<32xi32, #tpu.memory_space<vmem>>)
      }
      %while3A_94 = arith.constant 1 : i32
      scf.for %while3A_173 = %while3A_92 to %while3A_88 step %while3A_94  : i32 {
        %dma_wait3A_174 = arith.constant 0 : i32
        %dma_wait3A_175 = tpu.memref_slice %arg2[%dma_wait3A_174] : memref<786432xi32, #tpu.memory_space<hbm>> -> memref<32xi32, #tpu.memory_space<hbm>>
        %dma_wait3A_176 = arith.constant 0 : i32
        %dma_wait3A_177 = tpu.memref_slice %arg2[%dma_wait3A_176] : memref<786432xi32, #tpu.memory_space<hbm>> -> memref<32xi32, #tpu.memory_space<hbm>>
        tpu.wait_dma2 semaphore(%arg17 : memref<!tpu.dma_semaphore, #tpu.memory_space<semaphore_mem>>) src(%dma_wait3A_177 : memref<32xi32, #tpu.memory_space<hbm>>) dst(%arg16 : memref<32xi32, #tpu.memory_space<vmem>>)
      }
      %mul3A_95 = arith.constant 256 : i32
      %mul3A_96 = arith.muli %arg1, %mul3A_95 : i32
      %add3A_97 = arith.constant 64 : i32
      %add3A_98 = arith.addi %mul3A_96, %add3A_97 : i32
      %mul3A_99 = arith.constant 192 : i32
      %mul3A_100 = arith.muli %add3A_98, %mul3A_99 : i32
      %dma_start3A_101 = tpu.memref_slice %arg7[%mul3A_100] : memref<786432xf32, #tpu.memory_space<hbm>> -> memref<12288xf32, #tpu.memory_space<hbm>>
      %dma_start3A_102 = tpu.memref_slice %arg7[%mul3A_100] : memref<786432xf32, #tpu.memory_space<hbm>> -> memref<12288xf32, #tpu.memory_space<hbm>>
      tpu.enqueue_dma source(%arg15 : memref<12288xf32, #tpu.memory_space<vmem>>) target(%dma_start3A_102 : memref<12288xf32, #tpu.memory_space<hbm>>) target_semaphore(%arg19 : memref<!tpu.dma_semaphore, #tpu.memory_space<semaphore_mem>>)
      %mul3A_103 = arith.constant 256 : i32
      %mul3A_104 = arith.muli %arg1, %mul3A_103 : i32
      %add3A_105 = arith.constant 192 : i32
      %add3A_106 = arith.addi %mul3A_104, %add3A_105 : i32
      %mul3A_107 = arith.constant 192 : i32
      %mul3A_108 = arith.muli %add3A_106, %mul3A_107 : i32
      %dma_start3A_109 = tpu.memref_slice %arg2[%mul3A_108] : memref<786432xi32, #tpu.memory_space<hbm>> -> memref<12288xi32, #tpu.memory_space<hbm>>
      %dma_start3A_110 = tpu.memref_slice %arg2[%mul3A_108] : memref<786432xi32, #tpu.memory_space<hbm>> -> memref<12288xi32, #tpu.memory_space<hbm>>
      tpu.enqueue_dma source(%dma_start3A_110 : memref<12288xi32, #tpu.memory_space<hbm>>) target(%arg13 : memref<12288xi32, #tpu.memory_space<vmem>>) target_semaphore(%arg18 : memref<!tpu.dma_semaphore, #tpu.memory_space<semaphore_mem>>)
      %dma_wait3A_111 = tpu.memref_slice %arg2[%mul3A_73] : memref<786432xi32, #tpu.memory_space<hbm>> -> memref<12288xi32, #tpu.memory_space<hbm>>
      %dma_wait3A_112 = tpu.memref_slice %arg2[%mul3A_73] : memref<786432xi32, #tpu.memory_space<hbm>> -> memref<12288xi32, #tpu.memory_space<hbm>>
      tpu.wait_dma2 semaphore(%arg18 : memref<!tpu.dma_semaphore, #tpu.memory_space<semaphore_mem>>) src(%dma_wait3A_112 : memref<12288xi32, #tpu.memory_space<hbm>>) dst(%arg12 : memref<12288xi32, #tpu.memory_space<vmem>>)
      %dma_wait3A_113 = tpu.memref_slice %arg7[%mul3A_65] : memref<786432xf32, #tpu.memory_space<hbm>> -> memref<12288xf32, #tpu.memory_space<hbm>>
      %dma_wait3A_114 = tpu.memref_slice %arg7[%mul3A_65] : memref<786432xf32, #tpu.memory_space<hbm>> -> memref<12288xf32, #tpu.memory_space<hbm>>
      tpu.wait_dma2 semaphore(%arg19 : memref<!tpu.dma_semaphore, #tpu.memory_space<semaphore_mem>>) src(%arg14 : memref<12288xf32, #tpu.memory_space<vmem>>) dst(%dma_wait3A_114 : memref<12288xf32, #tpu.memory_space<hbm>>)
      %scan3A_115 = arith.constant 0 : i32
      %scan3A_116 = arith.constant 0 : i32
      %scan3A_117 = arith.constant 64 : i32
      %scan3A_118 = arith.addi %scan3A_116, %scan3A_117 : i32
      %scan3A_119 = arith.constant 1 : i32
      %scan3A_120 = scf.for %scan3A_173 = %scan3A_116 to %scan3A_118 step %scan3A_119 iter_args(%scan3A_174 = %scan3A_115) -> (i32)  : i32 {
        %add3A_175 = arith.constant 128 : i32
        %add3A_176 = arith.addi %add3A_175, %scan3A_173 : i32
        %get3A = arith.index_cast %add3A_176 : i32 to index
        %get3A_177 = memref.load %arg11[%get3A] : memref<256xi32, #tpu.memory_space<smem>>
        %shift_right_logical3A = arith.constant 10 : i32
        %shift_right_logical3A_178 = arith.shrui %get3A_177, %shift_right_logical3A : i32
        %multiple_of3A = tpu.assume_multiple %shift_right_logical3A_178, 32 : i32
        %and3A_179 = arith.constant 1023 : i32
        %and3A_180 = arith.andi %get3A_177, %and3A_179 : i32
        %shift_right_logical3A_181 = arith.constant 5 : i32
        %shift_right_logical3A_182 = arith.shrui %and3A_180, %shift_right_logical3A_181 : i32
        %while3A_183 = arith.constant 0 : i32
        %while3A_184 = arith.constant 0 : i32
        %while3A_185 = arith.subi %shift_right_logical3A_182, %while3A_184 : i32
        %while3A_186 = arith.addi %while3A_184, %while3A_185 : i32
        %while3A_187 = arith.constant 1 : i32
        %while3A_188 = arith.divsi %while3A_185, %while3A_187 : i32
        %while3A_189 = arith.muli %while3A_188, %while3A_187 : i32
        %while3A_190 = arith.addi %while3A_184, %while3A_189 : i32
        %while3A_191 = arith.constant 1 : i32
        scf.for %while3A_203 = %while3A_184 to %while3A_190 step %while3A_191  : i32 {
          %mul3A_204 = arith.constant 192 : i32
          %mul3A_205 = arith.muli %scan3A_173, %mul3A_204 : i32
          %add3A_206 = arith.addi %mul3A_205, %multiple_of3A : i32
          %mul3A_207 = arith.constant 32 : i32
          %mul3A_208 = arith.muli %mul3A_207, %while3A_203 : i32
          %add3A_209 = arith.addi %add3A_206, %mul3A_208 : i32
          %multiple_of3A_210 = tpu.assume_multiple %add3A_209, 32 : i32
          %dma_start3A_211 = tpu.memref_slice %arg14[%multiple_of3A_210] : memref<12288xf32, #tpu.memory_space<vmem>> -> memref<32xf32, #tpu.memory_space<vmem>>
          %dma_start3A_212 = tpu.memref_slice %arg12[%multiple_of3A_210] : memref<12288xi32, #tpu.memory_space<vmem>> -> memref<32xi32, #tpu.memory_space<vmem>>
          %dma_start3A_213 = arith.constant 0 : i32
          %dma_start3A_214 = tpu.memref_slice %arg9[%dma_start3A_213] : memref<1048576xf32, #tpu.memory_space<vmem_shared>> -> memref<1048576xf32, #tpu.memory_space<vmem_shared>>
          tpu.enqueue_indirect_dma source(%dma_start3A_214 : memref<1048576xf32, #tpu.memory_space<vmem_shared>>) target(%dma_start3A_211 : memref<32xf32, #tpu.memory_space<vmem>>) offsets(%dma_start3A_212 : memref<32xi32, #tpu.memory_space<vmem>>) semaphore(%arg17 : memref<!tpu.dma_semaphore, #tpu.memory_space<semaphore_mem>>)
        }
        %while3A_192 = arith.constant 1 : i32
        scf.for %while3A_203 = %while3A_190 to %while3A_186 step %while3A_192  : i32 {
          %mul3A_204 = arith.constant 192 : i32
          %mul3A_205 = arith.muli %scan3A_173, %mul3A_204 : i32
          %add3A_206 = arith.addi %mul3A_205, %multiple_of3A : i32
          %mul3A_207 = arith.constant 32 : i32
          %mul3A_208 = arith.muli %mul3A_207, %while3A_203 : i32
          %add3A_209 = arith.addi %add3A_206, %mul3A_208 : i32
          %multiple_of3A_210 = tpu.assume_multiple %add3A_209, 32 : i32
          %dma_start3A_211 = tpu.memref_slice %arg14[%multiple_of3A_210] : memref<12288xf32, #tpu.memory_space<vmem>> -> memref<32xf32, #tpu.memory_space<vmem>>
          %dma_start3A_212 = tpu.memref_slice %arg12[%multiple_of3A_210] : memref<12288xi32, #tpu.memory_space<vmem>> -> memref<32xi32, #tpu.memory_space<vmem>>
          %dma_start3A_213 = arith.constant 0 : i32
          %dma_start3A_214 = tpu.memref_slice %arg9[%dma_start3A_213] : memref<1048576xf32, #tpu.memory_space<vmem_shared>> -> memref<1048576xf32, #tpu.memory_space<vmem_shared>>
          tpu.enqueue_indirect_dma source(%dma_start3A_214 : memref<1048576xf32, #tpu.memory_space<vmem_shared>>) target(%dma_start3A_211 : memref<32xf32, #tpu.memory_space<vmem>>) offsets(%dma_start3A_212 : memref<32xi32, #tpu.memory_space<vmem>>) semaphore(%arg17 : memref<!tpu.dma_semaphore, #tpu.memory_space<semaphore_mem>>)
        }
        %while3A_193 = arith.constant 0 : i32
        %while3A_194 = arith.constant 0 : i32
        %while3A_195 = arith.subi %scan3A_174, %while3A_194 : i32
        %while3A_196 = arith.addi %while3A_194, %while3A_195 : i32
        %while3A_197 = arith.constant 1 : i32
        %while3A_198 = arith.divsi %while3A_195, %while3A_197 : i32
        %while3A_199 = arith.muli %while3A_198, %while3A_197 : i32
        %while3A_200 = arith.addi %while3A_194, %while3A_199 : i32
        %while3A_201 = arith.constant 1 : i32
        scf.for %while3A_203 = %while3A_194 to %while3A_200 step %while3A_201  : i32 {
          %dma_wait3A_204 = arith.constant 0 : i32
          %dma_wait3A_205 = tpu.memref_slice %arg2[%dma_wait3A_204] : memref<786432xi32, #tpu.memory_space<hbm>> -> memref<32xi32, #tpu.memory_space<hbm>>
          %dma_wait3A_206 = arith.constant 0 : i32
          %dma_wait3A_207 = tpu.memref_slice %arg2[%dma_wait3A_206] : memref<786432xi32, #tpu.memory_space<hbm>> -> memref<32xi32, #tpu.memory_space<hbm>>
          tpu.wait_dma2 semaphore(%arg17 : memref<!tpu.dma_semaphore, #tpu.memory_space<semaphore_mem>>) src(%dma_wait3A_207 : memref<32xi32, #tpu.memory_space<hbm>>) dst(%arg16 : memref<32xi32, #tpu.memory_space<vmem>>)
        }
        %while3A_202 = arith.constant 1 : i32
        scf.for %while3A_203 = %while3A_200 to %while3A_196 step %while3A_202  : i32 {
          %dma_wait3A_204 = arith.constant 0 : i32
          %dma_wait3A_205 = tpu.memref_slice %arg2[%dma_wait3A_204] : memref<786432xi32, #tpu.memory_space<hbm>> -> memref<32xi32, #tpu.memory_space<hbm>>
          %dma_wait3A_206 = arith.constant 0 : i32
          %dma_wait3A_207 = tpu.memref_slice %arg2[%dma_wait3A_206] : memref<786432xi32, #tpu.memory_space<hbm>> -> memref<32xi32, #tpu.memory_space<hbm>>
          tpu.wait_dma2 semaphore(%arg17 : memref<!tpu.dma_semaphore, #tpu.memory_space<semaphore_mem>>) src(%dma_wait3A_207 : memref<32xi32, #tpu.memory_space<hbm>>) dst(%arg16 : memref<32xi32, #tpu.memory_space<vmem>>)
        }
        scf.yield %shift_right_logical3A_182 : i32
      }
      %scan3A_121 = arith.constant 64 : i32
      %while3A_122 = arith.constant 0 : i32
      %while3A_123 = arith.constant 0 : i32
      %while3A_124 = arith.subi %scan3A_120, %while3A_123 : i32
      %while3A_125 = arith.addi %while3A_123, %while3A_124 : i32
      %while3A_126 = arith.constant 1 : i32
      %while3A_127 = arith.divsi %while3A_124, %while3A_126 : i32
      %while3A_128 = arith.muli %while3A_127, %while3A_126 : i32
      %while3A_129 = arith.addi %while3A_123, %while3A_128 : i32
      %while3A_130 = arith.constant 1 : i32
      scf.for %while3A_173 = %while3A_123 to %while3A_129 step %while3A_130  : i32 {
        %dma_wait3A_174 = arith.constant 0 : i32
        %dma_wait3A_175 = tpu.memref_slice %arg2[%dma_wait3A_174] : memref<786432xi32, #tpu.memory_space<hbm>> -> memref<32xi32, #tpu.memory_space<hbm>>
        %dma_wait3A_176 = arith.constant 0 : i32
        %dma_wait3A_177 = tpu.memref_slice %arg2[%dma_wait3A_176] : memref<786432xi32, #tpu.memory_space<hbm>> -> memref<32xi32, #tpu.memory_space<hbm>>
        tpu.wait_dma2 semaphore(%arg17 : memref<!tpu.dma_semaphore, #tpu.memory_space<semaphore_mem>>) src(%dma_wait3A_177 : memref<32xi32, #tpu.memory_space<hbm>>) dst(%arg16 : memref<32xi32, #tpu.memory_space<vmem>>)
      }
      %while3A_131 = arith.constant 1 : i32
      scf.for %while3A_173 = %while3A_129 to %while3A_125 step %while3A_131  : i32 {
        %dma_wait3A_174 = arith.constant 0 : i32
        %dma_wait3A_175 = tpu.memref_slice %arg2[%dma_wait3A_174] : memref<786432xi32, #tpu.memory_space<hbm>> -> memref<32xi32, #tpu.memory_space<hbm>>
        %dma_wait3A_176 = arith.constant 0 : i32
        %dma_wait3A_177 = tpu.memref_slice %arg2[%dma_wait3A_176] : memref<786432xi32, #tpu.memory_space<hbm>> -> memref<32xi32, #tpu.memory_space<hbm>>
        tpu.wait_dma2 semaphore(%arg17 : memref<!tpu.dma_semaphore, #tpu.memory_space<semaphore_mem>>) src(%dma_wait3A_177 : memref<32xi32, #tpu.memory_space<hbm>>) dst(%arg16 : memref<32xi32, #tpu.memory_space<vmem>>)
      }
      %mul3A_132 = arith.constant 256 : i32
      %mul3A_133 = arith.muli %arg1, %mul3A_132 : i32
      %add3A_134 = arith.constant 128 : i32
      %add3A_135 = arith.addi %mul3A_133, %add3A_134 : i32
      %mul3A_136 = arith.constant 192 : i32
      %mul3A_137 = arith.muli %add3A_135, %mul3A_136 : i32
      %dma_start3A_138 = tpu.memref_slice %arg7[%mul3A_137] : memref<786432xf32, #tpu.memory_space<hbm>> -> memref<12288xf32, #tpu.memory_space<hbm>>
      %dma_start3A_139 = tpu.memref_slice %arg7[%mul3A_137] : memref<786432xf32, #tpu.memory_space<hbm>> -> memref<12288xf32, #tpu.memory_space<hbm>>
      tpu.enqueue_dma source(%arg14 : memref<12288xf32, #tpu.memory_space<vmem>>) target(%dma_start3A_139 : memref<12288xf32, #tpu.memory_space<hbm>>) target_semaphore(%arg19 : memref<!tpu.dma_semaphore, #tpu.memory_space<semaphore_mem>>)
      %dma_wait3A_140 = tpu.memref_slice %arg2[%mul3A_108] : memref<786432xi32, #tpu.memory_space<hbm>> -> memref<12288xi32, #tpu.memory_space<hbm>>
      %dma_wait3A_141 = tpu.memref_slice %arg2[%mul3A_108] : memref<786432xi32, #tpu.memory_space<hbm>> -> memref<12288xi32, #tpu.memory_space<hbm>>
      tpu.wait_dma2 semaphore(%arg18 : memref<!tpu.dma_semaphore, #tpu.memory_space<semaphore_mem>>) src(%dma_wait3A_141 : memref<12288xi32, #tpu.memory_space<hbm>>) dst(%arg13 : memref<12288xi32, #tpu.memory_space<vmem>>)
      %dma_wait3A_142 = tpu.memref_slice %arg7[%mul3A_100] : memref<786432xf32, #tpu.memory_space<hbm>> -> memref<12288xf32, #tpu.memory_space<hbm>>
      %dma_wait3A_143 = tpu.memref_slice %arg7[%mul3A_100] : memref<786432xf32, #tpu.memory_space<hbm>> -> memref<12288xf32, #tpu.memory_space<hbm>>
      tpu.wait_dma2 semaphore(%arg19 : memref<!tpu.dma_semaphore, #tpu.memory_space<semaphore_mem>>) src(%arg15 : memref<12288xf32, #tpu.memory_space<vmem>>) dst(%dma_wait3A_143 : memref<12288xf32, #tpu.memory_space<hbm>>)
      %scan3A_144 = arith.constant 0 : i32
      %scan3A_145 = arith.constant 0 : i32
      %scan3A_146 = arith.constant 64 : i32
      %scan3A_147 = arith.addi %scan3A_145, %scan3A_146 : i32
      %scan3A_148 = arith.constant 1 : i32
      %scan3A_149 = scf.for %scan3A_173 = %scan3A_145 to %scan3A_147 step %scan3A_148 iter_args(%scan3A_174 = %scan3A_144) -> (i32)  : i32 {
        %add3A_175 = arith.constant 192 : i32
        %add3A_176 = arith.addi %add3A_175, %scan3A_173 : i32
        %get3A = arith.index_cast %add3A_176 : i32 to index
        %get3A_177 = memref.load %arg11[%get3A] : memref<256xi32, #tpu.memory_space<smem>>
        %shift_right_logical3A = arith.constant 10 : i32
        %shift_right_logical3A_178 = arith.shrui %get3A_177, %shift_right_logical3A : i32
        %multiple_of3A = tpu.assume_multiple %shift_right_logical3A_178, 32 : i32
        %and3A_179 = arith.constant 1023 : i32
        %and3A_180 = arith.andi %get3A_177, %and3A_179 : i32
        %shift_right_logical3A_181 = arith.constant 5 : i32
        %shift_right_logical3A_182 = arith.shrui %and3A_180, %shift_right_logical3A_181 : i32
        %while3A_183 = arith.constant 0 : i32
        %while3A_184 = arith.constant 0 : i32
        %while3A_185 = arith.subi %shift_right_logical3A_182, %while3A_184 : i32
        %while3A_186 = arith.addi %while3A_184, %while3A_185 : i32
        %while3A_187 = arith.constant 1 : i32
        %while3A_188 = arith.divsi %while3A_185, %while3A_187 : i32
        %while3A_189 = arith.muli %while3A_188, %while3A_187 : i32
        %while3A_190 = arith.addi %while3A_184, %while3A_189 : i32
        %while3A_191 = arith.constant 1 : i32
        scf.for %while3A_203 = %while3A_184 to %while3A_190 step %while3A_191  : i32 {
          %mul3A_204 = arith.constant 192 : i32
          %mul3A_205 = arith.muli %scan3A_173, %mul3A_204 : i32
          %add3A_206 = arith.addi %mul3A_205, %multiple_of3A : i32
          %mul3A_207 = arith.constant 32 : i32
          %mul3A_208 = arith.muli %mul3A_207, %while3A_203 : i32
          %add3A_209 = arith.addi %add3A_206, %mul3A_208 : i32
          %multiple_of3A_210 = tpu.assume_multiple %add3A_209, 32 : i32
          %dma_start3A_211 = tpu.memref_slice %arg15[%multiple_of3A_210] : memref<12288xf32, #tpu.memory_space<vmem>> -> memref<32xf32, #tpu.memory_space<vmem>>
          %dma_start3A_212 = tpu.memref_slice %arg13[%multiple_of3A_210] : memref<12288xi32, #tpu.memory_space<vmem>> -> memref<32xi32, #tpu.memory_space<vmem>>
          %dma_start3A_213 = arith.constant 0 : i32
          %dma_start3A_214 = tpu.memref_slice %arg9[%dma_start3A_213] : memref<1048576xf32, #tpu.memory_space<vmem_shared>> -> memref<1048576xf32, #tpu.memory_space<vmem_shared>>
          tpu.enqueue_indirect_dma source(%dma_start3A_214 : memref<1048576xf32, #tpu.memory_space<vmem_shared>>) target(%dma_start3A_211 : memref<32xf32, #tpu.memory_space<vmem>>) offsets(%dma_start3A_212 : memref<32xi32, #tpu.memory_space<vmem>>) semaphore(%arg17 : memref<!tpu.dma_semaphore, #tpu.memory_space<semaphore_mem>>)
        }
        %while3A_192 = arith.constant 1 : i32
        scf.for %while3A_203 = %while3A_190 to %while3A_186 step %while3A_192  : i32 {
          %mul3A_204 = arith.constant 192 : i32
          %mul3A_205 = arith.muli %scan3A_173, %mul3A_204 : i32
          %add3A_206 = arith.addi %mul3A_205, %multiple_of3A : i32
          %mul3A_207 = arith.constant 32 : i32
          %mul3A_208 = arith.muli %mul3A_207, %while3A_203 : i32
          %add3A_209 = arith.addi %add3A_206, %mul3A_208 : i32
          %multiple_of3A_210 = tpu.assume_multiple %add3A_209, 32 : i32
          %dma_start3A_211 = tpu.memref_slice %arg15[%multiple_of3A_210] : memref<12288xf32, #tpu.memory_space<vmem>> -> memref<32xf32, #tpu.memory_space<vmem>>
          %dma_start3A_212 = tpu.memref_slice %arg13[%multiple_of3A_210] : memref<12288xi32, #tpu.memory_space<vmem>> -> memref<32xi32, #tpu.memory_space<vmem>>
          %dma_start3A_213 = arith.constant 0 : i32
          %dma_start3A_214 = tpu.memref_slice %arg9[%dma_start3A_213] : memref<1048576xf32, #tpu.memory_space<vmem_shared>> -> memref<1048576xf32, #tpu.memory_space<vmem_shared>>
          tpu.enqueue_indirect_dma source(%dma_start3A_214 : memref<1048576xf32, #tpu.memory_space<vmem_shared>>) target(%dma_start3A_211 : memref<32xf32, #tpu.memory_space<vmem>>) offsets(%dma_start3A_212 : memref<32xi32, #tpu.memory_space<vmem>>) semaphore(%arg17 : memref<!tpu.dma_semaphore, #tpu.memory_space<semaphore_mem>>)
        }
        %while3A_193 = arith.constant 0 : i32
        %while3A_194 = arith.constant 0 : i32
        %while3A_195 = arith.subi %scan3A_174, %while3A_194 : i32
        %while3A_196 = arith.addi %while3A_194, %while3A_195 : i32
        %while3A_197 = arith.constant 1 : i32
        %while3A_198 = arith.divsi %while3A_195, %while3A_197 : i32
        %while3A_199 = arith.muli %while3A_198, %while3A_197 : i32
        %while3A_200 = arith.addi %while3A_194, %while3A_199 : i32
        %while3A_201 = arith.constant 1 : i32
        scf.for %while3A_203 = %while3A_194 to %while3A_200 step %while3A_201  : i32 {
          %dma_wait3A_204 = arith.constant 0 : i32
          %dma_wait3A_205 = tpu.memref_slice %arg2[%dma_wait3A_204] : memref<786432xi32, #tpu.memory_space<hbm>> -> memref<32xi32, #tpu.memory_space<hbm>>
          %dma_wait3A_206 = arith.constant 0 : i32
          %dma_wait3A_207 = tpu.memref_slice %arg2[%dma_wait3A_206] : memref<786432xi32, #tpu.memory_space<hbm>> -> memref<32xi32, #tpu.memory_space<hbm>>
          tpu.wait_dma2 semaphore(%arg17 : memref<!tpu.dma_semaphore, #tpu.memory_space<semaphore_mem>>) src(%dma_wait3A_207 : memref<32xi32, #tpu.memory_space<hbm>>) dst(%arg16 : memref<32xi32, #tpu.memory_space<vmem>>)
        }
        %while3A_202 = arith.constant 1 : i32
        scf.for %while3A_203 = %while3A_200 to %while3A_196 step %while3A_202  : i32 {
          %dma_wait3A_204 = arith.constant 0 : i32
          %dma_wait3A_205 = tpu.memref_slice %arg2[%dma_wait3A_204] : memref<786432xi32, #tpu.memory_space<hbm>> -> memref<32xi32, #tpu.memory_space<hbm>>
          %dma_wait3A_206 = arith.constant 0 : i32
          %dma_wait3A_207 = tpu.memref_slice %arg2[%dma_wait3A_206] : memref<786432xi32, #tpu.memory_space<hbm>> -> memref<32xi32, #tpu.memory_space<hbm>>
          tpu.wait_dma2 semaphore(%arg17 : memref<!tpu.dma_semaphore, #tpu.memory_space<semaphore_mem>>) src(%dma_wait3A_207 : memref<32xi32, #tpu.memory_space<hbm>>) dst(%arg16 : memref<32xi32, #tpu.memory_space<vmem>>)
        }
        scf.yield %shift_right_logical3A_182 : i32
      }
      %scan3A_150 = arith.constant 64 : i32
      %while3A_151 = arith.constant 0 : i32
      %while3A_152 = arith.constant 0 : i32
      %while3A_153 = arith.subi %scan3A_149, %while3A_152 : i32
      %while3A_154 = arith.addi %while3A_152, %while3A_153 : i32
      %while3A_155 = arith.constant 1 : i32
      %while3A_156 = arith.divsi %while3A_153, %while3A_155 : i32
      %while3A_157 = arith.muli %while3A_156, %while3A_155 : i32
      %while3A_158 = arith.addi %while3A_152, %while3A_157 : i32
      %while3A_159 = arith.constant 1 : i32
      scf.for %while3A_173 = %while3A_152 to %while3A_158 step %while3A_159  : i32 {
        %dma_wait3A_174 = arith.constant 0 : i32
        %dma_wait3A_175 = tpu.memref_slice %arg2[%dma_wait3A_174] : memref<786432xi32, #tpu.memory_space<hbm>> -> memref<32xi32, #tpu.memory_space<hbm>>
        %dma_wait3A_176 = arith.constant 0 : i32
        %dma_wait3A_177 = tpu.memref_slice %arg2[%dma_wait3A_176] : memref<786432xi32, #tpu.memory_space<hbm>> -> memref<32xi32, #tpu.memory_space<hbm>>
        tpu.wait_dma2 semaphore(%arg17 : memref<!tpu.dma_semaphore, #tpu.memory_space<semaphore_mem>>) src(%dma_wait3A_177 : memref<32xi32, #tpu.memory_space<hbm>>) dst(%arg16 : memref<32xi32, #tpu.memory_space<vmem>>)
      }
      %while3A_160 = arith.constant 1 : i32
      scf.for %while3A_173 = %while3A_158 to %while3A_154 step %while3A_160  : i32 {
        %dma_wait3A_174 = arith.constant 0 : i32
        %dma_wait3A_175 = tpu.memref_slice %arg2[%dma_wait3A_174] : memref<786432xi32, #tpu.memory_space<hbm>> -> memref<32xi32, #tpu.memory_space<hbm>>
        %dma_wait3A_176 = arith.constant 0 : i32
        %dma_wait3A_177 = tpu.memref_slice %arg2[%dma_wait3A_176] : memref<786432xi32, #tpu.memory_space<hbm>> -> memref<32xi32, #tpu.memory_space<hbm>>
        tpu.wait_dma2 semaphore(%arg17 : memref<!tpu.dma_semaphore, #tpu.memory_space<semaphore_mem>>) src(%dma_wait3A_177 : memref<32xi32, #tpu.memory_space<hbm>>) dst(%arg16 : memref<32xi32, #tpu.memory_space<vmem>>)
      }
      %mul3A_161 = arith.constant 256 : i32
      %mul3A_162 = arith.muli %arg1, %mul3A_161 : i32
      %add3A_163 = arith.constant 192 : i32
      %add3A_164 = arith.addi %mul3A_162, %add3A_163 : i32
      %mul3A_165 = arith.constant 192 : i32
      %mul3A_166 = arith.muli %add3A_164, %mul3A_165 : i32
      %dma_start3A_167 = tpu.memref_slice %arg7[%mul3A_166] : memref<786432xf32, #tpu.memory_space<hbm>> -> memref<12288xf32, #tpu.memory_space<hbm>>
      %dma_start3A_168 = tpu.memref_slice %arg7[%mul3A_166] : memref<786432xf32, #tpu.memory_space<hbm>> -> memref<12288xf32, #tpu.memory_space<hbm>>
      tpu.enqueue_dma source(%arg15 : memref<12288xf32, #tpu.memory_space<vmem>>) target(%dma_start3A_168 : memref<12288xf32, #tpu.memory_space<hbm>>) target_semaphore(%arg19 : memref<!tpu.dma_semaphore, #tpu.memory_space<semaphore_mem>>)
      %dma_wait3A_169 = tpu.memref_slice %arg7[%mul3A_137] : memref<786432xf32, #tpu.memory_space<hbm>> -> memref<12288xf32, #tpu.memory_space<hbm>>
      %dma_wait3A_170 = tpu.memref_slice %arg7[%mul3A_137] : memref<786432xf32, #tpu.memory_space<hbm>> -> memref<12288xf32, #tpu.memory_space<hbm>>
      tpu.wait_dma2 semaphore(%arg19 : memref<!tpu.dma_semaphore, #tpu.memory_space<semaphore_mem>>) src(%arg14 : memref<12288xf32, #tpu.memory_space<vmem>>) dst(%dma_wait3A_170 : memref<12288xf32, #tpu.memory_space<hbm>>)
      %dma_wait3A_171 = tpu.memref_slice %arg7[%mul3A_166] : memref<786432xf32, #tpu.memory_space<hbm>> -> memref<12288xf32, #tpu.memory_space<hbm>>
      %dma_wait3A_172 = tpu.memref_slice %arg7[%mul3A_166] : memref<786432xf32, #tpu.memory_space<hbm>> -> memref<12288xf32, #tpu.memory_space<hbm>>
      tpu.wait_dma2 semaphore(%arg19 : memref<!tpu.dma_semaphore, #tpu.memory_space<semaphore_mem>>) src(%arg15 : memref<12288xf32, #tpu.memory_space<vmem>>) dst(%dma_wait3A_172 : memref<12288xf32, #tpu.memory_space<hbm>>)
    } else {
    }
    %eq3A_24 = arith.constant 1 : i32
    %eq3A_25 = arith.cmpi eq, %arg0, %eq3A_24 : i32
    %convert_element_type3A_26 = arith.extui %eq3A_25 : i1 to i32
    %cond3A_27 = arith.constant 0 : i32
    %cond3A_28 = arith.cmpi ne, %convert_element_type3A_26, %cond3A_27 : i32
    scf.if %cond3A_28 {
      %mul3A_29 = arith.constant 256 : i32
      %mul3A_30 = arith.muli %arg1, %mul3A_29 : i32
      %add3A_31 = arith.constant 0 : i32
      %add3A_32 = arith.addi %mul3A_30, %add3A_31 : i32
      %mul3A_33 = arith.constant 192 : i32
      %mul3A_34 = arith.muli %add3A_32, %mul3A_33 : i32
      %dma_start3A = tpu.memref_slice %arg3[%mul3A_34] : memref<786432xi32, #tpu.memory_space<hbm>> -> memref<12288xi32, #tpu.memory_space<hbm>>
      %dma_start3A_35 = tpu.memref_slice %arg3[%mul3A_34] : memref<786432xi32, #tpu.memory_space<hbm>> -> memref<12288xi32, #tpu.memory_space<hbm>>
      tpu.enqueue_dma source(%dma_start3A_35 : memref<12288xi32, #tpu.memory_space<hbm>>) target(%arg12 : memref<12288xi32, #tpu.memory_space<vmem>>) target_semaphore(%arg18 : memref<!tpu.dma_semaphore, #tpu.memory_space<semaphore_mem>>)
      %mul3A_36 = arith.constant 256 : i32
      %mul3A_37 = arith.muli %arg1, %mul3A_36 : i32
      %add3A_38 = arith.constant 64 : i32
      %add3A_39 = arith.addi %mul3A_37, %add3A_38 : i32
      %mul3A_40 = arith.constant 192 : i32
      %mul3A_41 = arith.muli %add3A_39, %mul3A_40 : i32
      %dma_start3A_42 = tpu.memref_slice %arg3[%mul3A_41] : memref<786432xi32, #tpu.memory_space<hbm>> -> memref<12288xi32, #tpu.memory_space<hbm>>
      %dma_start3A_43 = tpu.memref_slice %arg3[%mul3A_41] : memref<786432xi32, #tpu.memory_space<hbm>> -> memref<12288xi32, #tpu.memory_space<hbm>>
      tpu.enqueue_dma source(%dma_start3A_43 : memref<12288xi32, #tpu.memory_space<hbm>>) target(%arg13 : memref<12288xi32, #tpu.memory_space<vmem>>) target_semaphore(%arg18 : memref<!tpu.dma_semaphore, #tpu.memory_space<semaphore_mem>>)
      %dma_wait3A = tpu.memref_slice %arg3[%mul3A_34] : memref<786432xi32, #tpu.memory_space<hbm>> -> memref<12288xi32, #tpu.memory_space<hbm>>
      %dma_wait3A_44 = tpu.memref_slice %arg3[%mul3A_34] : memref<786432xi32, #tpu.memory_space<hbm>> -> memref<12288xi32, #tpu.memory_space<hbm>>
      tpu.wait_dma2 semaphore(%arg18 : memref<!tpu.dma_semaphore, #tpu.memory_space<semaphore_mem>>) src(%dma_wait3A_44 : memref<12288xi32, #tpu.memory_space<hbm>>) dst(%arg12 : memref<12288xi32, #tpu.memory_space<vmem>>)
      %scan3A = arith.constant 0 : i32
      %scan3A_45 = arith.constant 0 : i32
      %scan3A_46 = arith.constant 64 : i32
      %scan3A_47 = arith.addi %scan3A_45, %scan3A_46 : i32
      %scan3A_48 = arith.constant 1 : i32
      %scan3A_49 = scf.for %scan3A_173 = %scan3A_45 to %scan3A_47 step %scan3A_48 iter_args(%scan3A_174 = %scan3A) -> (i32)  : i32 {
        %add3A_175 = arith.constant 0 : i32
        %add3A_176 = arith.addi %add3A_175, %scan3A_173 : i32
        %get3A = arith.index_cast %add3A_176 : i32 to index
        %get3A_177 = memref.load %arg11[%get3A] : memref<256xi32, #tpu.memory_space<smem>>
        %shift_right_logical3A = arith.constant 10 : i32
        %shift_right_logical3A_178 = arith.shrui %get3A_177, %shift_right_logical3A : i32
        %multiple_of3A = tpu.assume_multiple %shift_right_logical3A_178, 32 : i32
        %and3A_179 = arith.constant 1023 : i32
        %and3A_180 = arith.andi %get3A_177, %and3A_179 : i32
        %shift_right_logical3A_181 = arith.constant 5 : i32
        %shift_right_logical3A_182 = arith.shrui %and3A_180, %shift_right_logical3A_181 : i32
        %while3A_183 = arith.constant 0 : i32
        %while3A_184 = arith.constant 0 : i32
        %while3A_185 = arith.subi %shift_right_logical3A_182, %while3A_184 : i32
        %while3A_186 = arith.addi %while3A_184, %while3A_185 : i32
        %while3A_187 = arith.constant 1 : i32
        %while3A_188 = arith.divsi %while3A_185, %while3A_187 : i32
        %while3A_189 = arith.muli %while3A_188, %while3A_187 : i32
        %while3A_190 = arith.addi %while3A_184, %while3A_189 : i32
        %while3A_191 = arith.constant 1 : i32
        scf.for %while3A_203 = %while3A_184 to %while3A_190 step %while3A_191  : i32 {
          %mul3A_204 = arith.constant 192 : i32
          %mul3A_205 = arith.muli %scan3A_173, %mul3A_204 : i32
          %add3A_206 = arith.addi %mul3A_205, %multiple_of3A : i32
          %mul3A_207 = arith.constant 32 : i32
          %mul3A_208 = arith.muli %mul3A_207, %while3A_203 : i32
          %add3A_209 = arith.addi %add3A_206, %mul3A_208 : i32
          %multiple_of3A_210 = tpu.assume_multiple %add3A_209, 32 : i32
          %dma_start3A_211 = tpu.memref_slice %arg14[%multiple_of3A_210] : memref<12288xf32, #tpu.memory_space<vmem>> -> memref<32xf32, #tpu.memory_space<vmem>>
          %dma_start3A_212 = tpu.memref_slice %arg12[%multiple_of3A_210] : memref<12288xi32, #tpu.memory_space<vmem>> -> memref<32xi32, #tpu.memory_space<vmem>>
          %dma_start3A_213 = arith.constant 0 : i32
          %dma_start3A_214 = tpu.memref_slice %arg9[%dma_start3A_213] : memref<1048576xf32, #tpu.memory_space<vmem_shared>> -> memref<1048576xf32, #tpu.memory_space<vmem_shared>>
          tpu.enqueue_indirect_dma source(%dma_start3A_214 : memref<1048576xf32, #tpu.memory_space<vmem_shared>>) target(%dma_start3A_211 : memref<32xf32, #tpu.memory_space<vmem>>) offsets(%dma_start3A_212 : memref<32xi32, #tpu.memory_space<vmem>>) semaphore(%arg17 : memref<!tpu.dma_semaphore, #tpu.memory_space<semaphore_mem>>)
        }
        %while3A_192 = arith.constant 1 : i32
        scf.for %while3A_203 = %while3A_190 to %while3A_186 step %while3A_192  : i32 {
          %mul3A_204 = arith.constant 192 : i32
          %mul3A_205 = arith.muli %scan3A_173, %mul3A_204 : i32
          %add3A_206 = arith.addi %mul3A_205, %multiple_of3A : i32
          %mul3A_207 = arith.constant 32 : i32
          %mul3A_208 = arith.muli %mul3A_207, %while3A_203 : i32
          %add3A_209 = arith.addi %add3A_206, %mul3A_208 : i32
          %multiple_of3A_210 = tpu.assume_multiple %add3A_209, 32 : i32
          %dma_start3A_211 = tpu.memref_slice %arg14[%multiple_of3A_210] : memref<12288xf32, #tpu.memory_space<vmem>> -> memref<32xf32, #tpu.memory_space<vmem>>
          %dma_start3A_212 = tpu.memref_slice %arg12[%multiple_of3A_210] : memref<12288xi32, #tpu.memory_space<vmem>> -> memref<32xi32, #tpu.memory_space<vmem>>
          %dma_start3A_213 = arith.constant 0 : i32
          %dma_start3A_214 = tpu.memref_slice %arg9[%dma_start3A_213] : memref<1048576xf32, #tpu.memory_space<vmem_shared>> -> memref<1048576xf32, #tpu.memory_space<vmem_shared>>
          tpu.enqueue_indirect_dma source(%dma_start3A_214 : memref<1048576xf32, #tpu.memory_space<vmem_shared>>) target(%dma_start3A_211 : memref<32xf32, #tpu.memory_space<vmem>>) offsets(%dma_start3A_212 : memref<32xi32, #tpu.memory_space<vmem>>) semaphore(%arg17 : memref<!tpu.dma_semaphore, #tpu.memory_space<semaphore_mem>>)
        }
        %while3A_193 = arith.constant 0 : i32
        %while3A_194 = arith.constant 0 : i32
        %while3A_195 = arith.subi %scan3A_174, %while3A_194 : i32
        %while3A_196 = arith.addi %while3A_194, %while3A_195 : i32
        %while3A_197 = arith.constant 1 : i32
        %while3A_198 = arith.divsi %while3A_195, %while3A_197 : i32
        %while3A_199 = arith.muli %while3A_198, %while3A_197 : i32
        %while3A_200 = arith.addi %while3A_194, %while3A_199 : i32
        %while3A_201 = arith.constant 1 : i32
        scf.for %while3A_203 = %while3A_194 to %while3A_200 step %while3A_201  : i32 {
          %dma_wait3A_204 = arith.constant 0 : i32
          %dma_wait3A_205 = tpu.memref_slice %arg3[%dma_wait3A_204] : memref<786432xi32, #tpu.memory_space<hbm>> -> memref<32xi32, #tpu.memory_space<hbm>>
          %dma_wait3A_206 = arith.constant 0 : i32
          %dma_wait3A_207 = tpu.memref_slice %arg3[%dma_wait3A_206] : memref<786432xi32, #tpu.memory_space<hbm>> -> memref<32xi32, #tpu.memory_space<hbm>>
          tpu.wait_dma2 semaphore(%arg17 : memref<!tpu.dma_semaphore, #tpu.memory_space<semaphore_mem>>) src(%dma_wait3A_207 : memref<32xi32, #tpu.memory_space<hbm>>) dst(%arg16 : memref<32xi32, #tpu.memory_space<vmem>>)
        }
        %while3A_202 = arith.constant 1 : i32
        scf.for %while3A_203 = %while3A_200 to %while3A_196 step %while3A_202  : i32 {
          %dma_wait3A_204 = arith.constant 0 : i32
          %dma_wait3A_205 = tpu.memref_slice %arg3[%dma_wait3A_204] : memref<786432xi32, #tpu.memory_space<hbm>> -> memref<32xi32, #tpu.memory_space<hbm>>
          %dma_wait3A_206 = arith.constant 0 : i32
          %dma_wait3A_207 = tpu.memref_slice %arg3[%dma_wait3A_206] : memref<786432xi32, #tpu.memory_space<hbm>> -> memref<32xi32, #tpu.memory_space<hbm>>
          tpu.wait_dma2 semaphore(%arg17 : memref<!tpu.dma_semaphore, #tpu.memory_space<semaphore_mem>>) src(%dma_wait3A_207 : memref<32xi32, #tpu.memory_space<hbm>>) dst(%arg16 : memref<32xi32, #tpu.memory_space<vmem>>)
        }
        scf.yield %shift_right_logical3A_182 : i32
      }
      %scan3A_50 = arith.constant 64 : i32
      %while3A = arith.constant 0 : i32
      %while3A_51 = arith.constant 0 : i32
      %while3A_52 = arith.subi %scan3A_49, %while3A_51 : i32
      %while3A_53 = arith.addi %while3A_51, %while3A_52 : i32
      %while3A_54 = arith.constant 1 : i32
      %while3A_55 = arith.divsi %while3A_52, %while3A_54 : i32
      %while3A_56 = arith.muli %while3A_55, %while3A_54 : i32
      %while3A_57 = arith.addi %while3A_51, %while3A_56 : i32
      %while3A_58 = arith.constant 1 : i32
      scf.for %while3A_173 = %while3A_51 to %while3A_57 step %while3A_58  : i32 {
        %dma_wait3A_174 = arith.constant 0 : i32
        %dma_wait3A_175 = tpu.memref_slice %arg3[%dma_wait3A_174] : memref<786432xi32, #tpu.memory_space<hbm>> -> memref<32xi32, #tpu.memory_space<hbm>>
        %dma_wait3A_176 = arith.constant 0 : i32
        %dma_wait3A_177 = tpu.memref_slice %arg3[%dma_wait3A_176] : memref<786432xi32, #tpu.memory_space<hbm>> -> memref<32xi32, #tpu.memory_space<hbm>>
        tpu.wait_dma2 semaphore(%arg17 : memref<!tpu.dma_semaphore, #tpu.memory_space<semaphore_mem>>) src(%dma_wait3A_177 : memref<32xi32, #tpu.memory_space<hbm>>) dst(%arg16 : memref<32xi32, #tpu.memory_space<vmem>>)
      }
      %while3A_59 = arith.constant 1 : i32
      scf.for %while3A_173 = %while3A_57 to %while3A_53 step %while3A_59  : i32 {
        %dma_wait3A_174 = arith.constant 0 : i32
        %dma_wait3A_175 = tpu.memref_slice %arg3[%dma_wait3A_174] : memref<786432xi32, #tpu.memory_space<hbm>> -> memref<32xi32, #tpu.memory_space<hbm>>
        %dma_wait3A_176 = arith.constant 0 : i32
        %dma_wait3A_177 = tpu.memref_slice %arg3[%dma_wait3A_176] : memref<786432xi32, #tpu.memory_space<hbm>> -> memref<32xi32, #tpu.memory_space<hbm>>
        tpu.wait_dma2 semaphore(%arg17 : memref<!tpu.dma_semaphore, #tpu.memory_space<semaphore_mem>>) src(%dma_wait3A_177 : memref<32xi32, #tpu.memory_space<hbm>>) dst(%arg16 : memref<32xi32, #tpu.memory_space<vmem>>)
      }
      %mul3A_60 = arith.constant 256 : i32
      %mul3A_61 = arith.muli %arg1, %mul3A_60 : i32
      %add3A_62 = arith.constant 0 : i32
      %add3A_63 = arith.addi %mul3A_61, %add3A_62 : i32
      %mul3A_64 = arith.constant 192 : i32
      %mul3A_65 = arith.muli %add3A_63, %mul3A_64 : i32
      %dma_start3A_66 = tpu.memref_slice %arg8[%mul3A_65] : memref<786432xf32, #tpu.memory_space<hbm>> -> memref<12288xf32, #tpu.memory_space<hbm>>
      %dma_start3A_67 = tpu.memref_slice %arg8[%mul3A_65] : memref<786432xf32, #tpu.memory_space<hbm>> -> memref<12288xf32, #tpu.memory_space<hbm>>
      tpu.enqueue_dma source(%arg14 : memref<12288xf32, #tpu.memory_space<vmem>>) target(%dma_start3A_67 : memref<12288xf32, #tpu.memory_space<hbm>>) target_semaphore(%arg19 : memref<!tpu.dma_semaphore, #tpu.memory_space<semaphore_mem>>)
      %mul3A_68 = arith.constant 256 : i32
      %mul3A_69 = arith.muli %arg1, %mul3A_68 : i32
      %add3A_70 = arith.constant 128 : i32
      %add3A_71 = arith.addi %mul3A_69, %add3A_70 : i32
      %mul3A_72 = arith.constant 192 : i32
      %mul3A_73 = arith.muli %add3A_71, %mul3A_72 : i32
      %dma_start3A_74 = tpu.memref_slice %arg3[%mul3A_73] : memref<786432xi32, #tpu.memory_space<hbm>> -> memref<12288xi32, #tpu.memory_space<hbm>>
      %dma_start3A_75 = tpu.memref_slice %arg3[%mul3A_73] : memref<786432xi32, #tpu.memory_space<hbm>> -> memref<12288xi32, #tpu.memory_space<hbm>>
      tpu.enqueue_dma source(%dma_start3A_75 : memref<12288xi32, #tpu.memory_space<hbm>>) target(%arg12 : memref<12288xi32, #tpu.memory_space<vmem>>) target_semaphore(%arg18 : memref<!tpu.dma_semaphore, #tpu.memory_space<semaphore_mem>>)
      %dma_wait3A_76 = tpu.memref_slice %arg3[%mul3A_41] : memref<786432xi32, #tpu.memory_space<hbm>> -> memref<12288xi32, #tpu.memory_space<hbm>>
      %dma_wait3A_77 = tpu.memref_slice %arg3[%mul3A_41] : memref<786432xi32, #tpu.memory_space<hbm>> -> memref<12288xi32, #tpu.memory_space<hbm>>
      tpu.wait_dma2 semaphore(%arg18 : memref<!tpu.dma_semaphore, #tpu.memory_space<semaphore_mem>>) src(%dma_wait3A_77 : memref<12288xi32, #tpu.memory_space<hbm>>) dst(%arg13 : memref<12288xi32, #tpu.memory_space<vmem>>)
      %scan3A_78 = arith.constant 0 : i32
      %scan3A_79 = arith.constant 0 : i32
      %scan3A_80 = arith.constant 64 : i32
      %scan3A_81 = arith.addi %scan3A_79, %scan3A_80 : i32
      %scan3A_82 = arith.constant 1 : i32
      %scan3A_83 = scf.for %scan3A_173 = %scan3A_79 to %scan3A_81 step %scan3A_82 iter_args(%scan3A_174 = %scan3A_78) -> (i32)  : i32 {
        %add3A_175 = arith.constant 64 : i32
        %add3A_176 = arith.addi %add3A_175, %scan3A_173 : i32
        %get3A = arith.index_cast %add3A_176 : i32 to index
        %get3A_177 = memref.load %arg11[%get3A] : memref<256xi32, #tpu.memory_space<smem>>
        %shift_right_logical3A = arith.constant 10 : i32
        %shift_right_logical3A_178 = arith.shrui %get3A_177, %shift_right_logical3A : i32
        %multiple_of3A = tpu.assume_multiple %shift_right_logical3A_178, 32 : i32
        %and3A_179 = arith.constant 1023 : i32
        %and3A_180 = arith.andi %get3A_177, %and3A_179 : i32
        %shift_right_logical3A_181 = arith.constant 5 : i32
        %shift_right_logical3A_182 = arith.shrui %and3A_180, %shift_right_logical3A_181 : i32
        %while3A_183 = arith.constant 0 : i32
        %while3A_184 = arith.constant 0 : i32
        %while3A_185 = arith.subi %shift_right_logical3A_182, %while3A_184 : i32
        %while3A_186 = arith.addi %while3A_184, %while3A_185 : i32
        %while3A_187 = arith.constant 1 : i32
        %while3A_188 = arith.divsi %while3A_185, %while3A_187 : i32
        %while3A_189 = arith.muli %while3A_188, %while3A_187 : i32
        %while3A_190 = arith.addi %while3A_184, %while3A_189 : i32
        %while3A_191 = arith.constant 1 : i32
        scf.for %while3A_203 = %while3A_184 to %while3A_190 step %while3A_191  : i32 {
          %mul3A_204 = arith.constant 192 : i32
          %mul3A_205 = arith.muli %scan3A_173, %mul3A_204 : i32
          %add3A_206 = arith.addi %mul3A_205, %multiple_of3A : i32
          %mul3A_207 = arith.constant 32 : i32
          %mul3A_208 = arith.muli %mul3A_207, %while3A_203 : i32
          %add3A_209 = arith.addi %add3A_206, %mul3A_208 : i32
          %multiple_of3A_210 = tpu.assume_multiple %add3A_209, 32 : i32
          %dma_start3A_211 = tpu.memref_slice %arg15[%multiple_of3A_210] : memref<12288xf32, #tpu.memory_space<vmem>> -> memref<32xf32, #tpu.memory_space<vmem>>
          %dma_start3A_212 = tpu.memref_slice %arg13[%multiple_of3A_210] : memref<12288xi32, #tpu.memory_space<vmem>> -> memref<32xi32, #tpu.memory_space<vmem>>
          %dma_start3A_213 = arith.constant 0 : i32
          %dma_start3A_214 = tpu.memref_slice %arg9[%dma_start3A_213] : memref<1048576xf32, #tpu.memory_space<vmem_shared>> -> memref<1048576xf32, #tpu.memory_space<vmem_shared>>
          tpu.enqueue_indirect_dma source(%dma_start3A_214 : memref<1048576xf32, #tpu.memory_space<vmem_shared>>) target(%dma_start3A_211 : memref<32xf32, #tpu.memory_space<vmem>>) offsets(%dma_start3A_212 : memref<32xi32, #tpu.memory_space<vmem>>) semaphore(%arg17 : memref<!tpu.dma_semaphore, #tpu.memory_space<semaphore_mem>>)
        }
        %while3A_192 = arith.constant 1 : i32
        scf.for %while3A_203 = %while3A_190 to %while3A_186 step %while3A_192  : i32 {
          %mul3A_204 = arith.constant 192 : i32
          %mul3A_205 = arith.muli %scan3A_173, %mul3A_204 : i32
          %add3A_206 = arith.addi %mul3A_205, %multiple_of3A : i32
          %mul3A_207 = arith.constant 32 : i32
          %mul3A_208 = arith.muli %mul3A_207, %while3A_203 : i32
          %add3A_209 = arith.addi %add3A_206, %mul3A_208 : i32
          %multiple_of3A_210 = tpu.assume_multiple %add3A_209, 32 : i32
          %dma_start3A_211 = tpu.memref_slice %arg15[%multiple_of3A_210] : memref<12288xf32, #tpu.memory_space<vmem>> -> memref<32xf32, #tpu.memory_space<vmem>>
          %dma_start3A_212 = tpu.memref_slice %arg13[%multiple_of3A_210] : memref<12288xi32, #tpu.memory_space<vmem>> -> memref<32xi32, #tpu.memory_space<vmem>>
          %dma_start3A_213 = arith.constant 0 : i32
          %dma_start3A_214 = tpu.memref_slice %arg9[%dma_start3A_213] : memref<1048576xf32, #tpu.memory_space<vmem_shared>> -> memref<1048576xf32, #tpu.memory_space<vmem_shared>>
          tpu.enqueue_indirect_dma source(%dma_start3A_214 : memref<1048576xf32, #tpu.memory_space<vmem_shared>>) target(%dma_start3A_211 : memref<32xf32, #tpu.memory_space<vmem>>) offsets(%dma_start3A_212 : memref<32xi32, #tpu.memory_space<vmem>>) semaphore(%arg17 : memref<!tpu.dma_semaphore, #tpu.memory_space<semaphore_mem>>)
        }
        %while3A_193 = arith.constant 0 : i32
        %while3A_194 = arith.constant 0 : i32
        %while3A_195 = arith.subi %scan3A_174, %while3A_194 : i32
        %while3A_196 = arith.addi %while3A_194, %while3A_195 : i32
        %while3A_197 = arith.constant 1 : i32
        %while3A_198 = arith.divsi %while3A_195, %while3A_197 : i32
        %while3A_199 = arith.muli %while3A_198, %while3A_197 : i32
        %while3A_200 = arith.addi %while3A_194, %while3A_199 : i32
        %while3A_201 = arith.constant 1 : i32
        scf.for %while3A_203 = %while3A_194 to %while3A_200 step %while3A_201  : i32 {
          %dma_wait3A_204 = arith.constant 0 : i32
          %dma_wait3A_205 = tpu.memref_slice %arg3[%dma_wait3A_204] : memref<786432xi32, #tpu.memory_space<hbm>> -> memref<32xi32, #tpu.memory_space<hbm>>
          %dma_wait3A_206 = arith.constant 0 : i32
          %dma_wait3A_207 = tpu.memref_slice %arg3[%dma_wait3A_206] : memref<786432xi32, #tpu.memory_space<hbm>> -> memref<32xi32, #tpu.memory_space<hbm>>
          tpu.wait_dma2 semaphore(%arg17 : memref<!tpu.dma_semaphore, #tpu.memory_space<semaphore_mem>>) src(%dma_wait3A_207 : memref<32xi32, #tpu.memory_space<hbm>>) dst(%arg16 : memref<32xi32, #tpu.memory_space<vmem>>)
        }
        %while3A_202 = arith.constant 1 : i32
        scf.for %while3A_203 = %while3A_200 to %while3A_196 step %while3A_202  : i32 {
          %dma_wait3A_204 = arith.constant 0 : i32
          %dma_wait3A_205 = tpu.memref_slice %arg3[%dma_wait3A_204] : memref<786432xi32, #tpu.memory_space<hbm>> -> memref<32xi32, #tpu.memory_space<hbm>>
          %dma_wait3A_206 = arith.constant 0 : i32
          %dma_wait3A_207 = tpu.memref_slice %arg3[%dma_wait3A_206] : memref<786432xi32, #tpu.memory_space<hbm>> -> memref<32xi32, #tpu.memory_space<hbm>>
          tpu.wait_dma2 semaphore(%arg17 : memref<!tpu.dma_semaphore, #tpu.memory_space<semaphore_mem>>) src(%dma_wait3A_207 : memref<32xi32, #tpu.memory_space<hbm>>) dst(%arg16 : memref<32xi32, #tpu.memory_space<vmem>>)
        }
        scf.yield %shift_right_logical3A_182 : i32
      }
      %scan3A_84 = arith.constant 64 : i32
      %while3A_85 = arith.constant 0 : i32
      %while3A_86 = arith.constant 0 : i32
      %while3A_87 = arith.subi %scan3A_83, %while3A_86 : i32
      %while3A_88 = arith.addi %while3A_86, %while3A_87 : i32
      %while3A_89 = arith.constant 1 : i32
      %while3A_90 = arith.divsi %while3A_87, %while3A_89 : i32
      %while3A_91 = arith.muli %while3A_90, %while3A_89 : i32
      %while3A_92 = arith.addi %while3A_86, %while3A_91 : i32
      %while3A_93 = arith.constant 1 : i32
      scf.for %while3A_173 = %while3A_86 to %while3A_92 step %while3A_93  : i32 {
        %dma_wait3A_174 = arith.constant 0 : i32
        %dma_wait3A_175 = tpu.memref_slice %arg3[%dma_wait3A_174] : memref<786432xi32, #tpu.memory_space<hbm>> -> memref<32xi32, #tpu.memory_space<hbm>>
        %dma_wait3A_176 = arith.constant 0 : i32
        %dma_wait3A_177 = tpu.memref_slice %arg3[%dma_wait3A_176] : memref<786432xi32, #tpu.memory_space<hbm>> -> memref<32xi32, #tpu.memory_space<hbm>>
        tpu.wait_dma2 semaphore(%arg17 : memref<!tpu.dma_semaphore, #tpu.memory_space<semaphore_mem>>) src(%dma_wait3A_177 : memref<32xi32, #tpu.memory_space<hbm>>) dst(%arg16 : memref<32xi32, #tpu.memory_space<vmem>>)
      }
      %while3A_94 = arith.constant 1 : i32
      scf.for %while3A_173 = %while3A_92 to %while3A_88 step %while3A_94  : i32 {
        %dma_wait3A_174 = arith.constant 0 : i32
        %dma_wait3A_175 = tpu.memref_slice %arg3[%dma_wait3A_174] : memref<786432xi32, #tpu.memory_space<hbm>> -> memref<32xi32, #tpu.memory_space<hbm>>
        %dma_wait3A_176 = arith.constant 0 : i32
        %dma_wait3A_177 = tpu.memref_slice %arg3[%dma_wait3A_176] : memref<786432xi32, #tpu.memory_space<hbm>> -> memref<32xi32, #tpu.memory_space<hbm>>
        tpu.wait_dma2 semaphore(%arg17 : memref<!tpu.dma_semaphore, #tpu.memory_space<semaphore_mem>>) src(%dma_wait3A_177 : memref<32xi32, #tpu.memory_space<hbm>>) dst(%arg16 : memref<32xi32, #tpu.memory_space<vmem>>)
      }
      %mul3A_95 = arith.constant 256 : i32
      %mul3A_96 = arith.muli %arg1, %mul3A_95 : i32
      %add3A_97 = arith.constant 64 : i32
      %add3A_98 = arith.addi %mul3A_96, %add3A_97 : i32
      %mul3A_99 = arith.constant 192 : i32
      %mul3A_100 = arith.muli %add3A_98, %mul3A_99 : i32
      %dma_start3A_101 = tpu.memref_slice %arg8[%mul3A_100] : memref<786432xf32, #tpu.memory_space<hbm>> -> memref<12288xf32, #tpu.memory_space<hbm>>
      %dma_start3A_102 = tpu.memref_slice %arg8[%mul3A_100] : memref<786432xf32, #tpu.memory_space<hbm>> -> memref<12288xf32, #tpu.memory_space<hbm>>
      tpu.enqueue_dma source(%arg15 : memref<12288xf32, #tpu.memory_space<vmem>>) target(%dma_start3A_102 : memref<12288xf32, #tpu.memory_space<hbm>>) target_semaphore(%arg19 : memref<!tpu.dma_semaphore, #tpu.memory_space<semaphore_mem>>)
      %mul3A_103 = arith.constant 256 : i32
      %mul3A_104 = arith.muli %arg1, %mul3A_103 : i32
      %add3A_105 = arith.constant 192 : i32
      %add3A_106 = arith.addi %mul3A_104, %add3A_105 : i32
      %mul3A_107 = arith.constant 192 : i32
      %mul3A_108 = arith.muli %add3A_106, %mul3A_107 : i32
      %dma_start3A_109 = tpu.memref_slice %arg3[%mul3A_108] : memref<786432xi32, #tpu.memory_space<hbm>> -> memref<12288xi32, #tpu.memory_space<hbm>>
      %dma_start3A_110 = tpu.memref_slice %arg3[%mul3A_108] : memref<786432xi32, #tpu.memory_space<hbm>> -> memref<12288xi32, #tpu.memory_space<hbm>>
      tpu.enqueue_dma source(%dma_start3A_110 : memref<12288xi32, #tpu.memory_space<hbm>>) target(%arg13 : memref<12288xi32, #tpu.memory_space<vmem>>) target_semaphore(%arg18 : memref<!tpu.dma_semaphore, #tpu.memory_space<semaphore_mem>>)
      %dma_wait3A_111 = tpu.memref_slice %arg3[%mul3A_73] : memref<786432xi32, #tpu.memory_space<hbm>> -> memref<12288xi32, #tpu.memory_space<hbm>>
      %dma_wait3A_112 = tpu.memref_slice %arg3[%mul3A_73] : memref<786432xi32, #tpu.memory_space<hbm>> -> memref<12288xi32, #tpu.memory_space<hbm>>
      tpu.wait_dma2 semaphore(%arg18 : memref<!tpu.dma_semaphore, #tpu.memory_space<semaphore_mem>>) src(%dma_wait3A_112 : memref<12288xi32, #tpu.memory_space<hbm>>) dst(%arg12 : memref<12288xi32, #tpu.memory_space<vmem>>)
      %dma_wait3A_113 = tpu.memref_slice %arg8[%mul3A_65] : memref<786432xf32, #tpu.memory_space<hbm>> -> memref<12288xf32, #tpu.memory_space<hbm>>
      %dma_wait3A_114 = tpu.memref_slice %arg8[%mul3A_65] : memref<786432xf32, #tpu.memory_space<hbm>> -> memref<12288xf32, #tpu.memory_space<hbm>>
      tpu.wait_dma2 semaphore(%arg19 : memref<!tpu.dma_semaphore, #tpu.memory_space<semaphore_mem>>) src(%arg14 : memref<12288xf32, #tpu.memory_space<vmem>>) dst(%dma_wait3A_114 : memref<12288xf32, #tpu.memory_space<hbm>>)
      %scan3A_115 = arith.constant 0 : i32
      %scan3A_116 = arith.constant 0 : i32
      %scan3A_117 = arith.constant 64 : i32
      %scan3A_118 = arith.addi %scan3A_116, %scan3A_117 : i32
      %scan3A_119 = arith.constant 1 : i32
      %scan3A_120 = scf.for %scan3A_173 = %scan3A_116 to %scan3A_118 step %scan3A_119 iter_args(%scan3A_174 = %scan3A_115) -> (i32)  : i32 {
        %add3A_175 = arith.constant 128 : i32
        %add3A_176 = arith.addi %add3A_175, %scan3A_173 : i32
        %get3A = arith.index_cast %add3A_176 : i32 to index
        %get3A_177 = memref.load %arg11[%get3A] : memref<256xi32, #tpu.memory_space<smem>>
        %shift_right_logical3A = arith.constant 10 : i32
        %shift_right_logical3A_178 = arith.shrui %get3A_177, %shift_right_logical3A : i32
        %multiple_of3A = tpu.assume_multiple %shift_right_logical3A_178, 32 : i32
        %and3A_179 = arith.constant 1023 : i32
        %and3A_180 = arith.andi %get3A_177, %and3A_179 : i32
        %shift_right_logical3A_181 = arith.constant 5 : i32
        %shift_right_logical3A_182 = arith.shrui %and3A_180, %shift_right_logical3A_181 : i32
        %while3A_183 = arith.constant 0 : i32
        %while3A_184 = arith.constant 0 : i32
        %while3A_185 = arith.subi %shift_right_logical3A_182, %while3A_184 : i32
        %while3A_186 = arith.addi %while3A_184, %while3A_185 : i32
        %while3A_187 = arith.constant 1 : i32
        %while3A_188 = arith.divsi %while3A_185, %while3A_187 : i32
        %while3A_189 = arith.muli %while3A_188, %while3A_187 : i32
        %while3A_190 = arith.addi %while3A_184, %while3A_189 : i32
        %while3A_191 = arith.constant 1 : i32
        scf.for %while3A_203 = %while3A_184 to %while3A_190 step %while3A_191  : i32 {
          %mul3A_204 = arith.constant 192 : i32
          %mul3A_205 = arith.muli %scan3A_173, %mul3A_204 : i32
          %add3A_206 = arith.addi %mul3A_205, %multiple_of3A : i32
          %mul3A_207 = arith.constant 32 : i32
          %mul3A_208 = arith.muli %mul3A_207, %while3A_203 : i32
          %add3A_209 = arith.addi %add3A_206, %mul3A_208 : i32
          %multiple_of3A_210 = tpu.assume_multiple %add3A_209, 32 : i32
          %dma_start3A_211 = tpu.memref_slice %arg14[%multiple_of3A_210] : memref<12288xf32, #tpu.memory_space<vmem>> -> memref<32xf32, #tpu.memory_space<vmem>>
          %dma_start3A_212 = tpu.memref_slice %arg12[%multiple_of3A_210] : memref<12288xi32, #tpu.memory_space<vmem>> -> memref<32xi32, #tpu.memory_space<vmem>>
          %dma_start3A_213 = arith.constant 0 : i32
          %dma_start3A_214 = tpu.memref_slice %arg9[%dma_start3A_213] : memref<1048576xf32, #tpu.memory_space<vmem_shared>> -> memref<1048576xf32, #tpu.memory_space<vmem_shared>>
          tpu.enqueue_indirect_dma source(%dma_start3A_214 : memref<1048576xf32, #tpu.memory_space<vmem_shared>>) target(%dma_start3A_211 : memref<32xf32, #tpu.memory_space<vmem>>) offsets(%dma_start3A_212 : memref<32xi32, #tpu.memory_space<vmem>>) semaphore(%arg17 : memref<!tpu.dma_semaphore, #tpu.memory_space<semaphore_mem>>)
        }
        %while3A_192 = arith.constant 1 : i32
        scf.for %while3A_203 = %while3A_190 to %while3A_186 step %while3A_192  : i32 {
          %mul3A_204 = arith.constant 192 : i32
          %mul3A_205 = arith.muli %scan3A_173, %mul3A_204 : i32
          %add3A_206 = arith.addi %mul3A_205, %multiple_of3A : i32
          %mul3A_207 = arith.constant 32 : i32
          %mul3A_208 = arith.muli %mul3A_207, %while3A_203 : i32
          %add3A_209 = arith.addi %add3A_206, %mul3A_208 : i32
          %multiple_of3A_210 = tpu.assume_multiple %add3A_209, 32 : i32
          %dma_start3A_211 = tpu.memref_slice %arg14[%multiple_of3A_210] : memref<12288xf32, #tpu.memory_space<vmem>> -> memref<32xf32, #tpu.memory_space<vmem>>
          %dma_start3A_212 = tpu.memref_slice %arg12[%multiple_of3A_210] : memref<12288xi32, #tpu.memory_space<vmem>> -> memref<32xi32, #tpu.memory_space<vmem>>
          %dma_start3A_213 = arith.constant 0 : i32
          %dma_start3A_214 = tpu.memref_slice %arg9[%dma_start3A_213] : memref<1048576xf32, #tpu.memory_space<vmem_shared>> -> memref<1048576xf32, #tpu.memory_space<vmem_shared>>
          tpu.enqueue_indirect_dma source(%dma_start3A_214 : memref<1048576xf32, #tpu.memory_space<vmem_shared>>) target(%dma_start3A_211 : memref<32xf32, #tpu.memory_space<vmem>>) offsets(%dma_start3A_212 : memref<32xi32, #tpu.memory_space<vmem>>) semaphore(%arg17 : memref<!tpu.dma_semaphore, #tpu.memory_space<semaphore_mem>>)
        }
        %while3A_193 = arith.constant 0 : i32
        %while3A_194 = arith.constant 0 : i32
        %while3A_195 = arith.subi %scan3A_174, %while3A_194 : i32
        %while3A_196 = arith.addi %while3A_194, %while3A_195 : i32
        %while3A_197 = arith.constant 1 : i32
        %while3A_198 = arith.divsi %while3A_195, %while3A_197 : i32
        %while3A_199 = arith.muli %while3A_198, %while3A_197 : i32
        %while3A_200 = arith.addi %while3A_194, %while3A_199 : i32
        %while3A_201 = arith.constant 1 : i32
        scf.for %while3A_203 = %while3A_194 to %while3A_200 step %while3A_201  : i32 {
          %dma_wait3A_204 = arith.constant 0 : i32
          %dma_wait3A_205 = tpu.memref_slice %arg3[%dma_wait3A_204] : memref<786432xi32, #tpu.memory_space<hbm>> -> memref<32xi32, #tpu.memory_space<hbm>>
          %dma_wait3A_206 = arith.constant 0 : i32
          %dma_wait3A_207 = tpu.memref_slice %arg3[%dma_wait3A_206] : memref<786432xi32, #tpu.memory_space<hbm>> -> memref<32xi32, #tpu.memory_space<hbm>>
          tpu.wait_dma2 semaphore(%arg17 : memref<!tpu.dma_semaphore, #tpu.memory_space<semaphore_mem>>) src(%dma_wait3A_207 : memref<32xi32, #tpu.memory_space<hbm>>) dst(%arg16 : memref<32xi32, #tpu.memory_space<vmem>>)
        }
        %while3A_202 = arith.constant 1 : i32
        scf.for %while3A_203 = %while3A_200 to %while3A_196 step %while3A_202  : i32 {
          %dma_wait3A_204 = arith.constant 0 : i32
          %dma_wait3A_205 = tpu.memref_slice %arg3[%dma_wait3A_204] : memref<786432xi32, #tpu.memory_space<hbm>> -> memref<32xi32, #tpu.memory_space<hbm>>
          %dma_wait3A_206 = arith.constant 0 : i32
          %dma_wait3A_207 = tpu.memref_slice %arg3[%dma_wait3A_206] : memref<786432xi32, #tpu.memory_space<hbm>> -> memref<32xi32, #tpu.memory_space<hbm>>
          tpu.wait_dma2 semaphore(%arg17 : memref<!tpu.dma_semaphore, #tpu.memory_space<semaphore_mem>>) src(%dma_wait3A_207 : memref<32xi32, #tpu.memory_space<hbm>>) dst(%arg16 : memref<32xi32, #tpu.memory_space<vmem>>)
        }
        scf.yield %shift_right_logical3A_182 : i32
      }
      %scan3A_121 = arith.constant 64 : i32
      %while3A_122 = arith.constant 0 : i32
      %while3A_123 = arith.constant 0 : i32
      %while3A_124 = arith.subi %scan3A_120, %while3A_123 : i32
      %while3A_125 = arith.addi %while3A_123, %while3A_124 : i32
      %while3A_126 = arith.constant 1 : i32
      %while3A_127 = arith.divsi %while3A_124, %while3A_126 : i32
      %while3A_128 = arith.muli %while3A_127, %while3A_126 : i32
      %while3A_129 = arith.addi %while3A_123, %while3A_128 : i32
      %while3A_130 = arith.constant 1 : i32
      scf.for %while3A_173 = %while3A_123 to %while3A_129 step %while3A_130  : i32 {
        %dma_wait3A_174 = arith.constant 0 : i32
        %dma_wait3A_175 = tpu.memref_slice %arg3[%dma_wait3A_174] : memref<786432xi32, #tpu.memory_space<hbm>> -> memref<32xi32, #tpu.memory_space<hbm>>
        %dma_wait3A_176 = arith.constant 0 : i32
        %dma_wait3A_177 = tpu.memref_slice %arg3[%dma_wait3A_176] : memref<786432xi32, #tpu.memory_space<hbm>> -> memref<32xi32, #tpu.memory_space<hbm>>
        tpu.wait_dma2 semaphore(%arg17 : memref<!tpu.dma_semaphore, #tpu.memory_space<semaphore_mem>>) src(%dma_wait3A_177 : memref<32xi32, #tpu.memory_space<hbm>>) dst(%arg16 : memref<32xi32, #tpu.memory_space<vmem>>)
      }
      %while3A_131 = arith.constant 1 : i32
      scf.for %while3A_173 = %while3A_129 to %while3A_125 step %while3A_131  : i32 {
        %dma_wait3A_174 = arith.constant 0 : i32
        %dma_wait3A_175 = tpu.memref_slice %arg3[%dma_wait3A_174] : memref<786432xi32, #tpu.memory_space<hbm>> -> memref<32xi32, #tpu.memory_space<hbm>>
        %dma_wait3A_176 = arith.constant 0 : i32
        %dma_wait3A_177 = tpu.memref_slice %arg3[%dma_wait3A_176] : memref<786432xi32, #tpu.memory_space<hbm>> -> memref<32xi32, #tpu.memory_space<hbm>>
        tpu.wait_dma2 semaphore(%arg17 : memref<!tpu.dma_semaphore, #tpu.memory_space<semaphore_mem>>) src(%dma_wait3A_177 : memref<32xi32, #tpu.memory_space<hbm>>) dst(%arg16 : memref<32xi32, #tpu.memory_space<vmem>>)
      }
      %mul3A_132 = arith.constant 256 : i32
      %mul3A_133 = arith.muli %arg1, %mul3A_132 : i32
      %add3A_134 = arith.constant 128 : i32
      %add3A_135 = arith.addi %mul3A_133, %add3A_134 : i32
      %mul3A_136 = arith.constant 192 : i32
      %mul3A_137 = arith.muli %add3A_135, %mul3A_136 : i32
      %dma_start3A_138 = tpu.memref_slice %arg8[%mul3A_137] : memref<786432xf32, #tpu.memory_space<hbm>> -> memref<12288xf32, #tpu.memory_space<hbm>>
      %dma_start3A_139 = tpu.memref_slice %arg8[%mul3A_137] : memref<786432xf32, #tpu.memory_space<hbm>> -> memref<12288xf32, #tpu.memory_space<hbm>>
      tpu.enqueue_dma source(%arg14 : memref<12288xf32, #tpu.memory_space<vmem>>) target(%dma_start3A_139 : memref<12288xf32, #tpu.memory_space<hbm>>) target_semaphore(%arg19 : memref<!tpu.dma_semaphore, #tpu.memory_space<semaphore_mem>>)
      %dma_wait3A_140 = tpu.memref_slice %arg3[%mul3A_108] : memref<786432xi32, #tpu.memory_space<hbm>> -> memref<12288xi32, #tpu.memory_space<hbm>>
      %dma_wait3A_141 = tpu.memref_slice %arg3[%mul3A_108] : memref<786432xi32, #tpu.memory_space<hbm>> -> memref<12288xi32, #tpu.memory_space<hbm>>
      tpu.wait_dma2 semaphore(%arg18 : memref<!tpu.dma_semaphore, #tpu.memory_space<semaphore_mem>>) src(%dma_wait3A_141 : memref<12288xi32, #tpu.memory_space<hbm>>) dst(%arg13 : memref<12288xi32, #tpu.memory_space<vmem>>)
      %dma_wait3A_142 = tpu.memref_slice %arg8[%mul3A_100] : memref<786432xf32, #tpu.memory_space<hbm>> -> memref<12288xf32, #tpu.memory_space<hbm>>
      %dma_wait3A_143 = tpu.memref_slice %arg8[%mul3A_100] : memref<786432xf32, #tpu.memory_space<hbm>> -> memref<12288xf32, #tpu.memory_space<hbm>>
      tpu.wait_dma2 semaphore(%arg19 : memref<!tpu.dma_semaphore, #tpu.memory_space<semaphore_mem>>) src(%arg15 : memref<12288xf32, #tpu.memory_space<vmem>>) dst(%dma_wait3A_143 : memref<12288xf32, #tpu.memory_space<hbm>>)
      %scan3A_144 = arith.constant 0 : i32
      %scan3A_145 = arith.constant 0 : i32
      %scan3A_146 = arith.constant 64 : i32
      %scan3A_147 = arith.addi %scan3A_145, %scan3A_146 : i32
      %scan3A_148 = arith.constant 1 : i32
      %scan3A_149 = scf.for %scan3A_173 = %scan3A_145 to %scan3A_147 step %scan3A_148 iter_args(%scan3A_174 = %scan3A_144) -> (i32)  : i32 {
        %add3A_175 = arith.constant 192 : i32
        %add3A_176 = arith.addi %add3A_175, %scan3A_173 : i32
        %get3A = arith.index_cast %add3A_176 : i32 to index
        %get3A_177 = memref.load %arg11[%get3A] : memref<256xi32, #tpu.memory_space<smem>>
        %shift_right_logical3A = arith.constant 10 : i32
        %shift_right_logical3A_178 = arith.shrui %get3A_177, %shift_right_logical3A : i32
        %multiple_of3A = tpu.assume_multiple %shift_right_logical3A_178, 32 : i32
        %and3A_179 = arith.constant 1023 : i32
        %and3A_180 = arith.andi %get3A_177, %and3A_179 : i32
        %shift_right_logical3A_181 = arith.constant 5 : i32
        %shift_right_logical3A_182 = arith.shrui %and3A_180, %shift_right_logical3A_181 : i32
        %while3A_183 = arith.constant 0 : i32
        %while3A_184 = arith.constant 0 : i32
        %while3A_185 = arith.subi %shift_right_logical3A_182, %while3A_184 : i32
        %while3A_186 = arith.addi %while3A_184, %while3A_185 : i32
        %while3A_187 = arith.constant 1 : i32
        %while3A_188 = arith.divsi %while3A_185, %while3A_187 : i32
        %while3A_189 = arith.muli %while3A_188, %while3A_187 : i32
        %while3A_190 = arith.addi %while3A_184, %while3A_189 : i32
        %while3A_191 = arith.constant 1 : i32
        scf.for %while3A_203 = %while3A_184 to %while3A_190 step %while3A_191  : i32 {
          %mul3A_204 = arith.constant 192 : i32
          %mul3A_205 = arith.muli %scan3A_173, %mul3A_204 : i32
          %add3A_206 = arith.addi %mul3A_205, %multiple_of3A : i32
          %mul3A_207 = arith.constant 32 : i32
          %mul3A_208 = arith.muli %mul3A_207, %while3A_203 : i32
          %add3A_209 = arith.addi %add3A_206, %mul3A_208 : i32
          %multiple_of3A_210 = tpu.assume_multiple %add3A_209, 32 : i32
          %dma_start3A_211 = tpu.memref_slice %arg15[%multiple_of3A_210] : memref<12288xf32, #tpu.memory_space<vmem>> -> memref<32xf32, #tpu.memory_space<vmem>>
          %dma_start3A_212 = tpu.memref_slice %arg13[%multiple_of3A_210] : memref<12288xi32, #tpu.memory_space<vmem>> -> memref<32xi32, #tpu.memory_space<vmem>>
          %dma_start3A_213 = arith.constant 0 : i32
          %dma_start3A_214 = tpu.memref_slice %arg9[%dma_start3A_213] : memref<1048576xf32, #tpu.memory_space<vmem_shared>> -> memref<1048576xf32, #tpu.memory_space<vmem_shared>>
          tpu.enqueue_indirect_dma source(%dma_start3A_214 : memref<1048576xf32, #tpu.memory_space<vmem_shared>>) target(%dma_start3A_211 : memref<32xf32, #tpu.memory_space<vmem>>) offsets(%dma_start3A_212 : memref<32xi32, #tpu.memory_space<vmem>>) semaphore(%arg17 : memref<!tpu.dma_semaphore, #tpu.memory_space<semaphore_mem>>)
        }
        %while3A_192 = arith.constant 1 : i32
        scf.for %while3A_203 = %while3A_190 to %while3A_186 step %while3A_192  : i32 {
          %mul3A_204 = arith.constant 192 : i32
          %mul3A_205 = arith.muli %scan3A_173, %mul3A_204 : i32
          %add3A_206 = arith.addi %mul3A_205, %multiple_of3A : i32
          %mul3A_207 = arith.constant 32 : i32
          %mul3A_208 = arith.muli %mul3A_207, %while3A_203 : i32
          %add3A_209 = arith.addi %add3A_206, %mul3A_208 : i32
          %multiple_of3A_210 = tpu.assume_multiple %add3A_209, 32 : i32
          %dma_start3A_211 = tpu.memref_slice %arg15[%multiple_of3A_210] : memref<12288xf32, #tpu.memory_space<vmem>> -> memref<32xf32, #tpu.memory_space<vmem>>
          %dma_start3A_212 = tpu.memref_slice %arg13[%multiple_of3A_210] : memref<12288xi32, #tpu.memory_space<vmem>> -> memref<32xi32, #tpu.memory_space<vmem>>
          %dma_start3A_213 = arith.constant 0 : i32
          %dma_start3A_214 = tpu.memref_slice %arg9[%dma_start3A_213] : memref<1048576xf32, #tpu.memory_space<vmem_shared>> -> memref<1048576xf32, #tpu.memory_space<vmem_shared>>
          tpu.enqueue_indirect_dma source(%dma_start3A_214 : memref<1048576xf32, #tpu.memory_space<vmem_shared>>) target(%dma_start3A_211 : memref<32xf32, #tpu.memory_space<vmem>>) offsets(%dma_start3A_212 : memref<32xi32, #tpu.memory_space<vmem>>) semaphore(%arg17 : memref<!tpu.dma_semaphore, #tpu.memory_space<semaphore_mem>>)
        }
        %while3A_193 = arith.constant 0 : i32
        %while3A_194 = arith.constant 0 : i32
        %while3A_195 = arith.subi %scan3A_174, %while3A_194 : i32
        %while3A_196 = arith.addi %while3A_194, %while3A_195 : i32
        %while3A_197 = arith.constant 1 : i32
        %while3A_198 = arith.divsi %while3A_195, %while3A_197 : i32
        %while3A_199 = arith.muli %while3A_198, %while3A_197 : i32
        %while3A_200 = arith.addi %while3A_194, %while3A_199 : i32
        %while3A_201 = arith.constant 1 : i32
        scf.for %while3A_203 = %while3A_194 to %while3A_200 step %while3A_201  : i32 {
          %dma_wait3A_204 = arith.constant 0 : i32
          %dma_wait3A_205 = tpu.memref_slice %arg3[%dma_wait3A_204] : memref<786432xi32, #tpu.memory_space<hbm>> -> memref<32xi32, #tpu.memory_space<hbm>>
          %dma_wait3A_206 = arith.constant 0 : i32
          %dma_wait3A_207 = tpu.memref_slice %arg3[%dma_wait3A_206] : memref<786432xi32, #tpu.memory_space<hbm>> -> memref<32xi32, #tpu.memory_space<hbm>>
          tpu.wait_dma2 semaphore(%arg17 : memref<!tpu.dma_semaphore, #tpu.memory_space<semaphore_mem>>) src(%dma_wait3A_207 : memref<32xi32, #tpu.memory_space<hbm>>) dst(%arg16 : memref<32xi32, #tpu.memory_space<vmem>>)
        }
        %while3A_202 = arith.constant 1 : i32
        scf.for %while3A_203 = %while3A_200 to %while3A_196 step %while3A_202  : i32 {
          %dma_wait3A_204 = arith.constant 0 : i32
          %dma_wait3A_205 = tpu.memref_slice %arg3[%dma_wait3A_204] : memref<786432xi32, #tpu.memory_space<hbm>> -> memref<32xi32, #tpu.memory_space<hbm>>
          %dma_wait3A_206 = arith.constant 0 : i32
          %dma_wait3A_207 = tpu.memref_slice %arg3[%dma_wait3A_206] : memref<786432xi32, #tpu.memory_space<hbm>> -> memref<32xi32, #tpu.memory_space<hbm>>
          tpu.wait_dma2 semaphore(%arg17 : memref<!tpu.dma_semaphore, #tpu.memory_space<semaphore_mem>>) src(%dma_wait3A_207 : memref<32xi32, #tpu.memory_space<hbm>>) dst(%arg16 : memref<32xi32, #tpu.memory_space<vmem>>)
        }
        scf.yield %shift_right_logical3A_182 : i32
      }
      %scan3A_150 = arith.constant 64 : i32
      %while3A_151 = arith.constant 0 : i32
      %while3A_152 = arith.constant 0 : i32
      %while3A_153 = arith.subi %scan3A_149, %while3A_152 : i32
      %while3A_154 = arith.addi %while3A_152, %while3A_153 : i32
      %while3A_155 = arith.constant 1 : i32
      %while3A_156 = arith.divsi %while3A_153, %while3A_155 : i32
      %while3A_157 = arith.muli %while3A_156, %while3A_155 : i32
      %while3A_158 = arith.addi %while3A_152, %while3A_157 : i32
      %while3A_159 = arith.constant 1 : i32
      scf.for %while3A_173 = %while3A_152 to %while3A_158 step %while3A_159  : i32 {
        %dma_wait3A_174 = arith.constant 0 : i32
        %dma_wait3A_175 = tpu.memref_slice %arg3[%dma_wait3A_174] : memref<786432xi32, #tpu.memory_space<hbm>> -> memref<32xi32, #tpu.memory_space<hbm>>
        %dma_wait3A_176 = arith.constant 0 : i32
        %dma_wait3A_177 = tpu.memref_slice %arg3[%dma_wait3A_176] : memref<786432xi32, #tpu.memory_space<hbm>> -> memref<32xi32, #tpu.memory_space<hbm>>
        tpu.wait_dma2 semaphore(%arg17 : memref<!tpu.dma_semaphore, #tpu.memory_space<semaphore_mem>>) src(%dma_wait3A_177 : memref<32xi32, #tpu.memory_space<hbm>>) dst(%arg16 : memref<32xi32, #tpu.memory_space<vmem>>)
      }
      %while3A_160 = arith.constant 1 : i32
      scf.for %while3A_173 = %while3A_158 to %while3A_154 step %while3A_160  : i32 {
        %dma_wait3A_174 = arith.constant 0 : i32
        %dma_wait3A_175 = tpu.memref_slice %arg3[%dma_wait3A_174] : memref<786432xi32, #tpu.memory_space<hbm>> -> memref<32xi32, #tpu.memory_space<hbm>>
        %dma_wait3A_176 = arith.constant 0 : i32
        %dma_wait3A_177 = tpu.memref_slice %arg3[%dma_wait3A_176] : memref<786432xi32, #tpu.memory_space<hbm>> -> memref<32xi32, #tpu.memory_space<hbm>>
        tpu.wait_dma2 semaphore(%arg17 : memref<!tpu.dma_semaphore, #tpu.memory_space<semaphore_mem>>) src(%dma_wait3A_177 : memref<32xi32, #tpu.memory_space<hbm>>) dst(%arg16 : memref<32xi32, #tpu.memory_space<vmem>>)
      }
      %mul3A_161 = arith.constant 256 : i32
      %mul3A_162 = arith.muli %arg1, %mul3A_161 : i32
      %add3A_163 = arith.constant 192 : i32
      %add3A_164 = arith.addi %mul3A_162, %add3A_163 : i32
      %mul3A_165 = arith.constant 192 : i32
      %mul3A_166 = arith.muli %add3A_164, %mul3A_165 : i32
      %dma_start3A_167 = tpu.memref_slice %arg8[%mul3A_166] : memref<786432xf32, #tpu.memory_space<hbm>> -> memref<12288xf32, #tpu.memory_space<hbm>>
      %dma_start3A_168 = tpu.memref_slice %arg8[%mul3A_166] : memref<786432xf32, #tpu.memory_space<hbm>> -> memref<12288xf32, #tpu.memory_space<hbm>>
      tpu.enqueue_dma source(%arg15 : memref<12288xf32, #tpu.memory_space<vmem>>) target(%dma_start3A_168 : memref<12288xf32, #tpu.memory_space<hbm>>) target_semaphore(%arg19 : memref<!tpu.dma_semaphore, #tpu.memory_space<semaphore_mem>>)
      %dma_wait3A_169 = tpu.memref_slice %arg8[%mul3A_137] : memref<786432xf32, #tpu.memory_space<hbm>> -> memref<12288xf32, #tpu.memory_space<hbm>>
      %dma_wait3A_170 = tpu.memref_slice %arg8[%mul3A_137] : memref<786432xf32, #tpu.memory_space<hbm>> -> memref<12288xf32, #tpu.memory_space<hbm>>
      tpu.wait_dma2 semaphore(%arg19 : memref<!tpu.dma_semaphore, #tpu.memory_space<semaphore_mem>>) src(%arg14 : memref<12288xf32, #tpu.memory_space<vmem>>) dst(%dma_wait3A_170 : memref<12288xf32, #tpu.memory_space<hbm>>)
      %dma_wait3A_171 = tpu.memref_slice %arg8[%mul3A_166] : memref<786432xf32, #tpu.memory_space<hbm>> -> memref<12288xf32, #tpu.memory_space<hbm>>
      %dma_wait3A_172 = tpu.memref_slice %arg8[%mul3A_166] : memref<786432xf32, #tpu.memory_space<hbm>> -> memref<12288xf32, #tpu.memory_space<hbm>>
      tpu.wait_dma2 semaphore(%arg19 : memref<!tpu.dma_semaphore, #tpu.memory_space<semaphore_mem>>) src(%arg15 : memref<12288xf32, #tpu.memory_space<vmem>>) dst(%dma_wait3A_172 : memref<12288xf32, #tpu.memory_space<hbm>>)
    } else {
    }
    return
  }
}

module attributes {stable_mosaic.version = 14 : i64} {
  func.func @_idx_body(%arg0: i32, %arg1: memref<512x6xf32, #tpu.memory_space<vmem>>, %arg2: memref<512x192xi32, #tpu.memory_space<vmem>>, %arg3: memref<512x192xi32, #tpu.memory_space<vmem>>, %arg4: memref<512x1xi32, #tpu.memory_space<vmem>>, %arg5: memref<512x1xi32, #tpu.memory_space<vmem>>, %arg6: memref<512x192xi8, #tpu.memory_space<vmem>>, %arg7: memref<512x1xf32, #tpu.memory_space<vmem>>, %arg8: memref<512x1xi32, #tpu.memory_space<vmem>>) attributes {dimension_semantics = [#tpu.dimension_semantics<arbitrary>], iteration_bounds = array<i64: 8>, scalar_prefetch = 0 : i64, scratch_operands = 0 : i64, tpu.core_type = #tpu.core_type<tc>, window_params = [{transform_indices = @transform_0, window_bounds = array<i64: 512, 6>}, {transform_indices = @transform_1, window_bounds = array<i64: 512, 192>}, {transform_indices = @transform_2, window_bounds = array<i64: 512, 192>}, {transform_indices = @transform_3, window_bounds = array<i64: 512, 1>}, {transform_indices = @transform_4, window_bounds = array<i64: 512, 1>}, {transform_indices = @transform_5, window_bounds = array<i64: 512, 192>}, {transform_indices = @transform_6, window_bounds = array<i64: 512, 1>}, {transform_indices = @transform_7, window_bounds = array<i64: 512, 1>}]} {
    %get3A = arith.constant 0 : index
    %get3A_0 = arith.constant 0 : index
    %get3A_1 = vector.load %arg1[%get3A, %get3A_0] : memref<512x6xf32, #tpu.memory_space<vmem>>, vector<512x1xf32>
    %get3A_2 = arith.constant 0 : index
    %get3A_3 = arith.constant 1 : index
    %get3A_4 = vector.load %arg1[%get3A_2, %get3A_3] : memref<512x6xf32, #tpu.memory_space<vmem>>, vector<512x1xf32>
    %get3A_5 = arith.constant 0 : index
    %get3A_6 = arith.constant 2 : index
    %get3A_7 = vector.load %arg1[%get3A_5, %get3A_6] : memref<512x6xf32, #tpu.memory_space<vmem>>, vector<512x1xf32>
    %get3A_8 = arith.constant 0 : index
    %get3A_9 = arith.constant 3 : index
    %get3A_10 = vector.load %arg1[%get3A_8, %get3A_9] : memref<512x6xf32, #tpu.memory_space<vmem>>, vector<512x1xf32>
    %get3A_11 = arith.constant 0 : index
    %get3A_12 = arith.constant 4 : index
    %get3A_13 = vector.load %arg1[%get3A_11, %get3A_12] : memref<512x6xf32, #tpu.memory_space<vmem>>, vector<512x1xf32>
    %get3A_14 = arith.constant 0 : index
    %get3A_15 = arith.constant 5 : index
    %get3A_16 = vector.load %arg1[%get3A_14, %get3A_15] : memref<512x6xf32, #tpu.memory_space<vmem>>, vector<512x1xf32>
    %mul3A = arith.mulf %get3A_10, %get3A_10 : vector<512x1xf32>
    %mul3A_17 = arith.mulf %get3A_13, %get3A_13 : vector<512x1xf32>
    %add3A = arith.addf %mul3A, %mul3A_17 : vector<512x1xf32>
    %mul3A_18 = arith.mulf %get3A_16, %get3A_16 : vector<512x1xf32>
    %add3A_19 = arith.addf %add3A, %mul3A_18 : vector<512x1xf32>
    %sqrt3A = math.sqrt %add3A_19 : vector<512x1xf32>
    %div3A = arith.divf %get3A_10, %sqrt3A : vector<512x1xf32>
    %eq3A = arith.constant 0.000000e+00 : f32
    %eq3A_20 = vector.broadcast %eq3A : f32 to vector<512x1xf32>
    %eq3A_21 = arith.cmpf oeq, %div3A, %eq3A_20 : vector<512x1xf32>
    %jit3A = arith.constant 1.000000e+00 : f32
    %broadcast_in_dim3A = vector.broadcast %jit3A : f32 to vector<512x1xf32>
    %select_n3A = arith.select %eq3A_21, %broadcast_in_dim3A, %div3A : vector<512x1xi1>, vector<512x1xf32>
    %sub3A = arith.constant -1.500000e+00 : f32
    %sub3A_22 = vector.broadcast %sub3A : f32 to vector<512x1xf32>
    %sub3A_23 = arith.subf %sub3A_22, %get3A_1 : vector<512x1xf32>
    %div3A_24 = arith.divf %sub3A_23, %select_n3A : vector<512x1xf32>
    %jit3A_25 = arith.constant -1.000000e+30 : f32
    %broadcast_in_dim3A_26 = vector.broadcast %jit3A_25 : f32 to vector<512x1xf32>
    %select_n3A_27 = arith.select %eq3A_21, %broadcast_in_dim3A_26, %div3A_24 : vector<512x1xi1>, vector<512x1xf32>
    %sub3A_28 = arith.constant 1.500000e+00 : f32
    %sub3A_29 = vector.broadcast %sub3A_28 : f32 to vector<512x1xf32>
    %sub3A_30 = arith.subf %sub3A_29, %get3A_1 : vector<512x1xf32>
    %div3A_31 = arith.divf %sub3A_30, %select_n3A : vector<512x1xf32>
    %jit3A_32 = arith.constant 1.000000e+30 : f32
    %broadcast_in_dim3A_33 = vector.broadcast %jit3A_32 : f32 to vector<512x1xf32>
    %select_n3A_34 = arith.select %eq3A_21, %broadcast_in_dim3A_33, %div3A_31 : vector<512x1xi1>, vector<512x1xf32>
    %min3A = arith.minimumf %select_n3A_27, %select_n3A_34 : vector<512x1xf32>
    %max3A = arith.maximumf %select_n3A_27, %select_n3A_34 : vector<512x1xf32>
    %ge3A = arith.constant -1.500000e+00 : f32
    %ge3A_35 = vector.broadcast %ge3A : f32 to vector<512x1xf32>
    %ge3A_36 = arith.cmpf oge, %get3A_1, %ge3A_35 : vector<512x1xf32>
    %le3A = arith.constant 1.500000e+00 : f32
    %le3A_37 = vector.broadcast %le3A : f32 to vector<512x1xf32>
    %le3A_38 = arith.cmpf ole, %get3A_1, %le3A_37 : vector<512x1xf32>
    %and3A = arith.andi %ge3A_36, %le3A_38 : vector<512x1xi1>
    %not3A = arith.constant dense<true> : vector<512x1xi1>
    %not3A_39 = arith.xori %eq3A_21, %not3A : vector<512x1xi1>
    %or3A = arith.ori %not3A_39, %and3A : vector<512x1xi1>
    %div3A_40 = arith.divf %get3A_13, %sqrt3A : vector<512x1xf32>
    %eq3A_41 = arith.constant 0.000000e+00 : f32
    %eq3A_42 = vector.broadcast %eq3A_41 : f32 to vector<512x1xf32>
    %eq3A_43 = arith.cmpf oeq, %div3A_40, %eq3A_42 : vector<512x1xf32>
    %jit3A_44 = arith.constant 1.000000e+00 : f32
    %broadcast_in_dim3A_45 = vector.broadcast %jit3A_44 : f32 to vector<512x1xf32>
    %select_n3A_46 = arith.select %eq3A_43, %broadcast_in_dim3A_45, %div3A_40 : vector<512x1xi1>, vector<512x1xf32>
    %sub3A_47 = arith.constant -1.500000e+00 : f32
    %sub3A_48 = vector.broadcast %sub3A_47 : f32 to vector<512x1xf32>
    %sub3A_49 = arith.subf %sub3A_48, %get3A_4 : vector<512x1xf32>
    %div3A_50 = arith.divf %sub3A_49, %select_n3A_46 : vector<512x1xf32>
    %jit3A_51 = arith.constant -1.000000e+30 : f32
    %broadcast_in_dim3A_52 = vector.broadcast %jit3A_51 : f32 to vector<512x1xf32>
    %select_n3A_53 = arith.select %eq3A_43, %broadcast_in_dim3A_52, %div3A_50 : vector<512x1xi1>, vector<512x1xf32>
    %sub3A_54 = arith.constant 1.500000e+00 : f32
    %sub3A_55 = vector.broadcast %sub3A_54 : f32 to vector<512x1xf32>
    %sub3A_56 = arith.subf %sub3A_55, %get3A_4 : vector<512x1xf32>
    %div3A_57 = arith.divf %sub3A_56, %select_n3A_46 : vector<512x1xf32>
    %jit3A_58 = arith.constant 1.000000e+30 : f32
    %broadcast_in_dim3A_59 = vector.broadcast %jit3A_58 : f32 to vector<512x1xf32>
    %select_n3A_60 = arith.select %eq3A_43, %broadcast_in_dim3A_59, %div3A_57 : vector<512x1xi1>, vector<512x1xf32>
    %min3A_61 = arith.minimumf %select_n3A_53, %select_n3A_60 : vector<512x1xf32>
    %max3A_62 = arith.maximumf %select_n3A_53, %select_n3A_60 : vector<512x1xf32>
    %ge3A_63 = arith.constant -1.500000e+00 : f32
    %ge3A_64 = vector.broadcast %ge3A_63 : f32 to vector<512x1xf32>
    %ge3A_65 = arith.cmpf oge, %get3A_4, %ge3A_64 : vector<512x1xf32>
    %le3A_66 = arith.constant 1.500000e+00 : f32
    %le3A_67 = vector.broadcast %le3A_66 : f32 to vector<512x1xf32>
    %le3A_68 = arith.cmpf ole, %get3A_4, %le3A_67 : vector<512x1xf32>
    %and3A_69 = arith.andi %ge3A_65, %le3A_68 : vector<512x1xi1>
    %not3A_70 = arith.constant dense<true> : vector<512x1xi1>
    %not3A_71 = arith.xori %eq3A_43, %not3A_70 : vector<512x1xi1>
    %or3A_72 = arith.ori %not3A_71, %and3A_69 : vector<512x1xi1>
    %div3A_73 = arith.divf %get3A_16, %sqrt3A : vector<512x1xf32>
    %eq3A_74 = arith.constant 0.000000e+00 : f32
    %eq3A_75 = vector.broadcast %eq3A_74 : f32 to vector<512x1xf32>
    %eq3A_76 = arith.cmpf oeq, %div3A_73, %eq3A_75 : vector<512x1xf32>
    %jit3A_77 = arith.constant 1.000000e+00 : f32
    %broadcast_in_dim3A_78 = vector.broadcast %jit3A_77 : f32 to vector<512x1xf32>
    %select_n3A_79 = arith.select %eq3A_76, %broadcast_in_dim3A_78, %div3A_73 : vector<512x1xi1>, vector<512x1xf32>
    %sub3A_80 = arith.constant -1.500000e+00 : f32
    %sub3A_81 = vector.broadcast %sub3A_80 : f32 to vector<512x1xf32>
    %sub3A_82 = arith.subf %sub3A_81, %get3A_7 : vector<512x1xf32>
    %div3A_83 = arith.divf %sub3A_82, %select_n3A_79 : vector<512x1xf32>
    %jit3A_84 = arith.constant -1.000000e+30 : f32
    %broadcast_in_dim3A_85 = vector.broadcast %jit3A_84 : f32 to vector<512x1xf32>
    %select_n3A_86 = arith.select %eq3A_76, %broadcast_in_dim3A_85, %div3A_83 : vector<512x1xi1>, vector<512x1xf32>
    %sub3A_87 = arith.constant 1.500000e+00 : f32
    %sub3A_88 = vector.broadcast %sub3A_87 : f32 to vector<512x1xf32>
    %sub3A_89 = arith.subf %sub3A_88, %get3A_7 : vector<512x1xf32>
    %div3A_90 = arith.divf %sub3A_89, %select_n3A_79 : vector<512x1xf32>
    %jit3A_91 = arith.constant 1.000000e+30 : f32
    %broadcast_in_dim3A_92 = vector.broadcast %jit3A_91 : f32 to vector<512x1xf32>
    %select_n3A_93 = arith.select %eq3A_76, %broadcast_in_dim3A_92, %div3A_90 : vector<512x1xi1>, vector<512x1xf32>
    %min3A_94 = arith.minimumf %select_n3A_86, %select_n3A_93 : vector<512x1xf32>
    %max3A_95 = arith.maximumf %select_n3A_86, %select_n3A_93 : vector<512x1xf32>
    %ge3A_96 = arith.constant -1.500000e+00 : f32
    %ge3A_97 = vector.broadcast %ge3A_96 : f32 to vector<512x1xf32>
    %ge3A_98 = arith.cmpf oge, %get3A_7, %ge3A_97 : vector<512x1xf32>
    %le3A_99 = arith.constant 1.500000e+00 : f32
    %le3A_100 = vector.broadcast %le3A_99 : f32 to vector<512x1xf32>
    %le3A_101 = arith.cmpf ole, %get3A_7, %le3A_100 : vector<512x1xf32>
    %and3A_102 = arith.andi %ge3A_98, %le3A_101 : vector<512x1xi1>
    %not3A_103 = arith.constant dense<true> : vector<512x1xi1>
    %not3A_104 = arith.xori %eq3A_76, %not3A_103 : vector<512x1xi1>
    %or3A_105 = arith.ori %not3A_104, %and3A_102 : vector<512x1xi1>
    %max3A_106 = arith.maximumf %min3A, %min3A_61 : vector<512x1xf32>
    %max3A_107 = arith.maximumf %max3A_106, %min3A_94 : vector<512x1xf32>
    %min3A_108 = arith.minimumf %max3A, %max3A_62 : vector<512x1xf32>
    %min3A_109 = arith.minimumf %min3A_108, %max3A_95 : vector<512x1xf32>
    %and3A_110 = arith.andi %or3A, %or3A_72 : vector<512x1xi1>
    %and3A_111 = arith.andi %and3A_110, %or3A_105 : vector<512x1xi1>
    %le3A_112 = arith.cmpf ole, %max3A_107, %min3A_109 : vector<512x1xf32>
    %and3A_113 = arith.andi %le3A_112, %and3A_111 : vector<512x1xi1>
    %sub3A_114 = arith.subf %min3A_109, %max3A_107 : vector<512x1xf32>
    %mul3A_115 = arith.constant 3.200000e+01 : f32
    %mul3A_116 = vector.broadcast %mul3A_115 : f32 to vector<512x1xf32>
    %mul3A_117 = arith.mulf %sub3A_114, %mul3A_116 : vector<512x1xf32>
    %min3A_118 = arith.constant 2.560000e+02 : f32
    %min3A_119 = vector.broadcast %min3A_118 : f32 to vector<512x1xf32>
    %min3A_120 = arith.minimumf %mul3A_117, %min3A_119 : vector<512x1xf32>
    %convert_element_type3A = arith.fptosi %min3A_120 : vector<512x1xf32> to vector<512x1xi32>
    %jit3A_121 = arith.constant 0 : i32
    %broadcast_in_dim3A_122 = vector.broadcast %jit3A_121 : i32 to vector<512x1xi32>
    %select_n3A_123 = arith.select %and3A_113, %convert_element_type3A, %broadcast_in_dim3A_122 : vector<512x1xi1>, vector<512x1xi32>
    %max3A_124 = arith.constant 1 : i32
    %max3A_125 = vector.broadcast %max3A_124 : i32 to vector<512x1xi32>
    %max3A_126 = arith.maxsi %select_n3A_123, %max3A_125 : vector<512x1xi32>
    %convert_element_type3A_127 = arith.sitofp %max3A_126 : vector<512x1xi32> to vector<512x1xf32>
    %iota3A = tpu.iota {dimensions = array<i32: 1>} : vector<512x192xi32>
    %convert_element_type3A_128 = arith.sitofp %iota3A : vector<512x192xi32> to vector<512x192xf32>
    %sub3A_129 = arith.subf %min3A_109, %max3A_107 : vector<512x1xf32>
    %add3A_130 = arith.constant 5.000000e-01 : f32
    %add3A_131 = vector.broadcast %add3A_130 : f32 to vector<512x192xf32>
    %add3A_132 = arith.addf %convert_element_type3A_128, %add3A_131 : vector<512x192xf32>
    %mul3A_133 = vector.broadcast %sub3A_129 : vector<512x1xf32> to vector<512x192xf32>
    %mul3A_134 = arith.mulf %mul3A_133, %add3A_132 : vector<512x192xf32>
    %div3A_135 = vector.broadcast %convert_element_type3A_127 : vector<512x1xf32> to vector<512x192xf32>
    %div3A_136 = arith.divf %mul3A_134, %div3A_135 : vector<512x192xf32>
    %add3A_137 = vector.broadcast %max3A_107 : vector<512x1xf32> to vector<512x192xf32>
    %add3A_138 = arith.addf %add3A_137, %div3A_136 : vector<512x192xf32>
    %mul3A_139 = vector.broadcast %div3A : vector<512x1xf32> to vector<512x192xf32>
    %mul3A_140 = arith.mulf %mul3A_139, %add3A_138 : vector<512x192xf32>
    %add3A_141 = vector.broadcast %get3A_1 : vector<512x1xf32> to vector<512x192xf32>
    %add3A_142 = arith.addf %add3A_141, %mul3A_140 : vector<512x192xf32>
    %div3A_143 = arith.constant 1.500000e+00 : f32
    %div3A_144 = vector.broadcast %div3A_143 : f32 to vector<512x192xf32>
    %div3A_145 = arith.divf %add3A_142, %div3A_144 : vector<512x192xf32>
    %mul3A_146 = arith.constant 5.000000e-01 : f32
    %mul3A_147 = vector.broadcast %mul3A_146 : f32 to vector<512x192xf32>
    %mul3A_148 = arith.mulf %div3A_145, %mul3A_147 : vector<512x192xf32>
    %add3A_149 = arith.constant 5.000000e-01 : f32
    %add3A_150 = vector.broadcast %add3A_149 : f32 to vector<512x192xf32>
    %add3A_151 = arith.addf %mul3A_148, %add3A_150 : vector<512x192xf32>
    %mul3A_152 = arith.constant 1.280000e+02 : f32
    %mul3A_153 = vector.broadcast %mul3A_152 : f32 to vector<512x192xf32>
    %mul3A_154 = arith.mulf %add3A_151, %mul3A_153 : vector<512x192xf32>
    %floor3A = math.floor %mul3A_154 : vector<512x192xf32>
    %convert_element_type3A_155 = arith.fptosi %floor3A : vector<512x192xf32> to vector<512x192xi32>
    %jit3A_156 = arith.constant 0 : i32
    %jit3A_157 = arith.constant 127 : i32
    %max3A_158 = vector.broadcast %jit3A_156 : i32 to vector<512x192xi32>
    %max3A_159 = arith.maxsi %max3A_158, %convert_element_type3A_155 : vector<512x192xi32>
    %min3A_160 = vector.broadcast %jit3A_157 : i32 to vector<512x192xi32>
    %min3A_161 = arith.minsi %min3A_160, %max3A_159 : vector<512x192xi32>
    %mul3A_162 = vector.broadcast %div3A_40 : vector<512x1xf32> to vector<512x192xf32>
    %mul3A_163 = arith.mulf %mul3A_162, %add3A_138 : vector<512x192xf32>
    %add3A_164 = vector.broadcast %get3A_4 : vector<512x1xf32> to vector<512x192xf32>
    %add3A_165 = arith.addf %add3A_164, %mul3A_163 : vector<512x192xf32>
    %div3A_166 = arith.constant 1.500000e+00 : f32
    %div3A_167 = vector.broadcast %div3A_166 : f32 to vector<512x192xf32>
    %div3A_168 = arith.divf %add3A_165, %div3A_167 : vector<512x192xf32>
    %mul3A_169 = arith.constant 5.000000e-01 : f32
    %mul3A_170 = vector.broadcast %mul3A_169 : f32 to vector<512x192xf32>
    %mul3A_171 = arith.mulf %div3A_168, %mul3A_170 : vector<512x192xf32>
    %add3A_172 = arith.constant 5.000000e-01 : f32
    %add3A_173 = vector.broadcast %add3A_172 : f32 to vector<512x192xf32>
    %add3A_174 = arith.addf %mul3A_171, %add3A_173 : vector<512x192xf32>
    %mul3A_175 = arith.constant 1.280000e+02 : f32
    %mul3A_176 = vector.broadcast %mul3A_175 : f32 to vector<512x192xf32>
    %mul3A_177 = arith.mulf %add3A_174, %mul3A_176 : vector<512x192xf32>
    %floor3A_178 = math.floor %mul3A_177 : vector<512x192xf32>
    %convert_element_type3A_179 = arith.fptosi %floor3A_178 : vector<512x192xf32> to vector<512x192xi32>
    %jit3A_180 = arith.constant 0 : i32
    %jit3A_181 = arith.constant 127 : i32
    %max3A_182 = vector.broadcast %jit3A_180 : i32 to vector<512x192xi32>
    %max3A_183 = arith.maxsi %max3A_182, %convert_element_type3A_179 : vector<512x192xi32>
    %min3A_184 = vector.broadcast %jit3A_181 : i32 to vector<512x192xi32>
    %min3A_185 = arith.minsi %min3A_184, %max3A_183 : vector<512x192xi32>
    %mul3A_186 = vector.broadcast %div3A_73 : vector<512x1xf32> to vector<512x192xf32>
    %mul3A_187 = arith.mulf %mul3A_186, %add3A_138 : vector<512x192xf32>
    %add3A_188 = vector.broadcast %get3A_7 : vector<512x1xf32> to vector<512x192xf32>
    %add3A_189 = arith.addf %add3A_188, %mul3A_187 : vector<512x192xf32>
    %div3A_190 = arith.constant 1.500000e+00 : f32
    %div3A_191 = vector.broadcast %div3A_190 : f32 to vector<512x192xf32>
    %div3A_192 = arith.divf %add3A_189, %div3A_191 : vector<512x192xf32>
    %mul3A_193 = arith.constant 5.000000e-01 : f32
    %mul3A_194 = vector.broadcast %mul3A_193 : f32 to vector<512x192xf32>
    %mul3A_195 = arith.mulf %div3A_192, %mul3A_194 : vector<512x192xf32>
    %add3A_196 = arith.constant 5.000000e-01 : f32
    %add3A_197 = vector.broadcast %add3A_196 : f32 to vector<512x192xf32>
    %add3A_198 = arith.addf %mul3A_195, %add3A_197 : vector<512x192xf32>
    %mul3A_199 = arith.constant 1.280000e+02 : f32
    %mul3A_200 = vector.broadcast %mul3A_199 : f32 to vector<512x192xf32>
    %mul3A_201 = arith.mulf %add3A_198, %mul3A_200 : vector<512x192xf32>
    %floor3A_202 = math.floor %mul3A_201 : vector<512x192xf32>
    %convert_element_type3A_203 = arith.fptosi %floor3A_202 : vector<512x192xf32> to vector<512x192xi32>
    %jit3A_204 = arith.constant 0 : i32
    %jit3A_205 = arith.constant 127 : i32
    %max3A_206 = vector.broadcast %jit3A_204 : i32 to vector<512x192xi32>
    %max3A_207 = arith.maxsi %max3A_206, %convert_element_type3A_203 : vector<512x192xi32>
    %min3A_208 = vector.broadcast %jit3A_205 : i32 to vector<512x192xi32>
    %min3A_209 = arith.minsi %min3A_208, %max3A_207 : vector<512x192xi32>
    %mul3A_210 = arith.constant 128 : i32
    %mul3A_211 = vector.broadcast %mul3A_210 : i32 to vector<512x192xi32>
    %mul3A_212 = arith.muli %min3A_161, %mul3A_211 : vector<512x192xi32>
    %add3A_213 = arith.addi %mul3A_212, %min3A_185 : vector<512x192xi32>
    %mul3A_214 = arith.constant 128 : i32
    %mul3A_215 = vector.broadcast %mul3A_214 : i32 to vector<512x192xi32>
    %mul3A_216 = arith.muli %add3A_213, %mul3A_215 : vector<512x192xi32>
    %add3A_217 = arith.addi %mul3A_216, %min3A_209 : vector<512x192xi32>
    %min3A_218 = arith.constant 1048575 : i32
    %min3A_219 = vector.broadcast %min3A_218 : i32 to vector<512x192xi32>
    %min3A_220 = arith.minsi %add3A_217, %min3A_219 : vector<512x192xi32>
    %swap3A = arith.constant 0 : index
    %swap3A_221 = arith.constant 0 : index
    %swap3A_222 = vector.load %arg2[%swap3A, %swap3A_221] : memref<512x192xi32, #tpu.memory_space<vmem>>, vector<512x192xi32>
    tpu.vector_store %arg2[%swap3A, %swap3A_221], %min3A_220 {strides = array<i32>} : memref<512x192xi32, #tpu.memory_space<vmem>>, vector<512x192xi32>,
    %sub3A_223 = arith.constant 1048576 : i32
    %sub3A_224 = vector.broadcast %sub3A_223 : i32 to vector<512x192xi32>
    %sub3A_225 = arith.subi %add3A_217, %sub3A_224 : vector<512x192xi32>
    %max3A_226 = arith.constant 0 : i32
    %max3A_227 = vector.broadcast %max3A_226 : i32 to vector<512x192xi32>
    %max3A_228 = arith.maxsi %sub3A_225, %max3A_227 : vector<512x192xi32>
    %swap3A_229 = arith.constant 0 : index
    %swap3A_230 = arith.constant 0 : index
    %swap3A_231 = vector.load %arg3[%swap3A_229, %swap3A_230] : memref<512x192xi32, #tpu.memory_space<vmem>>, vector<512x192xi32>
    tpu.vector_store %arg3[%swap3A_229, %swap3A_230], %max3A_228 {strides = array<i32>} : memref<512x192xi32, #tpu.memory_space<vmem>>, vector<512x192xi32>,
    %ge3A_232 = arith.constant 1048576 : i32
    %ge3A_233 = vector.broadcast %ge3A_232 : i32 to vector<512x192xi32>
    %ge3A_234 = arith.cmpi sge, %add3A_217, %ge3A_233 : vector<512x192xi32>
    %convert_element_type3A_235 = arith.extui %ge3A_234 : vector<512x192xi1> to vector<512x192xi8>
    %swap3A_236 = arith.constant 0 : index
    %swap3A_237 = arith.constant 0 : index
    %swap3A_238 = vector.load %arg6[%swap3A_236, %swap3A_237] : memref<512x192xi8, #tpu.memory_space<vmem>>, vector<512x192xi8>
    tpu.vector_store %arg6[%swap3A_236, %swap3A_237], %convert_element_type3A_235 {strides = array<i32>} : memref<512x192xi8, #tpu.memory_space<vmem>>, vector<512x192xi8>,
    %sub3A_239 = arith.subf %min3A_109, %max3A_107 : vector<512x1xf32>
    %div3A_240 = arith.divf %sub3A_239, %convert_element_type3A_127 : vector<512x1xf32>
    %swap3A_241 = arith.constant 0 : index
    %swap3A_242 = arith.constant 0 : index
    %swap3A_243 = vector.load %arg7[%swap3A_241, %swap3A_242] : memref<512x1xf32, #tpu.memory_space<vmem>>, vector<512x1xf32>
    tpu.vector_store %arg7[%swap3A_241, %swap3A_242], %div3A_240 {strides = array<i32>} : memref<512x1xf32, #tpu.memory_space<vmem>>, vector<512x1xf32>,
    %swap3A_244 = arith.constant 0 : index
    %swap3A_245 = arith.constant 0 : index
    %swap3A_246 = vector.load %arg8[%swap3A_244, %swap3A_245] : memref<512x1xi32, #tpu.memory_space<vmem>>, vector<512x1xi32>
    tpu.vector_store %arg8[%swap3A_244, %swap3A_245], %select_n3A_123 {strides = array<i32>} : memref<512x1xi32, #tpu.memory_space<vmem>>, vector<512x1xi32>,
    %iota3A_247 = tpu.iota {dimensions = array<i32: 1>} : vector<512x192xi32>
    %lt3A = vector.broadcast %select_n3A_123 : vector<512x1xi32> to vector<512x192xi32>
    %lt3A_248 = arith.cmpi slt, %iota3A_247, %lt3A : vector<512x192xi32>
    %lt3A_249 = arith.constant 64 : i32
    %lt3A_250 = vector.broadcast %lt3A_249 : i32 to vector<512x192xi32>
    %lt3A_251 = arith.cmpi slt, %min3A_161, %lt3A_250 : vector<512x192xi32>
    %and3A_252 = arith.andi %lt3A_248, %lt3A_251 : vector<512x192xi1>
    %jit3A_253 = arith.constant 256 : i32
    %broadcast_in_dim3A_254 = vector.broadcast %jit3A_253 : i32 to vector<512x192xi32>
    %select_n3A_255 = arith.select %and3A_252, %iota3A_247, %broadcast_in_dim3A_254 : vector<512x192xi1>, vector<512x192xi32>
    %reduce_min3A = arith.constant dense<2147483647> : vector<512xi32>
    %reduce_min3A_256 = vector.multi_reduction <minsi>, %select_n3A_255, %reduce_min3A [1] : vector<512x192xi32> to vector<512xi32>
    %broadcast_in_dim3A_257 = vector.shape_cast %reduce_min3A_256 : vector<512xi32> to vector<512x1xi32>
    %add3A_258 = arith.constant 1 : i32
    %add3A_259 = vector.broadcast %add3A_258 : i32 to vector<512x192xi32>
    %add3A_260 = arith.addi %iota3A_247, %add3A_259 : vector<512x192xi32>
    %jit3A_261 = arith.constant 0 : i32
    %broadcast_in_dim3A_262 = vector.broadcast %jit3A_261 : i32 to vector<512x192xi32>
    %select_n3A_263 = arith.select %and3A_252, %add3A_260, %broadcast_in_dim3A_262 : vector<512x192xi1>, vector<512x192xi32>
    %reduce_max3A = arith.constant dense<-2147483648> : vector<512xi32>
    %reduce_max3A_264 = vector.multi_reduction <maxsi>, %select_n3A_263, %reduce_max3A [1] : vector<512x192xi32> to vector<512xi32>
    %broadcast_in_dim3A_265 = vector.shape_cast %reduce_max3A_264 : vector<512xi32> to vector<512x1xi32>
    %and3A_266 = arith.constant -32 : i32
    %and3A_267 = vector.broadcast %and3A_266 : i32 to vector<512x1xi32>
    %and3A_268 = arith.andi %broadcast_in_dim3A_257, %and3A_267 : vector<512x1xi32>
    %sub3A_269 = arith.subi %broadcast_in_dim3A_265, %and3A_268 : vector<512x1xi32>
    %add3A_270 = arith.constant 31 : i32
    %add3A_271 = vector.broadcast %add3A_270 : i32 to vector<512x1xi32>
    %add3A_272 = arith.addi %sub3A_269, %add3A_271 : vector<512x1xi32>
    %and3A_273 = arith.constant -32 : i32
    %and3A_274 = vector.broadcast %and3A_273 : i32 to vector<512x1xi32>
    %and3A_275 = arith.andi %add3A_272, %and3A_274 : vector<512x1xi32>
    %max3A_276 = arith.constant 0 : i32
    %max3A_277 = vector.broadcast %max3A_276 : i32 to vector<512x1xi32>
    %max3A_278 = arith.maxsi %max3A_277, %and3A_275 : vector<512x1xi32>
    %ge3A_279 = arith.constant 64 : i32
    %ge3A_280 = vector.broadcast %ge3A_279 : i32 to vector<512x192xi32>
    %ge3A_281 = arith.cmpi sge, %min3A_161, %ge3A_280 : vector<512x192xi32>
    %and3A_282 = arith.andi %lt3A_248, %ge3A_281 : vector<512x192xi1>
    %jit3A_283 = arith.constant 256 : i32
    %broadcast_in_dim3A_284 = vector.broadcast %jit3A_283 : i32 to vector<512x192xi32>
    %select_n3A_285 = arith.select %and3A_282, %iota3A_247, %broadcast_in_dim3A_284 : vector<512x192xi1>, vector<512x192xi32>
    %reduce_min3A_286 = arith.constant dense<2147483647> : vector<512xi32>
    %reduce_min3A_287 = vector.multi_reduction <minsi>, %select_n3A_285, %reduce_min3A_286 [1] : vector<512x192xi32> to vector<512xi32>
    %broadcast_in_dim3A_288 = vector.shape_cast %reduce_min3A_287 : vector<512xi32> to vector<512x1xi32>
    %add3A_289 = arith.constant 1 : i32
    %add3A_290 = vector.broadcast %add3A_289 : i32 to vector<512x192xi32>
    %add3A_291 = arith.addi %iota3A_247, %add3A_290 : vector<512x192xi32>
    %jit3A_292 = arith.constant 0 : i32
    %broadcast_in_dim3A_293 = vector.broadcast %jit3A_292 : i32 to vector<512x192xi32>
    %select_n3A_294 = arith.select %and3A_282, %add3A_291, %broadcast_in_dim3A_293 : vector<512x192xi1>, vector<512x192xi32>
    %reduce_max3A_295 = arith.constant dense<-2147483648> : vector<512xi32>
    %reduce_max3A_296 = vector.multi_reduction <maxsi>, %select_n3A_294, %reduce_max3A_295 [1] : vector<512x192xi32> to vector<512xi32>
    %broadcast_in_dim3A_297 = vector.shape_cast %reduce_max3A_296 : vector<512xi32> to vector<512x1xi32>
    %and3A_298 = arith.constant -32 : i32
    %and3A_299 = vector.broadcast %and3A_298 : i32 to vector<512x1xi32>
    %and3A_300 = arith.andi %broadcast_in_dim3A_288, %and3A_299 : vector<512x1xi32>
    %sub3A_301 = arith.subi %broadcast_in_dim3A_297, %and3A_300 : vector<512x1xi32>
    %add3A_302 = arith.constant 31 : i32
    %add3A_303 = vector.broadcast %add3A_302 : i32 to vector<512x1xi32>
    %add3A_304 = arith.addi %sub3A_301, %add3A_303 : vector<512x1xi32>
    %and3A_305 = arith.constant -32 : i32
    %and3A_306 = vector.broadcast %and3A_305 : i32 to vector<512x1xi32>
    %and3A_307 = arith.andi %add3A_304, %and3A_306 : vector<512x1xi32>
    %max3A_308 = arith.constant 0 : i32
    %max3A_309 = vector.broadcast %max3A_308 : i32 to vector<512x1xi32>
    %max3A_310 = arith.maxsi %max3A_309, %and3A_307 : vector<512x1xi32>
    %mul3A_311 = arith.constant 1024 : i32
    %mul3A_312 = vector.broadcast %mul3A_311 : i32 to vector<512x1xi32>
    %mul3A_313 = arith.muli %and3A_268, %mul3A_312 : vector<512x1xi32>
    %add3A_314 = arith.addi %mul3A_313, %max3A_278 : vector<512x1xi32>
    %swap3A_315 = arith.constant 0 : index
    %swap3A_316 = arith.constant 0 : index
    %swap3A_317 = vector.load %arg4[%swap3A_315, %swap3A_316] : memref<512x1xi32, #tpu.memory_space<vmem>>, vector<512x1xi32>
    tpu.vector_store %arg4[%swap3A_315, %swap3A_316], %add3A_314 {strides = array<i32>} : memref<512x1xi32, #tpu.memory_space<vmem>>, vector<512x1xi32>,
    %mul3A_318 = arith.constant 1024 : i32
    %mul3A_319 = vector.broadcast %mul3A_318 : i32 to vector<512x1xi32>
    %mul3A_320 = arith.muli %and3A_300, %mul3A_319 : vector<512x1xi32>
    %add3A_321 = arith.addi %mul3A_320, %max3A_310 : vector<512x1xi32>
    %swap3A_322 = arith.constant 0 : index
    %swap3A_323 = arith.constant 0 : index
    %swap3A_324 = vector.load %arg5[%swap3A_322, %swap3A_323] : memref<512x1xi32, #tpu.memory_space<vmem>>, vector<512x1xi32>
    tpu.vector_store %arg5[%swap3A_322, %swap3A_323], %add3A_321 {strides = array<i32>} : memref<512x1xi32, #tpu.memory_space<vmem>>, vector<512x1xi32>,
    return
  }
  func.func @transform_0(%arg0: i32) -> (i32, i32) {
    %c0_i32 = arith.constant 0 : i32
    %c0_i32_0 = arith.constant 0 : i32
    return %arg0, %c0_i32 : i32, i32
  }
  func.func @transform_1(%arg0: i32) -> (i32, i32) {
    %c0_i32 = arith.constant 0 : i32
    %c0_i32_0 = arith.constant 0 : i32
    return %arg0, %c0_i32 : i32, i32
  }
  func.func @transform_2(%arg0: i32) -> (i32, i32) {
    %c0_i32 = arith.constant 0 : i32
    %c0_i32_0 = arith.constant 0 : i32
    return %arg0, %c0_i32 : i32, i32
  }
  func.func @transform_3(%arg0: i32) -> (i32, i32) {
    %c0_i32 = arith.constant 0 : i32
    %c0_i32_0 = arith.constant 0 : i32
    return %arg0, %c0_i32 : i32, i32
  }
  func.func @transform_4(%arg0: i32) -> (i32, i32) {
    %c0_i32 = arith.constant 0 : i32
    %c0_i32_0 = arith.constant 0 : i32
    return %arg0, %c0_i32 : i32, i32
  }
  func.func @transform_5(%arg0: i32) -> (i32, i32) {
    %c0_i32 = arith.constant 0 : i32
    %c0_i32_0 = arith.constant 0 : i32
    return %arg0, %c0_i32 : i32, i32
  }
  func.func @transform_6(%arg0: i32) -> (i32, i32) {
    %c0_i32 = arith.constant 0 : i32
    %c0_i32_0 = arith.constant 0 : i32
    return %arg0, %c0_i32 : i32, i32
  }
  func.func @transform_7(%arg0: i32) -> (i32, i32) {
    %c0_i32 = arith.constant 0 : i32
    %c0_i32_0 = arith.constant 0 : i32
    return %arg0, %c0_i32 : i32, i32
  }
}

module attributes {stable_mosaic.version = 14 : i64} {
  func.func @_composite_body(%arg0: i32, %arg1: memref<512x192xf32, #tpu.memory_space<vmem>>, %arg2: memref<512x192xf32, #tpu.memory_space<vmem>>, %arg3: memref<512x192xi8, #tpu.memory_space<vmem>>, %arg4: memref<512x1xf32, #tpu.memory_space<vmem>>, %arg5: memref<512x1xi32, #tpu.memory_space<vmem>>, %arg6: memref<256x256xf32, #tpu.memory_space<vmem>>, %arg7: memref<512x4xf32, #tpu.memory_space<vmem>>) attributes {dimension_semantics = [#tpu.dimension_semantics<arbitrary>], iteration_bounds = array<i64: 8>, scalar_prefetch = 0 : i64, scratch_operands = 0 : i64, tpu.core_type = #tpu.core_type<tc>, window_params = [{transform_indices = @transform_0, window_bounds = array<i64: 512, 192>}, {transform_indices = @transform_1, window_bounds = array<i64: 512, 192>}, {transform_indices = @transform_2, window_bounds = array<i64: 512, 192>}, {transform_indices = @transform_3, window_bounds = array<i64: 512, 1>}, {transform_indices = @transform_4, window_bounds = array<i64: 512, 1>}, {pipeline_mode = #tpu.pipeline_mode<synchronous>, transform_indices = @transform_5, window_bounds = array<i64: 256, 256>}, {transform_indices = @transform_6, window_bounds = array<i64: 512, 4>}]} {
    %get3A = arith.constant 0 : index
    %get3A_0 = arith.constant 0 : index
    %get3A_1 = vector.load %arg4[%get3A, %get3A_0] : memref<512x1xf32, #tpu.memory_space<vmem>>, vector<512x1xf32>
    %get3A_2 = arith.constant 0 : index
    %get3A_3 = arith.constant 0 : index
    %get3A_4 = vector.load %arg5[%get3A_2, %get3A_3] : memref<512x1xi32, #tpu.memory_space<vmem>>, vector<512x1xi32>
    %iota3A = tpu.iota {dimensions = array<i32: 1>} : vector<512x256xi32>
    %lt3A = vector.broadcast %get3A_4 : vector<512x1xi32> to vector<512x256xi32>
    %lt3A_5 = arith.cmpi slt, %iota3A, %lt3A : vector<512x256xi32>
    %broadcast_in_dim3A = arith.constant 0.000000e+00 : f32
    %broadcast_in_dim3A_6 = vector.broadcast %broadcast_in_dim3A : f32 to vector<512x64xf32>
    %get3A_7 = arith.constant 0 : index
    %get3A_8 = arith.constant 0 : index
    %get3A_9 = vector.load %arg1[%get3A_7, %get3A_8] : memref<512x192xf32, #tpu.memory_space<vmem>>, vector<512x192xf32>
    %concatenate3A = tpu.concatenate %get3A_9, %broadcast_in_dim3A_6 in 1 : vector<512x192xf32>, vector<512x64xf32> -> vector<512x256xf32>
    %get3A_10 = arith.constant 0 : index
    %get3A_11 = arith.constant 0 : index
    %get3A_12 = vector.load %arg2[%get3A_10, %get3A_11] : memref<512x192xf32, #tpu.memory_space<vmem>>, vector<512x192xf32>
    %concatenate3A_13 = tpu.concatenate %get3A_12, %broadcast_in_dim3A_6 in 1 : vector<512x192xf32>, vector<512x64xf32> -> vector<512x256xf32>
    %broadcast_in_dim3A_14 = arith.constant 0 : i8
    %broadcast_in_dim3A_15 = vector.broadcast %broadcast_in_dim3A_14 : i8 to vector<512x64xi8>
    %get3A_16 = arith.constant 0 : index
    %get3A_17 = arith.constant 0 : index
    %get3A_18 = vector.load %arg3[%get3A_16, %get3A_17] : memref<512x192xi8, #tpu.memory_space<vmem>>, vector<512x192xi8>
    %concatenate3A_19 = tpu.concatenate %get3A_18, %broadcast_in_dim3A_15 in 1 : vector<512x192xi8>, vector<512x64xi8> -> vector<512x256xi8>
    %eq3A = arith.constant 0 : i8
    %eq3A_20 = vector.broadcast %eq3A : i8 to vector<512x256xi8>
    %eq3A_21 = arith.cmpi eq, %concatenate3A_19, %eq3A_20 : vector<512x256xi8>
    %select_n3A = arith.select %eq3A_21, %concatenate3A, %concatenate3A_13 : vector<512x256xi1>, vector<512x256xf32>
    %max3A = arith.constant 0.000000e+00 : f32
    %max3A_22 = vector.broadcast %max3A : f32 to vector<512x256xf32>
    %max3A_23 = arith.maximumf %select_n3A, %max3A_22 : vector<512x256xf32>
    %mul3A = vector.broadcast %get3A_1 : vector<512x1xf32> to vector<512x256xf32>
    %mul3A_24 = arith.mulf %max3A_23, %mul3A : vector<512x256xf32>
    %jit3A = arith.constant 0.000000e+00 : f32
    %broadcast_in_dim3A_25 = vector.broadcast %jit3A : f32 to vector<512x256xf32>
    %select_n3A_26 = arith.select %lt3A_5, %mul3A_24, %broadcast_in_dim3A_25 : vector<512x256xi1>, vector<512x256xf32>
    %get3A_27 = arith.constant 0 : index
    %get3A_28 = arith.constant 0 : index
    %get3A_29 = vector.load %arg6[%get3A_27, %get3A_28] : memref<256x256xf32, #tpu.memory_space<vmem>>, vector<256x256xf32>
    %dot_general3A = arith.constant dense<0.000000e+00> : vector<512x256xf32>
    %dot_general3A_30 = tpu.matmul %select_n3A_26, %get3A_29, %dot_general3A {dimension_numbers = #tpu.dot_dimension_numbers<[1], [0], [0], [1], [0, 0, 1, 1], [], []>, transpose_lhs_hint = false} : vector<512x256xf32>, vector<256x256xf32>, vector<512x256xf32> -> vector<512x256xf32>
    %exp3A = math.exp %dot_general3A_30 : vector<512x256xf32>
    %exp3A_31 = math.exp %mul3A_24 : vector<512x256xf32>
    %sub3A = arith.constant 1.000000e+00 : f32
    %sub3A_32 = vector.broadcast %sub3A : f32 to vector<512x256xf32>
    %sub3A_33 = arith.subf %sub3A_32, %exp3A_31 : vector<512x256xf32>
    %mul3A_34 = arith.mulf %sub3A_33, %exp3A : vector<512x256xf32>
    %jit3A_35 = arith.constant 0.000000e+00 : f32
    %broadcast_in_dim3A_36 = vector.broadcast %jit3A_35 : f32 to vector<512x256xf32>
    %select_n3A_37 = arith.select %lt3A_5, %mul3A_34, %broadcast_in_dim3A_36 : vector<512x256xi1>, vector<512x256xf32>
    %add3A = arith.constant 1.000000e+00 : f32
    %add3A_38 = vector.broadcast %add3A : f32 to vector<512x256xf32>
    %add3A_39 = arith.addf %add3A_38, %select_n3A_37 : vector<512x256xf32>
    %slice3A = vector.extract_strided_slice %add3A_39 {offsets = [0, 0], sizes = [512, 128], strides = [1, 1]} : vector<512x256xf32> to vector<512x128xf32>
    %slice3A_40 = vector.extract_strided_slice %add3A_39 {offsets = [0, 128], sizes = [512, 128], strides = [1, 1]} : vector<512x256xf32> to vector<512x128xf32>
    %mul3A_41 = arith.mulf %slice3A, %slice3A_40 : vector<512x128xf32>
    %slice3A_42 = vector.extract_strided_slice %mul3A_41 {offsets = [0, 0], sizes = [512, 64], strides = [1, 1]} : vector<512x128xf32> to vector<512x64xf32>
    %slice3A_43 = vector.extract_strided_slice %mul3A_41 {offsets = [0, 64], sizes = [512, 64], strides = [1, 1]} : vector<512x128xf32> to vector<512x64xf32>
    %mul3A_44 = arith.mulf %slice3A_42, %slice3A_43 : vector<512x64xf32>
    %slice3A_45 = vector.extract_strided_slice %mul3A_44 {offsets = [0, 0], sizes = [512, 32], strides = [1, 1]} : vector<512x64xf32> to vector<512x32xf32>
    %slice3A_46 = vector.extract_strided_slice %mul3A_44 {offsets = [0, 32], sizes = [512, 32], strides = [1, 1]} : vector<512x64xf32> to vector<512x32xf32>
    %mul3A_47 = arith.mulf %slice3A_45, %slice3A_46 : vector<512x32xf32>
    %slice3A_48 = vector.extract_strided_slice %mul3A_47 {offsets = [0, 0], sizes = [512, 16], strides = [1, 1]} : vector<512x32xf32> to vector<512x16xf32>
    %slice3A_49 = vector.extract_strided_slice %mul3A_47 {offsets = [0, 16], sizes = [512, 16], strides = [1, 1]} : vector<512x32xf32> to vector<512x16xf32>
    %mul3A_50 = arith.mulf %slice3A_48, %slice3A_49 : vector<512x16xf32>
    %slice3A_51 = vector.extract_strided_slice %mul3A_50 {offsets = [0, 0], sizes = [512, 8], strides = [1, 1]} : vector<512x16xf32> to vector<512x8xf32>
    %slice3A_52 = vector.extract_strided_slice %mul3A_50 {offsets = [0, 8], sizes = [512, 8], strides = [1, 1]} : vector<512x16xf32> to vector<512x8xf32>
    %mul3A_53 = arith.mulf %slice3A_51, %slice3A_52 : vector<512x8xf32>
    %slice3A_54 = vector.extract_strided_slice %mul3A_53 {offsets = [0, 0], sizes = [512, 4], strides = [1, 1]} : vector<512x8xf32> to vector<512x4xf32>
    %slice3A_55 = vector.extract_strided_slice %mul3A_53 {offsets = [0, 4], sizes = [512, 4], strides = [1, 1]} : vector<512x8xf32> to vector<512x4xf32>
    %mul3A_56 = arith.mulf %slice3A_54, %slice3A_55 : vector<512x4xf32>
    %slice3A_57 = vector.extract_strided_slice %mul3A_56 {offsets = [0, 0], sizes = [512, 2], strides = [1, 1]} : vector<512x4xf32> to vector<512x2xf32>
    %slice3A_58 = vector.extract_strided_slice %mul3A_56 {offsets = [0, 2], sizes = [512, 2], strides = [1, 1]} : vector<512x4xf32> to vector<512x2xf32>
    %mul3A_59 = arith.mulf %slice3A_57, %slice3A_58 : vector<512x2xf32>
    %slice3A_60 = vector.extract_strided_slice %mul3A_59 {offsets = [0, 0], sizes = [512, 1], strides = [1, 1]} : vector<512x2xf32> to vector<512x1xf32>
    %slice3A_61 = vector.extract_strided_slice %mul3A_59 {offsets = [0, 1], sizes = [512, 1], strides = [1, 1]} : vector<512x2xf32> to vector<512x1xf32>
    %mul3A_62 = arith.mulf %slice3A_60, %slice3A_61 : vector<512x1xf32>
    %sub3A_63 = arith.constant 1.000000e+00 : f32
    %sub3A_64 = vector.broadcast %sub3A_63 : f32 to vector<512x1xf32>
    %sub3A_65 = arith.subf %sub3A_64, %mul3A_62 : vector<512x1xf32>
    %concatenate3A_66 = tpu.concatenate %mul3A_62, %mul3A_62, %mul3A_62, %sub3A_65 in 1 : vector<512x1xf32>, vector<512x1xf32>, vector<512x1xf32>, vector<512x1xf32> -> vector<512x4xf32>
    %swap3A = arith.constant 0 : index
    %swap3A_67 = arith.constant 0 : index
    %swap3A_68 = vector.load %arg7[%swap3A, %swap3A_67] : memref<512x4xf32, #tpu.memory_space<vmem>>, vector<512x4xf32>
    tpu.vector_store %arg7[%swap3A, %swap3A_67], %concatenate3A_66 {strides = array<i32>} : memref<512x4xf32, #tpu.memory_space<vmem>>, vector<512x4xf32>,
    return
  }
  func.func @transform_0(%arg0: i32) -> (i32, i32) {
    %c0_i32 = arith.constant 0 : i32
    %c0_i32_0 = arith.constant 0 : i32
    return %arg0, %c0_i32 : i32, i32
  }
  func.func @transform_1(%arg0: i32) -> (i32, i32) {
    %c0_i32 = arith.constant 0 : i32
    %c0_i32_0 = arith.constant 0 : i32
    return %arg0, %c0_i32 : i32, i32
  }
  func.func @transform_2(%arg0: i32) -> (i32, i32) {
    %c0_i32 = arith.constant 0 : i32
    %c0_i32_0 = arith.constant 0 : i32
    return %arg0, %c0_i32 : i32, i32
  }
  func.func @transform_3(%arg0: i32) -> (i32, i32) {
    %c0_i32 = arith.constant 0 : i32
    %c0_i32_0 = arith.constant 0 : i32
    return %arg0, %c0_i32 : i32, i32
  }
  func.func @transform_4(%arg0: i32) -> (i32, i32) {
    %c0_i32 = arith.constant 0 : i32
    %c0_i32_0 = arith.constant 0 : i32
    return %arg0, %c0_i32 : i32, i32
  }
  func.func @transform_5(%arg0: i32) -> (i32, i32) {
    %c0_i32 = arith.constant 0 : i32
    %c0_i32_0 = arith.constant 0 : i32
    %c0_i32_1 = arith.constant 0 : i32
    return %c0_i32, %c0_i32_0 : i32, i32
  }
  func.func @transform_6(%arg0: i32) -> (i32, i32) {
    %c0_i32 = arith.constant 0 : i32
    %c0_i32_0 = arith.constant 0 : i32
    return %arg0, %c0_i32 : i32, i32
  }
}

</mosaic_0001>

<sc_bundles>
// kernel: kernel.11.cloned.1.call-start
scs
__scs_entry_jumppad:
0x0: {  	(pc) =	sbr.rel $0x88, $3  }
0x1: {  	(tag) =	ssettag $0x0;
	lr =	simm.s32 $0x1  }
0x2: {  	[smem:$0x3F9F] =	sst lr;
	_ =	strace $0xD0000000  }
0x3: {  	_ = 	snop  }
0x4: {  	_ = 	snop  }
0x5: {  	_ = 	snop  }
0x6: {  	_ = 	snop  }
0x7: {  	_ = 	snop  }
__scs_overlays_trampoline_lowered:
0x8: {  	[smem:$0x3FAE] =	sst s0  }
0x9: {  	[smem:$0x3FAF] =	sst s1  }
0xa: {  	[smem:$0x3FB0] =	sst s2  }
0xb: {  	[smem:$0x3FB1] =	sst s3  }
0xc: {  	[smem:$0x3FB2] =	sst s4  }
0xd: {  	[smem:$0x3FB3] =	sst s5  }
0xe: {  	[smem:$0x3FB4] =	sst s6  }
0xf: {  	[smem:$0x3FB5] =	sst s7  }
0x10: {  	[smem:$0x3FB6] =	sst s8  }
0x11: {  	[smem:$0x3FB7] =	sst s9;
	s0 =	simm.s32 @!p0 $0x0  }
0x12: {  	s1 =	sld [smem:$0x3F9D];
	s0 =	simm.s32 @p0 $0x1  }
0x13: {  	[smem:$0x3FB8] =	sst s0;
	s0 =	simm.s32 @!p1 $0x0  }
0x14: {  	s2 =	sld [smem:$0x3F9C];
	s0 =	simm.s32 @p1 $0x1  }
0x15: {  	[smem:$0x3FB9] =	sst s0;
	s0 =	simm.s32 @!p2 $0x0  }
0x16: {  	s3 =	sld [smem:$0x3FDB];
	s0 =	simm.s32 @p2 $0x1  }
0x17: {  	s4 =	simm.s32 $0x1BF5;
	[smem:$0x3FBB] =	sst s0  }
0x18: {  	s0 =	sld [smem:$0x3F9E];
	_ =	swait.ge [sflag:s4], $0x0  }
0x19: {  	s7 =	sld [smem:$0x3F9F]  }
0x1a: {  	s8 =	sadd.s32 $0xFFFFE003, lr  }
0x1b: {  	s9 =	sadd.s32 $0xFFFFFEF7, lr;
	s5 =	simm.s32 $0xFFFFFFFF;
	p2 =	slt.u32 s8, $0xFFFFF086  }
0x1c: {  	p1 =	slt.u32 s9, $0xF7A;
	s5 =	simm.s32 @!p2 $0x0  }
0x1d: {  	s5 =	simm.s32 @p1 $0x1;
	p0 =	seq.s32 s7, s2  }
0x1e: {  	s7 =	smul.u32 @!p0 $0xF7A, s2;
	p2 =	seq.s32 @!p0 s5, $0x0  }
0x1f: {  	s9 =	smul.u32 $0xF7A, s1;
	s8 =	simm.s32 @!p0 $0x1BF5;
	p2 =	por !p2, p0  }
0x20: {  	[sflag:s8] =	ssyncset.s32 @!p0 $0xFFFFF086;
	s6 =	sadd.s32 @!p0 s3, s7;
	s7 =	simm.s32 @!p0 $0x108  }
0x21: {  	s3 =	sadd.s32 s3, s9;
	s6 =	sadd.s32 @!p0 $0x88, s6;
	s7 =	simm.s32 @p2 $0x1082  }
0x22: {  	[simem:s7], [sflag:s8] =	dma.local @!p0 [hbm:s6], $0xF7A  }
0x23: {  	s9 =	sor.u32 $0xD0000000, s2;
	s6 =	simm.s32 $0x108;
	_ =	swait.ge @!p0 [sflag:s8], $0x0  }
0x24: {  	s3 =	sadd.s32 $0x88, s3;
	s6 =	simm.s32 @!p1 $0x1082;
	[sflag:s4] =	ssyncset.s32 $0xFFFFF086  }
0x25: {  	[simem:s6], [sflag:s4] =	dma.local [hbm:s3], $0xF7A  }
0x26: {  	[smem:$0x3F9F] =	sst s1;
	(tag) =	ssettag s2;
	_ =	strace s9  }
0x27: {  	s1 =	sld [smem:$0x3FAF]  }
0x28: {  	s2 =	sld [smem:$0x3FB0]  }
0x29: {  	s4 =	sld [smem:$0x3FB2]  }
0x2a: {  	p0 =	seq.s32 s5, $0x0;
	s5 =	sld [smem:$0x3FB3]  }
0x2b: {  	s6 =	sld [smem:$0x3FB4]  }
0x2c: {  	s7 =	sld [smem:$0x3FB5]  }
0x2d: {  	s3 =	simm.s32 $0x108;
	s8 =	sld [smem:$0x3FB6]  }
0x2e: {  	s3 =	simm.s32 @!p0 $0x1082;
	s9 =	sld [smem:$0x3FB7]  }
0x2f: {  	lr =	sadd.s32 s0, s3;
	s0 =	sld [smem:$0x3FAE]  }
0x30: {  	s3 =	sld [smem:$0x3FB1]  }
0x31: {  	[smem:$0x3FBA] =	sst s10  }
0x32: {  	s10 =	sld [smem:$0x3FB8];
	_ =	sdelay $0x3  }
0x33: {  	p0 =	seq.s32 s10, $0x1;
	s10 =	sld [smem:$0x3FBA];
	_ =	sdelay $0x3  }
0x34: {  	[smem:$0x3FBA] =	sst s10  }
0x35: {  	s10 =	sld [smem:$0x3FB9];
	_ =	sdelay $0x3  }
0x36: {  	p1 =	seq.s32 s10, $0x1;
	s10 =	sld [smem:$0x3FBA];
	_ =	sdelay $0x3  }
0x37: {  	[smem:$0x3FBA] =	sst s10  }
0x38: {  	s10 =	sld [smem:$0x3FBB]  }
0x39: {  	_ = 	snop;
	(pc) =	sbr.ind lr, $3  }
0x3a: {  	_ = 	snop  }
0x3b: {  	_ = 	snop  }
0x3c: {  	p2 =	seq.s32 s10, $0x1;
	s10 =	sld [smem:$0x3FBA]  }
0x3d: {  	_ =	shalt  }
0x3e: {  	_ =	shalt  }
0x3f: {  	_ =	shalt  }
0x40: {  	_ =	shalt  }
0x41: {  	_ =	shalt  }
0x42: {  	_ =	shalt  }
0x43: {  	_ =	shalt  }
0x44: {  	_ =	shalt  }
0x45: {  	_ =	shalt  }
0x46: {  	_ =	shalt  }
0x47: {  	_ =	shalt  }
0x48: {  	_ =	shalt  }
0x49: {  	_ =	shalt  }
0x4a: {  	_ =	shalt  }
0x4b: {  	_ =	shalt  }
0x4c: {  	_ =	shalt  }
0x4d: {  	_ =	shalt  }
0x4e: {  	_ =	shalt  }
0x4f: {  	_ =	shalt  }
0x50: {  	_ =	shalt  }
0x51: {  	_ =	shalt  }
0x52: {  	_ =	shalt  }
0x53: {  	_ =	shalt  }
0x54: {  	_ =	shalt  }
0x55: {  	_ =	shalt  }
0x56: {  	_ =	shalt  }
0x57: {  	_ =	shalt  }
0x58: {  	_ =	shalt  }
0x59: {  	_ =	shalt  }
0x5a: {  	_ =	shalt  }
0x5b: {  	_ =	shalt  }
0x5c: {  	_ =	shalt  }
0x5d: {  	_ =	shalt  }
0x5e: {  	_ =	shalt  }
0x5f: {  	_ =	shalt  }
0x60: {  	_ =	shalt  }
0x61: {  	_ =	shalt  }
0x62: {  	_ =	shalt  }
0x63: {  	_ =	shalt  }
0x64: {  	_ =	shalt  }
0x65: {  	_ =	shalt  }
0x66: {  	_ =	shalt  }
0x67: {  	_ =	shalt  }
0x68: {  	_ =	shalt  }
0x69: {  	_ =	shalt  }
0x6a: {  	_ =	shalt  }
0x6b: {  	_ =	shalt  }
0x6c: {  	_ =	shalt  }
0x6d: {  	_ =	shalt  }
0x6e: {  	_ =	shalt  }
0x6f: {  	_ =	shalt  }
0x70: {  	_ =	shalt  }
0x71: {  	_ =	shalt  }
0x72: {  	_ =	shalt  }
0x73: {  	_ =	shalt  }
0x74: {  	_ =	shalt  }
0x75: {  	_ =	shalt  }
0x76: {  	_ =	shalt  }
0x77: {  	_ =	shalt  }
0x78: {  	_ =	shalt  }
0x79: {  	_ =	shalt  }
0x7a: {  	_ =	shalt  }
0x7b: {  	_ =	shalt  }
0x7c: {  	_ =	shalt  }
0x7d: {  	_ =	shalt  }
0x7e: {  	_ =	shalt  }
0x7f: {  	_ =	shalt  }
0x80: {  	_ =	shalt  }
0x81: {  	_ =	shalt  }
0x82: {  	_ =	shalt  }
0x83: {  	_ =	shalt  }
0x84: {  	_ =	shalt  }
0x85: {  	_ =	shalt  }
0x86: {  	_ =	shalt  }
0x87: {  	_ =	shalt  }
.Lfunc_end0:
.L_simem_size_0:
called_computation.1_lowered:
.L_overlay_start_0:
0x88: {  	s2 =	sld [smem:$0x3FD9]  }
0x89: {  	s3 =	sld [smem:$0x3FFE];
	_ =	sdelay $0x1  }
0x8a: {  	s1 =	srdreg.scid  }
0x8b: {  	s0 =	sand.u32 $0x1, s1  }
0x8c: {  	s17 =	sshll.u32 s0, $0xA;
	s2 =	sadd.s32 s3, s2  }
0x8d: {  	s2 =	sadd.s32 s2, s17  }
0x8e: {  	[smem:$0x3FC6] =	sst s2  }
0x8f: {  	_ = 	snop  }
0x90: {  	s18 =	sld [smem:$0x3FC9]  }
0x91: {  	s4 =	sld [smem:$0x3FD0];
	(tm) =	ssettm $0x1  }
0x92: {  	s19 =	sld [smem:$0x3FFB];
	_ =	sdelay $0x3  }
0x93: {  	_ =	strace s19  }
0x94: {  	s2 =	sld [smem:$0x3FFC];
	_ =	sdelay $0x3  }
0x95: {  	_ =	strace s2  }
0x96: {  	s2 =	sld [smem:$0x3FFD];
	_ =	sdelay $0x3  }
0x97: {  	_ =	strace s2  }
0x98: {  	_ =	strace $0x8FFFFFFF  }
0x99: {  	s20 =	sld [smem:$0x3FDB];
	_ =	sdelay $0x1  }
0x9a: {  	s5 =	simm.s32 $_scs_section_size  }
0x9b: {  	s6 =	simm.s32 $_size__tile_overlayer_lowered;
	s7 =	simm.s32 $_tile_overlayer_lowered  }
0x9c: {  	s8 =	simm.s32 $0x1BFF;
	s21 =	sshll.u32 s7, $0x1;
	s5 =	sadd.s32 s5, s20  }
0x9d: {  	s22 =	simm.s32 $0x0;
	s6 =	sshll.u32 s6, $0x1;
	s7 =	sadd.s32 s21, s5  }
0x9e: {  	[timem:s22], [sflag:s8] =	dma.local [hbm:s7], s6  }
0x9f: {  	_ =	swait.ge [sflag:s8], s6  }
0xa0: {  	s6 =	ssub.s32 $0x0, s6;
	[sflag:s8] =	ssyncset.done $0x0  }
0xa1: {  	[sflag:s8] =	ssyncadd.s32 s6;
	_ =	sdelay $0x1  }
0xa2: {  	s23 =	simm.s32 $0x1B8B  }
0xa3: {  	_ =	swait.ge [sflag:s23], $0x1  }
0xa4: {  	[sflag:s23] =	ssyncset.done $0x0  }
0xa5: {  	[sflag:s23] =	ssyncadd.s32 $0xFFFFFFFF  }
0xa6: {  	s6 =	sld [smem:$0x0]  }
0xa7: {  	s7 =	sand.u32 $0xFFFFFFFE, s1  }
0xa8: {  	p0 =	sne.s32 s1, s7  }
0xa9: {  	s7 =	sshll.u32 @p0 s7, $0xE  }
0xaa: {  	s7 =	sadd.s32 @p0 $0x11B8D, s7;
	s8 =	sshll.u32 @p0 s6, $0x11  }
0xab: {  	s7 =	sor.u32 @p0 s8, s7  }
0xac: {  	[sflag:s7] =	ssyncadd.remote.s32 @p0 $0x1;
	_ =	sdelay $0x1  }
0xad: {  	s7 =	simm.s32 @p0 $0x1B8D  }
0xae: {  	_ =	swait.eq @p0 [sflag:s7], $0x1  }
0xaf: {  	[sflag:s7] =	ssyncadd.s32 @p0 $0xFFFFFFFF  }
0xb0: {  	s8 =	sshll.u32 @!p0 s1, $0xE  }
0xb1: {  	s8 =	sor.u32 @!p0 $0x4000, s8;
	s7 =	simm.s32 @!p0 $0x1B8D  }
0xb2: {  	s6 =	sshll.u32 @!p0 s6, $0x11;
	s8 =	sadd.s32 @!p0 $0x11B8D, s8;
	_ =	swait.eq @!p0 [sflag:s7], $0x1  }
0xb3: {  	s6 =	sor.u32 @!p0 s6, s8;
	[sflag:s7] =	ssyncadd.s32 @!p0 $0xFFFFFFFF  }
0xb4: {  	s25 =	simm.s32 $0x1B8E;
	s24 =	sld [smem:$0x3FFE];
	[sflag:s6] =	ssyncadd.remote.s32 @!p0 $0x1  }
0xb5: {  	s26 =	simm.s32 $execute0_lowered;
	[smem:$0x3FD2] =	sst s25  }
0xb6: {  	s7 =	sshll.u32 s26, $0x1;
	_ =	strace $0x80000049;
	[dreg:$0x1] =	wrdreg $0xFFFFFFFF  }
0xb7: {  	s28 =	simm.s32 $_size_execute0_lowered;
	s5 =	sadd.s32 s5, s7;
	[dreg:$0x0] =	wrdreg $0x0  }
0xb8: {  	s7 =	sshll.u32 s28, $0x1;
	[dreg:$0x2] =	wrdreg s5  }
0xb9: {  	[dreg:$0x3] =	wrdreg s7  }
0xba: {  	[dreg:$0x4] =	wrdreg $0xC0  }
0xbb: {  	_ =	task [dreg:s22], $0x5FFFF  }
0xbc: {  	[dreg:$0x1] =	wrdreg $0xFFFFFFFF  }
0xbd: {  	[dreg:$0x0] =	wrdreg $0x60  }
0xbe: {  	[dreg:$0x2] =	wrdreg s24  }
0xbf: {  	[dreg:$0x3] =	wrdreg s4  }
0xc0: {  	[dreg:$0x4] =	wrdreg s18  }
0xc1: {  	[dreg:$0x5] =	wrdreg $0x0  }
0xc2: {  	[dreg:$0x6] =	wrdreg $0x100000  }
0xc3: {  	[dreg:$0x7] =	wrdreg $0xA  }
0xc4: {  	_ =	task.clear_ibuf [dreg:s22], $0x8FFFF;
	_ =	strace $0x90000049  }
0xc5: {  	s29 =	simm.s32 $0xA;
	_ =	strace $0x8000004B  }
0xc6: {  	_ =	swait.ge [sflag:s29], $0x1  }
0xc7: {  	[sflag:s29] =	ssyncadd.s32 $0xFFFFFFFF  }
0xc8: {  	_ =	strace $0x9000004B  }
0xc9: {  	_ =	sfence  }
0xca: {  	s30 =	sld [smem:$0x0];
	_ =	sdelay $0x2  }
0xcb: {  	s31 =	sshll.u32 s1, $0xD;
	s1 =	sshrl.u32 s1, $0x2  }
0xcc: {  	s4 =	sand.u32 $0x4000, s31;
	s1 =	sadd.s32 s1, s30  }
0xcd: {  	s0 =	sor.u32 s4, s0;
	s1 =	sshll.u32 s1, $0x11  }
0xce: {  	s0 =	sor.u32 s1, s0  }
0xcf: {  	s0 =	sadd.s32 $0x8F2B, s0  }
0xd0: {  	[sflag:s0] =	ssyncadd.remote.s32 $0x1  }
0xd1: {  	_ =	sfence.sel $0xFFFF  }
0xd2: {  	[dreg:$0x0] =	wrdreg $0xFFFFFFFF;
	(pc) =	sbr.abs _section_cstart, $3  }
0xd3: {  	[dreg:$0x1] =	wrdreg $0xFFFFFFFF  }
0xd4: {  	_ =	task.clear_ibuf [dreg:s22], $0x2FFFF;
	_ =	strace $0x9FFFFFFF  }
0xd5: {  	(tm) =	ssettm $0x7FFFFFFF  }
tec
execute0_lowered:
.L_overlay_start_1:
0x0: {  	(tag) =	ssettag $0x1  }
0x1: {  	s0 =	rddreg [dreg:$0x0]  }
0x2: {  	s3 =	rddreg [dreg:$0x2]  }
0x3: {  	s1 =	rddreg [dreg:$0x3];
	s2 =	simm.s32 $0x0  }
0x4: {  	s4 =	srdreg.scid;
	s15 =	stileid.u32;
	s29 =	simm.s32 $0x4  }
0x5: {  	s30 =	simm.s32 $0x10100;
	s31 =	simm.s32 $0x13100;
	[smem:$0x7FF] =	sst s2  }
0x6: {  	s5 =	sadd.s32 $0x60A00, s0;
	s6 =	sadd.s32 $0x78A00, s0;
	s7 =	sand.u32 $0x1, s4  }
0x7: {  	s8 =	sadd.s32 $0x90C00, s0;
	s9 =	sshll.u32 s15, $0x10;
	s11 =	smul.u32 $0x1800, s15  }
0x8: {  	s13 =	smul.u32 $0xC000, s15;
	s14 =	sadd.s32 $0xA8C00, s0;
	p3 =	seq.s32 s15, $0x0  }
0x9: {  	s4 =	sshll.u32 s7, $0x14;
	s10 =	ssub.s32 $0x2, s7;
	p1 =	seq.s32 s7, $0x1  }
0xa: {  	p2 =	sne.s32 s7, $0x0;
	s4 =	sor.u32 s9, s4;
	s12 =	sshrl.u32 s10, $0x1  }
0xb: {  	s16 =	sadd.s32 s5, s11;
	s17 =	sor.u32 $0x600, s11;
	s18 =	sshrl.u32 s13, $0x3  }
0xc: {  	s20 =	sadd.s32 s8, s11;
	s25 =	sadd.s32 s6, s11;
	p3 =	por !p3, !p1  }
0xd: {  	s4 =	sshrl.u32 s4, $0x3;
	s10 =	ssub.s32 s10, s12;
	[dreg:$0x6] =	wrdreg s16  }
0xe: {  	s19 =	sadd.s32 s5, s17;
	[dreg:$0x8] =	wrdreg s20;
	s21 =	sadd.s32 $0xC00, s18  }
0xf: {  	s22 =	sadd.s32 s8, s17;
	s12 =	sadd.s32 $0x1200, s18;
	[dreg:$0xe] =	wrdreg s25  }
0x10: {  	s26 =	sadd.s32 s6, s17;
	s17 =	sadd.s32 s14, s17;
	s18 =	sadd.s32 s9, s1  }
0x11: {  	s25 =	sshll.u32 s15, $0x6;
	p3 =	por !p3, !p3;
	[dreg:$0x7] =	wrdreg s19  }
0x12: {  	s16 =	sadd.s32 s5, s21;
	[dreg:$0xa] =	wrdreg s22;
	s23 =	sadd.s32 s8, s21  }
0x13: {  	s24 =	sadd.s32 s8, s12;
	[dreg:$0xf] =	wrdreg s26;
	s8 =	sadd.s32 s14, s11  }
0x14: {  	s11 =	sadd.s32 s6, s21;
	s20 =	sadd.s32 s14, s21;
	s21 =	rddreg [dreg:$0x4]  }
0x15: {  	s4 =	sadd.s32 s3, s4;
	s5 =	sadd.s32 s5, s12;
	[dreg:$0x9] =	wrdreg s16  }
0x16: {  	s19 =	sadd.s32 s6, s12;
	s22 =	sadd.s32 s14, s12;
	[dreg:$0xb] =	wrdreg s5  }
0x17: {  	s26 =	sshll.u32 s15, $0x8;
	s28 =	sshrl.u32 s18, $0x3;
	[dreg:$0xc] =	wrdreg s23  }
0x18: {  	s18 =	simm.s32 $0x2;
	s3 =	simm.s32 $0x16100;
	[dreg:$0xd] =	wrdreg s24  }
.Ltmp0:
0x19: {  	s6 =	simm.s32 $0x1;
	[dreg:$0x10] =	wrdreg s8;
	(pc) =	sbr.rel .LBB2_1-.Ltmp0, $4  }
0x1a: {  	[dreg:$0x11] =	wrdreg s11;
	s16 =	sor.u32 s7, s15;
	s23 =	sadd.s32 $0x90A00, s0  }
0x1b: {  	s24 =	sor.u32 $0x1C04, s25;
	s25 =	sadd.s32 s26, s21;
	s26 =	smax.u32 s10, $0x1  }
0x1c: {  	s0 =	simm.s32 $0x19100;
	s5 =	simm.s32 $0x3;
	s7 =	simm.s32 $0x20  }
0x1d: {  	s8 =	simm.s32 $0x0;
	p0 =	sne.s32 s16, $0x0;
	_ =	strace $0x8000004A  }
.LBB2_107:
0x1e: {  	[sflag:s6] =	ssyncadd.s32 $0xFFFFFFE0  }
.LBB2_108:
0x1f: {  	[hbm4b:s22+s2] =	stream.linear.scatter [tilespmem:s0], [sflag:$0x3], $0x3000, $0x38;
	[tilespmem:$0x1C100] =	vst v63  }
0x20: {  	_ =	swait.ge [sflag:s5], $0x3000  }
0x21: {  	[sflag:s5] =	ssyncset.done $0x0  }
0x22: {  	[sflag:s5] =	ssyncadd.s32 $0xFFFFD000  }
0x23: {  	_ =	swait.ge [sflag:s5], $0x3000  }
0x24: {  	[sflag:s5] =	ssyncset.done $0x0  }
0x25: {  	[sflag:s5] =	ssyncadd.s32 $0xFFFFD000  }
.LBB2_109:
0x26: {  	s8 =	sadd.s32 $0x1, s8  }
0x27: {  	p4 =	sne.s32 s8, s26  }
.Ltmp1:
0x28: {  	_ = 	snop;
	(pc) =	sbr.rel @!p4 .LBB2_110-.Ltmp1, $1  }
0x29: {  	_ =	sdelay $0x3  }
.LBB2_1:
0x2a: {  	[spmem:s28], [sflag:s24] =	dma.local [hbm:s4], $0x2000  }
0x2b: {  	_ =	swait.ge [sflag:s29], $0x2000  }
0x2c: {  	[sflag:s29] =	ssyncset.done $0x0  }
0x2d: {  	[sflag:s29] =	ssyncadd.s32 $0xFFFFE000  }
0x2e: {  	s9 =	sshrl.u32 @!p0 s21, $0x3;
	s10 =	rddreg [dreg:$0x1]  }
0x2f: {  	[spmem:s9], [sflag:s24] =	dma.local @!p0 [hbm:s10], $0x200  }
0x30: {  	s9 =	simm.s32 @!p0 $0x4  }
0x31: {  	_ =	swait.ge @!p0 [sflag:s9], $0x200  }
0x32: {  	[sflag:s9] =	ssyncset.done @!p0 $0x0  }
0x33: {  	[sflag:s9] =	ssyncadd.s32 @!p0 $0xFFFFFE00;
	s9 =	sshrl.u32 @p3 s21, $0x3  }
0x34: {  	[spmem:s9], [sflag:s24] =	dma.local @p3 [hbm:s23], $0x200  }
0x35: {  	s9 =	simm.s32 @p3 $0x4  }
0x36: {  	_ =	swait.ge @p3 [sflag:s9], $0x200  }
0x37: {  	[sflag:s9] =	ssyncset.done @p3 $0x0  }
0x38: {  	[sflag:s9] =	ssyncadd.s32 @p3 $0xFFFFFE00  }
.Ltmp2:
0x39: {  	[bflag:$0x0] =	sbarrier.arrive $0xFFFF;
	(pc) =	sbr.rel @p2 .LBB2_55-.Ltmp2, $4  }
0x3a: {  	[smem:s2], [sflag:$0x4] =	stream.linear.gather [spmem:s25], $0x100, $0x38;
	[tilespmem:$0x1C100] =	vst v63  }
0x3b: {  	_ =	swait.ge [sflag:s29], $0x100  }
0x3c: {  	[sflag:s29] =	ssyncset.done $0x0  }
0x3d: {  	[sflag:s29] =	ssyncadd.s32 $0xFFFFFF00  }
0x3e: {  	s13 =	simm.s32 $0x0;
	s9 =	rddreg [dreg:$0x6]  }
0x3f: {  	[tilespmem:s30], [sflag:$0x2] =	stream.linear.gather [hbm4b:s9+s13], $0x3000, $0x38;
	[tilespmem:$0x1C100] =	vst v63  }
.Ltmp3:
0x40: {  	s16 =	rddreg [dreg:$0x7];
	(pc) =	sbr.rel .LBB2_3-.Ltmp3, $4  }
0x41: {  	[tilespmem:s31], [sflag:$0x2] =	stream.linear.gather [hbm4b:s16+s13], $0x3000, $0x38;
	[tilespmem:$0x1C100] =	vst v63  }
0x42: {  	_ =	swait.ge [sflag:s18], $0x3000  }
0x43: {  	[sflag:s18] =	ssyncset.done $0x0  }
0x44: {  	s11 =	simm.s32 $0x0;
	s9 =	simm.s32 $0x0;
	[sflag:s18] =	ssyncadd.s32 $0xFFFFD000  }
.LBB2_9:
0x45: {  	[sflag:s6] =	ssyncadd.s32 $0xFFFFFFE0  }
.LBB2_10:
0x46: {  	s11 =	sadd.s32 $0x1, s11  }
0x47: {  	p5 =	seq.s32 s11, $0x40  }
.Ltmp4:
0x48: {  	_ = 	snop;
	(pc) =	sbr.rel @p5 .LBB2_11-.Ltmp4, $2  }
0x49: {  	_ =	sdelay $0x2  }
0x4a: {  	s9 =	sadd.s32 $0xC0, s9;
	s13 =	smov.u32 s12  }
.LBB2_3:
0x4b: {  	s14 =	sld [smem:s11+$0x0];
	_ =	sdelay $0x2  }
0x4c: {  	s10 =	sshrl.u32 s14, $0x5  }
0x4d: {  	s12 =	sand.u32 $0x1F, s10  }
0x4e: {  	p4 =	seq.s32 s12, $0x0  }
.Ltmp5:
0x4f: {  	_ = 	snop;
	(pc) =	sbr.rel @p4 .LBB2_6-.Ltmp5, $1  }
0x50: {  	_ =	sdelay $0x3  }
0x51: {  	s14 =	sshrl.u32 s14, $0xA;
	p5 =	seq.s32 s12, $0x1  }
.Ltmp6:
0x52: {  	s14 =	sadd.s32 s14, s9;
	(pc) =	sbr.rel @p5 .LBB2_6-.Ltmp6, $4  }
0x53: {  	s14 =	sshll.u32 s14, $0x2  }
0x54: {  	s15 =	sshra.s32 s14, $0x2  }
0x55: {  	s16 =	sadd.s32 $0xFFFFFFFF, s12;
	s14 =	sadd.s32 $0x10100, s15;
	s15 =	sadd.s32 $0x16100, s15  }
0x56: {  	[tilespmem:s15], [sflag:$0x1] =	stream.indirect.gather [spmem:s1], $0x1, s14, s7, $0xb8;
	[tilespmem:$0x1C100] =	vst v63  }
.LBB2_5:
0x57: {  	p5 =	seq.s32 s16, $0x1  }
.Ltmp7:
0x58: {  	_ = 	snop;
	(pc) =	sbr.rel @!p5 .LBB2_5-.Ltmp7, $4  }
0x59: {  	_ = 	snop  }
0x5a: {  	s14 =	sadd.s32 $0x20, s14;
	s15 =	sadd.s32 $0x20, s15  }
0x5b: {  	s16 =	sadd.s32 $0xFFFFFFFF, s16  }
0x5c: {  	[tilespmem:s15], [sflag:$0x1] =	stream.indirect.gather [spmem:s1], $0x1, s14, s7, $0xb8;
	[tilespmem:$0x1C100] =	vst v63  }
.LBB2_6:
0x5d: {  	p5 =	seq.s32 s13, $0x0  }
.Ltmp8:
0x5e: {  	_ = 	snop;
	(pc) =	sbr.rel @p5 .LBB2_10-.Ltmp8, $1  }
0x5f: {  	_ =	sdelay $0x3  }
0x60: {  	p5 =	sne.s32 s13, $0x1  }
.Ltmp9:
0x61: {  	_ = 	snop;
	(pc) =	sbr.rel @!p5 .LBB2_9-.Ltmp9, $3  }
0x62: {  	_ =	sdelay $0x1  }
0x63: {  	_ =	swait.ge [sflag:s6], $0x20  }
0x64: {  	s13 =	sadd.s32 $0xFFFFFFFF, s13;
	[sflag:s6] =	ssyncset.done $0x0  }
.LBB2_8:
0x65: {  	p5 =	sne.s32 s13, $0x1;
	s13 =	sadd.s32 $0xFFFFFFFF, s13;
	[sflag:s6] =	ssyncadd.s32 $0xFFFFFFE0  }
.Ltmp10:
0x66: {  	(pc) =	sbr.rel @p5 .LBB2_8-.Ltmp10, $3  }
0x67: {  	_ =	sdelay $0x1  }
0x68: {  	_ =	swait.ge [sflag:s6], $0x20  }
0x69: {  	[sflag:s6] =	ssyncset.done $0x0  }
.Ltmp11:
0x6a: {  	_ = 	snop;
	(pc) =	sbr.rel .LBB2_9-.Ltmp11, $1  }
0x6b: {  	_ =	sdelay $0x3  }
.LBB2_11:
.Ltmp12:
0x6c: {  	(pc) =	sbr.rel @p4 .LBB2_15-.Ltmp12, $1  }
0x6d: {  	_ =	sdelay $0x3  }
0x6e: {  	s9 =	sand.u32 $0x1F, s10  }
0x6f: {  	p4 =	sne.s32 s9, $0x1  }
.Ltmp13:
0x70: {  	_ = 	snop;
	(pc) =	sbr.rel @!p4 .LBB2_14-.Ltmp13, $3  }
0x71: {  	_ =	sdelay $0x1  }
0x72: {  	_ =	swait.ge [sflag:s6], $0x20  }
0x73: {  	s9 =	sadd.s32 $0xFFFFFFFF, s9;
	[sflag:s6] =	ssyncset.done $0x0  }
.LBB2_13:
0x74: {  	p4 =	sne.s32 s9, $0x1;
	s9 =	sadd.s32 $0xFFFFFFFF, s9;
	[sflag:s6] =	ssyncadd.s32 $0xFFFFFFE0  }
.Ltmp14:
0x75: {  	(pc) =	sbr.rel @p4 .LBB2_13-.Ltmp14, $3  }
0x76: {  	_ =	sdelay $0x1  }
0x77: {  	_ =	swait.ge [sflag:s6], $0x20  }
0x78: {  	[sflag:s6] =	ssyncset.done $0x0  }
.LBB2_14:
0x79: {  	[sflag:s6] =	ssyncadd.s32 $0xFFFFFFE0  }
.LBB2_15:
0x7a: {  	s13 =	simm.s32 $0x0;
	s9 =	rddreg [dreg:$0x8]  }
0x7b: {  	[hbm4b:s9+s13] =	stream.linear.scatter [tilespmem:s3], [sflag:$0x3], $0x3000, $0x38;
	[tilespmem:$0x1C100] =	vst v63  }
.Ltmp15:
0x7c: {  	s16 =	rddreg [dreg:$0x9];
	(pc) =	sbr.rel .LBB2_16-.Ltmp15, $4  }
0x7d: {  	[tilespmem:s30], [sflag:$0x2] =	stream.linear.gather [hbm4b:s16+s13], $0x3000, $0x38;
	[tilespmem:$0x1C100] =	vst v63  }
0x7e: {  	_ =	swait.ge [sflag:s18], $0x3000  }
0x7f: {  	[sflag:s18] =	ssyncset.done $0x0  }
0x80: {  	s11 =	simm.s32 $0x0;
	s9 =	simm.s32 $0x0;
	[sflag:s18] =	ssyncadd.s32 $0xFFFFD000  }
.LBB2_22:
0x81: {  	[sflag:s6] =	ssyncadd.s32 $0xFFFFFFE0  }
.LBB2_23:
0x82: {  	s11 =	sadd.s32 $0x1, s11  }
0x83: {  	p5 =	seq.s32 s11, $0x40  }
.Ltmp16:
0x84: {  	_ = 	snop;
	(pc) =	sbr.rel @p5 .LBB2_24-.Ltmp16, $2  }
0x85: {  	_ =	sdelay $0x2  }
0x86: {  	s9 =	sadd.s32 $0xC0, s9;
	s13 =	smov.u32 s12  }
.LBB2_16:
0x87: {  	s14 =	sld [smem:s11+$0x40];
	_ =	sdelay $0x2  }
0x88: {  	s10 =	sshrl.u32 s14, $0x5  }
0x89: {  	s12 =	sand.u32 $0x1F, s10  }
0x8a: {  	p4 =	seq.s32 s12, $0x0  }
.Ltmp17:
0x8b: {  	_ = 	snop;
	(pc) =	sbr.rel @p4 .LBB2_19-.Ltmp17, $1  }
0x8c: {  	_ =	sdelay $0x3  }
0x8d: {  	s14 =	sshrl.u32 s14, $0xA;
	p5 =	seq.s32 s12, $0x1  }
.Ltmp18:
0x8e: {  	s14 =	sadd.s32 s14, s9;
	(pc) =	sbr.rel @p5 .LBB2_19-.Ltmp18, $4  }
0x8f: {  	s14 =	sshll.u32 s14, $0x2  }
0x90: {  	s15 =	sshra.s32 s14, $0x2  }
0x91: {  	s16 =	sadd.s32 $0xFFFFFFFF, s12;
	s14 =	sadd.s32 $0x13100, s15;
	s15 =	sadd.s32 $0x19100, s15  }
0x92: {  	[tilespmem:s15], [sflag:$0x1] =	stream.indirect.gather [spmem:s1], $0x1, s14, s7, $0xb8;
	[tilespmem:$0x1C100] =	vst v63  }
.LBB2_18:
0x93: {  	p5 =	seq.s32 s16, $0x1  }
.Ltmp19:
0x94: {  	_ = 	snop;
	(pc) =	sbr.rel @!p5 .LBB2_18-.Ltmp19, $4  }
0x95: {  	_ = 	snop  }
0x96: {  	s14 =	sadd.s32 $0x20, s14;
	s15 =	sadd.s32 $0x20, s15  }
0x97: {  	s16 =	sadd.s32 $0xFFFFFFFF, s16  }
0x98: {  	[tilespmem:s15], [sflag:$0x1] =	stream.indirect.gather [spmem:s1], $0x1, s14, s7, $0xb8;
	[tilespmem:$0x1C100] =	vst v63  }
.LBB2_19:
0x99: {  	p5 =	seq.s32 s13, $0x0  }
.Ltmp20:
0x9a: {  	_ = 	snop;
	(pc) =	sbr.rel @p5 .LBB2_23-.Ltmp20, $1  }
0x9b: {  	_ =	sdelay $0x3  }
0x9c: {  	p5 =	sne.s32 s13, $0x1  }
.Ltmp21:
0x9d: {  	_ = 	snop;
	(pc) =	sbr.rel @!p5 .LBB2_22-.Ltmp21, $3  }
0x9e: {  	_ =	sdelay $0x1  }
0x9f: {  	_ =	swait.ge [sflag:s6], $0x20  }
0xa0: {  	s13 =	sadd.s32 $0xFFFFFFFF, s13;
	[sflag:s6] =	ssyncset.done $0x0  }
.LBB2_21:
0xa1: {  	p5 =	sne.s32 s13, $0x1;
	s13 =	sadd.s32 $0xFFFFFFFF, s13;
	[sflag:s6] =	ssyncadd.s32 $0xFFFFFFE0  }
.Ltmp22:
0xa2: {  	(pc) =	sbr.rel @p5 .LBB2_21-.Ltmp22, $3  }
0xa3: {  	_ =	sdelay $0x1  }
0xa4: {  	_ =	swait.ge [sflag:s6], $0x20  }
0xa5: {  	[sflag:s6] =	ssyncset.done $0x0  }
.Ltmp23:
0xa6: {  	_ = 	snop;
	(pc) =	sbr.rel .LBB2_22-.Ltmp23, $1  }
0xa7: {  	_ =	sdelay $0x3  }
.LBB2_24:
.Ltmp24:
0xa8: {  	(pc) =	sbr.rel @p4 .LBB2_28-.Ltmp24, $1  }
0xa9: {  	_ =	sdelay $0x3  }
0xaa: {  	s9 =	sand.u32 $0x1F, s10  }
0xab: {  	p4 =	sne.s32 s9, $0x1  }
.Ltmp25:
0xac: {  	_ = 	snop;
	(pc) =	sbr.rel @!p4 .LBB2_27-.Ltmp25, $3  }
0xad: {  	_ =	sdelay $0x1  }
0xae: {  	_ =	swait.ge [sflag:s6], $0x20  }
0xaf: {  	s9 =	sadd.s32 $0xFFFFFFFF, s9;
	[sflag:s6] =	ssyncset.done $0x0  }
.LBB2_26:
0xb0: {  	p4 =	sne.s32 s9, $0x1;
	s9 =	sadd.s32 $0xFFFFFFFF, s9;
	[sflag:s6] =	ssyncadd.s32 $0xFFFFFFE0  }
.Ltmp26:
0xb1: {  	(pc) =	sbr.rel @p4 .LBB2_26-.Ltmp26, $3  }
0xb2: {  	_ =	sdelay $0x1  }
0xb3: {  	_ =	swait.ge [sflag:s6], $0x20  }
0xb4: {  	[sflag:s6] =	ssyncset.done $0x0  }
.LBB2_27:
0xb5: {  	[sflag:s6] =	ssyncadd.s32 $0xFFFFFFE0  }
.LBB2_28:
0xb6: {  	s12 =	simm.s32 $0x0;
	s9 =	rddreg [dreg:$0xa]  }
0xb7: {  	[hbm4b:s9+s12] =	stream.linear.scatter [tilespmem:s0], [sflag:$0x3], $0x3000, $0x38;
	[tilespmem:$0x1C100] =	vst v63  }
0xb8: {  	s16 =	rddreg [dreg:$0xb]  }
0xb9: {  	[tilespmem:s31], [sflag:$0x2] =	stream.linear.gather [hbm4b:s16+s12], $0x3000, $0x38;
	[tilespmem:$0x1C100] =	vst v63  }
0xba: {  	_ =	swait.ge [sflag:s18], $0x3000  }
.Ltmp27:
0xbb: {  	[sflag:s18] =	ssyncset.done $0x0;
	(pc) =	sbr.rel .LBB2_29-.Ltmp27, $4  }
0xbc: {  	[sflag:s18] =	ssyncadd.s32 $0xFFFFD000  }
0xbd: {  	_ =	swait.ge [sflag:s5], $0x3000  }
0xbe: {  	[sflag:s5] =	ssyncset.done $0x0  }
0xbf: {  	s11 =	simm.s32 $0x0;
	s9 =	simm.s32 $0x0;
	[sflag:s5] =	ssyncadd.s32 $0xFFFFD000  }
.LBB2_35:
0xc0: {  	[sflag:s6] =	ssyncadd.s32 $0xFFFFFFE0  }
.LBB2_36:
0xc1: {  	s11 =	sadd.s32 $0x1, s11  }
0xc2: {  	p5 =	seq.s32 s11, $0x40  }
.Ltmp28:
0xc3: {  	_ = 	snop;
	(pc) =	sbr.rel @p5 .LBB2_37-.Ltmp28, $2  }
0xc4: {  	_ =	sdelay $0x2  }
0xc5: {  	s9 =	sadd.s32 $0xC0, s9;
	s12 =	smov.u32 s13  }
.LBB2_29:
0xc6: {  	s14 =	sld [smem:s11+$0x80];
	_ =	sdelay $0x2  }
0xc7: {  	s10 =	sshrl.u32 s14, $0x5  }
0xc8: {  	s13 =	sand.u32 $0x1F, s10  }
0xc9: {  	p4 =	seq.s32 s13, $0x0  }
.Ltmp29:
0xca: {  	_ = 	snop;
	(pc) =	sbr.rel @p4 .LBB2_32-.Ltmp29, $1  }
0xcb: {  	_ =	sdelay $0x3  }
0xcc: {  	s14 =	sshrl.u32 s14, $0xA;
	p5 =	seq.s32 s13, $0x1  }
.Ltmp30:
0xcd: {  	s14 =	sadd.s32 s14, s9;
	(pc) =	sbr.rel @p5 .LBB2_32-.Ltmp30, $4  }
0xce: {  	s14 =	sshll.u32 s14, $0x2  }
0xcf: {  	s15 =	sshra.s32 s14, $0x2  }
0xd0: {  	s16 =	sadd.s32 $0xFFFFFFFF, s13;
	s14 =	sadd.s32 $0x10100, s15;
	s15 =	sadd.s32 $0x16100, s15  }
0xd1: {  	[tilespmem:s15], [sflag:$0x1] =	stream.indirect.gather [spmem:s1], $0x1, s14, s7, $0xb8;
	[tilespmem:$0x1C100] =	vst v63  }
.LBB2_31:
0xd2: {  	p5 =	seq.s32 s16, $0x1  }
.Ltmp31:
0xd3: {  	_ = 	snop;
	(pc) =	sbr.rel @!p5 .LBB2_31-.Ltmp31, $4  }
0xd4: {  	_ = 	snop  }
0xd5: {  	s14 =	sadd.s32 $0x20, s14;
	s15 =	sadd.s32 $0x20, s15  }
0xd6: {  	s16 =	sadd.s32 $0xFFFFFFFF, s16  }
0xd7: {  	[tilespmem:s15], [sflag:$0x1] =	stream.indirect.gather [spmem:s1], $0x1, s14, s7, $0xb8;
	[tilespmem:$0x1C100] =	vst v63  }
.LBB2_32:
0xd8: {  	p5 =	seq.s32 s12, $0x0  }
.Ltmp32:
0xd9: {  	_ = 	snop;
	(pc) =	sbr.rel @p5 .LBB2_36-.Ltmp32, $1  }
0xda: {  	_ =	sdelay $0x3  }
0xdb: {  	p5 =	sne.s32 s12, $0x1  }
.Ltmp33:
0xdc: {  	_ = 	snop;
	(pc) =	sbr.rel @!p5 .LBB2_35-.Ltmp33, $3  }
0xdd: {  	_ =	sdelay $0x1  }
0xde: {  	_ =	swait.ge [sflag:s6], $0x20  }
0xdf: {  	s12 =	sadd.s32 $0xFFFFFFFF, s12;
	[sflag:s6] =	ssyncset.done $0x0  }
.LBB2_34:
0xe0: {  	p5 =	sne.s32 s12, $0x1;
	s12 =	sadd.s32 $0xFFFFFFFF, s12;
	[sflag:s6] =	ssyncadd.s32 $0xFFFFFFE0  }
.Ltmp34:
0xe1: {  	(pc) =	sbr.rel @p5 .LBB2_34-.Ltmp34, $3  }
0xe2: {  	_ =	sdelay $0x1  }
0xe3: {  	_ =	swait.ge [sflag:s6], $0x20  }
0xe4: {  	[sflag:s6] =	ssyncset.done $0x0  }
.Ltmp35:
0xe5: {  	_ = 	snop;
	(pc) =	sbr.rel .LBB2_35-.Ltmp35, $1  }
0xe6: {  	_ =	sdelay $0x3  }
.LBB2_37:
.Ltmp36:
0xe7: {  	(pc) =	sbr.rel @p4 .LBB2_41-.Ltmp36, $1  }
0xe8: {  	_ =	sdelay $0x3  }
0xe9: {  	s9 =	sand.u32 $0x1F, s10  }
0xea: {  	p4 =	sne.s32 s9, $0x1  }
.Ltmp37:
0xeb: {  	_ = 	snop;
	(pc) =	sbr.rel @!p4 .LBB2_40-.Ltmp37, $3  }
0xec: {  	_ =	sdelay $0x1  }
0xed: {  	_ =	swait.ge [sflag:s6], $0x20  }
0xee: {  	s9 =	sadd.s32 $0xFFFFFFFF, s9;
	[sflag:s6] =	ssyncset.done $0x0  }
.LBB2_39:
0xef: {  	p4 =	sne.s32 s9, $0x1;
	s9 =	sadd.s32 $0xFFFFFFFF, s9;
	[sflag:s6] =	ssyncadd.s32 $0xFFFFFFE0  }
.Ltmp38:
0xf0: {  	(pc) =	sbr.rel @p4 .LBB2_39-.Ltmp38, $3  }
0xf1: {  	_ =	sdelay $0x1  }
0xf2: {  	_ =	swait.ge [sflag:s6], $0x20  }
0xf3: {  	[sflag:s6] =	ssyncset.done $0x0  }
.LBB2_40:
0xf4: {  	[sflag:s6] =	ssyncadd.s32 $0xFFFFFFE0  }
.LBB2_41:
0xf5: {  	s13 =	simm.s32 $0x0;
	s9 =	rddreg [dreg:$0xc]  }
0xf6: {  	[hbm4b:s9+s13] =	stream.linear.scatter [tilespmem:s3], [sflag:$0x3], $0x3000, $0x38;
	[tilespmem:$0x1C100] =	vst v63  }
0xf7: {  	_ =	swait.ge [sflag:s18], $0x3000  }
.Ltmp39:
0xf8: {  	[sflag:s18] =	ssyncset.done $0x0;
	(pc) =	sbr.rel .LBB2_42-.Ltmp39, $4  }
0xf9: {  	[sflag:s18] =	ssyncadd.s32 $0xFFFFD000  }
0xfa: {  	_ =	swait.ge [sflag:s5], $0x3000  }
0xfb: {  	[sflag:s5] =	ssyncset.done $0x0  }
0xfc: {  	s11 =	simm.s32 $0x0;
	s9 =	simm.s32 $0x0;
	[sflag:s5] =	ssyncadd.s32 $0xFFFFD000  }
.LBB2_48:
0xfd: {  	[sflag:s6] =	ssyncadd.s32 $0xFFFFFFE0  }
.LBB2_49:
0xfe: {  	s11 =	sadd.s32 $0x1, s11  }
0xff: {  	p5 =	seq.s32 s11, $0x40  }
.Ltmp40:
0x100: {  	_ = 	snop;
	(pc) =	sbr.rel @p5 .LBB2_50-.Ltmp40, $2  }
0x101: {  	_ =	sdelay $0x2  }
0x102: {  	s9 =	sadd.s32 $0xC0, s9;
	s13 =	smov.u32 s12  }
.LBB2_42:
0x103: {  	s14 =	sld [smem:s11+$0xC0];
	_ =	sdelay $0x2  }
0x104: {  	s10 =	sshrl.u32 s14, $0x5  }
0x105: {  	s12 =	sand.u32 $0x1F, s10  }
0x106: {  	p4 =	seq.s32 s12, $0x0  }
.Ltmp41:
0x107: {  	_ = 	snop;
	(pc) =	sbr.rel @p4 .LBB2_45-.Ltmp41, $1  }
0x108: {  	_ =	sdelay $0x3  }
0x109: {  	s14 =	sshrl.u32 s14, $0xA;
	p5 =	seq.s32 s12, $0x1  }
.Ltmp42:
0x10a: {  	s14 =	sadd.s32 s14, s9;
	(pc) =	sbr.rel @p5 .LBB2_45-.Ltmp42, $4  }
0x10b: {  	s14 =	sshll.u32 s14, $0x2  }
0x10c: {  	s15 =	sshra.s32 s14, $0x2  }
0x10d: {  	s16 =	sadd.s32 $0xFFFFFFFF, s12;
	s14 =	sadd.s32 $0x13100, s15;
	s15 =	sadd.s32 $0x19100, s15  }
0x10e: {  	[tilespmem:s15], [sflag:$0x1] =	stream.indirect.gather [spmem:s1], $0x1, s14, s7, $0xb8;
	[tilespmem:$0x1C100] =	vst v63  }
.LBB2_44:
0x10f: {  	p5 =	seq.s32 s16, $0x1  }
.Ltmp43:
0x110: {  	_ = 	snop;
	(pc) =	sbr.rel @!p5 .LBB2_44-.Ltmp43, $4  }
0x111: {  	_ = 	snop  }
0x112: {  	s14 =	sadd.s32 $0x20, s14;
	s15 =	sadd.s32 $0x20, s15  }
0x113: {  	s16 =	sadd.s32 $0xFFFFFFFF, s16  }
0x114: {  	[tilespmem:s15], [sflag:$0x1] =	stream.indirect.gather [spmem:s1], $0x1, s14, s7, $0xb8;
	[tilespmem:$0x1C100] =	vst v63  }
.LBB2_45:
0x115: {  	p5 =	seq.s32 s13, $0x0  }
.Ltmp44:
0x116: {  	_ = 	snop;
	(pc) =	sbr.rel @p5 .LBB2_49-.Ltmp44, $1  }
0x117: {  	_ =	sdelay $0x3  }
0x118: {  	p5 =	sne.s32 s13, $0x1  }
.Ltmp45:
0x119: {  	_ = 	snop;
	(pc) =	sbr.rel @!p5 .LBB2_48-.Ltmp45, $3  }
0x11a: {  	_ =	sdelay $0x1  }
0x11b: {  	_ =	swait.ge [sflag:s6], $0x20  }
0x11c: {  	s13 =	sadd.s32 $0xFFFFFFFF, s13;
	[sflag:s6] =	ssyncset.done $0x0  }
.LBB2_47:
0x11d: {  	p5 =	sne.s32 s13, $0x1;
	s13 =	sadd.s32 $0xFFFFFFFF, s13;
	[sflag:s6] =	ssyncadd.s32 $0xFFFFFFE0  }
.Ltmp46:
0x11e: {  	(pc) =	sbr.rel @p5 .LBB2_47-.Ltmp46, $3  }
0x11f: {  	_ =	sdelay $0x1  }
0x120: {  	_ =	swait.ge [sflag:s6], $0x20  }
0x121: {  	[sflag:s6] =	ssyncset.done $0x0  }
.Ltmp47:
0x122: {  	_ = 	snop;
	(pc) =	sbr.rel .LBB2_48-.Ltmp47, $1  }
0x123: {  	_ =	sdelay $0x3  }
.LBB2_50:
.Ltmp48:
0x124: {  	(pc) =	sbr.rel @p4 .LBB2_54-.Ltmp48, $1  }
0x125: {  	_ =	sdelay $0x3  }
0x126: {  	s9 =	sand.u32 $0x1F, s10  }
0x127: {  	p4 =	sne.s32 s9, $0x1  }
.Ltmp49:
0x128: {  	_ = 	snop;
	(pc) =	sbr.rel @!p4 .LBB2_53-.Ltmp49, $3  }
0x129: {  	_ =	sdelay $0x1  }
0x12a: {  	_ =	swait.ge [sflag:s6], $0x20  }
0x12b: {  	s9 =	sadd.s32 $0xFFFFFFFF, s9;
	[sflag:s6] =	ssyncset.done $0x0  }
.LBB2_52:
0x12c: {  	p4 =	sne.s32 s9, $0x1;
	s9 =	sadd.s32 $0xFFFFFFFF, s9;
	[sflag:s6] =	ssyncadd.s32 $0xFFFFFFE0  }
.Ltmp50:
0x12d: {  	(pc) =	sbr.rel @p4 .LBB2_52-.Ltmp50, $3  }
0x12e: {  	_ =	sdelay $0x1  }
0x12f: {  	_ =	swait.ge [sflag:s6], $0x20  }
0x130: {  	[sflag:s6] =	ssyncset.done $0x0  }
.LBB2_53:
0x131: {  	[sflag:s6] =	ssyncadd.s32 $0xFFFFFFE0  }
.LBB2_54:
0x132: {  	s9 =	rddreg [dreg:$0xd]  }
0x133: {  	[hbm4b:s9+s2] =	stream.linear.scatter [tilespmem:s0], [sflag:$0x3], $0x3000, $0x38;
	[tilespmem:$0x1C100] =	vst v63  }
0x134: {  	_ =	swait.ge [sflag:s5], $0x3000  }
0x135: {  	[sflag:s5] =	ssyncset.done $0x0  }
0x136: {  	[sflag:s5] =	ssyncadd.s32 $0xFFFFD000  }
0x137: {  	_ =	swait.ge [sflag:s5], $0x3000  }
0x138: {  	[sflag:s5] =	ssyncset.done $0x0  }
0x139: {  	[sflag:s5] =	ssyncadd.s32 $0xFFFFD000  }
.LBB2_55:
.Ltmp51:
0x13a: {  	(pc) =	sbr.rel @!p1 .LBB2_109-.Ltmp51, $1  }
0x13b: {  	_ =	sdelay $0x3  }
0x13c: {  	s13 =	simm.s32 $0x0;
	s9 =	rddreg [dreg:$0xe]  }
0x13d: {  	[tilespmem:s30], [sflag:$0x2] =	stream.linear.gather [hbm4b:s9+s13], $0x3000, $0x38;
	[tilespmem:$0x1C100] =	vst v63  }
.Ltmp52:
0x13e: {  	s16 =	rddreg [dreg:$0xf];
	(pc) =	sbr.rel .LBB2_57-.Ltmp52, $4  }
0x13f: {  	[tilespmem:s31], [sflag:$0x2] =	stream.linear.gather [hbm4b:s16+s13], $0x3000, $0x38;
	[tilespmem:$0x1C100] =	vst v63  }
0x140: {  	_ =	swait.ge [sflag:s18], $0x3000  }
0x141: {  	[sflag:s18] =	ssyncset.done $0x0  }
0x142: {  	s11 =	simm.s32 $0x0;
	s9 =	simm.s32 $0x0;
	[sflag:s18] =	ssyncadd.s32 $0xFFFFD000  }
.LBB2_63:
0x143: {  	[sflag:s6] =	ssyncadd.s32 $0xFFFFFFE0  }
.LBB2_64:
0x144: {  	s11 =	sadd.s32 $0x1, s11  }
0x145: {  	p5 =	seq.s32 s11, $0x40  }
.Ltmp53:
0x146: {  	_ = 	snop;
	(pc) =	sbr.rel @p5 .LBB2_65-.Ltmp53, $2  }
0x147: {  	_ =	sdelay $0x2  }
0x148: {  	s9 =	sadd.s32 $0xC0, s9;
	s13 =	smov.u32 s12  }
.LBB2_57:
0x149: {  	s14 =	sld [smem:s11+$0x0];
	_ =	sdelay $0x2  }
0x14a: {  	s10 =	sshrl.u32 s14, $0x5  }
0x14b: {  	s12 =	sand.u32 $0x1F, s10  }
0x14c: {  	p4 =	seq.s32 s12, $0x0  }
.Ltmp54:
0x14d: {  	_ = 	snop;
	(pc) =	sbr.rel @p4 .LBB2_60-.Ltmp54, $1  }
0x14e: {  	_ =	sdelay $0x3  }
0x14f: {  	s14 =	sshrl.u32 s14, $0xA;
	p5 =	seq.s32 s12, $0x1  }
.Ltmp55:
0x150: {  	s14 =	sadd.s32 s14, s9;
	(pc) =	sbr.rel @p5 .LBB2_60-.Ltmp55, $4  }
0x151: {  	s14 =	sshll.u32 s14, $0x2  }
0x152: {  	s15 =	sshra.s32 s14, $0x2  }
0x153: {  	s16 =	sadd.s32 $0xFFFFFFFF, s12;
	s14 =	sadd.s32 $0x10100, s15;
	s15 =	sadd.s32 $0x16100, s15  }
0x154: {  	[tilespmem:s15], [sflag:$0x1] =	stream.indirect.gather [spmem:s1], $0x1, s14, s7, $0xb8;
	[tilespmem:$0x1C100] =	vst v63  }
.LBB2_59:
0x155: {  	p5 =	seq.s32 s16, $0x1  }
.Ltmp56:
0x156: {  	_ = 	snop;
	(pc) =	sbr.rel @!p5 .LBB2_59-.Ltmp56, $4  }
0x157: {  	_ = 	snop  }
0x158: {  	s14 =	sadd.s32 $0x20, s14;
	s15 =	sadd.s32 $0x20, s15  }
0x159: {  	s16 =	sadd.s32 $0xFFFFFFFF, s16  }
0x15a: {  	[tilespmem:s15], [sflag:$0x1] =	stream.indirect.gather [spmem:s1], $0x1, s14, s7, $0xb8;
	[tilespmem:$0x1C100] =	vst v63  }
.LBB2_60:
0x15b: {  	p5 =	seq.s32 s13, $0x0  }
.Ltmp57:
0x15c: {  	_ = 	snop;
	(pc) =	sbr.rel @p5 .LBB2_64-.Ltmp57, $1  }
0x15d: {  	_ =	sdelay $0x3  }
0x15e: {  	p5 =	sne.s32 s13, $0x1  }
.Ltmp58:
0x15f: {  	_ = 	snop;
	(pc) =	sbr.rel @!p5 .LBB2_63-.Ltmp58, $3  }
0x160: {  	_ =	sdelay $0x1  }
0x161: {  	_ =	swait.ge [sflag:s6], $0x20  }
0x162: {  	s13 =	sadd.s32 $0xFFFFFFFF, s13;
	[sflag:s6] =	ssyncset.done $0x0  }
.LBB2_62:
0x163: {  	p5 =	sne.s32 s13, $0x1;
	s13 =	sadd.s32 $0xFFFFFFFF, s13;
	[sflag:s6] =	ssyncadd.s32 $0xFFFFFFE0  }
.Ltmp59:
0x164: {  	(pc) =	sbr.rel @p5 .LBB2_62-.Ltmp59, $3  }
0x165: {  	_ =	sdelay $0x1  }
0x166: {  	_ =	swait.ge [sflag:s6], $0x20  }
0x167: {  	[sflag:s6] =	ssyncset.done $0x0  }
.Ltmp60:
0x168: {  	_ = 	snop;
	(pc) =	sbr.rel .LBB2_63-.Ltmp60, $1  }
0x169: {  	_ =	sdelay $0x3  }
.LBB2_65:
.Ltmp61:
0x16a: {  	(pc) =	sbr.rel @p4 .LBB2_69-.Ltmp61, $1  }
0x16b: {  	_ =	sdelay $0x3  }
0x16c: {  	s9 =	sand.u32 $0x1F, s10  }
0x16d: {  	p4 =	sne.s32 s9, $0x1  }
.Ltmp62:
0x16e: {  	_ = 	snop;
	(pc) =	sbr.rel @!p4 .LBB2_68-.Ltmp62, $3  }
0x16f: {  	_ =	sdelay $0x1  }
0x170: {  	_ =	swait.ge [sflag:s6], $0x20  }
0x171: {  	s9 =	sadd.s32 $0xFFFFFFFF, s9;
	[sflag:s6] =	ssyncset.done $0x0  }
.LBB2_67:
0x172: {  	p4 =	sne.s32 s9, $0x1;
	s9 =	sadd.s32 $0xFFFFFFFF, s9;
	[sflag:s6] =	ssyncadd.s32 $0xFFFFFFE0  }
.Ltmp63:
0x173: {  	(pc) =	sbr.rel @p4 .LBB2_67-.Ltmp63, $3  }
0x174: {  	_ =	sdelay $0x1  }
0x175: {  	_ =	swait.ge [sflag:s6], $0x20  }
0x176: {  	[sflag:s6] =	ssyncset.done $0x0  }
.LBB2_68:
0x177: {  	[sflag:s6] =	ssyncadd.s32 $0xFFFFFFE0  }
.LBB2_69:
0x178: {  	s13 =	simm.s32 $0x0;
	s9 =	rddreg [dreg:$0x10]  }
0x179: {  	[hbm4b:s9+s13] =	stream.linear.scatter [tilespmem:s3], [sflag:$0x3], $0x3000, $0x38;
	[tilespmem:$0x1C100] =	vst v63  }
.Ltmp64:
0x17a: {  	s16 =	rddreg [dreg:$0x11];
	(pc) =	sbr.rel .LBB2_70-.Ltmp64, $4  }
0x17b: {  	[tilespmem:s30], [sflag:$0x2] =	stream.linear.gather [hbm4b:s16+s13], $0x3000, $0x38;
	[tilespmem:$0x1C100] =	vst v63  }
0x17c: {  	_ =	swait.ge [sflag:s18], $0x3000  }
0x17d: {  	[sflag:s18] =	ssyncset.done $0x0  }
0x17e: {  	s11 =	simm.s32 $0x0;
	s9 =	simm.s32 $0x0;
	[sflag:s18] =	ssyncadd.s32 $0xFFFFD000  }
.LBB2_76:
0x17f: {  	[sflag:s6] =	ssyncadd.s32 $0xFFFFFFE0  }
.LBB2_77:
0x180: {  	s11 =	sadd.s32 $0x1, s11  }
0x181: {  	p5 =	seq.s32 s11, $0x40  }
.Ltmp65:
0x182: {  	_ = 	snop;
	(pc) =	sbr.rel @p5 .LBB2_78-.Ltmp65, $2  }
0x183: {  	_ =	sdelay $0x2  }
0x184: {  	s9 =	sadd.s32 $0xC0, s9;
	s13 =	smov.u32 s12  }
.LBB2_70:
0x185: {  	s14 =	sld [smem:s11+$0x40];
	_ =	sdelay $0x2  }
0x186: {  	s10 =	sshrl.u32 s14, $0x5  }
0x187: {  	s12 =	sand.u32 $0x1F, s10  }
0x188: {  	p4 =	seq.s32 s12, $0x0  }
.Ltmp66:
0x189: {  	_ = 	snop;
	(pc) =	sbr.rel @p4 .LBB2_73-.Ltmp66, $1  }
0x18a: {  	_ =	sdelay $0x3  }
0x18b: {  	s14 =	sshrl.u32 s14, $0xA;
	p5 =	seq.s32 s12, $0x1  }
.Ltmp67:
0x18c: {  	s14 =	sadd.s32 s14, s9;
	(pc) =	sbr.rel @p5 .LBB2_73-.Ltmp67, $4  }
0x18d: {  	s14 =	sshll.u32 s14, $0x2  }
0x18e: {  	s15 =	sshra.s32 s14, $0x2  }
0x18f: {  	s16 =	sadd.s32 $0xFFFFFFFF, s12;
	s14 =	sadd.s32 $0x13100, s15;
	s15 =	sadd.s32 $0x19100, s15  }
0x190: {  	[tilespmem:s15], [sflag:$0x1] =	stream.indirect.gather [spmem:s1], $0x1, s14, s7, $0xb8;
	[tilespmem:$0x1C100] =	vst v63  }
.LBB2_72:
0x191: {  	p5 =	seq.s32 s16, $0x1  }
.Ltmp68:
0x192: {  	_ = 	snop;
	(pc) =	sbr.rel @!p5 .LBB2_72-.Ltmp68, $4  }
0x193: {  	_ = 	snop  }
0x194: {  	s14 =	sadd.s32 $0x20, s14;
	s15 =	sadd.s32 $0x20, s15  }
0x195: {  	s16 =	sadd.s32 $0xFFFFFFFF, s16  }
0x196: {  	[tilespmem:s15], [sflag:$0x1] =	stream.indirect.gather [spmem:s1], $0x1, s14, s7, $0xb8;
	[tilespmem:$0x1C100] =	vst v63  }
.LBB2_73:
0x197: {  	p5 =	seq.s32 s13, $0x0  }
.Ltmp69:
0x198: {  	_ = 	snop;
	(pc) =	sbr.rel @p5 .LBB2_77-.Ltmp69, $1  }
0x199: {  	_ =	sdelay $0x3  }
0x19a: {  	p5 =	sne.s32 s13, $0x1  }
.Ltmp70:
0x19b: {  	_ = 	snop;
	(pc) =	sbr.rel @!p5 .LBB2_76-.Ltmp70, $3  }
0x19c: {  	_ =	sdelay $0x1  }
0x19d: {  	_ =	swait.ge [sflag:s6], $0x20  }
0x19e: {  	s13 =	sadd.s32 $0xFFFFFFFF, s13;
	[sflag:s6] =	ssyncset.done $0x0  }
.LBB2_75:
0x19f: {  	p5 =	sne.s32 s13, $0x1;
	s13 =	sadd.s32 $0xFFFFFFFF, s13;
	[sflag:s6] =	ssyncadd.s32 $0xFFFFFFE0  }
.Ltmp71:
0x1a0: {  	(pc) =	sbr.rel @p5 .LBB2_75-.Ltmp71, $3  }
0x1a1: {  	_ =	sdelay $0x1  }
0x1a2: {  	_ =	swait.ge [sflag:s6], $0x20  }
0x1a3: {  	[sflag:s6] =	ssyncset.done $0x0  }
.Ltmp72:
0x1a4: {  	_ = 	snop;
	(pc) =	sbr.rel .LBB2_76-.Ltmp72, $1  }
0x1a5: {  	_ =	sdelay $0x3  }
.LBB2_78:
.Ltmp73:
0x1a6: {  	(pc) =	sbr.rel @p4 .LBB2_82-.Ltmp73, $1  }
0x1a7: {  	_ =	sdelay $0x3  }
0x1a8: {  	s9 =	sand.u32 $0x1F, s10  }
0x1a9: {  	p4 =	sne.s32 s9, $0x1  }
.Ltmp74:
0x1aa: {  	_ = 	snop;
	(pc) =	sbr.rel @!p4 .LBB2_81-.Ltmp74, $3  }
0x1ab: {  	_ =	sdelay $0x1  }
0x1ac: {  	_ =	swait.ge [sflag:s6], $0x20  }
0x1ad: {  	s9 =	sadd.s32 $0xFFFFFFFF, s9;
	[sflag:s6] =	ssyncset.done $0x0  }
.LBB2_80:
0x1ae: {  	p4 =	sne.s32 s9, $0x1;
	s9 =	sadd.s32 $0xFFFFFFFF, s9;
	[sflag:s6] =	ssyncadd.s32 $0xFFFFFFE0  }
.Ltmp75:
0x1af: {  	(pc) =	sbr.rel @p4 .LBB2_80-.Ltmp75, $3  }
0x1b0: {  	_ =	sdelay $0x1  }
0x1b1: {  	_ =	swait.ge [sflag:s6], $0x20  }
0x1b2: {  	[sflag:s6] =	ssyncset.done $0x0  }
.LBB2_81:
0x1b3: {  	[sflag:s6] =	ssyncadd.s32 $0xFFFFFFE0  }
.LBB2_82:
0x1b4: {  	s13 =	simm.s32 $0x0  }
0x1b5: {  	[hbm4b:s17+s13] =	stream.linear.scatter [tilespmem:s0], [sflag:$0x3], $0x3000, $0x38;
	[tilespmem:$0x1C100] =	vst v63  }
0x1b6: {  	_ = 	snop  }
0x1b7: {  	[tilespmem:s31], [sflag:$0x2] =	stream.linear.gather [hbm4b:s19+s13], $0x3000, $0x38;
	[tilespmem:$0x1C100] =	vst v63  }
0x1b8: {  	_ =	swait.ge [sflag:s18], $0x3000  }
.Ltmp76:
0x1b9: {  	[sflag:s18] =	ssyncset.done $0x0;
	(pc) =	sbr.rel .LBB2_83-.Ltmp76, $4  }
0x1ba: {  	[sflag:s18] =	ssyncadd.s32 $0xFFFFD000  }
0x1bb: {  	_ =	swait.ge [sflag:s5], $0x3000  }
0x1bc: {  	[sflag:s5] =	ssyncset.done $0x0  }
0x1bd: {  	s9 =	simm.s32 $0x0;
	s11 =	simm.s32 $0x0;
	[sflag:s5] =	ssyncadd.s32 $0xFFFFD000  }
.LBB2_89:
0x1be: {  	[sflag:s6] =	ssyncadd.s32 $0xFFFFFFE0  }
.LBB2_90:
0x1bf: {  	s11 =	sadd.s32 $0x1, s11  }
0x1c0: {  	p5 =	seq.s32 s11, $0x40  }
.Ltmp77:
0x1c1: {  	_ = 	snop;
	(pc) =	sbr.rel @p5 .LBB2_91-.Ltmp77, $2  }
0x1c2: {  	_ =	sdelay $0x2  }
0x1c3: {  	s9 =	sadd.s32 $0xC0, s9;
	s13 =	smov.u32 s12  }
.LBB2_83:
0x1c4: {  	s14 =	sld [smem:s11+$0x80];
	_ =	sdelay $0x2  }
0x1c5: {  	s10 =	sshrl.u32 s14, $0x5  }
0x1c6: {  	s12 =	sand.u32 $0x1F, s10  }
0x1c7: {  	p4 =	seq.s32 s12, $0x0  }
.Ltmp78:
0x1c8: {  	_ = 	snop;
	(pc) =	sbr.rel @p4 .LBB2_86-.Ltmp78, $1  }
0x1c9: {  	_ =	sdelay $0x3  }
0x1ca: {  	s14 =	sshrl.u32 s14, $0xA;
	p5 =	seq.s32 s12, $0x1  }
.Ltmp79:
0x1cb: {  	s14 =	sadd.s32 s14, s9;
	(pc) =	sbr.rel @p5 .LBB2_86-.Ltmp79, $4  }
0x1cc: {  	s14 =	sshll.u32 s14, $0x2  }
0x1cd: {  	s15 =	sshra.s32 s14, $0x2  }
0x1ce: {  	s16 =	sadd.s32 $0xFFFFFFFF, s12;
	s14 =	sadd.s32 $0x10100, s15;
	s15 =	sadd.s32 $0x16100, s15  }
0x1cf: {  	[tilespmem:s15], [sflag:$0x1] =	stream.indirect.gather [spmem:s1], $0x1, s14, s7, $0xb8;
	[tilespmem:$0x1C100] =	vst v63  }
.LBB2_85:
0x1d0: {  	p5 =	seq.s32 s16, $0x1  }
.Ltmp80:
0x1d1: {  	_ = 	snop;
	(pc) =	sbr.rel @!p5 .LBB2_85-.Ltmp80, $4  }
0x1d2: {  	_ = 	snop  }
0x1d3: {  	s14 =	sadd.s32 $0x20, s14;
	s15 =	sadd.s32 $0x20, s15  }
0x1d4: {  	s16 =	sadd.s32 $0xFFFFFFFF, s16  }
0x1d5: {  	[tilespmem:s15], [sflag:$0x1] =	stream.indirect.gather [spmem:s1], $0x1, s14, s7, $0xb8;
	[tilespmem:$0x1C100] =	vst v63  }
.LBB2_86:
0x1d6: {  	p5 =	seq.s32 s13, $0x0  }
.Ltmp81:
0x1d7: {  	_ = 	snop;
	(pc) =	sbr.rel @p5 .LBB2_90-.Ltmp81, $1  }
0x1d8: {  	_ =	sdelay $0x3  }
0x1d9: {  	p5 =	sne.s32 s13, $0x1  }
.Ltmp82:
0x1da: {  	_ = 	snop;
	(pc) =	sbr.rel @!p5 .LBB2_89-.Ltmp82, $3  }
0x1db: {  	_ =	sdelay $0x1  }
0x1dc: {  	_ =	swait.ge [sflag:s6], $0x20  }
0x1dd: {  	s13 =	sadd.s32 $0xFFFFFFFF, s13;
	[sflag:s6] =	ssyncset.done $0x0  }
.LBB2_88:
0x1de: {  	p5 =	sne.s32 s13, $0x1;
	s13 =	sadd.s32 $0xFFFFFFFF, s13;
	[sflag:s6] =	ssyncadd.s32 $0xFFFFFFE0  }
.Ltmp83:
0x1df: {  	(pc) =	sbr.rel @p5 .LBB2_88-.Ltmp83, $3  }
0x1e0: {  	_ =	sdelay $0x1  }
0x1e1: {  	_ =	swait.ge [sflag:s6], $0x20  }
0x1e2: {  	[sflag:s6] =	ssyncset.done $0x0  }
.Ltmp84:
0x1e3: {  	_ = 	snop;
	(pc) =	sbr.rel .LBB2_89-.Ltmp84, $1  }
0x1e4: {  	_ =	sdelay $0x3  }
.LBB2_91:
.Ltmp85:
0x1e5: {  	(pc) =	sbr.rel @p4 .LBB2_95-.Ltmp85, $1  }
0x1e6: {  	_ =	sdelay $0x3  }
0x1e7: {  	s9 =	sand.u32 $0x1F, s10  }
0x1e8: {  	p4 =	sne.s32 s9, $0x1  }
.Ltmp86:
0x1e9: {  	_ = 	snop;
	(pc) =	sbr.rel @!p4 .LBB2_94-.Ltmp86, $3  }
0x1ea: {  	_ =	sdelay $0x1  }
0x1eb: {  	_ =	swait.ge [sflag:s6], $0x20  }
0x1ec: {  	s9 =	sadd.s32 $0xFFFFFFFF, s9;
	[sflag:s6] =	ssyncset.done $0x0  }
.LBB2_93:
0x1ed: {  	p4 =	sne.s32 s9, $0x1;
	s9 =	sadd.s32 $0xFFFFFFFF, s9;
	[sflag:s6] =	ssyncadd.s32 $0xFFFFFFE0  }
.Ltmp87:
0x1ee: {  	(pc) =	sbr.rel @p4 .LBB2_93-.Ltmp87, $3  }
0x1ef: {  	_ =	sdelay $0x1  }
0x1f0: {  	_ =	swait.ge [sflag:s6], $0x20  }
0x1f1: {  	[sflag:s6] =	ssyncset.done $0x0  }
.LBB2_94:
0x1f2: {  	[sflag:s6] =	ssyncadd.s32 $0xFFFFFFE0  }
.LBB2_95:
0x1f3: {  	s13 =	simm.s32 $0x0  }
0x1f4: {  	[hbm4b:s20+s13] =	stream.linear.scatter [tilespmem:s3], [sflag:$0x3], $0x3000, $0x38;
	[tilespmem:$0x1C100] =	vst v63  }
0x1f5: {  	_ =	swait.ge [sflag:s18], $0x3000  }
.Ltmp88:
0x1f6: {  	[sflag:s18] =	ssyncset.done $0x0;
	(pc) =	sbr.rel .LBB2_96-.Ltmp88, $4  }
0x1f7: {  	[sflag:s18] =	ssyncadd.s32 $0xFFFFD000  }
0x1f8: {  	_ =	swait.ge [sflag:s5], $0x3000  }
0x1f9: {  	[sflag:s5] =	ssyncset.done $0x0  }
0x1fa: {  	s9 =	simm.s32 $0x0;
	s11 =	simm.s32 $0x0;
	[sflag:s5] =	ssyncadd.s32 $0xFFFFD000  }
.LBB2_102:
0x1fb: {  	[sflag:s6] =	ssyncadd.s32 $0xFFFFFFE0  }
.LBB2_103:
0x1fc: {  	s11 =	sadd.s32 $0x1, s11  }
0x1fd: {  	p5 =	seq.s32 s11, $0x40  }
.Ltmp89:
0x1fe: {  	_ = 	snop;
	(pc) =	sbr.rel @p5 .LBB2_104-.Ltmp89, $2  }
0x1ff: {  	_ =	sdelay $0x2  }
0x200: {  	s9 =	sadd.s32 $0xC0, s9;
	s13 =	smov.u32 s12  }
.LBB2_96:
0x201: {  	s14 =	sld [smem:s11+$0xC0];
	_ =	sdelay $0x2  }
0x202: {  	s10 =	sshrl.u32 s14, $0x5  }
0x203: {  	s12 =	sand.u32 $0x1F, s10  }
0x204: {  	p4 =	seq.s32 s12, $0x0  }
.Ltmp90:
0x205: {  	_ = 	snop;
	(pc) =	sbr.rel @p4 .LBB2_99-.Ltmp90, $1  }
0x206: {  	_ =	sdelay $0x3  }
0x207: {  	s14 =	sshrl.u32 s14, $0xA;
	p5 =	seq.s32 s12, $0x1  }
.Ltmp91:
0x208: {  	s14 =	sadd.s32 s14, s9;
	(pc) =	sbr.rel @p5 .LBB2_99-.Ltmp91, $4  }
0x209: {  	s14 =	sshll.u32 s14, $0x2  }
0x20a: {  	s15 =	sshra.s32 s14, $0x2  }
0x20b: {  	s16 =	sadd.s32 $0xFFFFFFFF, s12;
	s14 =	sadd.s32 $0x13100, s15;
	s15 =	sadd.s32 $0x19100, s15  }
0x20c: {  	[tilespmem:s15], [sflag:$0x1] =	stream.indirect.gather [spmem:s1], $0x1, s14, s7, $0xb8;
	[tilespmem:$0x1C100] =	vst v63  }
.LBB2_98:
0x20d: {  	p5 =	seq.s32 s16, $0x1  }
.Ltmp92:
0x20e: {  	_ = 	snop;
	(pc) =	sbr.rel @!p5 .LBB2_98-.Ltmp92, $4  }
0x20f: {  	_ = 	snop  }
0x210: {  	s14 =	sadd.s32 $0x20, s14;
	s15 =	sadd.s32 $0x20, s15  }
0x211: {  	s16 =	sadd.s32 $0xFFFFFFFF, s16  }
0x212: {  	[tilespmem:s15], [sflag:$0x1] =	stream.indirect.gather [spmem:s1], $0x1, s14, s7, $0xb8;
	[tilespmem:$0x1C100] =	vst v63  }
.LBB2_99:
0x213: {  	p5 =	seq.s32 s13, $0x0  }
.Ltmp93:
0x214: {  	_ = 	snop;
	(pc) =	sbr.rel @p5 .LBB2_103-.Ltmp93, $1  }
0x215: {  	_ =	sdelay $0x3  }
0x216: {  	p5 =	sne.s32 s13, $0x1  }
.Ltmp94:
0x217: {  	_ = 	snop;
	(pc) =	sbr.rel @!p5 .LBB2_102-.Ltmp94, $3  }
0x218: {  	_ =	sdelay $0x1  }
0x219: {  	_ =	swait.ge [sflag:s6], $0x20  }
0x21a: {  	s13 =	sadd.s32 $0xFFFFFFFF, s13;
	[sflag:s6] =	ssyncset.done $0x0  }
.LBB2_101:
0x21b: {  	p5 =	sne.s32 s13, $0x1;
	s13 =	sadd.s32 $0xFFFFFFFF, s13;
	[sflag:s6] =	ssyncadd.s32 $0xFFFFFFE0  }
.Ltmp95:
0x21c: {  	(pc) =	sbr.rel @p5 .LBB2_101-.Ltmp95, $3  }
0x21d: {  	_ =	sdelay $0x1  }
0x21e: {  	_ =	swait.ge [sflag:s6], $0x20  }
0x21f: {  	[sflag:s6] =	ssyncset.done $0x0  }
.Ltmp96:
0x220: {  	_ = 	snop;
	(pc) =	sbr.rel .LBB2_102-.Ltmp96, $1  }
0x221: {  	_ =	sdelay $0x3  }
.LBB2_104:
.Ltmp97:
0x222: {  	(pc) =	sbr.rel @p4 .LBB2_108-.Ltmp97, $1  }
0x223: {  	_ =	sdelay $0x3  }
0x224: {  	s9 =	sand.u32 $0x1F, s10  }
0x225: {  	p4 =	sne.s32 s9, $0x1  }
.Ltmp98:
0x226: {  	_ = 	snop;
	(pc) =	sbr.rel @!p4 .LBB2_107-.Ltmp98, $3  }
0x227: {  	_ =	sdelay $0x1  }
0x228: {  	_ =	swait.ge [sflag:s6], $0x20  }
0x229: {  	s9 =	sadd.s32 $0xFFFFFFFF, s9;
	[sflag:s6] =	ssyncset.done $0x0  }
.LBB2_106:
0x22a: {  	p4 =	sne.s32 s9, $0x1;
	s9 =	sadd.s32 $0xFFFFFFFF, s9;
	[sflag:s6] =	ssyncadd.s32 $0xFFFFFFE0  }
.Ltmp99:
0x22b: {  	(pc) =	sbr.rel @p4 .LBB2_106-.Ltmp99, $3  }
0x22c: {  	_ =	sdelay $0x1  }
0x22d: {  	_ =	swait.ge [sflag:s6], $0x20  }
0x22e: {  	[sflag:s6] =	ssyncset.done $0x0  }
.Ltmp100:
0x22f: {  	_ = 	snop;
	(pc) =	sbr.rel .LBB2_107-.Ltmp100, $1  }
0x230: {  	_ =	sdelay $0x3  }
.LBB2_110:
0x231: {  	_ =	sfence.sel $0x180000  }
0x232: {  	[bflag:$0x0] =	sbarrier.arrive $0xFFFF  }
0x233: {  	_ =	strace $0x9000004A  }
0x234: {  	s0 =	stileid.u32;
	[bflag:$0x2] =	sbarrier.arrive $0xFFFF  }
0x235: {  	p0 =	sne.s32 s0, $0x0;
	s0 =	rddreg [dreg:$0x5]  }
0x236: {  	s0 =	sadd.s32 @!p0 $0x100000, s0  }
0x237: {  	[sflag:s0] =	ssyncadd.tile.s32 @!p0 $0x1;
	_ =	shalt  }
.Lfunc_end2:
_tile_overlayer_lowered:
.L_overlay_start_2:
0x238: {  	(tag) =	ssettag $0x2  }
0x239: {  	s0 =	rddreg [dreg:$0x0];
	s2 =	stileid.u32  }
0x23a: {  	s1 =	rddreg [dreg:$0x1];
	p0 =	sne.s32 s2, $0x0  }
0x23b: {  	s3 =	rddreg [dreg:$0x2];
	[bflag:$0x3] =	sbarrier.arrive $0xFFFF;
	s2 =	simm.s32 @!p0 $0x1C04  }
0x23c: {  	[timem:s3], [sflag:s2] =	dma.local @!p0 [hbm:s0], s1  }
0x23d: {  	s0 =	simm.s32 @!p0 $0x4  }
0x23e: {  	_ =	swait.ge @!p0 [sflag:s0], s1  }
0x23f: {  	s1 =	ssub.s32 @!p0 $0x0, s1;
	[sflag:s0] =	ssyncset.done @!p0 $0x0  }
0x240: {  	[sflag:s0] =	ssyncadd.s32 @!p0 s1  }
0x241: {  	[bflag:$0x3] =	sbarrier.arrive $0xFFFF  }
0x242: {  	_ =	shalt  }

// kernel: kernel.8.cloned.1.call-start
scs
__scs_entry_jumppad:
0x0: {  	(pc) =	sbr.rel $0x88, $3  }
0x1: {  	(tag) =	ssettag $0x0;
	lr =	simm.s32 $0x1  }
0x2: {  	[smem:$0x3F9F] =	sst lr;
	_ =	strace $0xD0000000  }
0x3: {  	_ = 	snop  }
0x4: {  	_ = 	snop  }
0x5: {  	_ = 	snop  }
0x6: {  	_ = 	snop  }
0x7: {  	_ = 	snop  }
__scs_overlays_trampoline_lowered:
0x8: {  	[smem:$0x3FAE] =	sst s0  }
0x9: {  	[smem:$0x3FAF] =	sst s1  }
0xa: {  	[smem:$0x3FB0] =	sst s2  }
0xb: {  	[smem:$0x3FB1] =	sst s3  }
0xc: {  	[smem:$0x3FB2] =	sst s4  }
0xd: {  	[smem:$0x3FB3] =	sst s5  }
0xe: {  	[smem:$0x3FB4] =	sst s6  }
0xf: {  	[smem:$0x3FB5] =	sst s7  }
0x10: {  	[smem:$0x3FB6] =	sst s8  }
0x11: {  	[smem:$0x3FB7] =	sst s9;
	s0 =	simm.s32 @!p0 $0x0  }
0x12: {  	s1 =	sld [smem:$0x3F9D];
	s0 =	simm.s32 @p0 $0x1  }
0x13: {  	[smem:$0x3FB8] =	sst s0;
	s0 =	simm.s32 @!p1 $0x0  }
0x14: {  	s2 =	sld [smem:$0x3F9C];
	s0 =	simm.s32 @p1 $0x1  }
0x15: {  	[smem:$0x3FB9] =	sst s0;
	s0 =	simm.s32 @!p2 $0x0  }
0x16: {  	s3 =	sld [smem:$0x3FDB];
	s0 =	simm.s32 @p2 $0x1  }
0x17: {  	s4 =	simm.s32 $0x1BF5;
	[smem:$0x3FBB] =	sst s0  }
0x18: {  	s0 =	sld [smem:$0x3F9E];
	_ =	swait.ge [sflag:s4], $0x0  }
0x19: {  	s7 =	sld [smem:$0x3F9F]  }
0x1a: {  	s8 =	sadd.s32 $0xFFFFE003, lr  }
0x1b: {  	s9 =	sadd.s32 $0xFFFFFEF7, lr;
	s5 =	simm.s32 $0xFFFFFFFF;
	p2 =	slt.u32 s8, $0xFFFFF086  }
0x1c: {  	p1 =	slt.u32 s9, $0xF7A;
	s5 =	simm.s32 @!p2 $0x0  }
0x1d: {  	s5 =	simm.s32 @p1 $0x1;
	p0 =	seq.s32 s7, s2  }
0x1e: {  	s7 =	smul.u32 @!p0 $0xF7A, s2;
	p2 =	seq.s32 @!p0 s5, $0x0  }
0x1f: {  	s9 =	smul.u32 $0xF7A, s1;
	s8 =	simm.s32 @!p0 $0x1BF5;
	p2 =	por !p2, p0  }
0x20: {  	[sflag:s8] =	ssyncset.s32 @!p0 $0xFFFFF086;
	s6 =	sadd.s32 @!p0 s3, s7;
	s7 =	simm.s32 @!p0 $0x108  }
0x21: {  	s3 =	sadd.s32 s3, s9;
	s6 =	sadd.s32 @!p0 $0x88, s6;
	s7 =	simm.s32 @p2 $0x1082  }
0x22: {  	[simem:s7], [sflag:s8] =	dma.local @!p0 [hbm:s6], $0xF7A  }
0x23: {  	s9 =	sor.u32 $0xD0000000, s2;
	s6 =	simm.s32 $0x108;
	_ =	swait.ge @!p0 [sflag:s8], $0x0  }
0x24: {  	s3 =	sadd.s32 $0x88, s3;
	s6 =	simm.s32 @!p1 $0x1082;
	[sflag:s4] =	ssyncset.s32 $0xFFFFF086  }
0x25: {  	[simem:s6], [sflag:s4] =	dma.local [hbm:s3], $0xF7A  }
0x26: {  	[smem:$0x3F9F] =	sst s1;
	(tag) =	ssettag s2;
	_ =	strace s9  }
0x27: {  	s1 =	sld [smem:$0x3FAF]  }
0x28: {  	s2 =	sld [smem:$0x3FB0]  }
0x29: {  	s4 =	sld [smem:$0x3FB2]  }
0x2a: {  	p0 =	seq.s32 s5, $0x0;
	s5 =	sld [smem:$0x3FB3]  }
0x2b: {  	s6 =	sld [smem:$0x3FB4]  }
0x2c: {  	s7 =	sld [smem:$0x3FB5]  }
0x2d: {  	s3 =	simm.s32 $0x108;
	s8 =	sld [smem:$0x3FB6]  }
0x2e: {  	s3 =	simm.s32 @!p0 $0x1082;
	s9 =	sld [smem:$0x3FB7]  }
0x2f: {  	lr =	sadd.s32 s0, s3;
	s0 =	sld [smem:$0x3FAE]  }
0x30: {  	s3 =	sld [smem:$0x3FB1]  }
0x31: {  	[smem:$0x3FBA] =	sst s10  }
0x32: {  	s10 =	sld [smem:$0x3FB8];
	_ =	sdelay $0x3  }
0x33: {  	p0 =	seq.s32 s10, $0x1;
	s10 =	sld [smem:$0x3FBA];
	_ =	sdelay $0x3  }
0x34: {  	[smem:$0x3FBA] =	sst s10  }
0x35: {  	s10 =	sld [smem:$0x3FB9];
	_ =	sdelay $0x3  }
0x36: {  	p1 =	seq.s32 s10, $0x1;
	s10 =	sld [smem:$0x3FBA];
	_ =	sdelay $0x3  }
0x37: {  	[smem:$0x3FBA] =	sst s10  }
0x38: {  	s10 =	sld [smem:$0x3FBB]  }
0x39: {  	_ = 	snop;
	(pc) =	sbr.ind lr, $3  }
0x3a: {  	_ = 	snop  }
0x3b: {  	_ = 	snop  }
0x3c: {  	p2 =	seq.s32 s10, $0x1;
	s10 =	sld [smem:$0x3FBA]  }
0x3d: {  	_ =	shalt  }
0x3e: {  	_ =	shalt  }
0x3f: {  	_ =	shalt  }
0x40: {  	_ =	shalt  }
0x41: {  	_ =	shalt  }
0x42: {  	_ =	shalt  }
0x43: {  	_ =	shalt  }
0x44: {  	_ =	shalt  }
0x45: {  	_ =	shalt  }
0x46: {  	_ =	shalt  }
0x47: {  	_ =	shalt  }
0x48: {  	_ =	shalt  }
0x49: {  	_ =	shalt  }
0x4a: {  	_ =	shalt  }
0x4b: {  	_ =	shalt  }
0x4c: {  	_ =	shalt  }
0x4d: {  	_ =	shalt  }
0x4e: {  	_ =	shalt  }
0x4f: {  	_ =	shalt  }
0x50: {  	_ =	shalt  }
0x51: {  	_ =	shalt  }
0x52: {  	_ =	shalt  }
0x53: {  	_ =	shalt  }
0x54: {  	_ =	shalt  }
0x55: {  	_ =	shalt  }
0x56: {  	_ =	shalt  }
0x57: {  	_ =	shalt  }
0x58: {  	_ =	shalt  }
0x59: {  	_ =	shalt  }
0x5a: {  	_ =	shalt  }
0x5b: {  	_ =	shalt  }
0x5c: {  	_ =	shalt  }
0x5d: {  	_ =	shalt  }
0x5e: {  	_ =	shalt  }
0x5f: {  	_ =	shalt  }
0x60: {  	_ =	shalt  }
0x61: {  	_ =	shalt  }
0x62: {  	_ =	shalt  }
0x63: {  	_ =	shalt  }
0x64: {  	_ =	shalt  }
0x65: {  	_ =	shalt  }
0x66: {  	_ =	shalt  }
0x67: {  	_ =	shalt  }
0x68: {  	_ =	shalt  }
0x69: {  	_ =	shalt  }
0x6a: {  	_ =	shalt  }
0x6b: {  	_ =	shalt  }
0x6c: {  	_ =	shalt  }
0x6d: {  	_ =	shalt  }
0x6e: {  	_ =	shalt  }
0x6f: {  	_ =	shalt  }
0x70: {  	_ =	shalt  }
0x71: {  	_ =	shalt  }
0x72: {  	_ =	shalt  }
0x73: {  	_ =	shalt  }
0x74: {  	_ =	shalt  }
0x75: {  	_ =	shalt  }
0x76: {  	_ =	shalt  }
0x77: {  	_ =	shalt  }
0x78: {  	_ =	shalt  }
0x79: {  	_ =	shalt  }
0x7a: {  	_ =	shalt  }
0x7b: {  	_ =	shalt  }
0x7c: {  	_ =	shalt  }
0x7d: {  	_ =	shalt  }
0x7e: {  	_ =	shalt  }
0x7f: {  	_ =	shalt  }
0x80: {  	_ =	shalt  }
0x81: {  	_ =	shalt  }
0x82: {  	_ =	shalt  }
0x83: {  	_ =	shalt  }
0x84: {  	_ =	shalt  }
0x85: {  	_ =	shalt  }
0x86: {  	_ =	shalt  }
0x87: {  	_ =	shalt  }
.Lfunc_end0:
.L_simem_size_0:
called_computation_lowered:
.L_overlay_start_0:
0x88: {  	s2 =	sld [smem:$0x3FD9]  }
0x89: {  	s3 =	sld [smem:$0x3FFE];
	_ =	sdelay $0x1  }
0x8a: {  	s1 =	srdreg.scid  }
0x8b: {  	s0 =	sand.u32 $0x1, s1  }
0x8c: {  	s17 =	sshll.u32 s0, $0xA;
	s2 =	sadd.s32 s3, s2  }
0x8d: {  	s2 =	sadd.s32 s2, s17  }
0x8e: {  	[smem:$0x3FC6] =	sst s2  }
0x8f: {  	_ = 	snop  }
0x90: {  	s2 =	sld [smem:$0x3FC9];
	(tm) =	ssettm $0x1  }
0x91: {  	s18 =	sld [smem:$0x3FFB];
	_ =	sdelay $0x3  }
0x92: {  	_ =	strace s18  }
0x93: {  	s3 =	sld [smem:$0x3FFC];
	_ =	sdelay $0x3  }
0x94: {  	_ =	strace s3  }
0x95: {  	s3 =	sld [smem:$0x3FFD];
	_ =	sdelay $0x3  }
0x96: {  	_ =	strace s3  }
0x97: {  	_ =	strace $0x8FFFFFFF  }
0x98: {  	s19 =	sld [smem:$0x3FDB];
	_ =	sdelay $0x1  }
0x99: {  	s4 =	simm.s32 $_scs_section_size  }
0x9a: {  	s5 =	simm.s32 $_size__tile_overlayer_lowered;
	s6 =	simm.s32 $_tile_overlayer_lowered  }
0x9b: {  	s22 =	simm.s32 $0x1BFF;
	s21 =	sshll.u32 s6, $0x1;
	s3 =	sadd.s32 s4, s19  }
0x9c: {  	s7 =	simm.s32 $0x0;
	s20 =	sshll.u32 s5, $0x1;
	s5 =	sadd.s32 s21, s3  }
0x9d: {  	[timem:s7], [sflag:s22] =	dma.local [hbm:s5], s20  }
0x9e: {  	_ =	swait.ge [sflag:s22], s20  }
0x9f: {  	s4 =	ssub.s32 $0x0, s20;
	[sflag:s22] =	ssyncset.done $0x0  }
0xa0: {  	[sflag:s22] =	ssyncadd.s32 s4;
	_ =	sdelay $0x1  }
0xa1: {  	s23 =	simm.s32 $0x1B8B  }
0xa2: {  	_ =	swait.ge [sflag:s23], $0x1  }
0xa3: {  	[sflag:s23] =	ssyncset.done $0x0  }
0xa4: {  	s25 =	simm.s32 $0x1B8E;
	s24 =	sld [smem:$0x3FFE];
	[sflag:s23] =	ssyncadd.s32 $0xFFFFFFFF  }
0xa5: {  	s26 =	simm.s32 $execute0_lowered;
	[smem:$0x3FD2] =	sst s25  }
0xa6: {  	s5 =	sshll.u32 s26, $0x1;
	_ =	strace $0x80000046;
	[dreg:$0x1] =	wrdreg $0xFFFFFFFF  }
0xa7: {  	s28 =	simm.s32 $_size_execute0_lowered;
	s3 =	sadd.s32 s3, s5;
	[dreg:$0x0] =	wrdreg $0x0  }
0xa8: {  	s5 =	sshll.u32 s28, $0x1;
	[dreg:$0x2] =	wrdreg s3  }
0xa9: {  	[dreg:$0x3] =	wrdreg s5  }
0xaa: {  	[dreg:$0x4] =	wrdreg $0xC0  }
0xab: {  	_ =	task [dreg:s7], $0x5FFFF  }
0xac: {  	[dreg:$0x1] =	wrdreg $0xFFFFFFFF  }
0xad: {  	[dreg:$0x0] =	wrdreg $0x60  }
0xae: {  	[dreg:$0x2] =	wrdreg s24  }
0xaf: {  	[dreg:$0x3] =	wrdreg s2  }
0xb0: {  	[dreg:$0x4] =	wrdreg $0x0  }
0xb1: {  	[dreg:$0x5] =	wrdreg $0x100000  }
0xb2: {  	[dreg:$0x6] =	wrdreg $0x9  }
0xb3: {  	_ =	task.clear_ibuf [dreg:s7], $0x7FFFF;
	_ =	strace $0x90000046  }
0xb4: {  	s29 =	simm.s32 $0x9;
	_ =	strace $0x80000048  }
0xb5: {  	_ =	swait.ge [sflag:s29], $0x1  }
0xb6: {  	[sflag:s29] =	ssyncadd.s32 $0xFFFFFFFF  }
0xb7: {  	_ =	strace $0x90000048  }
0xb8: {  	_ =	sfence  }
0xb9: {  	s30 =	sld [smem:$0x0];
	_ =	sdelay $0x2  }
0xba: {  	s31 =	sshll.u32 s1, $0xD;
	s1 =	sshrl.u32 s1, $0x2  }
0xbb: {  	s3 =	sand.u32 $0x4000, s31;
	s1 =	sadd.s32 s1, s30  }
0xbc: {  	s0 =	sor.u32 s3, s0;
	s1 =	sshll.u32 s1, $0x11  }
0xbd: {  	s0 =	sor.u32 s1, s0  }
0xbe: {  	s0 =	sadd.s32 $0x8F2B, s0  }
0xbf: {  	[sflag:s0] =	ssyncadd.remote.s32 $0x1  }
0xc0: {  	_ =	sfence.sel $0xFFFF  }
0xc1: {  	[dreg:$0x0] =	wrdreg $0xFFFFFFFF;
	(pc) =	sbr.abs _section_cstart, $3  }
0xc2: {  	[dreg:$0x1] =	wrdreg $0xFFFFFFFF  }
0xc3: {  	_ =	task.clear_ibuf [dreg:s7], $0x2FFFF;
	_ =	strace $0x9FFFFFFF  }
0xc4: {  	(tm) =	ssettm $0x7FFFFFFF  }
0xc5: {  	_ =	shalt  }
tec
execute0_lowered:
.L_overlay_start_1:
0x0: {  	(tag) =	ssettag $0x1  }
0x1: {  	s3 =	rddreg [dreg:$0x0]  }
0x2: {  	s4 =	rddreg [dreg:$0x1]  }
0x3: {  	s0 =	rddreg [dreg:$0x2]  }
0x4: {  	s1 =	rddreg [dreg:$0x3];
	s2 =	simm.s32 $0x0;
	s6 =	srdreg.scid  }
0x5: {  	s16 =	stileid.u32;
	s29 =	simm.s32 $0x4;
	s30 =	simm.s32 $0x10100  }
0x6: {  	s31 =	simm.s32 $0x13100;
	[smem:$0x7FF] =	sst s2;
	s5 =	sadd.s32 $0x600, s3  }
0x7: {  	s7 =	sadd.s32 $0x18600, s3;
	s6 =	sand.u32 $0x1, s6;
	s12 =	smul.u32 $0x1800, s16  }
0x8: {  	s8 =	sadd.s32 $0x30A00, s3;
	s9 =	sshll.u32 s16, $0x10;
	s14 =	smul.u32 $0xC000, s16  }
0x9: {  	s15 =	sadd.s32 $0x48A00, s3;
	p3 =	seq.s32 s16, $0x0;
	s10 =	sshll.u32 s6, $0x14  }
0xa: {  	s11 =	ssub.s32 $0x2, s6;
	p1 =	seq.s32 s6, $0x1;
	p2 =	sne.s32 s6, $0x0  }
0xb: {  	s10 =	sor.u32 s9, s10;
	s13 =	sshrl.u32 s11, $0x1;
	s25 =	sadd.s32 s5, s12  }
0xc: {  	s26 =	sshrl.u32 s14, $0x3;
	s19 =	sadd.s32 s8, s12;
	s24 =	sadd.s32 s7, s12  }
0xd: {  	p3 =	por !p3, !p1;
	s14 =	simm.s32 $0x2;
	[dreg:$0x5] =	wrdreg s25  }
0xe: {  	s10 =	sshrl.u32 s10, $0x3;
	s11 =	ssub.s32 s11, s13;
	[dreg:$0x7] =	wrdreg s19  }
0xf: {  	s20 =	sadd.s32 $0xC00, s26;
	s13 =	sadd.s32 $0x1200, s26;
	[dreg:$0xd] =	wrdreg s24  }
0x10: {  	s26 =	sadd.s32 s15, s12;
	p3 =	por !p3, !p3;
	s4 =	sadd.s32 s4, s10  }
0x11: {  	s10 =	sor.u32 $0x600, s12;
	s17 =	sadd.s32 s5, s20;
	[dreg:$0xf] =	wrdreg s26  }
0x12: {  	s22 =	sadd.s32 s8, s20;
	s23 =	sadd.s32 s8, s13;
	[dreg:$0x8] =	wrdreg s17  }
0x13: {  	s19 =	sadd.s32 s7, s13;
	s26 =	sshll.u32 s16, $0x8;
	[dreg:$0xb] =	wrdreg s22  }
0x14: {  	s18 =	sadd.s32 s5, s10;
	s21 =	sadd.s32 s8, s10;
	[dreg:$0xc] =	wrdreg s23  }
0x15: {  	s5 =	sadd.s32 s5, s13;
	s25 =	sadd.s32 s7, s10;
	[dreg:$0x6] =	wrdreg s18  }
0x16: {  	s8 =	sadd.s32 s7, s20;
	s12 =	sadd.s32 s15, s10;
	[dreg:$0x9] =	wrdreg s21  }
0x17: {  	s20 =	sadd.s32 s15, s20;
	s17 =	sor.u32 s6, s16;
	[dreg:$0xa] =	wrdreg s5  }
0x18: {  	s22 =	sadd.s32 $0x30600, s3;
	s23 =	sadd.s32 $0x30800, s3;
	[dreg:$0xe] =	wrdreg s25  }
0x19: {  	s3 =	simm.s32 $0x16100;
	s6 =	simm.s32 $0x3;
	[dreg:$0x10] =	wrdreg s8  }
.Ltmp0:
0x1a: {  	s7 =	simm.s32 $0x1;
	[dreg:$0x11] =	wrdreg s12;
	(pc) =	sbr.rel .LBB2_1-.Ltmp0, $4  }
0x1b: {  	s21 =	sadd.s32 s15, s13;
	p0 =	sne.s32 s17, $0x0;
	s18 =	sadd.s32 s9, s0  }
0x1c: {  	s25 =	sshll.u32 s16, $0x6;
	s5 =	simm.s32 $0x19100;
	s8 =	simm.s32 $0x20  }
0x1d: {  	s9 =	simm.s32 $0x0;
	_ =	strace $0x80000047;
	s24 =	sor.u32 $0x1C04, s25  }
0x1e: {  	s25 =	sadd.s32 s26, s1;
	s26 =	smax.u32 s11, $0x1;
	s28 =	sshrl.u32 s18, $0x3  }
.LBB2_107:
0x1f: {  	[sflag:s7] =	ssyncadd.s32 $0xFFFFFFE0  }
.LBB2_108:
0x20: {  	[hbm4b:s21+s2] =	stream.linear.scatter [tilespmem:s5], [sflag:$0x3], $0x3000, $0x38;
	[tilespmem:$0x1C100] =	vst v63  }
0x21: {  	_ =	swait.ge [sflag:s6], $0x3000  }
0x22: {  	[sflag:s6] =	ssyncset.done $0x0  }
0x23: {  	[sflag:s6] =	ssyncadd.s32 $0xFFFFD000  }
0x24: {  	_ =	swait.ge [sflag:s6], $0x3000  }
0x25: {  	[sflag:s6] =	ssyncset.done $0x0  }
0x26: {  	[sflag:s6] =	ssyncadd.s32 $0xFFFFD000  }
.LBB2_109:
0x27: {  	s9 =	sadd.s32 $0x1, s9  }
0x28: {  	p4 =	sne.s32 s9, s26  }
.Ltmp1:
0x29: {  	_ = 	snop;
	(pc) =	sbr.rel @!p4 .LBB2_110-.Ltmp1, $1  }
0x2a: {  	_ =	sdelay $0x3  }
.LBB2_1:
0x2b: {  	[spmem:s28], [sflag:s24] =	dma.local [hbm:s4], $0x2000  }
0x2c: {  	_ =	swait.ge [sflag:s29], $0x2000  }
0x2d: {  	[sflag:s29] =	ssyncset.done $0x0  }
0x2e: {  	s10 =	sshrl.u32 @!p0 s1, $0x3;
	[sflag:s29] =	ssyncadd.s32 $0xFFFFE000  }
0x2f: {  	[spmem:s10], [sflag:s24] =	dma.local @!p0 [hbm:s22], $0x200  }
0x30: {  	s10 =	simm.s32 @!p0 $0x4  }
0x31: {  	_ =	swait.ge @!p0 [sflag:s10], $0x200  }
0x32: {  	[sflag:s10] =	ssyncset.done @!p0 $0x0  }
0x33: {  	[sflag:s10] =	ssyncadd.s32 @!p0 $0xFFFFFE00;
	s10 =	sshrl.u32 @p3 s1, $0x3  }
0x34: {  	[spmem:s10], [sflag:s24] =	dma.local @p3 [hbm:s23], $0x200  }
0x35: {  	s10 =	simm.s32 @p3 $0x4  }
0x36: {  	_ =	swait.ge @p3 [sflag:s10], $0x200  }
0x37: {  	[sflag:s10] =	ssyncset.done @p3 $0x0  }
0x38: {  	[sflag:s10] =	ssyncadd.s32 @p3 $0xFFFFFE00  }
.Ltmp2:
0x39: {  	[bflag:$0x0] =	sbarrier.arrive $0xFFFF;
	(pc) =	sbr.rel @p2 .LBB2_55-.Ltmp2, $4  }
0x3a: {  	[smem:s2], [sflag:$0x4] =	stream.linear.gather [spmem:s25], $0x100, $0x38;
	[tilespmem:$0x1C100] =	vst v63  }
0x3b: {  	_ =	swait.ge [sflag:s29], $0x100  }
0x3c: {  	[sflag:s29] =	ssyncset.done $0x0  }
0x3d: {  	[sflag:s29] =	ssyncadd.s32 $0xFFFFFF00  }
0x3e: {  	s15 =	simm.s32 $0x0;
	s10 =	rddreg [dreg:$0x5]  }
0x3f: {  	[tilespmem:s30], [sflag:$0x2] =	stream.linear.gather [hbm4b:s10+s15], $0x3000, $0x38;
	[tilespmem:$0x1C100] =	vst v63  }
.Ltmp3:
0x40: {  	s18 =	rddreg [dreg:$0x6];
	(pc) =	sbr.rel .LBB2_3-.Ltmp3, $4  }
0x41: {  	[tilespmem:s31], [sflag:$0x2] =	stream.linear.gather [hbm4b:s18+s15], $0x3000, $0x38;
	[tilespmem:$0x1C100] =	vst v63  }
0x42: {  	_ =	swait.ge [sflag:s14], $0x3000  }
0x43: {  	[sflag:s14] =	ssyncset.done $0x0  }
0x44: {  	s12 =	simm.s32 $0x0;
	s10 =	simm.s32 $0x0;
	[sflag:s14] =	ssyncadd.s32 $0xFFFFD000  }
.LBB2_9:
0x45: {  	[sflag:s7] =	ssyncadd.s32 $0xFFFFFFE0  }
.LBB2_10:
0x46: {  	s12 =	sadd.s32 $0x1, s12  }
0x47: {  	p5 =	seq.s32 s12, $0x40  }
.Ltmp4:
0x48: {  	_ = 	snop;
	(pc) =	sbr.rel @p5 .LBB2_11-.Ltmp4, $2  }
0x49: {  	_ =	sdelay $0x2  }
0x4a: {  	s10 =	sadd.s32 $0xC0, s10;
	s15 =	smov.u32 s13  }
.LBB2_3:
0x4b: {  	s16 =	sld [smem:s12+$0x0];
	_ =	sdelay $0x2  }
0x4c: {  	s11 =	sshrl.u32 s16, $0x5  }
0x4d: {  	s13 =	sand.u32 $0x1F, s11  }
0x4e: {  	p4 =	seq.s32 s13, $0x0  }
.Ltmp5:
0x4f: {  	_ = 	snop;
	(pc) =	sbr.rel @p4 .LBB2_6-.Ltmp5, $1  }
0x50: {  	_ =	sdelay $0x3  }
0x51: {  	s16 =	sshrl.u32 s16, $0xA;
	p5 =	seq.s32 s13, $0x1  }
.Ltmp6:
0x52: {  	s16 =	sadd.s32 s16, s10;
	(pc) =	sbr.rel @p5 .LBB2_6-.Ltmp6, $4  }
0x53: {  	s16 =	sshll.u32 s16, $0x2  }
0x54: {  	s17 =	sshra.s32 s16, $0x2  }
0x55: {  	s18 =	sadd.s32 $0xFFFFFFFF, s13;
	s16 =	sadd.s32 $0x10100, s17;
	s17 =	sadd.s32 $0x16100, s17  }
0x56: {  	[tilespmem:s17], [sflag:$0x1] =	stream.indirect.gather [spmem:s0], $0x1, s16, s8, $0xb8;
	[tilespmem:$0x1C100] =	vst v63  }
.LBB2_5:
0x57: {  	p5 =	seq.s32 s18, $0x1  }
.Ltmp7:
0x58: {  	_ = 	snop;
	(pc) =	sbr.rel @!p5 .LBB2_5-.Ltmp7, $4  }
0x59: {  	_ = 	snop  }
0x5a: {  	s16 =	sadd.s32 $0x20, s16;
	s17 =	sadd.s32 $0x20, s17  }
0x5b: {  	s18 =	sadd.s32 $0xFFFFFFFF, s18  }
0x5c: {  	[tilespmem:s17], [sflag:$0x1] =	stream.indirect.gather [spmem:s0], $0x1, s16, s8, $0xb8;
	[tilespmem:$0x1C100] =	vst v63  }
.LBB2_6:
0x5d: {  	p5 =	seq.s32 s15, $0x0  }
.Ltmp8:
0x5e: {  	_ = 	snop;
	(pc) =	sbr.rel @p5 .LBB2_10-.Ltmp8, $1  }
0x5f: {  	_ =	sdelay $0x3  }
0x60: {  	p5 =	sne.s32 s15, $0x1  }
.Ltmp9:
0x61: {  	_ = 	snop;
	(pc) =	sbr.rel @!p5 .LBB2_9-.Ltmp9, $3  }
0x62: {  	_ =	sdelay $0x1  }
0x63: {  	_ =	swait.ge [sflag:s7], $0x20  }
0x64: {  	s15 =	sadd.s32 $0xFFFFFFFF, s15;
	[sflag:s7] =	ssyncset.done $0x0  }
.LBB2_8:
0x65: {  	p5 =	sne.s32 s15, $0x1;
	s15 =	sadd.s32 $0xFFFFFFFF, s15;
	[sflag:s7] =	ssyncadd.s32 $0xFFFFFFE0  }
.Ltmp10:
0x66: {  	(pc) =	sbr.rel @p5 .LBB2_8-.Ltmp10, $3  }
0x67: {  	_ =	sdelay $0x1  }
0x68: {  	_ =	swait.ge [sflag:s7], $0x20  }
0x69: {  	[sflag:s7] =	ssyncset.done $0x0  }
.Ltmp11:
0x6a: {  	_ = 	snop;
	(pc) =	sbr.rel .LBB2_9-.Ltmp11, $1  }
0x6b: {  	_ =	sdelay $0x3  }
.LBB2_11:
.Ltmp12:
0x6c: {  	(pc) =	sbr.rel @p4 .LBB2_15-.Ltmp12, $1  }
0x6d: {  	_ =	sdelay $0x3  }
0x6e: {  	s10 =	sand.u32 $0x1F, s11  }
0x6f: {  	p4 =	sne.s32 s10, $0x1  }
.Ltmp13:
0x70: {  	_ = 	snop;
	(pc) =	sbr.rel @!p4 .LBB2_14-.Ltmp13, $3  }
0x71: {  	_ =	sdelay $0x1  }
0x72: {  	_ =	swait.ge [sflag:s7], $0x20  }
0x73: {  	s10 =	sadd.s32 $0xFFFFFFFF, s10;
	[sflag:s7] =	ssyncset.done $0x0  }
.LBB2_13:
0x74: {  	p4 =	sne.s32 s10, $0x1;
	s10 =	sadd.s32 $0xFFFFFFFF, s10;
	[sflag:s7] =	ssyncadd.s32 $0xFFFFFFE0  }
.Ltmp14:
0x75: {  	(pc) =	sbr.rel @p4 .LBB2_13-.Ltmp14, $3  }
0x76: {  	_ =	sdelay $0x1  }
0x77: {  	_ =	swait.ge [sflag:s7], $0x20  }
0x78: {  	[sflag:s7] =	ssyncset.done $0x0  }
.LBB2_14:
0x79: {  	[sflag:s7] =	ssyncadd.s32 $0xFFFFFFE0  }
.LBB2_15:
0x7a: {  	s15 =	simm.s32 $0x0;
	s10 =	rddreg [dreg:$0x7]  }
0x7b: {  	[hbm4b:s10+s15] =	stream.linear.scatter [tilespmem:s3], [sflag:$0x3], $0x3000, $0x38;
	[tilespmem:$0x1C100] =	vst v63  }
.Ltmp15:
0x7c: {  	s18 =	rddreg [dreg:$0x8];
	(pc) =	sbr.rel .LBB2_16-.Ltmp15, $4  }
0x7d: {  	[tilespmem:s30], [sflag:$0x2] =	stream.linear.gather [hbm4b:s18+s15], $0x3000, $0x38;
	[tilespmem:$0x1C100] =	vst v63  }
0x7e: {  	_ =	swait.ge [sflag:s14], $0x3000  }
0x7f: {  	[sflag:s14] =	ssyncset.done $0x0  }
0x80: {  	s12 =	simm.s32 $0x0;
	s10 =	simm.s32 $0x0;
	[sflag:s14] =	ssyncadd.s32 $0xFFFFD000  }
.LBB2_22:
0x81: {  	[sflag:s7] =	ssyncadd.s32 $0xFFFFFFE0  }
.LBB2_23:
0x82: {  	s12 =	sadd.s32 $0x1, s12  }
0x83: {  	p5 =	seq.s32 s12, $0x40  }
.Ltmp16:
0x84: {  	_ = 	snop;
	(pc) =	sbr.rel @p5 .LBB2_24-.Ltmp16, $2  }
0x85: {  	_ =	sdelay $0x2  }
0x86: {  	s10 =	sadd.s32 $0xC0, s10;
	s15 =	smov.u32 s13  }
.LBB2_16:
0x87: {  	s16 =	sld [smem:s12+$0x40];
	_ =	sdelay $0x2  }
0x88: {  	s11 =	sshrl.u32 s16, $0x5  }
0x89: {  	s13 =	sand.u32 $0x1F, s11  }
0x8a: {  	p4 =	seq.s32 s13, $0x0  }
.Ltmp17:
0x8b: {  	_ = 	snop;
	(pc) =	sbr.rel @p4 .LBB2_19-.Ltmp17, $1  }
0x8c: {  	_ =	sdelay $0x3  }
0x8d: {  	s16 =	sshrl.u32 s16, $0xA;
	p5 =	seq.s32 s13, $0x1  }
.Ltmp18:
0x8e: {  	s16 =	sadd.s32 s16, s10;
	(pc) =	sbr.rel @p5 .LBB2_19-.Ltmp18, $4  }
0x8f: {  	s16 =	sshll.u32 s16, $0x2  }
0x90: {  	s17 =	sshra.s32 s16, $0x2  }
0x91: {  	s18 =	sadd.s32 $0xFFFFFFFF, s13;
	s16 =	sadd.s32 $0x13100, s17;
	s17 =	sadd.s32 $0x19100, s17  }
0x92: {  	[tilespmem:s17], [sflag:$0x1] =	stream.indirect.gather [spmem:s0], $0x1, s16, s8, $0xb8;
	[tilespmem:$0x1C100] =	vst v63  }
.LBB2_18:
0x93: {  	p5 =	seq.s32 s18, $0x1  }
.Ltmp19:
0x94: {  	_ = 	snop;
	(pc) =	sbr.rel @!p5 .LBB2_18-.Ltmp19, $4  }
0x95: {  	_ = 	snop  }
0x96: {  	s16 =	sadd.s32 $0x20, s16;
	s17 =	sadd.s32 $0x20, s17  }
0x97: {  	s18 =	sadd.s32 $0xFFFFFFFF, s18  }
0x98: {  	[tilespmem:s17], [sflag:$0x1] =	stream.indirect.gather [spmem:s0], $0x1, s16, s8, $0xb8;
	[tilespmem:$0x1C100] =	vst v63  }
.LBB2_19:
0x99: {  	p5 =	seq.s32 s15, $0x0  }
.Ltmp20:
0x9a: {  	_ = 	snop;
	(pc) =	sbr.rel @p5 .LBB2_23-.Ltmp20, $1  }
0x9b: {  	_ =	sdelay $0x3  }
0x9c: {  	p5 =	sne.s32 s15, $0x1  }
.Ltmp21:
0x9d: {  	_ = 	snop;
	(pc) =	sbr.rel @!p5 .LBB2_22-.Ltmp21, $3  }
0x9e: {  	_ =	sdelay $0x1  }
0x9f: {  	_ =	swait.ge [sflag:s7], $0x20  }
0xa0: {  	s15 =	sadd.s32 $0xFFFFFFFF, s15;
	[sflag:s7] =	ssyncset.done $0x0  }
.LBB2_21:
0xa1: {  	p5 =	sne.s32 s15, $0x1;
	s15 =	sadd.s32 $0xFFFFFFFF, s15;
	[sflag:s7] =	ssyncadd.s32 $0xFFFFFFE0  }
.Ltmp22:
0xa2: {  	(pc) =	sbr.rel @p5 .LBB2_21-.Ltmp22, $3  }
0xa3: {  	_ =	sdelay $0x1  }
0xa4: {  	_ =	swait.ge [sflag:s7], $0x20  }
0xa5: {  	[sflag:s7] =	ssyncset.done $0x0  }
.Ltmp23:
0xa6: {  	_ = 	snop;
	(pc) =	sbr.rel .LBB2_22-.Ltmp23, $1  }
0xa7: {  	_ =	sdelay $0x3  }
.LBB2_24:
.Ltmp24:
0xa8: {  	(pc) =	sbr.rel @p4 .LBB2_28-.Ltmp24, $1  }
0xa9: {  	_ =	sdelay $0x3  }
0xaa: {  	s10 =	sand.u32 $0x1F, s11  }
0xab: {  	p4 =	sne.s32 s10, $0x1  }
.Ltmp25:
0xac: {  	_ = 	snop;
	(pc) =	sbr.rel @!p4 .LBB2_27-.Ltmp25, $3  }
0xad: {  	_ =	sdelay $0x1  }
0xae: {  	_ =	swait.ge [sflag:s7], $0x20  }
0xaf: {  	s10 =	sadd.s32 $0xFFFFFFFF, s10;
	[sflag:s7] =	ssyncset.done $0x0  }
.LBB2_26:
0xb0: {  	p4 =	sne.s32 s10, $0x1;
	s10 =	sadd.s32 $0xFFFFFFFF, s10;
	[sflag:s7] =	ssyncadd.s32 $0xFFFFFFE0  }
.Ltmp26:
0xb1: {  	(pc) =	sbr.rel @p4 .LBB2_26-.Ltmp26, $3  }
0xb2: {  	_ =	sdelay $0x1  }
0xb3: {  	_ =	swait.ge [sflag:s7], $0x20  }
0xb4: {  	[sflag:s7] =	ssyncset.done $0x0  }
.LBB2_27:
0xb5: {  	[sflag:s7] =	ssyncadd.s32 $0xFFFFFFE0  }
.LBB2_28:
0xb6: {  	s13 =	simm.s32 $0x0;
	s10 =	rddreg [dreg:$0x9]  }
0xb7: {  	[hbm4b:s10+s13] =	stream.linear.scatter [tilespmem:s5], [sflag:$0x3], $0x3000, $0x38;
	[tilespmem:$0x1C100] =	vst v63  }
0xb8: {  	s18 =	rddreg [dreg:$0xa]  }
0xb9: {  	[tilespmem:s31], [sflag:$0x2] =	stream.linear.gather [hbm4b:s18+s13], $0x3000, $0x38;
	[tilespmem:$0x1C100] =	vst v63  }
0xba: {  	_ =	swait.ge [sflag:s14], $0x3000  }
.Ltmp27:
0xbb: {  	[sflag:s14] =	ssyncset.done $0x0;
	(pc) =	sbr.rel .LBB2_29-.Ltmp27, $4  }
0xbc: {  	[sflag:s14] =	ssyncadd.s32 $0xFFFFD000  }
0xbd: {  	_ =	swait.ge [sflag:s6], $0x3000  }
0xbe: {  	[sflag:s6] =	ssyncset.done $0x0  }
0xbf: {  	s12 =	simm.s32 $0x0;
	s10 =	simm.s32 $0x0;
	[sflag:s6] =	ssyncadd.s32 $0xFFFFD000  }
.LBB2_35:
0xc0: {  	[sflag:s7] =	ssyncadd.s32 $0xFFFFFFE0  }
.LBB2_36:
0xc1: {  	s12 =	sadd.s32 $0x1, s12  }
0xc2: {  	p5 =	seq.s32 s12, $0x40  }
.Ltmp28:
0xc3: {  	_ = 	snop;
	(pc) =	sbr.rel @p5 .LBB2_37-.Ltmp28, $2  }
0xc4: {  	_ =	sdelay $0x2  }
0xc5: {  	s10 =	sadd.s32 $0xC0, s10;
	s13 =	smov.u32 s15  }
.LBB2_29:
0xc6: {  	s16 =	sld [smem:s12+$0x80];
	_ =	sdelay $0x2  }
0xc7: {  	s11 =	sshrl.u32 s16, $0x5  }
0xc8: {  	s15 =	sand.u32 $0x1F, s11  }
0xc9: {  	p4 =	seq.s32 s15, $0x0  }
.Ltmp29:
0xca: {  	_ = 	snop;
	(pc) =	sbr.rel @p4 .LBB2_32-.Ltmp29, $1  }
0xcb: {  	_ =	sdelay $0x3  }
0xcc: {  	s16 =	sshrl.u32 s16, $0xA;
	p5 =	seq.s32 s15, $0x1  }
.Ltmp30:
0xcd: {  	s16 =	sadd.s32 s16, s10;
	(pc) =	sbr.rel @p5 .LBB2_32-.Ltmp30, $4  }
0xce: {  	s16 =	sshll.u32 s16, $0x2  }
0xcf: {  	s17 =	sshra.s32 s16, $0x2  }
0xd0: {  	s18 =	sadd.s32 $0xFFFFFFFF, s15;
	s16 =	sadd.s32 $0x10100, s17;
	s17 =	sadd.s32 $0x16100, s17  }
0xd1: {  	[tilespmem:s17], [sflag:$0x1] =	stream.indirect.gather [spmem:s0], $0x1, s16, s8, $0xb8;
	[tilespmem:$0x1C100] =	vst v63  }
.LBB2_31:
0xd2: {  	p5 =	seq.s32 s18, $0x1  }
.Ltmp31:
0xd3: {  	_ = 	snop;
	(pc) =	sbr.rel @!p5 .LBB2_31-.Ltmp31, $4  }
0xd4: {  	_ = 	snop  }
0xd5: {  	s16 =	sadd.s32 $0x20, s16;
	s17 =	sadd.s32 $0x20, s17  }
0xd6: {  	s18 =	sadd.s32 $0xFFFFFFFF, s18  }
0xd7: {  	[tilespmem:s17], [sflag:$0x1] =	stream.indirect.gather [spmem:s0], $0x1, s16, s8, $0xb8;
	[tilespmem:$0x1C100] =	vst v63  }
.LBB2_32:
0xd8: {  	p5 =	seq.s32 s13, $0x0  }
.Ltmp32:
0xd9: {  	_ = 	snop;
	(pc) =	sbr.rel @p5 .LBB2_36-.Ltmp32, $1  }
0xda: {  	_ =	sdelay $0x3  }
0xdb: {  	p5 =	sne.s32 s13, $0x1  }
.Ltmp33:
0xdc: {  	_ = 	snop;
	(pc) =	sbr.rel @!p5 .LBB2_35-.Ltmp33, $3  }
0xdd: {  	_ =	sdelay $0x1  }
0xde: {  	_ =	swait.ge [sflag:s7], $0x20  }
0xdf: {  	s13 =	sadd.s32 $0xFFFFFFFF, s13;
	[sflag:s7] =	ssyncset.done $0x0  }
.LBB2_34:
0xe0: {  	p5 =	sne.s32 s13, $0x1;
	s13 =	sadd.s32 $0xFFFFFFFF, s13;
	[sflag:s7] =	ssyncadd.s32 $0xFFFFFFE0  }
.Ltmp34:
0xe1: {  	(pc) =	sbr.rel @p5 .LBB2_34-.Ltmp34, $3  }
0xe2: {  	_ =	sdelay $0x1  }
0xe3: {  	_ =	swait.ge [sflag:s7], $0x20  }
0xe4: {  	[sflag:s7] =	ssyncset.done $0x0  }
.Ltmp35:
0xe5: {  	_ = 	snop;
	(pc) =	sbr.rel .LBB2_35-.Ltmp35, $1  }
0xe6: {  	_ =	sdelay $0x3  }
.LBB2_37:
.Ltmp36:
0xe7: {  	(pc) =	sbr.rel @p4 .LBB2_41-.Ltmp36, $1  }
0xe8: {  	_ =	sdelay $0x3  }
0xe9: {  	s10 =	sand.u32 $0x1F, s11  }
0xea: {  	p4 =	sne.s32 s10, $0x1  }
.Ltmp37:
0xeb: {  	_ = 	snop;
	(pc) =	sbr.rel @!p4 .LBB2_40-.Ltmp37, $3  }
0xec: {  	_ =	sdelay $0x1  }
0xed: {  	_ =	swait.ge [sflag:s7], $0x20  }
0xee: {  	s10 =	sadd.s32 $0xFFFFFFFF, s10;
	[sflag:s7] =	ssyncset.done $0x0  }
.LBB2_39:
0xef: {  	p4 =	sne.s32 s10, $0x1;
	s10 =	sadd.s32 $0xFFFFFFFF, s10;
	[sflag:s7] =	ssyncadd.s32 $0xFFFFFFE0  }
.Ltmp38:
0xf0: {  	(pc) =	sbr.rel @p4 .LBB2_39-.Ltmp38, $3  }
0xf1: {  	_ =	sdelay $0x1  }
0xf2: {  	_ =	swait.ge [sflag:s7], $0x20  }
0xf3: {  	[sflag:s7] =	ssyncset.done $0x0  }
.LBB2_40:
0xf4: {  	[sflag:s7] =	ssyncadd.s32 $0xFFFFFFE0  }
.LBB2_41:
0xf5: {  	s15 =	simm.s32 $0x0;
	s10 =	rddreg [dreg:$0xb]  }
0xf6: {  	[hbm4b:s10+s15] =	stream.linear.scatter [tilespmem:s3], [sflag:$0x3], $0x3000, $0x38;
	[tilespmem:$0x1C100] =	vst v63  }
0xf7: {  	_ =	swait.ge [sflag:s14], $0x3000  }
.Ltmp39:
0xf8: {  	[sflag:s14] =	ssyncset.done $0x0;
	(pc) =	sbr.rel .LBB2_42-.Ltmp39, $4  }
0xf9: {  	[sflag:s14] =	ssyncadd.s32 $0xFFFFD000  }
0xfa: {  	_ =	swait.ge [sflag:s6], $0x3000  }
0xfb: {  	[sflag:s6] =	ssyncset.done $0x0  }
0xfc: {  	s12 =	simm.s32 $0x0;
	s10 =	simm.s32 $0x0;
	[sflag:s6] =	ssyncadd.s32 $0xFFFFD000  }
.LBB2_48:
0xfd: {  	[sflag:s7] =	ssyncadd.s32 $0xFFFFFFE0  }
.LBB2_49:
0xfe: {  	s12 =	sadd.s32 $0x1, s12  }
0xff: {  	p5 =	seq.s32 s12, $0x40  }
.Ltmp40:
0x100: {  	_ = 	snop;
	(pc) =	sbr.rel @p5 .LBB2_50-.Ltmp40, $2  }
0x101: {  	_ =	sdelay $0x2  }
0x102: {  	s10 =	sadd.s32 $0xC0, s10;
	s15 =	smov.u32 s13  }
.LBB2_42:
0x103: {  	s16 =	sld [smem:s12+$0xC0];
	_ =	sdelay $0x2  }
0x104: {  	s11 =	sshrl.u32 s16, $0x5  }
0x105: {  	s13 =	sand.u32 $0x1F, s11  }
0x106: {  	p4 =	seq.s32 s13, $0x0  }
.Ltmp41:
0x107: {  	_ = 	snop;
	(pc) =	sbr.rel @p4 .LBB2_45-.Ltmp41, $1  }
0x108: {  	_ =	sdelay $0x3  }
0x109: {  	s16 =	sshrl.u32 s16, $0xA;
	p5 =	seq.s32 s13, $0x1  }
.Ltmp42:
0x10a: {  	s16 =	sadd.s32 s16, s10;
	(pc) =	sbr.rel @p5 .LBB2_45-.Ltmp42, $4  }
0x10b: {  	s16 =	sshll.u32 s16, $0x2  }
0x10c: {  	s17 =	sshra.s32 s16, $0x2  }
0x10d: {  	s18 =	sadd.s32 $0xFFFFFFFF, s13;
	s16 =	sadd.s32 $0x13100, s17;
	s17 =	sadd.s32 $0x19100, s17  }
0x10e: {  	[tilespmem:s17], [sflag:$0x1] =	stream.indirect.gather [spmem:s0], $0x1, s16, s8, $0xb8;
	[tilespmem:$0x1C100] =	vst v63  }
.LBB2_44:
0x10f: {  	p5 =	seq.s32 s18, $0x1  }
.Ltmp43:
0x110: {  	_ = 	snop;
	(pc) =	sbr.rel @!p5 .LBB2_44-.Ltmp43, $4  }
0x111: {  	_ = 	snop  }
0x112: {  	s16 =	sadd.s32 $0x20, s16;
	s17 =	sadd.s32 $0x20, s17  }
0x113: {  	s18 =	sadd.s32 $0xFFFFFFFF, s18  }
0x114: {  	[tilespmem:s17], [sflag:$0x1] =	stream.indirect.gather [spmem:s0], $0x1, s16, s8, $0xb8;
	[tilespmem:$0x1C100] =	vst v63  }
.LBB2_45:
0x115: {  	p5 =	seq.s32 s15, $0x0  }
.Ltmp44:
0x116: {  	_ = 	snop;
	(pc) =	sbr.rel @p5 .LBB2_49-.Ltmp44, $1  }
0x117: {  	_ =	sdelay $0x3  }
0x118: {  	p5 =	sne.s32 s15, $0x1  }
.Ltmp45:
0x119: {  	_ = 	snop;
	(pc) =	sbr.rel @!p5 .LBB2_48-.Ltmp45, $3  }
0x11a: {  	_ =	sdelay $0x1  }
0x11b: {  	_ =	swait.ge [sflag:s7], $0x20  }
0x11c: {  	s15 =	sadd.s32 $0xFFFFFFFF, s15;
	[sflag:s7] =	ssyncset.done $0x0  }
.LBB2_47:
0x11d: {  	p5 =	sne.s32 s15, $0x1;
	s15 =	sadd.s32 $0xFFFFFFFF, s15;
	[sflag:s7] =	ssyncadd.s32 $0xFFFFFFE0  }
.Ltmp46:
0x11e: {  	(pc) =	sbr.rel @p5 .LBB2_47-.Ltmp46, $3  }
0x11f: {  	_ =	sdelay $0x1  }
0x120: {  	_ =	swait.ge [sflag:s7], $0x20  }
0x121: {  	[sflag:s7] =	ssyncset.done $0x0  }
.Ltmp47:
0x122: {  	_ = 	snop;
	(pc) =	sbr.rel .LBB2_48-.Ltmp47, $1  }
0x123: {  	_ =	sdelay $0x3  }
.LBB2_50:
.Ltmp48:
0x124: {  	(pc) =	sbr.rel @p4 .LBB2_54-.Ltmp48, $1  }
0x125: {  	_ =	sdelay $0x3  }
0x126: {  	s10 =	sand.u32 $0x1F, s11  }
0x127: {  	p4 =	sne.s32 s10, $0x1  }
.Ltmp49:
0x128: {  	_ = 	snop;
	(pc) =	sbr.rel @!p4 .LBB2_53-.Ltmp49, $3  }
0x129: {  	_ =	sdelay $0x1  }
0x12a: {  	_ =	swait.ge [sflag:s7], $0x20  }
0x12b: {  	s10 =	sadd.s32 $0xFFFFFFFF, s10;
	[sflag:s7] =	ssyncset.done $0x0  }
.LBB2_52:
0x12c: {  	p4 =	sne.s32 s10, $0x1;
	s10 =	sadd.s32 $0xFFFFFFFF, s10;
	[sflag:s7] =	ssyncadd.s32 $0xFFFFFFE0  }
.Ltmp50:
0x12d: {  	(pc) =	sbr.rel @p4 .LBB2_52-.Ltmp50, $3  }
0x12e: {  	_ =	sdelay $0x1  }
0x12f: {  	_ =	swait.ge [sflag:s7], $0x20  }
0x130: {  	[sflag:s7] =	ssyncset.done $0x0  }
.LBB2_53:
0x131: {  	[sflag:s7] =	ssyncadd.s32 $0xFFFFFFE0  }
.LBB2_54:
0x132: {  	s10 =	rddreg [dreg:$0xc]  }
0x133: {  	[hbm4b:s10+s2] =	stream.linear.scatter [tilespmem:s5], [sflag:$0x3], $0x3000, $0x38;
	[tilespmem:$0x1C100] =	vst v63  }
0x134: {  	_ =	swait.ge [sflag:s6], $0x3000  }
0x135: {  	[sflag:s6] =	ssyncset.done $0x0  }
0x136: {  	[sflag:s6] =	ssyncadd.s32 $0xFFFFD000  }
0x137: {  	_ =	swait.ge [sflag:s6], $0x3000  }
0x138: {  	[sflag:s6] =	ssyncset.done $0x0  }
0x139: {  	[sflag:s6] =	ssyncadd.s32 $0xFFFFD000  }
.LBB2_55:
.Ltmp51:
0x13a: {  	(pc) =	sbr.rel @!p1 .LBB2_109-.Ltmp51, $1  }
0x13b: {  	_ =	sdelay $0x3  }
0x13c: {  	s15 =	simm.s32 $0x0;
	s10 =	rddreg [dreg:$0xd]  }
0x13d: {  	[tilespmem:s30], [sflag:$0x2] =	stream.linear.gather [hbm4b:s10+s15], $0x3000, $0x38;
	[tilespmem:$0x1C100] =	vst v63  }
.Ltmp52:
0x13e: {  	s18 =	rddreg [dreg:$0xe];
	(pc) =	sbr.rel .LBB2_57-.Ltmp52, $4  }
0x13f: {  	[tilespmem:s31], [sflag:$0x2] =	stream.linear.gather [hbm4b:s18+s15], $0x3000, $0x38;
	[tilespmem:$0x1C100] =	vst v63  }
0x140: {  	_ =	swait.ge [sflag:s14], $0x3000  }
0x141: {  	[sflag:s14] =	ssyncset.done $0x0  }
0x142: {  	s12 =	simm.s32 $0x0;
	s10 =	simm.s32 $0x0;
	[sflag:s14] =	ssyncadd.s32 $0xFFFFD000  }
.LBB2_63:
0x143: {  	[sflag:s7] =	ssyncadd.s32 $0xFFFFFFE0  }
.LBB2_64:
0x144: {  	s12 =	sadd.s32 $0x1, s12  }
0x145: {  	p5 =	seq.s32 s12, $0x40  }
.Ltmp53:
0x146: {  	_ = 	snop;
	(pc) =	sbr.rel @p5 .LBB2_65-.Ltmp53, $2  }
0x147: {  	_ =	sdelay $0x2  }
0x148: {  	s10 =	sadd.s32 $0xC0, s10;
	s15 =	smov.u32 s13  }
.LBB2_57:
0x149: {  	s16 =	sld [smem:s12+$0x0];
	_ =	sdelay $0x2  }
0x14a: {  	s11 =	sshrl.u32 s16, $0x5  }
0x14b: {  	s13 =	sand.u32 $0x1F, s11  }
0x14c: {  	p4 =	seq.s32 s13, $0x0  }
.Ltmp54:
0x14d: {  	_ = 	snop;
	(pc) =	sbr.rel @p4 .LBB2_60-.Ltmp54, $1  }
0x14e: {  	_ =	sdelay $0x3  }
0x14f: {  	s16 =	sshrl.u32 s16, $0xA;
	p5 =	seq.s32 s13, $0x1  }
.Ltmp55:
0x150: {  	s16 =	sadd.s32 s16, s10;
	(pc) =	sbr.rel @p5 .LBB2_60-.Ltmp55, $4  }
0x151: {  	s16 =	sshll.u32 s16, $0x2  }
0x152: {  	s17 =	sshra.s32 s16, $0x2  }
0x153: {  	s18 =	sadd.s32 $0xFFFFFFFF, s13;
	s16 =	sadd.s32 $0x10100, s17;
	s17 =	sadd.s32 $0x16100, s17  }
0x154: {  	[tilespmem:s17], [sflag:$0x1] =	stream.indirect.gather [spmem:s0], $0x1, s16, s8, $0xb8;
	[tilespmem:$0x1C100] =	vst v63  }
.LBB2_59:
0x155: {  	p5 =	seq.s32 s18, $0x1  }
.Ltmp56:
0x156: {  	_ = 	snop;
	(pc) =	sbr.rel @!p5 .LBB2_59-.Ltmp56, $4  }
0x157: {  	_ = 	snop  }
0x158: {  	s16 =	sadd.s32 $0x20, s16;
	s17 =	sadd.s32 $0x20, s17  }
0x159: {  	s18 =	sadd.s32 $0xFFFFFFFF, s18  }
0x15a: {  	[tilespmem:s17], [sflag:$0x1] =	stream.indirect.gather [spmem:s0], $0x1, s16, s8, $0xb8;
	[tilespmem:$0x1C100] =	vst v63  }
.LBB2_60:
0x15b: {  	p5 =	seq.s32 s15, $0x0  }
.Ltmp57:
0x15c: {  	_ = 	snop;
	(pc) =	sbr.rel @p5 .LBB2_64-.Ltmp57, $1  }
0x15d: {  	_ =	sdelay $0x3  }
0x15e: {  	p5 =	sne.s32 s15, $0x1  }
.Ltmp58:
0x15f: {  	_ = 	snop;
	(pc) =	sbr.rel @!p5 .LBB2_63-.Ltmp58, $3  }
0x160: {  	_ =	sdelay $0x1  }
0x161: {  	_ =	swait.ge [sflag:s7], $0x20  }
0x162: {  	s15 =	sadd.s32 $0xFFFFFFFF, s15;
	[sflag:s7] =	ssyncset.done $0x0  }
.LBB2_62:
0x163: {  	p5 =	sne.s32 s15, $0x1;
	s15 =	sadd.s32 $0xFFFFFFFF, s15;
	[sflag:s7] =	ssyncadd.s32 $0xFFFFFFE0  }
.Ltmp59:
0x164: {  	(pc) =	sbr.rel @p5 .LBB2_62-.Ltmp59, $3  }
0x165: {  	_ =	sdelay $0x1  }
0x166: {  	_ =	swait.ge [sflag:s7], $0x20  }
0x167: {  	[sflag:s7] =	ssyncset.done $0x0  }
.Ltmp60:
0x168: {  	_ = 	snop;
	(pc) =	sbr.rel .LBB2_63-.Ltmp60, $1  }
0x169: {  	_ =	sdelay $0x3  }
.LBB2_65:
.Ltmp61:
0x16a: {  	(pc) =	sbr.rel @p4 .LBB2_69-.Ltmp61, $1  }
0x16b: {  	_ =	sdelay $0x3  }
0x16c: {  	s10 =	sand.u32 $0x1F, s11  }
0x16d: {  	p4 =	sne.s32 s10, $0x1  }
.Ltmp62:
0x16e: {  	_ = 	snop;
	(pc) =	sbr.rel @!p4 .LBB2_68-.Ltmp62, $3  }
0x16f: {  	_ =	sdelay $0x1  }
0x170: {  	_ =	swait.ge [sflag:s7], $0x20  }
0x171: {  	s10 =	sadd.s32 $0xFFFFFFFF, s10;
	[sflag:s7] =	ssyncset.done $0x0  }
.LBB2_67:
0x172: {  	p4 =	sne.s32 s10, $0x1;
	s10 =	sadd.s32 $0xFFFFFFFF, s10;
	[sflag:s7] =	ssyncadd.s32 $0xFFFFFFE0  }
.Ltmp63:
0x173: {  	(pc) =	sbr.rel @p4 .LBB2_67-.Ltmp63, $3  }
0x174: {  	_ =	sdelay $0x1  }
0x175: {  	_ =	swait.ge [sflag:s7], $0x20  }
0x176: {  	[sflag:s7] =	ssyncset.done $0x0  }
.LBB2_68:
0x177: {  	[sflag:s7] =	ssyncadd.s32 $0xFFFFFFE0  }
.LBB2_69:
0x178: {  	s15 =	simm.s32 $0x0;
	s10 =	rddreg [dreg:$0xf]  }
0x179: {  	[hbm4b:s10+s15] =	stream.linear.scatter [tilespmem:s3], [sflag:$0x3], $0x3000, $0x38;
	[tilespmem:$0x1C100] =	vst v63  }
.Ltmp64:
0x17a: {  	s18 =	rddreg [dreg:$0x10];
	(pc) =	sbr.rel .LBB2_70-.Ltmp64, $4  }
0x17b: {  	[tilespmem:s30], [sflag:$0x2] =	stream.linear.gather [hbm4b:s18+s15], $0x3000, $0x38;
	[tilespmem:$0x1C100] =	vst v63  }
0x17c: {  	_ =	swait.ge [sflag:s14], $0x3000  }
0x17d: {  	[sflag:s14] =	ssyncset.done $0x0  }
0x17e: {  	s12 =	simm.s32 $0x0;
	s10 =	simm.s32 $0x0;
	[sflag:s14] =	ssyncadd.s32 $0xFFFFD000  }
.LBB2_76:
0x17f: {  	[sflag:s7] =	ssyncadd.s32 $0xFFFFFFE0  }
.LBB2_77:
0x180: {  	s12 =	sadd.s32 $0x1, s12  }
0x181: {  	p5 =	seq.s32 s12, $0x40  }
.Ltmp65:
0x182: {  	_ = 	snop;
	(pc) =	sbr.rel @p5 .LBB2_78-.Ltmp65, $2  }
0x183: {  	_ =	sdelay $0x2  }
0x184: {  	s10 =	sadd.s32 $0xC0, s10;
	s15 =	smov.u32 s13  }
.LBB2_70:
0x185: {  	s16 =	sld [smem:s12+$0x40];
	_ =	sdelay $0x2  }
0x186: {  	s11 =	sshrl.u32 s16, $0x5  }
0x187: {  	s13 =	sand.u32 $0x1F, s11  }
0x188: {  	p4 =	seq.s32 s13, $0x0  }
.Ltmp66:
0x189: {  	_ = 	snop;
	(pc) =	sbr.rel @p4 .LBB2_73-.Ltmp66, $1  }
0x18a: {  	_ =	sdelay $0x3  }
0x18b: {  	s16 =	sshrl.u32 s16, $0xA;
	p5 =	seq.s32 s13, $0x1  }
.Ltmp67:
0x18c: {  	s16 =	sadd.s32 s16, s10;
	(pc) =	sbr.rel @p5 .LBB2_73-.Ltmp67, $4  }
0x18d: {  	s16 =	sshll.u32 s16, $0x2  }
0x18e: {  	s17 =	sshra.s32 s16, $0x2  }
0x18f: {  	s18 =	sadd.s32 $0xFFFFFFFF, s13;
	s16 =	sadd.s32 $0x13100, s17;
	s17 =	sadd.s32 $0x19100, s17  }
0x190: {  	[tilespmem:s17], [sflag:$0x1] =	stream.indirect.gather [spmem:s0], $0x1, s16, s8, $0xb8;
	[tilespmem:$0x1C100] =	vst v63  }
.LBB2_72:
0x191: {  	p5 =	seq.s32 s18, $0x1  }
.Ltmp68:
0x192: {  	_ = 	snop;
	(pc) =	sbr.rel @!p5 .LBB2_72-.Ltmp68, $4  }
0x193: {  	_ = 	snop  }
0x194: {  	s16 =	sadd.s32 $0x20, s16;
	s17 =	sadd.s32 $0x20, s17  }
0x195: {  	s18 =	sadd.s32 $0xFFFFFFFF, s18  }
0x196: {  	[tilespmem:s17], [sflag:$0x1] =	stream.indirect.gather [spmem:s0], $0x1, s16, s8, $0xb8;
	[tilespmem:$0x1C100] =	vst v63  }
.LBB2_73:
0x197: {  	p5 =	seq.s32 s15, $0x0  }
.Ltmp69:
0x198: {  	_ = 	snop;
	(pc) =	sbr.rel @p5 .LBB2_77-.Ltmp69, $1  }
0x199: {  	_ =	sdelay $0x3  }
0x19a: {  	p5 =	sne.s32 s15, $0x1  }
.Ltmp70:
0x19b: {  	_ = 	snop;
	(pc) =	sbr.rel @!p5 .LBB2_76-.Ltmp70, $3  }
0x19c: {  	_ =	sdelay $0x1  }
0x19d: {  	_ =	swait.ge [sflag:s7], $0x20  }
0x19e: {  	s15 =	sadd.s32 $0xFFFFFFFF, s15;
	[sflag:s7] =	ssyncset.done $0x0  }
.LBB2_75:
0x19f: {  	p5 =	sne.s32 s15, $0x1;
	s15 =	sadd.s32 $0xFFFFFFFF, s15;
	[sflag:s7] =	ssyncadd.s32 $0xFFFFFFE0  }
.Ltmp71:
0x1a0: {  	(pc) =	sbr.rel @p5 .LBB2_75-.Ltmp71, $3  }
0x1a1: {  	_ =	sdelay $0x1  }
0x1a2: {  	_ =	swait.ge [sflag:s7], $0x20  }
0x1a3: {  	[sflag:s7] =	ssyncset.done $0x0  }
.Ltmp72:
0x1a4: {  	_ = 	snop;
	(pc) =	sbr.rel .LBB2_76-.Ltmp72, $1  }
0x1a5: {  	_ =	sdelay $0x3  }
.LBB2_78:
.Ltmp73:
0x1a6: {  	(pc) =	sbr.rel @p4 .LBB2_82-.Ltmp73, $1  }
0x1a7: {  	_ =	sdelay $0x3  }
0x1a8: {  	s10 =	sand.u32 $0x1F, s11  }
0x1a9: {  	p4 =	sne.s32 s10, $0x1  }
.Ltmp74:
0x1aa: {  	_ = 	snop;
	(pc) =	sbr.rel @!p4 .LBB2_81-.Ltmp74, $3  }
0x1ab: {  	_ =	sdelay $0x1  }
0x1ac: {  	_ =	swait.ge [sflag:s7], $0x20  }
0x1ad: {  	s10 =	sadd.s32 $0xFFFFFFFF, s10;
	[sflag:s7] =	ssyncset.done $0x0  }
.LBB2_80:
0x1ae: {  	p4 =	sne.s32 s10, $0x1;
	s10 =	sadd.s32 $0xFFFFFFFF, s10;
	[sflag:s7] =	ssyncadd.s32 $0xFFFFFFE0  }
.Ltmp75:
0x1af: {  	(pc) =	sbr.rel @p4 .LBB2_80-.Ltmp75, $3  }
0x1b0: {  	_ =	sdelay $0x1  }
0x1b1: {  	_ =	swait.ge [sflag:s7], $0x20  }
0x1b2: {  	[sflag:s7] =	ssyncset.done $0x0  }
.LBB2_81:
0x1b3: {  	[sflag:s7] =	ssyncadd.s32 $0xFFFFFFE0  }
.LBB2_82:
0x1b4: {  	s15 =	simm.s32 $0x0;
	s10 =	rddreg [dreg:$0x11]  }
0x1b5: {  	[hbm4b:s10+s15] =	stream.linear.scatter [tilespmem:s5], [sflag:$0x3], $0x3000, $0x38;
	[tilespmem:$0x1C100] =	vst v63  }
0x1b6: {  	_ = 	snop  }
0x1b7: {  	[tilespmem:s31], [sflag:$0x2] =	stream.linear.gather [hbm4b:s19+s15], $0x3000, $0x38;
	[tilespmem:$0x1C100] =	vst v63  }
0x1b8: {  	_ =	swait.ge [sflag:s14], $0x3000  }
.Ltmp76:
0x1b9: {  	[sflag:s14] =	ssyncset.done $0x0;
	(pc) =	sbr.rel .LBB2_83-.Ltmp76, $4  }
0x1ba: {  	[sflag:s14] =	ssyncadd.s32 $0xFFFFD000  }
0x1bb: {  	_ =	swait.ge [sflag:s6], $0x3000  }
0x1bc: {  	[sflag:s6] =	ssyncset.done $0x0  }
0x1bd: {  	s12 =	simm.s32 $0x0;
	s10 =	simm.s32 $0x0;
	[sflag:s6] =	ssyncadd.s32 $0xFFFFD000  }
.LBB2_89:
0x1be: {  	[sflag:s7] =	ssyncadd.s32 $0xFFFFFFE0  }
.LBB2_90:
0x1bf: {  	s12 =	sadd.s32 $0x1, s12  }
0x1c0: {  	p5 =	seq.s32 s12, $0x40  }
.Ltmp77:
0x1c1: {  	_ = 	snop;
	(pc) =	sbr.rel @p5 .LBB2_91-.Ltmp77, $2  }
0x1c2: {  	_ =	sdelay $0x2  }
0x1c3: {  	s10 =	sadd.s32 $0xC0, s10;
	s15 =	smov.u32 s13  }
.LBB2_83:
0x1c4: {  	s16 =	sld [smem:s12+$0x80];
	_ =	sdelay $0x2  }
0x1c5: {  	s11 =	sshrl.u32 s16, $0x5  }
0x1c6: {  	s13 =	sand.u32 $0x1F, s11  }
0x1c7: {  	p4 =	seq.s32 s13, $0x0  }
.Ltmp78:
0x1c8: {  	_ = 	snop;
	(pc) =	sbr.rel @p4 .LBB2_86-.Ltmp78, $1  }
0x1c9: {  	_ =	sdelay $0x3  }
0x1ca: {  	s16 =	sshrl.u32 s16, $0xA;
	p5 =	seq.s32 s13, $0x1  }
.Ltmp79:
0x1cb: {  	s16 =	sadd.s32 s16, s10;
	(pc) =	sbr.rel @p5 .LBB2_86-.Ltmp79, $4  }
0x1cc: {  	s16 =	sshll.u32 s16, $0x2  }
0x1cd: {  	s17 =	sshra.s32 s16, $0x2  }
0x1ce: {  	s18 =	sadd.s32 $0xFFFFFFFF, s13;
	s16 =	sadd.s32 $0x10100, s17;
	s17 =	sadd.s32 $0x16100, s17  }
0x1cf: {  	[tilespmem:s17], [sflag:$0x1] =	stream.indirect.gather [spmem:s0], $0x1, s16, s8, $0xb8;
	[tilespmem:$0x1C100] =	vst v63  }
.LBB2_85:
0x1d0: {  	p5 =	seq.s32 s18, $0x1  }
.Ltmp80:
0x1d1: {  	_ = 	snop;
	(pc) =	sbr.rel @!p5 .LBB2_85-.Ltmp80, $4  }
0x1d2: {  	_ = 	snop  }
0x1d3: {  	s16 =	sadd.s32 $0x20, s16;
	s17 =	sadd.s32 $0x20, s17  }
0x1d4: {  	s18 =	sadd.s32 $0xFFFFFFFF, s18  }
0x1d5: {  	[tilespmem:s17], [sflag:$0x1] =	stream.indirect.gather [spmem:s0], $0x1, s16, s8, $0xb8;
	[tilespmem:$0x1C100] =	vst v63  }
.LBB2_86:
0x1d6: {  	p5 =	seq.s32 s15, $0x0  }
.Ltmp81:
0x1d7: {  	_ = 	snop;
	(pc) =	sbr.rel @p5 .LBB2_90-.Ltmp81, $1  }
0x1d8: {  	_ =	sdelay $0x3  }
0x1d9: {  	p5 =	sne.s32 s15, $0x1  }
.Ltmp82:
0x1da: {  	_ = 	snop;
	(pc) =	sbr.rel @!p5 .LBB2_89-.Ltmp82, $3  }
0x1db: {  	_ =	sdelay $0x1  }
0x1dc: {  	_ =	swait.ge [sflag:s7], $0x20  }
0x1dd: {  	s15 =	sadd.s32 $0xFFFFFFFF, s15;
	[sflag:s7] =	ssyncset.done $0x0  }
.LBB2_88:
0x1de: {  	p5 =	sne.s32 s15, $0x1;
	s15 =	sadd.s32 $0xFFFFFFFF, s15;
	[sflag:s7] =	ssyncadd.s32 $0xFFFFFFE0  }
.Ltmp83:
0x1df: {  	(pc) =	sbr.rel @p5 .LBB2_88-.Ltmp83, $3  }
0x1e0: {  	_ =	sdelay $0x1  }
0x1e1: {  	_ =	swait.ge [sflag:s7], $0x20  }
0x1e2: {  	[sflag:s7] =	ssyncset.done $0x0  }
.Ltmp84:
0x1e3: {  	_ = 	snop;
	(pc) =	sbr.rel .LBB2_89-.Ltmp84, $1  }
0x1e4: {  	_ =	sdelay $0x3  }
.LBB2_91:
.Ltmp85:
0x1e5: {  	(pc) =	sbr.rel @p4 .LBB2_95-.Ltmp85, $1  }
0x1e6: {  	_ =	sdelay $0x3  }
0x1e7: {  	s10 =	sand.u32 $0x1F, s11  }
0x1e8: {  	p4 =	sne.s32 s10, $0x1  }
.Ltmp86:
0x1e9: {  	_ = 	snop;
	(pc) =	sbr.rel @!p4 .LBB2_94-.Ltmp86, $3  }
0x1ea: {  	_ =	sdelay $0x1  }
0x1eb: {  	_ =	swait.ge [sflag:s7], $0x20  }
0x1ec: {  	s10 =	sadd.s32 $0xFFFFFFFF, s10;
	[sflag:s7] =	ssyncset.done $0x0  }
.LBB2_93:
0x1ed: {  	p4 =	sne.s32 s10, $0x1;
	s10 =	sadd.s32 $0xFFFFFFFF, s10;
	[sflag:s7] =	ssyncadd.s32 $0xFFFFFFE0  }
.Ltmp87:
0x1ee: {  	(pc) =	sbr.rel @p4 .LBB2_93-.Ltmp87, $3  }
0x1ef: {  	_ =	sdelay $0x1  }
0x1f0: {  	_ =	swait.ge [sflag:s7], $0x20  }
0x1f1: {  	[sflag:s7] =	ssyncset.done $0x0  }
.LBB2_94:
0x1f2: {  	[sflag:s7] =	ssyncadd.s32 $0xFFFFFFE0  }
.LBB2_95:
0x1f3: {  	s15 =	simm.s32 $0x0  }
0x1f4: {  	[hbm4b:s20+s15] =	stream.linear.scatter [tilespmem:s3], [sflag:$0x3], $0x3000, $0x38;
	[tilespmem:$0x1C100] =	vst v63  }
0x1f5: {  	_ =	swait.ge [sflag:s14], $0x3000  }
.Ltmp88:
0x1f6: {  	[sflag:s14] =	ssyncset.done $0x0;
	(pc) =	sbr.rel .LBB2_96-.Ltmp88, $4  }
0x1f7: {  	[sflag:s14] =	ssyncadd.s32 $0xFFFFD000  }
0x1f8: {  	_ =	swait.ge [sflag:s6], $0x3000  }
0x1f9: {  	[sflag:s6] =	ssyncset.done $0x0  }
0x1fa: {  	s10 =	simm.s32 $0x0;
	s12 =	simm.s32 $0x0;
	[sflag:s6] =	ssyncadd.s32 $0xFFFFD000  }
.LBB2_102:
0x1fb: {  	[sflag:s7] =	ssyncadd.s32 $0xFFFFFFE0  }
.LBB2_103:
0x1fc: {  	s12 =	sadd.s32 $0x1, s12  }
0x1fd: {  	p5 =	seq.s32 s12, $0x40  }
.Ltmp89:
0x1fe: {  	_ = 	snop;
	(pc) =	sbr.rel @p5 .LBB2_104-.Ltmp89, $2  }
0x1ff: {  	_ =	sdelay $0x2  }
0x200: {  	s10 =	sadd.s32 $0xC0, s10;
	s15 =	smov.u32 s13  }
.LBB2_96:
0x201: {  	s16 =	sld [smem:s12+$0xC0];
	_ =	sdelay $0x2  }
0x202: {  	s11 =	sshrl.u32 s16, $0x5  }
0x203: {  	s13 =	sand.u32 $0x1F, s11  }
0x204: {  	p4 =	seq.s32 s13, $0x0  }
.Ltmp90:
0x205: {  	_ = 	snop;
	(pc) =	sbr.rel @p4 .LBB2_99-.Ltmp90, $1  }
0x206: {  	_ =	sdelay $0x3  }
0x207: {  	s16 =	sshrl.u32 s16, $0xA;
	p5 =	seq.s32 s13, $0x1  }
.Ltmp91:
0x208: {  	s16 =	sadd.s32 s16, s10;
	(pc) =	sbr.rel @p5 .LBB2_99-.Ltmp91, $4  }
0x209: {  	s16 =	sshll.u32 s16, $0x2  }
0x20a: {  	s17 =	sshra.s32 s16, $0x2  }
0x20b: {  	s18 =	sadd.s32 $0xFFFFFFFF, s13;
	s16 =	sadd.s32 $0x13100, s17;
	s17 =	sadd.s32 $0x19100, s17  }
0x20c: {  	[tilespmem:s17], [sflag:$0x1] =	stream.indirect.gather [spmem:s0], $0x1, s16, s8, $0xb8;
	[tilespmem:$0x1C100] =	vst v63  }
.LBB2_98:
0x20d: {  	p5 =	seq.s32 s18, $0x1  }
.Ltmp92:
0x20e: {  	_ = 	snop;
	(pc) =	sbr.rel @!p5 .LBB2_98-.Ltmp92, $4  }
0x20f: {  	_ = 	snop  }
0x210: {  	s16 =	sadd.s32 $0x20, s16;
	s17 =	sadd.s32 $0x20, s17  }
0x211: {  	s18 =	sadd.s32 $0xFFFFFFFF, s18  }
0x212: {  	[tilespmem:s17], [sflag:$0x1] =	stream.indirect.gather [spmem:s0], $0x1, s16, s8, $0xb8;
	[tilespmem:$0x1C100] =	vst v63  }
.LBB2_99:
0x213: {  	p5 =	seq.s32 s15, $0x0  }
.Ltmp93:
0x214: {  	_ = 	snop;
	(pc) =	sbr.rel @p5 .LBB2_103-.Ltmp93, $1  }
0x215: {  	_ =	sdelay $0x3  }
0x216: {  	p5 =	sne.s32 s15, $0x1  }
.Ltmp94:
0x217: {  	_ = 	snop;
	(pc) =	sbr.rel @!p5 .LBB2_102-.Ltmp94, $3  }
0x218: {  	_ =	sdelay $0x1  }
0x219: {  	_ =	swait.ge [sflag:s7], $0x20  }
0x21a: {  	s15 =	sadd.s32 $0xFFFFFFFF, s15;
	[sflag:s7] =	ssyncset.done $0x0  }
.LBB2_101:
0x21b: {  	p5 =	sne.s32 s15, $0x1;
	s15 =	sadd.s32 $0xFFFFFFFF, s15;
	[sflag:s7] =	ssyncadd.s32 $0xFFFFFFE0  }
.Ltmp95:
0x21c: {  	(pc) =	sbr.rel @p5 .LBB2_101-.Ltmp95, $3  }
0x21d: {  	_ =	sdelay $0x1  }
0x21e: {  	_ =	swait.ge [sflag:s7], $0x20  }
0x21f: {  	[sflag:s7] =	ssyncset.done $0x0  }
.Ltmp96:
0x220: {  	_ = 	snop;
	(pc) =	sbr.rel .LBB2_102-.Ltmp96, $1  }
0x221: {  	_ =	sdelay $0x3  }
.LBB2_104:
.Ltmp97:
0x222: {  	(pc) =	sbr.rel @p4 .LBB2_108-.Ltmp97, $1  }
0x223: {  	_ =	sdelay $0x3  }
0x224: {  	s10 =	sand.u32 $0x1F, s11  }
0x225: {  	p4 =	sne.s32 s10, $0x1  }
.Ltmp98:
0x226: {  	_ = 	snop;
	(pc) =	sbr.rel @!p4 .LBB2_107-.Ltmp98, $3  }
0x227: {  	_ =	sdelay $0x1  }
0x228: {  	_ =	swait.ge [sflag:s7], $0x20  }
0x229: {  	s10 =	sadd.s32 $0xFFFFFFFF, s10;
	[sflag:s7] =	ssyncset.done $0x0  }
.LBB2_106:
0x22a: {  	p4 =	sne.s32 s10, $0x1;
	s10 =	sadd.s32 $0xFFFFFFFF, s10;
	[sflag:s7] =	ssyncadd.s32 $0xFFFFFFE0  }
.Ltmp99:
0x22b: {  	(pc) =	sbr.rel @p4 .LBB2_106-.Ltmp99, $3  }
0x22c: {  	_ =	sdelay $0x1  }
0x22d: {  	_ =	swait.ge [sflag:s7], $0x20  }
0x22e: {  	[sflag:s7] =	ssyncset.done $0x0  }
.Ltmp100:
0x22f: {  	_ = 	snop;
	(pc) =	sbr.rel .LBB2_107-.Ltmp100, $1  }
0x230: {  	_ =	sdelay $0x3  }
.LBB2_110:
0x231: {  	_ =	sfence.sel $0x180000  }
0x232: {  	[bflag:$0x0] =	sbarrier.arrive $0xFFFF  }
0x233: {  	_ =	strace $0x90000047  }
0x234: {  	s0 =	stileid.u32;
	[bflag:$0x2] =	sbarrier.arrive $0xFFFF  }
0x235: {  	p0 =	sne.s32 s0, $0x0;
	s0 =	rddreg [dreg:$0x4]  }
0x236: {  	s0 =	sadd.s32 @!p0 $0x100000, s0  }
0x237: {  	[sflag:s0] =	ssyncadd.tile.s32 @!p0 $0x1;
	_ =	shalt  }
.Lfunc_end2:
_tile_overlayer_lowered:
.L_overlay_start_2:
0x238: {  	(tag) =	ssettag $0x2  }
0x239: {  	s0 =	rddreg [dreg:$0x0];
	s2 =	stileid.u32  }
0x23a: {  	s1 =	rddreg [dreg:$0x1];
	p0 =	sne.s32 s2, $0x0  }
0x23b: {  	s3 =	rddreg [dreg:$0x2];
	[bflag:$0x3] =	sbarrier.arrive $0xFFFF;
	s2 =	simm.s32 @!p0 $0x1C04  }
0x23c: {  	[timem:s3], [sflag:s2] =	dma.local @!p0 [hbm:s0], s1  }
0x23d: {  	s0 =	simm.s32 @!p0 $0x4  }
0x23e: {  	_ =	swait.ge @!p0 [sflag:s0], s1  }
0x23f: {  	s1 =	ssub.s32 @!p0 $0x0, s1;
	[sflag:s0] =	ssyncset.done @!p0 $0x0  }
0x240: {  	[sflag:s0] =	ssyncadd.s32 @!p0 s1  }
0x241: {  	[bflag:$0x3] =	sbarrier.arrive $0xFFFF  }
0x242: {  	_ =	shalt  }

</sc_bundles>
